<compile_context>
chip_gen: v7x
topology: tpu7x:2x2x1
jax: 0.10.2.dev20260603
libtpu: 0.0.44.dev20260713+nightly
codegen_flags: <defaults>
</compile_context>

<pallas_src>
import dataclasses
import functools

import jax
import jax.numpy as jnp
from jax import lax
from jax.experimental import pallas as pl
from jax.experimental.pallas import tpu as pltpu
from jax.experimental.pallas import tpu_sc as plsc

N = 10000
D = 128
E = 320000

NC = 2
NS = 16
NW = NC * NS

C = 120
CHUNKS = 84
EPW = C * CHUNKS
E2 = EPW * NW
PAD = E2 - E
NA = N + 8

ROWS_A = 632
ROWS_B = N - 15 * ROWS_A

_mesh = plsc.VectorSubcoreMesh(core_axis_name="c", subcore_axis_name="s")
_cp = pltpu.CompilerParams()
if "needs_layout_passes" in pltpu.CompilerParams.__dataclass_fields__:
    _cp = dataclasses.replace(_cp, needs_layout_passes=False)


def _f32(*shape):
    return jax.ShapeDtypeStruct(shape, jnp.float32)


def _zero_acc(sid, zeros_hbm, acc):
    @pl.when(sid < NS - 1)
    def _():
        pltpu.sync_copy(zeros_hbm, acc.at[pl.ds(sid * ROWS_A, ROWS_A)])

    @pl.when(sid == NS - 1)
    def _():
        pltpu.sync_copy(zeros_hbm.at[pl.ds(0, ROWS_B)],
                        acc.at[pl.ds(sid * ROWS_A, ROWS_B)])


def _writeback(cid, sid, acc, p0_hbm, p1_hbm):
    @pl.when(sid < NS - 1)
    def _():
        @pl.when(cid == 0)
        def _():
            pltpu.sync_copy(acc.at[pl.ds(sid * ROWS_A, ROWS_A)],
                            p0_hbm.at[pl.ds(sid * ROWS_A, ROWS_A)])

        @pl.when(cid == 1)
        def _():
            pltpu.sync_copy(acc.at[pl.ds(sid * ROWS_A, ROWS_A)],
                            p1_hbm.at[pl.ds(sid * ROWS_A, ROWS_A)])

    @pl.when(sid == NS - 1)
    def _():
        @pl.when(cid == 0)
        def _():
            pltpu.sync_copy(acc.at[pl.ds(sid * ROWS_A, ROWS_B)],
                            p0_hbm.at[pl.ds(sid * ROWS_A, ROWS_B)])

        @pl.when(cid == 1)
        def _():
            pltpu.sync_copy(acc.at[pl.ds(sid * ROWS_A, ROWS_B)],
                            p1_hbm.at[pl.ds(sid * ROWS_A, ROWS_B)])


NH = 10240
ROWS_C = 640
LAST_C = N - 15 * ROWS_C


@functools.partial(
    pl.kernel,
    out_type=(jax.ShapeDtypeStruct((N,), jnp.int32),
              jax.ShapeDtypeStruct((N,), jnp.int32)),
    mesh=_mesh,
    compiler_params=_cp,
    scratch_types=[
        pltpu.VMEM((EPW,), jnp.int32),
        pltpu.VMEM((NH,), jnp.int32),
        pltpu.VMEM((16, ROWS_C), jnp.int32),
        pltpu.VMEM((ROWS_C,), jnp.int32),
        pltpu.VMEM_SHARED((16, NH), jnp.int32),
        pltpu.SemaphoreType.DMA,
    ],
)
def _degree_kernel(dst_hbm, d0_hbm, d1_hbm, dstv, hist, stage, red, hists,
                   sem):
    cid = lax.axis_index("c")
    sid = lax.axis_index("s")
    wid = cid * NS + sid

    pltpu.async_copy(dst_hbm.at[pl.ds(wid * EPW, EPW)], dstv, sem)

    @pl.loop(0, NH, step=16)
    def _(i):
        hist[pl.ds(i, 16)] = jnp.zeros((16,), jnp.int32)

    pltpu.make_async_copy(dst_hbm.at[pl.ds(wid * EPW, EPW)], dstv, sem).wait()

    @pl.loop(0, EPW, step=16)
    def _(e):
        v = dstv[pl.ds(e, 16)]
        cnt, m = plsc.scan_count(v)
        plsc.addupdate_scatter(hist, [v], cnt, mask=m)

    pltpu.sync_copy(hist, hists.at[sid])
    plsc.subcore_barrier()

    base = sid * ROWS_C
    pltpu.sync_copy(hists.at[:, pl.ds(base, ROWS_C)], stage)

    @pl.loop(0, ROWS_C, step=16)
    def _(i):
        acc = stage[0, pl.ds(i, 16)]
        for t in range(1, 16):
            acc = acc + stage[t, pl.ds(i, 16)]
        red[pl.ds(i, 16)] = acc

    @pl.when(sid < NS - 1)
    def _():
        @pl.when(cid == 0)
        def _():
            pltpu.sync_copy(red, d0_hbm.at[pl.ds(base, ROWS_C)])

        @pl.when(cid == 1)
        def _():
            pltpu.sync_copy(red, d1_hbm.at[pl.ds(base, ROWS_C)])

    @pl.when(sid == NS - 1)
    def _():
        @pl.when(cid == 0)
        def _():
            pltpu.sync_copy(red.at[pl.ds(0, LAST_C)],
                            d0_hbm.at[pl.ds(base, LAST_C)])

        @pl.when(cid == 1)
        def _():
            pltpu.sync_copy(red.at[pl.ds(0, LAST_C)],
                            d1_hbm.at[pl.ds(base, LAST_C)])


@functools.partial(
    pl.kernel,
    out_type=(_f32(N, D), _f32(N, D)),
    mesh=_mesh,
    scratch_types=[
        [pltpu.VMEM((C,), jnp.int32)] * 3,
        [pltpu.VMEM((C,), jnp.int32)] * 3,
        [pltpu.VMEM((C, D), jnp.float32)] * 3,
        pltpu.VMEM_SHARED((NA, D), jnp.float32),
        [pltpu.SemaphoreType.DMA] * 3,
        [pltpu.SemaphoreType.DMA] * 3,
        [pltpu.SemaphoreType.DMA] * 3,
    ],
)
def _propagate_kernel(g_hbm, src_hbm, dst_hbm, p0_hbm, p1_hbm,
                      svs, dvs, rws, acc, lis, ggs, sss):
    cid = lax.axis_index("c")
    sid = lax.axis_index("s")
    wid = cid * NS + sid
    base = wid * EPW

    def sidx(c):
        return src_hbm.at[pl.ds(base + c * C, C)]

    def didx(c):
        return dst_hbm.at[pl.ds(base + c * C, C)]

    @pl.loop(0, C)
    def _(i):
        for j in range(D // 16):
            rws[0][i, pl.ds(j * 16, 16)] = jnp.zeros((16,), jnp.float32)

    zbase = sid * ROWS_A

    @pl.when(sid < NS - 1)
    def _():
        for k in range(5):
            pltpu.sync_copy(rws[0], acc.at[pl.ds(zbase + k * C, C)])
        pltpu.sync_copy(rws[0].at[pl.ds(0, ROWS_A - 5 * C)],
                        acc.at[pl.ds(zbase + 5 * C, ROWS_A - 5 * C)])

    @pl.when(sid == NS - 1)
    def _():
        for k in range(4):
            pltpu.sync_copy(rws[0], acc.at[pl.ds(zbase + k * C, C)])
        pltpu.sync_copy(rws[0].at[pl.ds(0, ROWS_B - 4 * C)],
                        acc.at[pl.ds(zbase + 4 * C, ROWS_B - 4 * C)])

    for p in range(3):
        pltpu.async_copy(sidx(p), svs[p], lis[p])
        pltpu.async_copy(didx(p), dvs[p], lis[p])

    plsc.subcore_barrier()

    for p in range(3):
        pltpu.make_async_copy(sidx(p), svs[p], lis[p]).wait()
        pltpu.make_async_copy(didx(p), dvs[p], lis[p]).wait()
        pltpu.async_copy(g_hbm.at[svs[p]], rws[p], ggs[p])

    @pl.loop(0, CHUNKS, step=3)
    def _(j):
        for p in range(3):
            pltpu.make_async_copy(g_hbm.at[svs[p]], rws[p], ggs[p]).wait()
            pltpu.async_copy(rws[p], acc.at[dvs[p]], sss[p], add=True)
        for p in range(3):
            c2 = jnp.minimum(j + 3 + p, CHUNKS - 1)
            pltpu.async_copy(sidx(c2), svs[p], lis[p])
            pltpu.make_async_copy(rws[p], acc.at[dvs[p]], sss[p]).wait()
            pltpu.async_copy(didx(c2), dvs[p], lis[p])
            pltpu.make_async_copy(sidx(c2), svs[p], lis[p]).wait()
            pltpu.make_async_copy(didx(c2), dvs[p], lis[p]).wait()
            pltpu.async_copy(g_hbm.at[svs[p]], rws[p], ggs[p])

    for p in range(3):
        pltpu.make_async_copy(g_hbm.at[svs[p]], rws[p], ggs[p]).wait()

    plsc.subcore_barrier()
    _writeback(cid, sid, acc, p0_hbm, p1_hbm)


R = 1000
GRID = N // R


def _dis_block(d0_ref, d1_ref):
    deg = (d0_ref[...] + d1_ref[...]).astype(jnp.float32) + 1.0
    return lax.rsqrt(deg)


def _pre_body(x_ref, w_ref, d0_ref, d1_ref, h_ref, g_ref):
    dis = _dis_block(d0_ref, d1_ref)
    h = jnp.dot(x_ref[...], w_ref[...], preferred_element_type=jnp.float32)
    h_ref[...] = h
    g_ref[...] = h * dis


def _mid_body(p0_ref, p1_ref, hp_ref, d0_ref, d1_ref, w_ref, b_ref,
              h_ref, g_ref):
    dis = _dis_block(d0_ref, d1_ref)
    out = dis * (p0_ref[...] + p1_ref[...]) + (dis * dis) * hp_ref[...] \
        + b_ref[...]
    t = jnp.maximum(out, 0.0)
    h = jnp.dot(t, w_ref[...], preferred_element_type=jnp.float32)
    h_ref[...] = h
    g_ref[...] = h * dis


def _post_body(p0_ref, p1_ref, hp_ref, d0_ref, d1_ref, b_ref, o_ref):
    dis = _dis_block(d0_ref, d1_ref)
    o_ref[...] = dis * (p0_ref[...] + p1_ref[...]) \
        + (dis * dis) * hp_ref[...] + b_ref[...]


_row_spec = pl.BlockSpec((R, D), lambda i: (i, 0))
_deg_spec = pl.BlockSpec((R, 1), lambda i: (i, 0))
_w_spec = pl.BlockSpec((D, D), lambda i: (0, 0))
_b_spec = pl.BlockSpec((1, D), lambda i: (0, 0))

_pre_call = pl.pallas_call(
    _pre_body,
    grid=(GRID,),
    in_specs=[_row_spec, _w_spec, _deg_spec, _deg_spec],
    out_specs=[_row_spec, _row_spec],
    out_shape=(_f32(N, D), _f32(N, D)),
)

_mid_call = pl.pallas_call(
    _mid_body,
    grid=(GRID,),
    in_specs=[_row_spec, _row_spec, _row_spec, _deg_spec, _deg_spec,
              _w_spec, _b_spec],
    out_specs=[_row_spec, _row_spec],
    out_shape=(_f32(N, D), _f32(N, D)),
)

_post_call = pl.pallas_call(
    _post_body,
    grid=(GRID,),
    in_specs=[_row_spec, _row_spec, _row_spec, _deg_spec, _deg_spec, _b_spec],
    out_specs=_row_spec,
    out_shape=_f32(N, D),
)


def kernel(x, edge_index, W1, b1, W2, b2, W3, b3):
    src = edge_index[0].astype(jnp.int32)
    dst = edge_index[1].astype(jnp.int32)

    pad_src = (jnp.arange(PAD, dtype=jnp.int32) * 97) % N
    pad_dst = N + (jnp.arange(PAD, dtype=jnp.int32) % 8)
    src = jnp.concatenate([src, pad_src])
    dst = jnp.concatenate([dst, pad_dst])


    d0, d1 = _degree_kernel(dst)
    d0 = d0.reshape(N, 1)
    d1 = d1.reshape(N, 1)

    h1, g1 = _pre_call(x, W1, d0, d1)
    p0, p1 = _propagate_kernel(g1, src, dst)
    h2, g2 = _mid_call(p0, p1, h1, d0, d1, W2, b1.reshape(1, D))
    p0, p1 = _propagate_kernel(g2, src, dst)
    h3, g3 = _mid_call(p0, p1, h2, d0, d1, W3, b2.reshape(1, D))
    p0, p1 = _propagate_kernel(g3, src, dst)
    out = _post_call(p0, p1, h3, d0, d1, b3.reshape(1, D))
    return out

# --- scband reference (transcript-rebuilt; emitter-appended) ---
"""Pipeline reference for scband-gcn-78151224918828 (READ-ONLY COPY).

The authoritative reference and input builder live on the scoring server;
editing this copy changes nothing except your own understanding.
"""

import jax, jax.numpy as jnp
import numpy as np

N_NODES = 10000
D_IN = 128
D_HID = 128
D_OUT = 128
N_EDGES = 320000


def gcn_conv(x, edge_index, W, b):
    n = x.shape[0]
    src = edge_index[0]
    dst = edge_index[1]
    # add self loops (as in torch_geometric GCNConv default)
    loop = jnp.arange(n, dtype=src.dtype)
    src = jnp.concatenate([src, loop])
    dst = jnp.concatenate([dst, loop])
    # symmetric normalization D^{-1/2} A_hat D^{-1/2}
    deg = jax.ops.segment_sum(jnp.ones_like(dst, dtype=x.dtype), dst, num_segments=n)
    deg_inv_sqrt = jnp.where(deg > 0, 1.0 / jnp.sqrt(deg), 0.0)
    norm = deg_inv_sqrt[src] * deg_inv_sqrt[dst]
    # linear transform then propagate (gather -> scale -> scatter-add)
    h = x @ W
    msg = h[src] * norm[:, None]
    out = jax.ops.segment_sum(msg, dst, num_segments=n)
    return out + b


def setup_inputs(seed: int = 0) -> dict:
    key = jax.random.key(seed)
    k_x, k_e, k1, k2, k3 = jax.random.split(key, 5)
    x = jax.random.normal(k_x, (N_NODES, D_IN), dtype=jnp.float32)
    edge_index = jax.random.randint(k_e, (2, N_EDGES), 0, N_NODES, dtype=jnp.int64)
    # glorot-like init for layer weights
    W1 = jax.random.normal(k1, (D_IN, D_HID), dtype=jnp.float32) * (1.0 / np.sqrt(D_IN))
    b1 = jnp.zeros((D_HID,), dtype=jnp.float32)
    W2 = jax.random.normal(k2, (D_HID, D_HID), dtype=jnp.float32) * (1.0 / np.sqrt(D_HID))
    b2 = jnp.zeros((D_HID,), dtype=jnp.float32)
    W3 = jax.random.normal(k3, (D_HID, D_OUT), dtype=jnp.float32) * (1.0 / np.sqrt(D_HID))
    b3 = jnp.zeros((D_OUT,), dtype=jnp.float32)
    return {"x": x, "edge_index": edge_index, "W1": W1, "b1": b1, "W2": W2, "b2": b2, "W3": W3, "b3": b3}


def reference(x, edge_index, W1, b1, W2, b2, W3, b3):
    # GCN forward in eval mode (dropout is identity when training=False)
    h = gcn_conv(x, edge_index, W1, b1)
    h = jax.nn.relu(h)
    h = gcn_conv(h, edge_index, W2, b2)
    h = jax.nn.relu(h)
    out = gcn_conv(h, edge_index, W3, b3)
    return out

if __name__ == "__main__":
    import jax
    _d = setup_inputs()
    print(jax.jit(kernel)(*tuple(_d.values())))

</pallas_src>

<mosaic_0001>
#map = affine_map<(d0, d1) -> (0, 0)>
#map1 = affine_map<(d0, d1) -> (0)>
module attributes {stable_mosaic.version = 14 : i64} {
  func.func @_propagate_kernel(%arg0: i32, %arg1: i32, %arg2: memref<10000x128xf32, #tpu.memory_space<hbm>>, %arg3: memref<322560xi32, #tpu.memory_space<hbm>>, %arg4: memref<322560xi32, #tpu.memory_space<hbm>>, %arg5: memref<10000x128xf32, #tpu.memory_space<hbm>>, %arg6: memref<10000x128xf32, #tpu.memory_space<hbm>>, %arg7: memref<120xi32, #tpu.memory_space<vmem>>, %arg8: memref<120xi32, #tpu.memory_space<vmem>>, %arg9: memref<120xi32, #tpu.memory_space<vmem>>, %arg10: memref<120xi32, #tpu.memory_space<vmem>>, %arg11: memref<120xi32, #tpu.memory_space<vmem>>, %arg12: memref<120xi32, #tpu.memory_space<vmem>>, %arg13: memref<120x128xf32, #tpu.memory_space<vmem>>, %arg14: memref<120x128xf32, #tpu.memory_space<vmem>>, %arg15: memref<120x128xf32, #tpu.memory_space<vmem>>, %arg16: memref<10008x128xf32, #tpu.memory_space<vmem_shared>>, %arg17: memref<!tpu.dma_semaphore, #tpu.memory_space<semaphore_mem>>, %arg18: memref<!tpu.dma_semaphore, #tpu.memory_space<semaphore_mem>>, %arg19: memref<!tpu.dma_semaphore, #tpu.memory_space<semaphore_mem>>, %arg20: memref<!tpu.dma_semaphore, #tpu.memory_space<semaphore_mem>>, %arg21: memref<!tpu.dma_semaphore, #tpu.memory_space<semaphore_mem>>, %arg22: memref<!tpu.dma_semaphore, #tpu.memory_space<semaphore_mem>>, %arg23: memref<!tpu.dma_semaphore, #tpu.memory_space<semaphore_mem>>, %arg24: memref<!tpu.dma_semaphore, #tpu.memory_space<semaphore_mem>>, %arg25: memref<!tpu.dma_semaphore, #tpu.memory_space<semaphore_mem>>) attributes {dimension_semantics = [#tpu.dimension_semantics<core_parallel>, #tpu.dimension_semantics<subcore_parallel>], iteration_bounds = array<i64: 2, 16>, scalar_prefetch = 0 : i64, scratch_operands = 19 : i64, tpu.core_type = #tpu.core_type<sc_vector_subcore>, window_params = [{transform_indices = #map}, {transform_indices = #map1}, {transform_indices = #map1}, {transform_indices = #map}, {transform_indices = #map}]} {
    %mul3A = arith.constant 16 : i32
    %mul3A_0 = arith.muli %arg0, %mul3A : i32
    %add3A = arith.addi %mul3A_0, %arg1 : i32
    %mul3A_1 = arith.constant 10080 : i32
    %mul3A_2 = arith.muli %add3A, %mul3A_1 : i32
    %scan3A = arith.constant 0 : i32
    %scan3A_3 = arith.constant 120 : i32
    %scan3A_4 = arith.addi %scan3A, %scan3A_3 : i32
    %scan3A_5 = arith.constant 1 : i32
    scf.for %scan3A_95 = %scan3A to %scan3A_4 step %scan3A_5  : i32 {
      %mul3A_96 = arith.constant 1 : i32
      %mul3A_97 = arith.muli %scan3A_95, %mul3A_96 : i32
      %add3A_98 = arith.constant 0 : i32
      %add3A_99 = arith.addi %add3A_98, %mul3A_97 : i32
      %broadcast_in_dim3A = arith.constant 0.000000e+00 : f32
      %broadcast_in_dim3A_100 = vector.broadcast %broadcast_in_dim3A : f32 to vector<16xf32>
      %swap3A = arith.index_cast %add3A_99 : i32 to index
      %swap3A_101 = arith.constant 0 : index
      %swap3A_102 = tpu.vector_load %arg13[%swap3A, %swap3A_101] {strides = array<i32>} : memref<120x128xf32, #tpu.memory_space<vmem>>, vector<1x16xf32>,
      %swap3A_103 = vector.shape_cast %swap3A_102 : vector<1x16xf32> to vector<16xf32>
      %swap3A_104 = vector.shape_cast %broadcast_in_dim3A_100 : vector<16xf32> to vector<1x16xf32>
      tpu.vector_store %arg13[%swap3A, %swap3A_101], %swap3A_104 {strides = array<i32>} : memref<120x128xf32, #tpu.memory_space<vmem>>, vector<1x16xf32>,
      %broadcast_in_dim3A_105 = arith.constant 0.000000e+00 : f32
      %broadcast_in_dim3A_106 = vector.broadcast %broadcast_in_dim3A_105 : f32 to vector<16xf32>
      %swap3A_107 = arith.index_cast %add3A_99 : i32 to index
      %swap3A_108 = arith.constant 16 : index
      %swap3A_109 = tpu.vector_load %arg13[%swap3A_107, %swap3A_108] {strides = array<i32>} : memref<120x128xf32, #tpu.memory_space<vmem>>, vector<1x16xf32>,
      %swap3A_110 = vector.shape_cast %swap3A_109 : vector<1x16xf32> to vector<16xf32>
      %swap3A_111 = vector.shape_cast %broadcast_in_dim3A_106 : vector<16xf32> to vector<1x16xf32>
      tpu.vector_store %arg13[%swap3A_107, %swap3A_108], %swap3A_111 {strides = array<i32>} : memref<120x128xf32, #tpu.memory_space<vmem>>, vector<1x16xf32>,
      %broadcast_in_dim3A_112 = arith.constant 0.000000e+00 : f32
      %broadcast_in_dim3A_113 = vector.broadcast %broadcast_in_dim3A_112 : f32 to vector<16xf32>
      %swap3A_114 = arith.index_cast %add3A_99 : i32 to index
      %swap3A_115 = arith.constant 32 : index
      %swap3A_116 = tpu.vector_load %arg13[%swap3A_114, %swap3A_115] {strides = array<i32>} : memref<120x128xf32, #tpu.memory_space<vmem>>, vector<1x16xf32>,
      %swap3A_117 = vector.shape_cast %swap3A_116 : vector<1x16xf32> to vector<16xf32>
      %swap3A_118 = vector.shape_cast %broadcast_in_dim3A_113 : vector<16xf32> to vector<1x16xf32>
      tpu.vector_store %arg13[%swap3A_114, %swap3A_115], %swap3A_118 {strides = array<i32>} : memref<120x128xf32, #tpu.memory_space<vmem>>, vector<1x16xf32>,
      %broadcast_in_dim3A_119 = arith.constant 0.000000e+00 : f32
      %broadcast_in_dim3A_120 = vector.broadcast %broadcast_in_dim3A_119 : f32 to vector<16xf32>
      %swap3A_121 = arith.index_cast %add3A_99 : i32 to index
      %swap3A_122 = arith.constant 48 : index
      %swap3A_123 = tpu.vector_load %arg13[%swap3A_121, %swap3A_122] {strides = array<i32>} : memref<120x128xf32, #tpu.memory_space<vmem>>, vector<1x16xf32>,
      %swap3A_124 = vector.shape_cast %swap3A_123 : vector<1x16xf32> to vector<16xf32>
      %swap3A_125 = vector.shape_cast %broadcast_in_dim3A_120 : vector<16xf32> to vector<1x16xf32>
      tpu.vector_store %arg13[%swap3A_121, %swap3A_122], %swap3A_125 {strides = array<i32>} : memref<120x128xf32, #tpu.memory_space<vmem>>, vector<1x16xf32>,
      %broadcast_in_dim3A_126 = arith.constant 0.000000e+00 : f32
      %broadcast_in_dim3A_127 = vector.broadcast %broadcast_in_dim3A_126 : f32 to vector<16xf32>
      %swap3A_128 = arith.index_cast %add3A_99 : i32 to index
      %swap3A_129 = arith.constant 64 : index
      %swap3A_130 = tpu.vector_load %arg13[%swap3A_128, %swap3A_129] {strides = array<i32>} : memref<120x128xf32, #tpu.memory_space<vmem>>, vector<1x16xf32>,
      %swap3A_131 = vector.shape_cast %swap3A_130 : vector<1x16xf32> to vector<16xf32>
      %swap3A_132 = vector.shape_cast %broadcast_in_dim3A_127 : vector<16xf32> to vector<1x16xf32>
      tpu.vector_store %arg13[%swap3A_128, %swap3A_129], %swap3A_132 {strides = array<i32>} : memref<120x128xf32, #tpu.memory_space<vmem>>, vector<1x16xf32>,
      %broadcast_in_dim3A_133 = arith.constant 0.000000e+00 : f32
      %broadcast_in_dim3A_134 = vector.broadcast %broadcast_in_dim3A_133 : f32 to vector<16xf32>
      %swap3A_135 = arith.index_cast %add3A_99 : i32 to index
      %swap3A_136 = arith.constant 80 : index
      %swap3A_137 = tpu.vector_load %arg13[%swap3A_135, %swap3A_136] {strides = array<i32>} : memref<120x128xf32, #tpu.memory_space<vmem>>, vector<1x16xf32>,
      %swap3A_138 = vector.shape_cast %swap3A_137 : vector<1x16xf32> to vector<16xf32>
      %swap3A_139 = vector.shape_cast %broadcast_in_dim3A_134 : vector<16xf32> to vector<1x16xf32>
      tpu.vector_store %arg13[%swap3A_135, %swap3A_136], %swap3A_139 {strides = array<i32>} : memref<120x128xf32, #tpu.memory_space<vmem>>, vector<1x16xf32>,
      %broadcast_in_dim3A_140 = arith.constant 0.000000e+00 : f32
      %broadcast_in_dim3A_141 = vector.broadcast %broadcast_in_dim3A_140 : f32 to vector<16xf32>
      %swap3A_142 = arith.index_cast %add3A_99 : i32 to index
      %swap3A_143 = arith.constant 96 : index
      %swap3A_144 = tpu.vector_load %arg13[%swap3A_142, %swap3A_143] {strides = array<i32>} : memref<120x128xf32, #tpu.memory_space<vmem>>, vector<1x16xf32>,
      %swap3A_145 = vector.shape_cast %swap3A_144 : vector<1x16xf32> to vector<16xf32>
      %swap3A_146 = vector.shape_cast %broadcast_in_dim3A_141 : vector<16xf32> to vector<1x16xf32>
      tpu.vector_store %arg13[%swap3A_142, %swap3A_143], %swap3A_146 {strides = array<i32>} : memref<120x128xf32, #tpu.memory_space<vmem>>, vector<1x16xf32>,
      %broadcast_in_dim3A_147 = arith.constant 0.000000e+00 : f32
      %broadcast_in_dim3A_148 = vector.broadcast %broadcast_in_dim3A_147 : f32 to vector<16xf32>
      %swap3A_149 = arith.index_cast %add3A_99 : i32 to index
      %swap3A_150 = arith.constant 112 : index
      %swap3A_151 = tpu.vector_load %arg13[%swap3A_149, %swap3A_150] {strides = array<i32>} : memref<120x128xf32, #tpu.memory_space<vmem>>, vector<1x16xf32>,
      %swap3A_152 = vector.shape_cast %swap3A_151 : vector<1x16xf32> to vector<16xf32>
      %swap3A_153 = vector.shape_cast %broadcast_in_dim3A_148 : vector<16xf32> to vector<1x16xf32>
      tpu.vector_store %arg13[%swap3A_149, %swap3A_150], %swap3A_153 {strides = array<i32>} : memref<120x128xf32, #tpu.memory_space<vmem>>, vector<1x16xf32>,
    }
    %scan3A_6 = arith.constant 120 : i32
    %mul3A_7 = arith.constant 632 : i32
    %mul3A_8 = arith.muli %arg1, %mul3A_7 : i32
    %lt3A = arith.constant 15 : i32
    %lt3A_9 = arith.cmpi slt, %arg1, %lt3A : i32
    %convert_element_type3A = arith.extui %lt3A_9 : i1 to i32
    %cond3A = arith.constant 0 : i32
    %cond3A_10 = arith.cmpi ne, %convert_element_type3A, %cond3A : i32
    scf.if %cond3A_10 {
      %add3A_95 = arith.constant 0 : i32
      %add3A_96 = arith.addi %mul3A_8, %add3A_95 : i32
      "tpu.region"() ({
        %run_scoped3A = tpu.sem_alloc : memref<!tpu.dma_semaphore, #tpu.memory_space<semaphore_mem>>
        %dma_start3A_107 = arith.constant 0 : i32
        %dma_start3A_108 = tpu.memref_slice %arg16[%add3A_96, %dma_start3A_107] : memref<10008x128xf32, #tpu.memory_space<vmem_shared>> -> memref<120x128xf32, #tpu.memory_space<vmem_shared>>
        %dma_start3A_109 = arith.constant 0 : i32
        %dma_start3A_110 = tpu.memref_slice %arg16[%add3A_96, %dma_start3A_109] : memref<10008x128xf32, #tpu.memory_space<vmem_shared>> -> memref<120x128xf32, #tpu.memory_space<vmem_shared>>
        tpu.enqueue_dma source(%arg13 : memref<120x128xf32, #tpu.memory_space<vmem>>) target(%dma_start3A_110 : memref<120x128xf32, #tpu.memory_space<vmem_shared>>) target_semaphore(%run_scoped3A : memref<!tpu.dma_semaphore, #tpu.memory_space<semaphore_mem>>)
        %dma_wait3A_111 = arith.constant 0 : i32
        %dma_wait3A_112 = tpu.memref_slice %arg16[%add3A_96, %dma_wait3A_111] : memref<10008x128xf32, #tpu.memory_space<vmem_shared>> -> memref<120x128xf32, #tpu.memory_space<vmem_shared>>
        %dma_wait3A_113 = arith.constant 0 : i32
        %dma_wait3A_114 = tpu.memref_slice %arg16[%add3A_96, %dma_wait3A_113] : memref<10008x128xf32, #tpu.memory_space<vmem_shared>> -> memref<120x128xf32, #tpu.memory_space<vmem_shared>>
        tpu.wait_dma2 semaphore(%run_scoped3A : memref<!tpu.dma_semaphore, #tpu.memory_space<semaphore_mem>>) src(%arg13 : memref<120x128xf32, #tpu.memory_space<vmem>>) dst(%dma_wait3A_114 : memref<120x128xf32, #tpu.memory_space<vmem_shared>>)
        tpu.yield
      }) : () -> ()
      %add3A_97 = arith.constant 120 : i32
      %add3A_98 = arith.addi %mul3A_8, %add3A_97 : i32
      "tpu.region"() ({
        %run_scoped3A = tpu.sem_alloc : memref<!tpu.dma_semaphore, #tpu.memory_space<semaphore_mem>>
        %dma_start3A_107 = arith.constant 0 : i32
        %dma_start3A_108 = tpu.memref_slice %arg16[%add3A_98, %dma_start3A_107] : memref<10008x128xf32, #tpu.memory_space<vmem_shared>> -> memref<120x128xf32, #tpu.memory_space<vmem_shared>>
        %dma_start3A_109 = arith.constant 0 : i32
        %dma_start3A_110 = tpu.memref_slice %arg16[%add3A_98, %dma_start3A_109] : memref<10008x128xf32, #tpu.memory_space<vmem_shared>> -> memref<120x128xf32, #tpu.memory_space<vmem_shared>>
        tpu.enqueue_dma source(%arg13 : memref<120x128xf32, #tpu.memory_space<vmem>>) target(%dma_start3A_110 : memref<120x128xf32, #tpu.memory_space<vmem_shared>>) target_semaphore(%run_scoped3A : memref<!tpu.dma_semaphore, #tpu.memory_space<semaphore_mem>>)
        %dma_wait3A_111 = arith.constant 0 : i32
        %dma_wait3A_112 = tpu.memref_slice %arg16[%add3A_98, %dma_wait3A_111] : memref<10008x128xf32, #tpu.memory_space<vmem_shared>> -> memref<120x128xf32, #tpu.memory_space<vmem_shared>>
        %dma_wait3A_113 = arith.constant 0 : i32
        %dma_wait3A_114 = tpu.memref_slice %arg16[%add3A_98, %dma_wait3A_113] : memref<10008x128xf32, #tpu.memory_space<vmem_shared>> -> memref<120x128xf32, #tpu.memory_space<vmem_shared>>
        tpu.wait_dma2 semaphore(%run_scoped3A : memref<!tpu.dma_semaphore, #tpu.memory_space<semaphore_mem>>) src(%arg13 : memref<120x128xf32, #tpu.memory_space<vmem>>) dst(%dma_wait3A_114 : memref<120x128xf32, #tpu.memory_space<vmem_shared>>)
        tpu.yield
      }) : () -> ()
      %add3A_99 = arith.constant 240 : i32
      %add3A_100 = arith.addi %mul3A_8, %add3A_99 : i32
      "tpu.region"() ({
        %run_scoped3A = tpu.sem_alloc : memref<!tpu.dma_semaphore, #tpu.memory_space<semaphore_mem>>
        %dma_start3A_107 = arith.constant 0 : i32
        %dma_start3A_108 = tpu.memref_slice %arg16[%add3A_100, %dma_start3A_107] : memref<10008x128xf32, #tpu.memory_space<vmem_shared>> -> memref<120x128xf32, #tpu.memory_space<vmem_shared>>
        %dma_start3A_109 = arith.constant 0 : i32
        %dma_start3A_110 = tpu.memref_slice %arg16[%add3A_100, %dma_start3A_109] : memref<10008x128xf32, #tpu.memory_space<vmem_shared>> -> memref<120x128xf32, #tpu.memory_space<vmem_shared>>
        tpu.enqueue_dma source(%arg13 : memref<120x128xf32, #tpu.memory_space<vmem>>) target(%dma_start3A_110 : memref<120x128xf32, #tpu.memory_space<vmem_shared>>) target_semaphore(%run_scoped3A : memref<!tpu.dma_semaphore, #tpu.memory_space<semaphore_mem>>)
        %dma_wait3A_111 = arith.constant 0 : i32
        %dma_wait3A_112 = tpu.memref_slice %arg16[%add3A_100, %dma_wait3A_111] : memref<10008x128xf32, #tpu.memory_space<vmem_shared>> -> memref<120x128xf32, #tpu.memory_space<vmem_shared>>
        %dma_wait3A_113 = arith.constant 0 : i32
        %dma_wait3A_114 = tpu.memref_slice %arg16[%add3A_100, %dma_wait3A_113] : memref<10008x128xf32, #tpu.memory_space<vmem_shared>> -> memref<120x128xf32, #tpu.memory_space<vmem_shared>>
        tpu.wait_dma2 semaphore(%run_scoped3A : memref<!tpu.dma_semaphore, #tpu.memory_space<semaphore_mem>>) src(%arg13 : memref<120x128xf32, #tpu.memory_space<vmem>>) dst(%dma_wait3A_114 : memref<120x128xf32, #tpu.memory_space<vmem_shared>>)
        tpu.yield
      }) : () -> ()
      %add3A_101 = arith.constant 360 : i32
      %add3A_102 = arith.addi %mul3A_8, %add3A_101 : i32
      "tpu.region"() ({
        %run_scoped3A = tpu.sem_alloc : memref<!tpu.dma_semaphore, #tpu.memory_space<semaphore_mem>>
        %dma_start3A_107 = arith.constant 0 : i32
        %dma_start3A_108 = tpu.memref_slice %arg16[%add3A_102, %dma_start3A_107] : memref<10008x128xf32, #tpu.memory_space<vmem_shared>> -> memref<120x128xf32, #tpu.memory_space<vmem_shared>>
        %dma_start3A_109 = arith.constant 0 : i32
        %dma_start3A_110 = tpu.memref_slice %arg16[%add3A_102, %dma_start3A_109] : memref<10008x128xf32, #tpu.memory_space<vmem_shared>> -> memref<120x128xf32, #tpu.memory_space<vmem_shared>>
        tpu.enqueue_dma source(%arg13 : memref<120x128xf32, #tpu.memory_space<vmem>>) target(%dma_start3A_110 : memref<120x128xf32, #tpu.memory_space<vmem_shared>>) target_semaphore(%run_scoped3A : memref<!tpu.dma_semaphore, #tpu.memory_space<semaphore_mem>>)
        %dma_wait3A_111 = arith.constant 0 : i32
        %dma_wait3A_112 = tpu.memref_slice %arg16[%add3A_102, %dma_wait3A_111] : memref<10008x128xf32, #tpu.memory_space<vmem_shared>> -> memref<120x128xf32, #tpu.memory_space<vmem_shared>>
        %dma_wait3A_113 = arith.constant 0 : i32
        %dma_wait3A_114 = tpu.memref_slice %arg16[%add3A_102, %dma_wait3A_113] : memref<10008x128xf32, #tpu.memory_space<vmem_shared>> -> memref<120x128xf32, #tpu.memory_space<vmem_shared>>
        tpu.wait_dma2 semaphore(%run_scoped3A : memref<!tpu.dma_semaphore, #tpu.memory_space<semaphore_mem>>) src(%arg13 : memref<120x128xf32, #tpu.memory_space<vmem>>) dst(%dma_wait3A_114 : memref<120x128xf32, #tpu.memory_space<vmem_shared>>)
        tpu.yield
      }) : () -> ()
      %add3A_103 = arith.constant 480 : i32
      %add3A_104 = arith.addi %mul3A_8, %add3A_103 : i32
      "tpu.region"() ({
        %run_scoped3A = tpu.sem_alloc : memref<!tpu.dma_semaphore, #tpu.memory_space<semaphore_mem>>
        %dma_start3A_107 = arith.constant 0 : i32
        %dma_start3A_108 = tpu.memref_slice %arg16[%add3A_104, %dma_start3A_107] : memref<10008x128xf32, #tpu.memory_space<vmem_shared>> -> memref<120x128xf32, #tpu.memory_space<vmem_shared>>
        %dma_start3A_109 = arith.constant 0 : i32
        %dma_start3A_110 = tpu.memref_slice %arg16[%add3A_104, %dma_start3A_109] : memref<10008x128xf32, #tpu.memory_space<vmem_shared>> -> memref<120x128xf32, #tpu.memory_space<vmem_shared>>
        tpu.enqueue_dma source(%arg13 : memref<120x128xf32, #tpu.memory_space<vmem>>) target(%dma_start3A_110 : memref<120x128xf32, #tpu.memory_space<vmem_shared>>) target_semaphore(%run_scoped3A : memref<!tpu.dma_semaphore, #tpu.memory_space<semaphore_mem>>)
        %dma_wait3A_111 = arith.constant 0 : i32
        %dma_wait3A_112 = tpu.memref_slice %arg16[%add3A_104, %dma_wait3A_111] : memref<10008x128xf32, #tpu.memory_space<vmem_shared>> -> memref<120x128xf32, #tpu.memory_space<vmem_shared>>
        %dma_wait3A_113 = arith.constant 0 : i32
        %dma_wait3A_114 = tpu.memref_slice %arg16[%add3A_104, %dma_wait3A_113] : memref<10008x128xf32, #tpu.memory_space<vmem_shared>> -> memref<120x128xf32, #tpu.memory_space<vmem_shared>>
        tpu.wait_dma2 semaphore(%run_scoped3A : memref<!tpu.dma_semaphore, #tpu.memory_space<semaphore_mem>>) src(%arg13 : memref<120x128xf32, #tpu.memory_space<vmem>>) dst(%dma_wait3A_114 : memref<120x128xf32, #tpu.memory_space<vmem_shared>>)
        tpu.yield
      }) : () -> ()
      %add3A_105 = arith.constant 600 : i32
      %add3A_106 = arith.addi %mul3A_8, %add3A_105 : i32
      "tpu.region"() ({
        %run_scoped3A = tpu.sem_alloc : memref<!tpu.dma_semaphore, #tpu.memory_space<semaphore_mem>>
        %dma_start3A_107 = arith.constant 0 : i32
        %dma_start3A_108 = arith.constant 0 : i32
        %dma_start3A_109 = tpu.memref_slice %arg13[%dma_start3A_107, %dma_start3A_108] : memref<120x128xf32, #tpu.memory_space<vmem>> -> memref<32x128xf32, #tpu.memory_space<vmem>>
        %dma_start3A_110 = arith.constant 0 : i32
        %dma_start3A_111 = tpu.memref_slice %arg16[%add3A_106, %dma_start3A_110] : memref<10008x128xf32, #tpu.memory_space<vmem_shared>> -> memref<32x128xf32, #tpu.memory_space<vmem_shared>>
        %dma_start3A_112 = arith.constant 0 : i32
        %dma_start3A_113 = tpu.memref_slice %arg16[%add3A_106, %dma_start3A_112] : memref<10008x128xf32, #tpu.memory_space<vmem_shared>> -> memref<32x128xf32, #tpu.memory_space<vmem_shared>>
        %dma_start3A_114 = arith.constant 0 : i32
        %dma_start3A_115 = arith.constant 0 : i32
        %dma_start3A_116 = tpu.memref_slice %arg13[%dma_start3A_114, %dma_start3A_115] : memref<120x128xf32, #tpu.memory_space<vmem>> -> memref<32x128xf32, #tpu.memory_space<vmem>>
        tpu.enqueue_dma source(%dma_start3A_116 : memref<32x128xf32, #tpu.memory_space<vmem>>) target(%dma_start3A_113 : memref<32x128xf32, #tpu.memory_space<vmem_shared>>) target_semaphore(%run_scoped3A : memref<!tpu.dma_semaphore, #tpu.memory_space<semaphore_mem>>)
        %dma_wait3A_117 = arith.constant 0 : i32
        %dma_wait3A_118 = arith.constant 0 : i32
        %dma_wait3A_119 = tpu.memref_slice %arg13[%dma_wait3A_117, %dma_wait3A_118] : memref<120x128xf32, #tpu.memory_space<vmem>> -> memref<32x128xf32, #tpu.memory_space<vmem>>
        %dma_wait3A_120 = arith.constant 0 : i32
        %dma_wait3A_121 = tpu.memref_slice %arg16[%add3A_106, %dma_wait3A_120] : memref<10008x128xf32, #tpu.memory_space<vmem_shared>> -> memref<32x128xf32, #tpu.memory_space<vmem_shared>>
        %dma_wait3A_122 = arith.constant 0 : i32
        %dma_wait3A_123 = tpu.memref_slice %arg16[%add3A_106, %dma_wait3A_122] : memref<10008x128xf32, #tpu.memory_space<vmem_shared>> -> memref<32x128xf32, #tpu.memory_space<vmem_shared>>
        %dma_wait3A_124 = arith.constant 0 : i32
        %dma_wait3A_125 = arith.constant 0 : i32
        %dma_wait3A_126 = tpu.memref_slice %arg13[%dma_wait3A_124, %dma_wait3A_125] : memref<120x128xf32, #tpu.memory_space<vmem>> -> memref<32x128xf32, #tpu.memory_space<vmem>>
        tpu.wait_dma2 semaphore(%run_scoped3A : memref<!tpu.dma_semaphore, #tpu.memory_space<semaphore_mem>>) src(%dma_wait3A_126 : memref<32x128xf32, #tpu.memory_space<vmem>>) dst(%dma_wait3A_123 : memref<32x128xf32, #tpu.memory_space<vmem_shared>>)
        tpu.yield
      }) : () -> ()
    } else {
    }
    %eq3A = arith.constant 15 : i32
    %eq3A_11 = arith.cmpi eq, %arg1, %eq3A : i32
    %convert_element_type3A_12 = arith.extui %eq3A_11 : i1 to i32
    %cond3A_13 = arith.constant 0 : i32
    %cond3A_14 = arith.cmpi ne, %convert_element_type3A_12, %cond3A_13 : i32
    scf.if %cond3A_14 {
      %add3A_95 = arith.constant 0 : i32
      %add3A_96 = arith.addi %mul3A_8, %add3A_95 : i32
      "tpu.region"() ({
        %run_scoped3A = tpu.sem_alloc : memref<!tpu.dma_semaphore, #tpu.memory_space<semaphore_mem>>
        %dma_start3A_105 = arith.constant 0 : i32
        %dma_start3A_106 = tpu.memref_slice %arg16[%add3A_96, %dma_start3A_105] : memref<10008x128xf32, #tpu.memory_space<vmem_shared>> -> memref<120x128xf32, #tpu.memory_space<vmem_shared>>
        %dma_start3A_107 = arith.constant 0 : i32
        %dma_start3A_108 = tpu.memref_slice %arg16[%add3A_96, %dma_start3A_107] : memref<10008x128xf32, #tpu.memory_space<vmem_shared>> -> memref<120x128xf32, #tpu.memory_space<vmem_shared>>
        tpu.enqueue_dma source(%arg13 : memref<120x128xf32, #tpu.memory_space<vmem>>) target(%dma_start3A_108 : memref<120x128xf32, #tpu.memory_space<vmem_shared>>) target_semaphore(%run_scoped3A : memref<!tpu.dma_semaphore, #tpu.memory_space<semaphore_mem>>)
        %dma_wait3A_109 = arith.constant 0 : i32
        %dma_wait3A_110 = tpu.memref_slice %arg16[%add3A_96, %dma_wait3A_109] : memref<10008x128xf32, #tpu.memory_space<vmem_shared>> -> memref<120x128xf32, #tpu.memory_space<vmem_shared>>
        %dma_wait3A_111 = arith.constant 0 : i32
        %dma_wait3A_112 = tpu.memref_slice %arg16[%add3A_96, %dma_wait3A_111] : memref<10008x128xf32, #tpu.memory_space<vmem_shared>> -> memref<120x128xf32, #tpu.memory_space<vmem_shared>>
        tpu.wait_dma2 semaphore(%run_scoped3A : memref<!tpu.dma_semaphore, #tpu.memory_space<semaphore_mem>>) src(%arg13 : memref<120x128xf32, #tpu.memory_space<vmem>>) dst(%dma_wait3A_112 : memref<120x128xf32, #tpu.memory_space<vmem_shared>>)
        tpu.yield
      }) : () -> ()
      %add3A_97 = arith.constant 120 : i32
      %add3A_98 = arith.addi %mul3A_8, %add3A_97 : i32
      "tpu.region"() ({
        %run_scoped3A = tpu.sem_alloc : memref<!tpu.dma_semaphore, #tpu.memory_space<semaphore_mem>>
        %dma_start3A_105 = arith.constant 0 : i32
        %dma_start3A_106 = tpu.memref_slice %arg16[%add3A_98, %dma_start3A_105] : memref<10008x128xf32, #tpu.memory_space<vmem_shared>> -> memref<120x128xf32, #tpu.memory_space<vmem_shared>>
        %dma_start3A_107 = arith.constant 0 : i32
        %dma_start3A_108 = tpu.memref_slice %arg16[%add3A_98, %dma_start3A_107] : memref<10008x128xf32, #tpu.memory_space<vmem_shared>> -> memref<120x128xf32, #tpu.memory_space<vmem_shared>>
        tpu.enqueue_dma source(%arg13 : memref<120x128xf32, #tpu.memory_space<vmem>>) target(%dma_start3A_108 : memref<120x128xf32, #tpu.memory_space<vmem_shared>>) target_semaphore(%run_scoped3A : memref<!tpu.dma_semaphore, #tpu.memory_space<semaphore_mem>>)
        %dma_wait3A_109 = arith.constant 0 : i32
        %dma_wait3A_110 = tpu.memref_slice %arg16[%add3A_98, %dma_wait3A_109] : memref<10008x128xf32, #tpu.memory_space<vmem_shared>> -> memref<120x128xf32, #tpu.memory_space<vmem_shared>>
        %dma_wait3A_111 = arith.constant 0 : i32
        %dma_wait3A_112 = tpu.memref_slice %arg16[%add3A_98, %dma_wait3A_111] : memref<10008x128xf32, #tpu.memory_space<vmem_shared>> -> memref<120x128xf32, #tpu.memory_space<vmem_shared>>
        tpu.wait_dma2 semaphore(%run_scoped3A : memref<!tpu.dma_semaphore, #tpu.memory_space<semaphore_mem>>) src(%arg13 : memref<120x128xf32, #tpu.memory_space<vmem>>) dst(%dma_wait3A_112 : memref<120x128xf32, #tpu.memory_space<vmem_shared>>)
        tpu.yield
      }) : () -> ()
      %add3A_99 = arith.constant 240 : i32
      %add3A_100 = arith.addi %mul3A_8, %add3A_99 : i32
      "tpu.region"() ({
        %run_scoped3A = tpu.sem_alloc : memref<!tpu.dma_semaphore, #tpu.memory_space<semaphore_mem>>
        %dma_start3A_105 = arith.constant 0 : i32
        %dma_start3A_106 = tpu.memref_slice %arg16[%add3A_100, %dma_start3A_105] : memref<10008x128xf32, #tpu.memory_space<vmem_shared>> -> memref<120x128xf32, #tpu.memory_space<vmem_shared>>
        %dma_start3A_107 = arith.constant 0 : i32
        %dma_start3A_108 = tpu.memref_slice %arg16[%add3A_100, %dma_start3A_107] : memref<10008x128xf32, #tpu.memory_space<vmem_shared>> -> memref<120x128xf32, #tpu.memory_space<vmem_shared>>
        tpu.enqueue_dma source(%arg13 : memref<120x128xf32, #tpu.memory_space<vmem>>) target(%dma_start3A_108 : memref<120x128xf32, #tpu.memory_space<vmem_shared>>) target_semaphore(%run_scoped3A : memref<!tpu.dma_semaphore, #tpu.memory_space<semaphore_mem>>)
        %dma_wait3A_109 = arith.constant 0 : i32
        %dma_wait3A_110 = tpu.memref_slice %arg16[%add3A_100, %dma_wait3A_109] : memref<10008x128xf32, #tpu.memory_space<vmem_shared>> -> memref<120x128xf32, #tpu.memory_space<vmem_shared>>
        %dma_wait3A_111 = arith.constant 0 : i32
        %dma_wait3A_112 = tpu.memref_slice %arg16[%add3A_100, %dma_wait3A_111] : memref<10008x128xf32, #tpu.memory_space<vmem_shared>> -> memref<120x128xf32, #tpu.memory_space<vmem_shared>>
        tpu.wait_dma2 semaphore(%run_scoped3A : memref<!tpu.dma_semaphore, #tpu.memory_space<semaphore_mem>>) src(%arg13 : memref<120x128xf32, #tpu.memory_space<vmem>>) dst(%dma_wait3A_112 : memref<120x128xf32, #tpu.memory_space<vmem_shared>>)
        tpu.yield
      }) : () -> ()
      %add3A_101 = arith.constant 360 : i32
      %add3A_102 = arith.addi %mul3A_8, %add3A_101 : i32
      "tpu.region"() ({
        %run_scoped3A = tpu.sem_alloc : memref<!tpu.dma_semaphore, #tpu.memory_space<semaphore_mem>>
        %dma_start3A_105 = arith.constant 0 : i32
        %dma_start3A_106 = tpu.memref_slice %arg16[%add3A_102, %dma_start3A_105] : memref<10008x128xf32, #tpu.memory_space<vmem_shared>> -> memref<120x128xf32, #tpu.memory_space<vmem_shared>>
        %dma_start3A_107 = arith.constant 0 : i32
        %dma_start3A_108 = tpu.memref_slice %arg16[%add3A_102, %dma_start3A_107] : memref<10008x128xf32, #tpu.memory_space<vmem_shared>> -> memref<120x128xf32, #tpu.memory_space<vmem_shared>>
        tpu.enqueue_dma source(%arg13 : memref<120x128xf32, #tpu.memory_space<vmem>>) target(%dma_start3A_108 : memref<120x128xf32, #tpu.memory_space<vmem_shared>>) target_semaphore(%run_scoped3A : memref<!tpu.dma_semaphore, #tpu.memory_space<semaphore_mem>>)
        %dma_wait3A_109 = arith.constant 0 : i32
        %dma_wait3A_110 = tpu.memref_slice %arg16[%add3A_102, %dma_wait3A_109] : memref<10008x128xf32, #tpu.memory_space<vmem_shared>> -> memref<120x128xf32, #tpu.memory_space<vmem_shared>>
        %dma_wait3A_111 = arith.constant 0 : i32
        %dma_wait3A_112 = tpu.memref_slice %arg16[%add3A_102, %dma_wait3A_111] : memref<10008x128xf32, #tpu.memory_space<vmem_shared>> -> memref<120x128xf32, #tpu.memory_space<vmem_shared>>
        tpu.wait_dma2 semaphore(%run_scoped3A : memref<!tpu.dma_semaphore, #tpu.memory_space<semaphore_mem>>) src(%arg13 : memref<120x128xf32, #tpu.memory_space<vmem>>) dst(%dma_wait3A_112 : memref<120x128xf32, #tpu.memory_space<vmem_shared>>)
        tpu.yield
      }) : () -> ()
      %add3A_103 = arith.constant 480 : i32
      %add3A_104 = arith.addi %mul3A_8, %add3A_103 : i32
      "tpu.region"() ({
        %run_scoped3A = tpu.sem_alloc : memref<!tpu.dma_semaphore, #tpu.memory_space<semaphore_mem>>
        %dma_start3A_105 = arith.constant 0 : i32
        %dma_start3A_106 = arith.constant 0 : i32
        %dma_start3A_107 = tpu.memref_slice %arg13[%dma_start3A_105, %dma_start3A_106] : memref<120x128xf32, #tpu.memory_space<vmem>> -> memref<40x128xf32, #tpu.memory_space<vmem>>
        %dma_start3A_108 = arith.constant 0 : i32
        %dma_start3A_109 = tpu.memref_slice %arg16[%add3A_104, %dma_start3A_108] : memref<10008x128xf32, #tpu.memory_space<vmem_shared>> -> memref<40x128xf32, #tpu.memory_space<vmem_shared>>
        %dma_start3A_110 = arith.constant 0 : i32
        %dma_start3A_111 = tpu.memref_slice %arg16[%add3A_104, %dma_start3A_110] : memref<10008x128xf32, #tpu.memory_space<vmem_shared>> -> memref<40x128xf32, #tpu.memory_space<vmem_shared>>
        %dma_start3A_112 = arith.constant 0 : i32
        %dma_start3A_113 = arith.constant 0 : i32
        %dma_start3A_114 = tpu.memref_slice %arg13[%dma_start3A_112, %dma_start3A_113] : memref<120x128xf32, #tpu.memory_space<vmem>> -> memref<40x128xf32, #tpu.memory_space<vmem>>
        tpu.enqueue_dma source(%dma_start3A_114 : memref<40x128xf32, #tpu.memory_space<vmem>>) target(%dma_start3A_111 : memref<40x128xf32, #tpu.memory_space<vmem_shared>>) target_semaphore(%run_scoped3A : memref<!tpu.dma_semaphore, #tpu.memory_space<semaphore_mem>>)
        %dma_wait3A_115 = arith.constant 0 : i32
        %dma_wait3A_116 = arith.constant 0 : i32
        %dma_wait3A_117 = tpu.memref_slice %arg13[%dma_wait3A_115, %dma_wait3A_116] : memref<120x128xf32, #tpu.memory_space<vmem>> -> memref<40x128xf32, #tpu.memory_space<vmem>>
        %dma_wait3A_118 = arith.constant 0 : i32
        %dma_wait3A_119 = tpu.memref_slice %arg16[%add3A_104, %dma_wait3A_118] : memref<10008x128xf32, #tpu.memory_space<vmem_shared>> -> memref<40x128xf32, #tpu.memory_space<vmem_shared>>
        %dma_wait3A_120 = arith.constant 0 : i32
        %dma_wait3A_121 = tpu.memref_slice %arg16[%add3A_104, %dma_wait3A_120] : memref<10008x128xf32, #tpu.memory_space<vmem_shared>> -> memref<40x128xf32, #tpu.memory_space<vmem_shared>>
        %dma_wait3A_122 = arith.constant 0 : i32
        %dma_wait3A_123 = arith.constant 0 : i32
        %dma_wait3A_124 = tpu.memref_slice %arg13[%dma_wait3A_122, %dma_wait3A_123] : memref<120x128xf32, #tpu.memory_space<vmem>> -> memref<40x128xf32, #tpu.memory_space<vmem>>
        tpu.wait_dma2 semaphore(%run_scoped3A : memref<!tpu.dma_semaphore, #tpu.memory_space<semaphore_mem>>) src(%dma_wait3A_124 : memref<40x128xf32, #tpu.memory_space<vmem>>) dst(%dma_wait3A_121 : memref<40x128xf32, #tpu.memory_space<vmem_shared>>)
        tpu.yield
      }) : () -> ()
    } else {
    }
    %add3A_15 = arith.constant 0 : i32
    %add3A_16 = arith.addi %mul3A_2, %add3A_15 : i32
    %dma_start3A = tpu.memref_slice %arg3[%add3A_16] : memref<322560xi32, #tpu.memory_space<hbm>> -> memref<120xi32, #tpu.memory_space<hbm>>
    %dma_start3A_17 = tpu.memref_slice %arg3[%add3A_16] : memref<322560xi32, #tpu.memory_space<hbm>> -> memref<120xi32, #tpu.memory_space<hbm>>
    tpu.enqueue_dma source(%dma_start3A_17 : memref<120xi32, #tpu.memory_space<hbm>>) target(%arg7 : memref<120xi32, #tpu.memory_space<vmem>>) target_semaphore(%arg17 : memref<!tpu.dma_semaphore, #tpu.memory_space<semaphore_mem>>)
    %add3A_18 = arith.constant 0 : i32
    %add3A_19 = arith.addi %mul3A_2, %add3A_18 : i32
    %dma_start3A_20 = tpu.memref_slice %arg4[%add3A_19] : memref<322560xi32, #tpu.memory_space<hbm>> -> memref<120xi32, #tpu.memory_space<hbm>>
    %dma_start3A_21 = tpu.memref_slice %arg4[%add3A_19] : memref<322560xi32, #tpu.memory_space<hbm>> -> memref<120xi32, #tpu.memory_space<hbm>>
    tpu.enqueue_dma source(%dma_start3A_21 : memref<120xi32, #tpu.memory_space<hbm>>) target(%arg10 : memref<120xi32, #tpu.memory_space<vmem>>) target_semaphore(%arg17 : memref<!tpu.dma_semaphore, #tpu.memory_space<semaphore_mem>>)
    %add3A_22 = arith.constant 120 : i32
    %add3A_23 = arith.addi %mul3A_2, %add3A_22 : i32
    %dma_start3A_24 = tpu.memref_slice %arg3[%add3A_23] : memref<322560xi32, #tpu.memory_space<hbm>> -> memref<120xi32, #tpu.memory_space<hbm>>
    %dma_start3A_25 = tpu.memref_slice %arg3[%add3A_23] : memref<322560xi32, #tpu.memory_space<hbm>> -> memref<120xi32, #tpu.memory_space<hbm>>
    tpu.enqueue_dma source(%dma_start3A_25 : memref<120xi32, #tpu.memory_space<hbm>>) target(%arg8 : memref<120xi32, #tpu.memory_space<vmem>>) target_semaphore(%arg18 : memref<!tpu.dma_semaphore, #tpu.memory_space<semaphore_mem>>)
    %add3A_26 = arith.constant 120 : i32
    %add3A_27 = arith.addi %mul3A_2, %add3A_26 : i32
    %dma_start3A_28 = tpu.memref_slice %arg4[%add3A_27] : memref<322560xi32, #tpu.memory_space<hbm>> -> memref<120xi32, #tpu.memory_space<hbm>>
    %dma_start3A_29 = tpu.memref_slice %arg4[%add3A_27] : memref<322560xi32, #tpu.memory_space<hbm>> -> memref<120xi32, #tpu.memory_space<hbm>>
    tpu.enqueue_dma source(%dma_start3A_29 : memref<120xi32, #tpu.memory_space<hbm>>) target(%arg11 : memref<120xi32, #tpu.memory_space<vmem>>) target_semaphore(%arg18 : memref<!tpu.dma_semaphore, #tpu.memory_space<semaphore_mem>>)
    %add3A_30 = arith.constant 240 : i32
    %add3A_31 = arith.addi %mul3A_2, %add3A_30 : i32
    %dma_start3A_32 = tpu.memref_slice %arg3[%add3A_31] : memref<322560xi32, #tpu.memory_space<hbm>> -> memref<120xi32, #tpu.memory_space<hbm>>
    %dma_start3A_33 = tpu.memref_slice %arg3[%add3A_31] : memref<322560xi32, #tpu.memory_space<hbm>> -> memref<120xi32, #tpu.memory_space<hbm>>
    tpu.enqueue_dma source(%dma_start3A_33 : memref<120xi32, #tpu.memory_space<hbm>>) target(%arg9 : memref<120xi32, #tpu.memory_space<vmem>>) target_semaphore(%arg19 : memref<!tpu.dma_semaphore, #tpu.memory_space<semaphore_mem>>)
    %add3A_34 = arith.constant 240 : i32
    %add3A_35 = arith.addi %mul3A_2, %add3A_34 : i32
    %dma_start3A_36 = tpu.memref_slice %arg4[%add3A_35] : memref<322560xi32, #tpu.memory_space<hbm>> -> memref<120xi32, #tpu.memory_space<hbm>>
    %dma_start3A_37 = tpu.memref_slice %arg4[%add3A_35] : memref<322560xi32, #tpu.memory_space<hbm>> -> memref<120xi32, #tpu.memory_space<hbm>>
    tpu.enqueue_dma source(%dma_start3A_37 : memref<120xi32, #tpu.memory_space<hbm>>) target(%arg12 : memref<120xi32, #tpu.memory_space<vmem>>) target_semaphore(%arg19 : memref<!tpu.dma_semaphore, #tpu.memory_space<semaphore_mem>>)
    %barrier3A = arith.constant 0 : index
    tpu.barrier barrier_id(%barrier3A)
    %add3A_38 = arith.constant 0 : i32
    %add3A_39 = arith.addi %mul3A_2, %add3A_38 : i32
    %dma_wait3A = tpu.memref_slice %arg3[%add3A_39] : memref<322560xi32, #tpu.memory_space<hbm>> -> memref<120xi32, #tpu.memory_space<hbm>>
    %dma_wait3A_40 = tpu.memref_slice %arg3[%add3A_39] : memref<322560xi32, #tpu.memory_space<hbm>> -> memref<120xi32, #tpu.memory_space<hbm>>
    tpu.wait_dma2 semaphore(%arg17 : memref<!tpu.dma_semaphore, #tpu.memory_space<semaphore_mem>>) src(%dma_wait3A_40 : memref<120xi32, #tpu.memory_space<hbm>>) dst(%arg7 : memref<120xi32, #tpu.memory_space<vmem>>)
    %add3A_41 = arith.constant 0 : i32
    %add3A_42 = arith.addi %mul3A_2, %add3A_41 : i32
    %dma_wait3A_43 = tpu.memref_slice %arg4[%add3A_42] : memref<322560xi32, #tpu.memory_space<hbm>> -> memref<120xi32, #tpu.memory_space<hbm>>
    %dma_wait3A_44 = tpu.memref_slice %arg4[%add3A_42] : memref<322560xi32, #tpu.memory_space<hbm>> -> memref<120xi32, #tpu.memory_space<hbm>>
    tpu.wait_dma2 semaphore(%arg17 : memref<!tpu.dma_semaphore, #tpu.memory_space<semaphore_mem>>) src(%dma_wait3A_44 : memref<120xi32, #tpu.memory_space<hbm>>) dst(%arg10 : memref<120xi32, #tpu.memory_space<vmem>>)
    %dma_start3A_45 = arith.constant 0 : i32
    %dma_start3A_46 = arith.constant 0 : i32
    %dma_start3A_47 = tpu.memref_slice %arg2[%dma_start3A_45, %dma_start3A_46] : memref<10000x128xf32, #tpu.memory_space<hbm>> -> memref<10000x128xf32, #tpu.memory_space<hbm>>
    tpu.enqueue_indirect_dma source(%dma_start3A_47 : memref<10000x128xf32, #tpu.memory_space<hbm>>) target(%arg13 : memref<120x128xf32, #tpu.memory_space<vmem>>) offsets(%arg7 : memref<120xi32, #tpu.memory_space<vmem>>) semaphore(%arg20 : memref<!tpu.dma_semaphore, #tpu.memory_space<semaphore_mem>>)
    %add3A_48 = arith.constant 120 : i32
    %add3A_49 = arith.addi %mul3A_2, %add3A_48 : i32
    %dma_wait3A_50 = tpu.memref_slice %arg3[%add3A_49] : memref<322560xi32, #tpu.memory_space<hbm>> -> memref<120xi32, #tpu.memory_space<hbm>>
    %dma_wait3A_51 = tpu.memref_slice %arg3[%add3A_49] : memref<322560xi32, #tpu.memory_space<hbm>> -> memref<120xi32, #tpu.memory_space<hbm>>
    tpu.wait_dma2 semaphore(%arg18 : memref<!tpu.dma_semaphore, #tpu.memory_space<semaphore_mem>>) src(%dma_wait3A_51 : memref<120xi32, #tpu.memory_space<hbm>>) dst(%arg8 : memref<120xi32, #tpu.memory_space<vmem>>)
    %add3A_52 = arith.constant 120 : i32
    %add3A_53 = arith.addi %mul3A_2, %add3A_52 : i32
    %dma_wait3A_54 = tpu.memref_slice %arg4[%add3A_53] : memref<322560xi32, #tpu.memory_space<hbm>> -> memref<120xi32, #tpu.memory_space<hbm>>
    %dma_wait3A_55 = tpu.memref_slice %arg4[%add3A_53] : memref<322560xi32, #tpu.memory_space<hbm>> -> memref<120xi32, #tpu.memory_space<hbm>>
    tpu.wait_dma2 semaphore(%arg18 : memref<!tpu.dma_semaphore, #tpu.memory_space<semaphore_mem>>) src(%dma_wait3A_55 : memref<120xi32, #tpu.memory_space<hbm>>) dst(%arg11 : memref<120xi32, #tpu.memory_space<vmem>>)
    %dma_start3A_56 = arith.constant 0 : i32
    %dma_start3A_57 = arith.constant 0 : i32
    %dma_start3A_58 = tpu.memref_slice %arg2[%dma_start3A_56, %dma_start3A_57] : memref<10000x128xf32, #tpu.memory_space<hbm>> -> memref<10000x128xf32, #tpu.memory_space<hbm>>
    tpu.enqueue_indirect_dma source(%dma_start3A_58 : memref<10000x128xf32, #tpu.memory_space<hbm>>) target(%arg14 : memref<120x128xf32, #tpu.memory_space<vmem>>) offsets(%arg8 : memref<120xi32, #tpu.memory_space<vmem>>) semaphore(%arg21 : memref<!tpu.dma_semaphore, #tpu.memory_space<semaphore_mem>>)
    %add3A_59 = arith.constant 240 : i32
    %add3A_60 = arith.addi %mul3A_2, %add3A_59 : i32
    %dma_wait3A_61 = tpu.memref_slice %arg3[%add3A_60] : memref<322560xi32, #tpu.memory_space<hbm>> -> memref<120xi32, #tpu.memory_space<hbm>>
    %dma_wait3A_62 = tpu.memref_slice %arg3[%add3A_60] : memref<322560xi32, #tpu.memory_space<hbm>> -> memref<120xi32, #tpu.memory_space<hbm>>
    tpu.wait_dma2 semaphore(%arg19 : memref<!tpu.dma_semaphore, #tpu.memory_space<semaphore_mem>>) src(%dma_wait3A_62 : memref<120xi32, #tpu.memory_space<hbm>>) dst(%arg9 : memref<120xi32, #tpu.memory_space<vmem>>)
    %add3A_63 = arith.constant 240 : i32
    %add3A_64 = arith.addi %mul3A_2, %add3A_63 : i32
    %dma_wait3A_65 = tpu.memref_slice %arg4[%add3A_64] : memref<322560xi32, #tpu.memory_space<hbm>> -> memref<120xi32, #tpu.memory_space<hbm>>
    %dma_wait3A_66 = tpu.memref_slice %arg4[%add3A_64] : memref<322560xi32, #tpu.memory_space<hbm>> -> memref<120xi32, #tpu.memory_space<hbm>>
    tpu.wait_dma2 semaphore(%arg19 : memref<!tpu.dma_semaphore, #tpu.memory_space<semaphore_mem>>) src(%dma_wait3A_66 : memref<120xi32, #tpu.memory_space<hbm>>) dst(%arg12 : memref<120xi32, #tpu.memory_space<vmem>>)
    %dma_start3A_67 = arith.constant 0 : i32
    %dma_start3A_68 = arith.constant 0 : i32
    %dma_start3A_69 = tpu.memref_slice %arg2[%dma_start3A_67, %dma_start3A_68] : memref<10000x128xf32, #tpu.memory_space<hbm>> -> memref<10000x128xf32, #tpu.memory_space<hbm>>
    tpu.enqueue_indirect_dma source(%dma_start3A_69 : memref<10000x128xf32, #tpu.memory_space<hbm>>) target(%arg15 : memref<120x128xf32, #tpu.memory_space<vmem>>) offsets(%arg9 : memref<120xi32, #tpu.memory_space<vmem>>) semaphore(%arg22 : memref<!tpu.dma_semaphore, #tpu.memory_space<semaphore_mem>>)
    %scan3A_70 = arith.constant 0 : i32
    %scan3A_71 = arith.constant 28 : i32
    %scan3A_72 = arith.addi %scan3A_70, %scan3A_71 : i32
    %scan3A_73 = arith.constant 1 : i32
    scf.for %scan3A_95 = %scan3A_70 to %scan3A_72 step %scan3A_73  : i32 {
      %mul3A_96 = arith.constant 3 : i32
      %mul3A_97 = arith.muli %scan3A_95, %mul3A_96 : i32
      %add3A_98 = arith.constant 0 : i32
      %add3A_99 = arith.addi %add3A_98, %mul3A_97 : i32
      %dma_wait3A_100 = arith.constant 0 : i32
      %dma_wait3A_101 = arith.constant 0 : i32
      %dma_wait3A_102 = tpu.memref_slice %arg2[%dma_wait3A_100, %dma_wait3A_101] : memref<10000x128xf32, #tpu.memory_space<hbm>> -> memref<10000x128xf32, #tpu.memory_space<hbm>>
      tpu.wait_indirect_dma semaphore(%arg20 : memref<!tpu.dma_semaphore, #tpu.memory_space<semaphore_mem>>) src(%dma_wait3A_102 : memref<10000x128xf32, #tpu.memory_space<hbm>>) dst(%arg13 : memref<120x128xf32, #tpu.memory_space<vmem>>)
      %dma_start3A_103 = arith.constant 0 : i32
      %dma_start3A_104 = arith.constant 0 : i32
      %dma_start3A_105 = tpu.memref_slice %arg16[%dma_start3A_103, %dma_start3A_104] : memref<10008x128xf32, #tpu.memory_space<vmem_shared>> -> memref<10008x128xf32, #tpu.memory_space<vmem_shared>>
      tpu.enqueue_indirect_dma source(%arg13 : memref<120x128xf32, #tpu.memory_space<vmem>>) target(%dma_start3A_105 : memref<10008x128xf32, #tpu.memory_space<vmem_shared>>) offsets(%arg10 : memref<120xi32, #tpu.memory_space<vmem>>) semaphore(%arg23 : memref<!tpu.dma_semaphore, #tpu.memory_space<semaphore_mem>>) {add = true}
      %dma_wait3A_106 = arith.constant 0 : i32
      %dma_wait3A_107 = arith.constant 0 : i32
      %dma_wait3A_108 = tpu.memref_slice %arg2[%dma_wait3A_106, %dma_wait3A_107] : memref<10000x128xf32, #tpu.memory_space<hbm>> -> memref<10000x128xf32, #tpu.memory_space<hbm>>
      tpu.wait_indirect_dma semaphore(%arg21 : memref<!tpu.dma_semaphore, #tpu.memory_space<semaphore_mem>>) src(%dma_wait3A_108 : memref<10000x128xf32, #tpu.memory_space<hbm>>) dst(%arg14 : memref<120x128xf32, #tpu.memory_space<vmem>>)
      %dma_start3A_109 = arith.constant 0 : i32
      %dma_start3A_110 = arith.constant 0 : i32
      %dma_start3A_111 = tpu.memref_slice %arg16[%dma_start3A_109, %dma_start3A_110] : memref<10008x128xf32, #tpu.memory_space<vmem_shared>> -> memref<10008x128xf32, #tpu.memory_space<vmem_shared>>
      tpu.enqueue_indirect_dma source(%arg14 : memref<120x128xf32, #tpu.memory_space<vmem>>) target(%dma_start3A_111 : memref<10008x128xf32, #tpu.memory_space<vmem_shared>>) offsets(%arg11 : memref<120xi32, #tpu.memory_space<vmem>>) semaphore(%arg24 : memref<!tpu.dma_semaphore, #tpu.memory_space<semaphore_mem>>) {add = true}
      %dma_wait3A_112 = arith.constant 0 : i32
      %dma_wait3A_113 = arith.constant 0 : i32
      %dma_wait3A_114 = tpu.memref_slice %arg2[%dma_wait3A_112, %dma_wait3A_113] : memref<10000x128xf32, #tpu.memory_space<hbm>> -> memref<10000x128xf32, #tpu.memory_space<hbm>>
      tpu.wait_indirect_dma semaphore(%arg22 : memref<!tpu.dma_semaphore, #tpu.memory_space<semaphore_mem>>) src(%dma_wait3A_114 : memref<10000x128xf32, #tpu.memory_space<hbm>>) dst(%arg15 : memref<120x128xf32, #tpu.memory_space<vmem>>)
      %dma_start3A_115 = arith.constant 0 : i32
      %dma_start3A_116 = arith.constant 0 : i32
      %dma_start3A_117 = tpu.memref_slice %arg16[%dma_start3A_115, %dma_start3A_116] : memref<10008x128xf32, #tpu.memory_space<vmem_shared>> -> memref<10008x128xf32, #tpu.memory_space<vmem_shared>>
      tpu.enqueue_indirect_dma source(%arg15 : memref<120x128xf32, #tpu.memory_space<vmem>>) target(%dma_start3A_117 : memref<10008x128xf32, #tpu.memory_space<vmem_shared>>) offsets(%arg12 : memref<120xi32, #tpu.memory_space<vmem>>) semaphore(%arg25 : memref<!tpu.dma_semaphore, #tpu.memory_space<semaphore_mem>>) {add = true}
      %add3A_118 = arith.constant 3 : i32
      %add3A_119 = arith.addi %add3A_99, %add3A_118 : i32
      %add3A_120 = arith.constant 0 : i32
      %add3A_121 = arith.addi %add3A_119, %add3A_120 : i32
      %min3A = arith.constant 83 : i32
      %min3A_122 = arith.minsi %add3A_121, %min3A : i32
      %mul3A_123 = arith.constant 120 : i32
      %mul3A_124 = arith.muli %min3A_122, %mul3A_123 : i32
      %add3A_125 = arith.addi %mul3A_2, %mul3A_124 : i32
      %dma_start3A_126 = tpu.memref_slice %arg3[%add3A_125] : memref<322560xi32, #tpu.memory_space<hbm>> -> memref<120xi32, #tpu.memory_space<hbm>>
      %dma_start3A_127 = tpu.memref_slice %arg3[%add3A_125] : memref<322560xi32, #tpu.memory_space<hbm>> -> memref<120xi32, #tpu.memory_space<hbm>>
      tpu.enqueue_dma source(%dma_start3A_127 : memref<120xi32, #tpu.memory_space<hbm>>) target(%arg7 : memref<120xi32, #tpu.memory_space<vmem>>) target_semaphore(%arg17 : memref<!tpu.dma_semaphore, #tpu.memory_space<semaphore_mem>>)
      %dma_wait3A_128 = arith.constant 0 : i32
      %dma_wait3A_129 = arith.constant 0 : i32
      %dma_wait3A_130 = tpu.memref_slice %arg16[%dma_wait3A_128, %dma_wait3A_129] : memref<10008x128xf32, #tpu.memory_space<vmem_shared>> -> memref<10008x128xf32, #tpu.memory_space<vmem_shared>>
      tpu.wait_indirect_dma semaphore(%arg23 : memref<!tpu.dma_semaphore, #tpu.memory_space<semaphore_mem>>) src(%arg13 : memref<120x128xf32, #tpu.memory_space<vmem>>) dst(%dma_wait3A_130 : memref<10008x128xf32, #tpu.memory_space<vmem_shared>>)
      %mul3A_131 = arith.constant 120 : i32
      %mul3A_132 = arith.muli %min3A_122, %mul3A_131 : i32
      %add3A_133 = arith.addi %mul3A_2, %mul3A_132 : i32
      %dma_start3A_134 = tpu.memref_slice %arg4[%add3A_133] : memref<322560xi32, #tpu.memory_space<hbm>> -> memref<120xi32, #tpu.memory_space<hbm>>
      %dma_start3A_135 = tpu.memref_slice %arg4[%add3A_133] : memref<322560xi32, #tpu.memory_space<hbm>> -> memref<120xi32, #tpu.memory_space<hbm>>
      tpu.enqueue_dma source(%dma_start3A_135 : memref<120xi32, #tpu.memory_space<hbm>>) target(%arg10 : memref<120xi32, #tpu.memory_space<vmem>>) target_semaphore(%arg17 : memref<!tpu.dma_semaphore, #tpu.memory_space<semaphore_mem>>)
      %mul3A_136 = arith.constant 120 : i32
      %mul3A_137 = arith.muli %min3A_122, %mul3A_136 : i32
      %add3A_138 = arith.addi %mul3A_2, %mul3A_137 : i32
      %dma_wait3A_139 = tpu.memref_slice %arg3[%add3A_138] : memref<322560xi32, #tpu.memory_space<hbm>> -> memref<120xi32, #tpu.memory_space<hbm>>
      %dma_wait3A_140 = tpu.memref_slice %arg3[%add3A_138] : memref<322560xi32, #tpu.memory_space<hbm>> -> memref<120xi32, #tpu.memory_space<hbm>>
      tpu.wait_dma2 semaphore(%arg17 : memref<!tpu.dma_semaphore, #tpu.memory_space<semaphore_mem>>) src(%dma_wait3A_140 : memref<120xi32, #tpu.memory_space<hbm>>) dst(%arg7 : memref<120xi32, #tpu.memory_space<vmem>>)
      %mul3A_141 = arith.constant 120 : i32
      %mul3A_142 = arith.muli %min3A_122, %mul3A_141 : i32
      %add3A_143 = arith.addi %mul3A_2, %mul3A_142 : i32
      %dma_wait3A_144 = tpu.memref_slice %arg4[%add3A_143] : memref<322560xi32, #tpu.memory_space<hbm>> -> memref<120xi32, #tpu.memory_space<hbm>>
      %dma_wait3A_145 = tpu.memref_slice %arg4[%add3A_143] : memref<322560xi32, #tpu.memory_space<hbm>> -> memref<120xi32, #tpu.memory_space<hbm>>
      tpu.wait_dma2 semaphore(%arg17 : memref<!tpu.dma_semaphore, #tpu.memory_space<semaphore_mem>>) src(%dma_wait3A_145 : memref<120xi32, #tpu.memory_space<hbm>>) dst(%arg10 : memref<120xi32, #tpu.memory_space<vmem>>)
      %dma_start3A_146 = arith.constant 0 : i32
      %dma_start3A_147 = arith.constant 0 : i32
      %dma_start3A_148 = tpu.memref_slice %arg2[%dma_start3A_146, %dma_start3A_147] : memref<10000x128xf32, #tpu.memory_space<hbm>> -> memref<10000x128xf32, #tpu.memory_space<hbm>>
      tpu.enqueue_indirect_dma source(%dma_start3A_148 : memref<10000x128xf32, #tpu.memory_space<hbm>>) target(%arg13 : memref<120x128xf32, #tpu.memory_space<vmem>>) offsets(%arg7 : memref<120xi32, #tpu.memory_space<vmem>>) semaphore(%arg20 : memref<!tpu.dma_semaphore, #tpu.memory_space<semaphore_mem>>)
      %add3A_149 = arith.constant 3 : i32
      %add3A_150 = arith.addi %add3A_99, %add3A_149 : i32
      %add3A_151 = arith.constant 1 : i32
      %add3A_152 = arith.addi %add3A_150, %add3A_151 : i32
      %min3A_153 = arith.constant 83 : i32
      %min3A_154 = arith.minsi %add3A_152, %min3A_153 : i32
      %mul3A_155 = arith.constant 120 : i32
      %mul3A_156 = arith.muli %min3A_154, %mul3A_155 : i32
      %add3A_157 = arith.addi %mul3A_2, %mul3A_156 : i32
      %dma_start3A_158 = tpu.memref_slice %arg3[%add3A_157] : memref<322560xi32, #tpu.memory_space<hbm>> -> memref<120xi32, #tpu.memory_space<hbm>>
      %dma_start3A_159 = tpu.memref_slice %arg3[%add3A_157] : memref<322560xi32, #tpu.memory_space<hbm>> -> memref<120xi32, #tpu.memory_space<hbm>>
      tpu.enqueue_dma source(%dma_start3A_159 : memref<120xi32, #tpu.memory_space<hbm>>) target(%arg8 : memref<120xi32, #tpu.memory_space<vmem>>) target_semaphore(%arg18 : memref<!tpu.dma_semaphore, #tpu.memory_space<semaphore_mem>>)
      %dma_wait3A_160 = arith.constant 0 : i32
      %dma_wait3A_161 = arith.constant 0 : i32
      %dma_wait3A_162 = tpu.memref_slice %arg16[%dma_wait3A_160, %dma_wait3A_161] : memref<10008x128xf32, #tpu.memory_space<vmem_shared>> -> memref<10008x128xf32, #tpu.memory_space<vmem_shared>>
      tpu.wait_indirect_dma semaphore(%arg24 : memref<!tpu.dma_semaphore, #tpu.memory_space<semaphore_mem>>) src(%arg14 : memref<120x128xf32, #tpu.memory_space<vmem>>) dst(%dma_wait3A_162 : memref<10008x128xf32, #tpu.memory_space<vmem_shared>>)
      %mul3A_163 = arith.constant 120 : i32
      %mul3A_164 = arith.muli %min3A_154, %mul3A_163 : i32
      %add3A_165 = arith.addi %mul3A_2, %mul3A_164 : i32
      %dma_start3A_166 = tpu.memref_slice %arg4[%add3A_165] : memref<322560xi32, #tpu.memory_space<hbm>> -> memref<120xi32, #tpu.memory_space<hbm>>
      %dma_start3A_167 = tpu.memref_slice %arg4[%add3A_165] : memref<322560xi32, #tpu.memory_space<hbm>> -> memref<120xi32, #tpu.memory_space<hbm>>
      tpu.enqueue_dma source(%dma_start3A_167 : memref<120xi32, #tpu.memory_space<hbm>>) target(%arg11 : memref<120xi32, #tpu.memory_space<vmem>>) target_semaphore(%arg18 : memref<!tpu.dma_semaphore, #tpu.memory_space<semaphore_mem>>)
      %mul3A_168 = arith.constant 120 : i32
      %mul3A_169 = arith.muli %min3A_154, %mul3A_168 : i32
      %add3A_170 = arith.addi %mul3A_2, %mul3A_169 : i32
      %dma_wait3A_171 = tpu.memref_slice %arg3[%add3A_170] : memref<322560xi32, #tpu.memory_space<hbm>> -> memref<120xi32, #tpu.memory_space<hbm>>
      %dma_wait3A_172 = tpu.memref_slice %arg3[%add3A_170] : memref<322560xi32, #tpu.memory_space<hbm>> -> memref<120xi32, #tpu.memory_space<hbm>>
      tpu.wait_dma2 semaphore(%arg18 : memref<!tpu.dma_semaphore, #tpu.memory_space<semaphore_mem>>) src(%dma_wait3A_172 : memref<120xi32, #tpu.memory_space<hbm>>) dst(%arg8 : memref<120xi32, #tpu.memory_space<vmem>>)
      %mul3A_173 = arith.constant 120 : i32
      %mul3A_174 = arith.muli %min3A_154, %mul3A_173 : i32
      %add3A_175 = arith.addi %mul3A_2, %mul3A_174 : i32
      %dma_wait3A_176 = tpu.memref_slice %arg4[%add3A_175] : memref<322560xi32, #tpu.memory_space<hbm>> -> memref<120xi32, #tpu.memory_space<hbm>>
      %dma_wait3A_177 = tpu.memref_slice %arg4[%add3A_175] : memref<322560xi32, #tpu.memory_space<hbm>> -> memref<120xi32, #tpu.memory_space<hbm>>
      tpu.wait_dma2 semaphore(%arg18 : memref<!tpu.dma_semaphore, #tpu.memory_space<semaphore_mem>>) src(%dma_wait3A_177 : memref<120xi32, #tpu.memory_space<hbm>>) dst(%arg11 : memref<120xi32, #tpu.memory_space<vmem>>)
      %dma_start3A_178 = arith.constant 0 : i32
      %dma_start3A_179 = arith.constant 0 : i32
      %dma_start3A_180 = tpu.memref_slice %arg2[%dma_start3A_178, %dma_start3A_179] : memref<10000x128xf32, #tpu.memory_space<hbm>> -> memref<10000x128xf32, #tpu.memory_space<hbm>>
      tpu.enqueue_indirect_dma source(%dma_start3A_180 : memref<10000x128xf32, #tpu.memory_space<hbm>>) target(%arg14 : memref<120x128xf32, #tpu.memory_space<vmem>>) offsets(%arg8 : memref<120xi32, #tpu.memory_space<vmem>>) semaphore(%arg21 : memref<!tpu.dma_semaphore, #tpu.memory_space<semaphore_mem>>)
      %add3A_181 = arith.constant 3 : i32
      %add3A_182 = arith.addi %add3A_99, %add3A_181 : i32
      %add3A_183 = arith.constant 2 : i32
      %add3A_184 = arith.addi %add3A_182, %add3A_183 : i32
      %min3A_185 = arith.constant 83 : i32
      %min3A_186 = arith.minsi %add3A_184, %min3A_185 : i32
      %mul3A_187 = arith.constant 120 : i32
      %mul3A_188 = arith.muli %min3A_186, %mul3A_187 : i32
      %add3A_189 = arith.addi %mul3A_2, %mul3A_188 : i32
      %dma_start3A_190 = tpu.memref_slice %arg3[%add3A_189] : memref<322560xi32, #tpu.memory_space<hbm>> -> memref<120xi32, #tpu.memory_space<hbm>>
      %dma_start3A_191 = tpu.memref_slice %arg3[%add3A_189] : memref<322560xi32, #tpu.memory_space<hbm>> -> memref<120xi32, #tpu.memory_space<hbm>>
      tpu.enqueue_dma source(%dma_start3A_191 : memref<120xi32, #tpu.memory_space<hbm>>) target(%arg9 : memref<120xi32, #tpu.memory_space<vmem>>) target_semaphore(%arg19 : memref<!tpu.dma_semaphore, #tpu.memory_space<semaphore_mem>>)
      %dma_wait3A_192 = arith.constant 0 : i32
      %dma_wait3A_193 = arith.constant 0 : i32
      %dma_wait3A_194 = tpu.memref_slice %arg16[%dma_wait3A_192, %dma_wait3A_193] : memref<10008x128xf32, #tpu.memory_space<vmem_shared>> -> memref<10008x128xf32, #tpu.memory_space<vmem_shared>>
      tpu.wait_indirect_dma semaphore(%arg25 : memref<!tpu.dma_semaphore, #tpu.memory_space<semaphore_mem>>) src(%arg15 : memref<120x128xf32, #tpu.memory_space<vmem>>) dst(%dma_wait3A_194 : memref<10008x128xf32, #tpu.memory_space<vmem_shared>>)
      %mul3A_195 = arith.constant 120 : i32
      %mul3A_196 = arith.muli %min3A_186, %mul3A_195 : i32
      %add3A_197 = arith.addi %mul3A_2, %mul3A_196 : i32
      %dma_start3A_198 = tpu.memref_slice %arg4[%add3A_197] : memref<322560xi32, #tpu.memory_space<hbm>> -> memref<120xi32, #tpu.memory_space<hbm>>
      %dma_start3A_199 = tpu.memref_slice %arg4[%add3A_197] : memref<322560xi32, #tpu.memory_space<hbm>> -> memref<120xi32, #tpu.memory_space<hbm>>
      tpu.enqueue_dma source(%dma_start3A_199 : memref<120xi32, #tpu.memory_space<hbm>>) target(%arg12 : memref<120xi32, #tpu.memory_space<vmem>>) target_semaphore(%arg19 : memref<!tpu.dma_semaphore, #tpu.memory_space<semaphore_mem>>)
      %mul3A_200 = arith.constant 120 : i32
      %mul3A_201 = arith.muli %min3A_186, %mul3A_200 : i32
      %add3A_202 = arith.addi %mul3A_2, %mul3A_201 : i32
      %dma_wait3A_203 = tpu.memref_slice %arg3[%add3A_202] : memref<322560xi32, #tpu.memory_space<hbm>> -> memref<120xi32, #tpu.memory_space<hbm>>
      %dma_wait3A_204 = tpu.memref_slice %arg3[%add3A_202] : memref<322560xi32, #tpu.memory_space<hbm>> -> memref<120xi32, #tpu.memory_space<hbm>>
      tpu.wait_dma2 semaphore(%arg19 : memref<!tpu.dma_semaphore, #tpu.memory_space<semaphore_mem>>) src(%dma_wait3A_204 : memref<120xi32, #tpu.memory_space<hbm>>) dst(%arg9 : memref<120xi32, #tpu.memory_space<vmem>>)
      %mul3A_205 = arith.constant 120 : i32
      %mul3A_206 = arith.muli %min3A_186, %mul3A_205 : i32
      %add3A_207 = arith.addi %mul3A_2, %mul3A_206 : i32
      %dma_wait3A_208 = tpu.memref_slice %arg4[%add3A_207] : memref<322560xi32, #tpu.memory_space<hbm>> -> memref<120xi32, #tpu.memory_space<hbm>>
      %dma_wait3A_209 = tpu.memref_slice %arg4[%add3A_207] : memref<322560xi32, #tpu.memory_space<hbm>> -> memref<120xi32, #tpu.memory_space<hbm>>
      tpu.wait_dma2 semaphore(%arg19 : memref<!tpu.dma_semaphore, #tpu.memory_space<semaphore_mem>>) src(%dma_wait3A_209 : memref<120xi32, #tpu.memory_space<hbm>>) dst(%arg12 : memref<120xi32, #tpu.memory_space<vmem>>)
      %dma_start3A_210 = arith.constant 0 : i32
      %dma_start3A_211 = arith.constant 0 : i32
      %dma_start3A_212 = tpu.memref_slice %arg2[%dma_start3A_210, %dma_start3A_211] : memref<10000x128xf32, #tpu.memory_space<hbm>> -> memref<10000x128xf32, #tpu.memory_space<hbm>>
      tpu.enqueue_indirect_dma source(%dma_start3A_212 : memref<10000x128xf32, #tpu.memory_space<hbm>>) target(%arg15 : memref<120x128xf32, #tpu.memory_space<vmem>>) offsets(%arg9 : memref<120xi32, #tpu.memory_space<vmem>>) semaphore(%arg22 : memref<!tpu.dma_semaphore, #tpu.memory_space<semaphore_mem>>)
    }
    %scan3A_74 = arith.constant 28 : i32
    %dma_wait3A_75 = arith.constant 0 : i32
    %dma_wait3A_76 = arith.constant 0 : i32
    %dma_wait3A_77 = tpu.memref_slice %arg2[%dma_wait3A_75, %dma_wait3A_76] : memref<10000x128xf32, #tpu.memory_space<hbm>> -> memref<10000x128xf32, #tpu.memory_space<hbm>>
    tpu.wait_indirect_dma semaphore(%arg20 : memref<!tpu.dma_semaphore, #tpu.memory_space<semaphore_mem>>) src(%dma_wait3A_77 : memref<10000x128xf32, #tpu.memory_space<hbm>>) dst(%arg13 : memref<120x128xf32, #tpu.memory_space<vmem>>)
    %dma_wait3A_78 = arith.constant 0 : i32
    %dma_wait3A_79 = arith.constant 0 : i32
    %dma_wait3A_80 = tpu.memref_slice %arg2[%dma_wait3A_78, %dma_wait3A_79] : memref<10000x128xf32, #tpu.memory_space<hbm>> -> memref<10000x128xf32, #tpu.memory_space<hbm>>
    tpu.wait_indirect_dma semaphore(%arg21 : memref<!tpu.dma_semaphore, #tpu.memory_space<semaphore_mem>>) src(%dma_wait3A_80 : memref<10000x128xf32, #tpu.memory_space<hbm>>) dst(%arg14 : memref<120x128xf32, #tpu.memory_space<vmem>>)
    %dma_wait3A_81 = arith.constant 0 : i32
    %dma_wait3A_82 = arith.constant 0 : i32
    %dma_wait3A_83 = tpu.memref_slice %arg2[%dma_wait3A_81, %dma_wait3A_82] : memref<10000x128xf32, #tpu.memory_space<hbm>> -> memref<10000x128xf32, #tpu.memory_space<hbm>>
    tpu.wait_indirect_dma semaphore(%arg22 : memref<!tpu.dma_semaphore, #tpu.memory_space<semaphore_mem>>) src(%dma_wait3A_83 : memref<10000x128xf32, #tpu.memory_space<hbm>>) dst(%arg15 : memref<120x128xf32, #tpu.memory_space<vmem>>)
    %barrier3A_84 = arith.constant 0 : index
    tpu.barrier barrier_id(%barrier3A_84)
    %lt3A_85 = arith.constant 15 : i32
    %lt3A_86 = arith.cmpi slt, %arg1, %lt3A_85 : i32
    %convert_element_type3A_87 = arith.extui %lt3A_86 : i1 to i32
    %cond3A_88 = arith.constant 0 : i32
    %cond3A_89 = arith.cmpi ne, %convert_element_type3A_87, %cond3A_88 : i32
    scf.if %cond3A_89 {
      %eq3A_95 = arith.constant 0 : i32
      %eq3A_96 = arith.cmpi eq, %arg0, %eq3A_95 : i32
      %convert_element_type3A_97 = arith.extui %eq3A_96 : i1 to i32
      %cond3A_98 = arith.constant 0 : i32
      %cond3A_99 = arith.cmpi ne, %convert_element_type3A_97, %cond3A_98 : i32
      scf.if %cond3A_99 {
        %mul3A_105 = arith.constant 632 : i32
        %mul3A_106 = arith.muli %arg1, %mul3A_105 : i32
        %mul3A_107 = arith.constant 632 : i32
        %mul3A_108 = arith.muli %arg1, %mul3A_107 : i32
        "tpu.region"() ({
          %run_scoped3A = tpu.sem_alloc : memref<!tpu.dma_semaphore, #tpu.memory_space<semaphore_mem>>
          %dma_start3A_109 = arith.constant 0 : i32
          %dma_start3A_110 = tpu.memref_slice %arg5[%mul3A_108, %dma_start3A_109] : memref<10000x128xf32, #tpu.memory_space<hbm>> -> memref<632x128xf32, #tpu.memory_space<hbm>>
          %dma_start3A_111 = arith.constant 0 : i32
          %dma_start3A_112 = tpu.memref_slice %arg16[%mul3A_106, %dma_start3A_111] : memref<10008x128xf32, #tpu.memory_space<vmem_shared>> -> memref<632x128xf32, #tpu.memory_space<vmem_shared>>
          tpu.enqueue_dma source(%dma_start3A_112 : memref<632x128xf32, #tpu.memory_space<vmem_shared>>) target(%dma_start3A_110 : memref<632x128xf32, #tpu.memory_space<hbm>>) target_semaphore(%run_scoped3A : memref<!tpu.dma_semaphore, #tpu.memory_space<semaphore_mem>>)
          %dma_wait3A_113 = arith.constant 0 : i32
          %dma_wait3A_114 = tpu.memref_slice %arg5[%mul3A_108, %dma_wait3A_113] : memref<10000x128xf32, #tpu.memory_space<hbm>> -> memref<632x128xf32, #tpu.memory_space<hbm>>
          %dma_wait3A_115 = arith.constant 0 : i32
          %dma_wait3A_116 = tpu.memref_slice %arg16[%mul3A_106, %dma_wait3A_115] : memref<10008x128xf32, #tpu.memory_space<vmem_shared>> -> memref<632x128xf32, #tpu.memory_space<vmem_shared>>
          tpu.wait_dma2 semaphore(%run_scoped3A : memref<!tpu.dma_semaphore, #tpu.memory_space<semaphore_mem>>) src(%dma_wait3A_116 : memref<632x128xf32, #tpu.memory_space<vmem_shared>>) dst(%dma_wait3A_114 : memref<632x128xf32, #tpu.memory_space<hbm>>)
          tpu.yield
        }) : () -> ()
      } else {
      }
      %eq3A_100 = arith.constant 1 : i32
      %eq3A_101 = arith.cmpi eq, %arg0, %eq3A_100 : i32
      %convert_element_type3A_102 = arith.extui %eq3A_101 : i1 to i32
      %cond3A_103 = arith.constant 0 : i32
      %cond3A_104 = arith.cmpi ne, %convert_element_type3A_102, %cond3A_103 : i32
      scf.if %cond3A_104 {
        %mul3A_105 = arith.constant 632 : i32
        %mul3A_106 = arith.muli %arg1, %mul3A_105 : i32
        %mul3A_107 = arith.constant 632 : i32
        %mul3A_108 = arith.muli %arg1, %mul3A_107 : i32
        "tpu.region"() ({
          %run_scoped3A = tpu.sem_alloc : memref<!tpu.dma_semaphore, #tpu.memory_space<semaphore_mem>>
          %dma_start3A_109 = arith.constant 0 : i32
          %dma_start3A_110 = tpu.memref_slice %arg6[%mul3A_108, %dma_start3A_109] : memref<10000x128xf32, #tpu.memory_space<hbm>> -> memref<632x128xf32, #tpu.memory_space<hbm>>
          %dma_start3A_111 = arith.constant 0 : i32
          %dma_start3A_112 = tpu.memref_slice %arg16[%mul3A_106, %dma_start3A_111] : memref<10008x128xf32, #tpu.memory_space<vmem_shared>> -> memref<632x128xf32, #tpu.memory_space<vmem_shared>>
          tpu.enqueue_dma source(%dma_start3A_112 : memref<632x128xf32, #tpu.memory_space<vmem_shared>>) target(%dma_start3A_110 : memref<632x128xf32, #tpu.memory_space<hbm>>) target_semaphore(%run_scoped3A : memref<!tpu.dma_semaphore, #tpu.memory_space<semaphore_mem>>)
          %dma_wait3A_113 = arith.constant 0 : i32
          %dma_wait3A_114 = tpu.memref_slice %arg6[%mul3A_108, %dma_wait3A_113] : memref<10000x128xf32, #tpu.memory_space<hbm>> -> memref<632x128xf32, #tpu.memory_space<hbm>>
          %dma_wait3A_115 = arith.constant 0 : i32
          %dma_wait3A_116 = tpu.memref_slice %arg16[%mul3A_106, %dma_wait3A_115] : memref<10008x128xf32, #tpu.memory_space<vmem_shared>> -> memref<632x128xf32, #tpu.memory_space<vmem_shared>>
          tpu.wait_dma2 semaphore(%run_scoped3A : memref<!tpu.dma_semaphore, #tpu.memory_space<semaphore_mem>>) src(%dma_wait3A_116 : memref<632x128xf32, #tpu.memory_space<vmem_shared>>) dst(%dma_wait3A_114 : memref<632x128xf32, #tpu.memory_space<hbm>>)
          tpu.yield
        }) : () -> ()
      } else {
      }
    } else {
    }
    %eq3A_90 = arith.constant 15 : i32
    %eq3A_91 = arith.cmpi eq, %arg1, %eq3A_90 : i32
    %convert_element_type3A_92 = arith.extui %eq3A_91 : i1 to i32
    %cond3A_93 = arith.constant 0 : i32
    %cond3A_94 = arith.cmpi ne, %convert_element_type3A_92, %cond3A_93 : i32
    scf.if %cond3A_94 {
      %eq3A_95 = arith.constant 0 : i32
      %eq3A_96 = arith.cmpi eq, %arg0, %eq3A_95 : i32
      %convert_element_type3A_97 = arith.extui %eq3A_96 : i1 to i32
      %cond3A_98 = arith.constant 0 : i32
      %cond3A_99 = arith.cmpi ne, %convert_element_type3A_97, %cond3A_98 : i32
      scf.if %cond3A_99 {
        %mul3A_105 = arith.constant 632 : i32
        %mul3A_106 = arith.muli %arg1, %mul3A_105 : i32
        %mul3A_107 = arith.constant 632 : i32
        %mul3A_108 = arith.muli %arg1, %mul3A_107 : i32
        "tpu.region"() ({
          %run_scoped3A = tpu.sem_alloc : memref<!tpu.dma_semaphore, #tpu.memory_space<semaphore_mem>>
          %dma_start3A_109 = arith.constant 0 : i32
          %dma_start3A_110 = tpu.memref_slice %arg5[%mul3A_108, %dma_start3A_109] : memref<10000x128xf32, #tpu.memory_space<hbm>> -> memref<520x128xf32, #tpu.memory_space<hbm>>
          %dma_start3A_111 = arith.constant 0 : i32
          %dma_start3A_112 = tpu.memref_slice %arg16[%mul3A_106, %dma_start3A_111] : memref<10008x128xf32, #tpu.memory_space<vmem_shared>> -> memref<520x128xf32, #tpu.memory_space<vmem_shared>>
          tpu.enqueue_dma source(%dma_start3A_112 : memref<520x128xf32, #tpu.memory_space<vmem_shared>>) target(%dma_start3A_110 : memref<520x128xf32, #tpu.memory_space<hbm>>) target_semaphore(%run_scoped3A : memref<!tpu.dma_semaphore, #tpu.memory_space<semaphore_mem>>)
          %dma_wait3A_113 = arith.constant 0 : i32
          %dma_wait3A_114 = tpu.memref_slice %arg5[%mul3A_108, %dma_wait3A_113] : memref<10000x128xf32, #tpu.memory_space<hbm>> -> memref<520x128xf32, #tpu.memory_space<hbm>>
          %dma_wait3A_115 = arith.constant 0 : i32
          %dma_wait3A_116 = tpu.memref_slice %arg16[%mul3A_106, %dma_wait3A_115] : memref<10008x128xf32, #tpu.memory_space<vmem_shared>> -> memref<520x128xf32, #tpu.memory_space<vmem_shared>>
          tpu.wait_dma2 semaphore(%run_scoped3A : memref<!tpu.dma_semaphore, #tpu.memory_space<semaphore_mem>>) src(%dma_wait3A_116 : memref<520x128xf32, #tpu.memory_space<vmem_shared>>) dst(%dma_wait3A_114 : memref<520x128xf32, #tpu.memory_space<hbm>>)
          tpu.yield
        }) : () -> ()
      } else {
      }
      %eq3A_100 = arith.constant 1 : i32
      %eq3A_101 = arith.cmpi eq, %arg0, %eq3A_100 : i32
      %convert_element_type3A_102 = arith.extui %eq3A_101 : i1 to i32
      %cond3A_103 = arith.constant 0 : i32
      %cond3A_104 = arith.cmpi ne, %convert_element_type3A_102, %cond3A_103 : i32
      scf.if %cond3A_104 {
        %mul3A_105 = arith.constant 632 : i32
        %mul3A_106 = arith.muli %arg1, %mul3A_105 : i32
        %mul3A_107 = arith.constant 632 : i32
        %mul3A_108 = arith.muli %arg1, %mul3A_107 : i32
        "tpu.region"() ({
          %run_scoped3A = tpu.sem_alloc : memref<!tpu.dma_semaphore, #tpu.memory_space<semaphore_mem>>
          %dma_start3A_109 = arith.constant 0 : i32
          %dma_start3A_110 = tpu.memref_slice %arg6[%mul3A_108, %dma_start3A_109] : memref<10000x128xf32, #tpu.memory_space<hbm>> -> memref<520x128xf32, #tpu.memory_space<hbm>>
          %dma_start3A_111 = arith.constant 0 : i32
          %dma_start3A_112 = tpu.memref_slice %arg16[%mul3A_106, %dma_start3A_111] : memref<10008x128xf32, #tpu.memory_space<vmem_shared>> -> memref<520x128xf32, #tpu.memory_space<vmem_shared>>
          tpu.enqueue_dma source(%dma_start3A_112 : memref<520x128xf32, #tpu.memory_space<vmem_shared>>) target(%dma_start3A_110 : memref<520x128xf32, #tpu.memory_space<hbm>>) target_semaphore(%run_scoped3A : memref<!tpu.dma_semaphore, #tpu.memory_space<semaphore_mem>>)
          %dma_wait3A_113 = arith.constant 0 : i32
          %dma_wait3A_114 = tpu.memref_slice %arg6[%mul3A_108, %dma_wait3A_113] : memref<10000x128xf32, #tpu.memory_space<hbm>> -> memref<520x128xf32, #tpu.memory_space<hbm>>
          %dma_wait3A_115 = arith.constant 0 : i32
          %dma_wait3A_116 = tpu.memref_slice %arg16[%mul3A_106, %dma_wait3A_115] : memref<10008x128xf32, #tpu.memory_space<vmem_shared>> -> memref<520x128xf32, #tpu.memory_space<vmem_shared>>
          tpu.wait_dma2 semaphore(%run_scoped3A : memref<!tpu.dma_semaphore, #tpu.memory_space<semaphore_mem>>) src(%dma_wait3A_116 : memref<520x128xf32, #tpu.memory_space<vmem_shared>>) dst(%dma_wait3A_114 : memref<520x128xf32, #tpu.memory_space<hbm>>)
          tpu.yield
        }) : () -> ()
      } else {
      }
    } else {
    }
    return
  }
}

#map = affine_map<(d0, d1) -> (0)>
module attributes {stable_mosaic.version = 14 : i64} {
  func.func @_degree_kernel(%arg0: i32, %arg1: i32, %arg2: memref<322560xi32, #tpu.memory_space<hbm>>, %arg3: memref<10000xi32, #tpu.memory_space<hbm>>, %arg4: memref<10000xi32, #tpu.memory_space<hbm>>, %arg5: memref<10080xi32, #tpu.memory_space<vmem>>, %arg6: memref<10240xi32, #tpu.memory_space<vmem>>, %arg7: memref<16x640xi32, #tpu.memory_space<vmem>>, %arg8: memref<640xi32, #tpu.memory_space<vmem>>, %arg9: memref<16x10240xi32, #tpu.memory_space<vmem_shared>>, %arg10: memref<!tpu.dma_semaphore, #tpu.memory_space<semaphore_mem>>) attributes {dimension_semantics = [#tpu.dimension_semantics<core_parallel>, #tpu.dimension_semantics<subcore_parallel>], iteration_bounds = array<i64: 2, 16>, scalar_prefetch = 0 : i64, scratch_operands = 6 : i64, tpu.core_type = #tpu.core_type<sc_vector_subcore>, window_params = [{transform_indices = #map}, {transform_indices = #map}, {transform_indices = #map}]} {
    %mul3A = arith.constant 16 : i32
    %mul3A_0 = arith.muli %arg0, %mul3A : i32
    %add3A = arith.addi %mul3A_0, %arg1 : i32
    %mul3A_1 = arith.constant 10080 : i32
    %mul3A_2 = arith.muli %add3A, %mul3A_1 : i32
    %dma_start3A = tpu.memref_slice %arg2[%mul3A_2] : memref<322560xi32, #tpu.memory_space<hbm>> -> memref<10080xi32, #tpu.memory_space<hbm>>
    %dma_start3A_3 = tpu.memref_slice %arg2[%mul3A_2] : memref<322560xi32, #tpu.memory_space<hbm>> -> memref<10080xi32, #tpu.memory_space<hbm>>
    tpu.enqueue_dma source(%dma_start3A_3 : memref<10080xi32, #tpu.memory_space<hbm>>) target(%arg5 : memref<10080xi32, #tpu.memory_space<vmem>>) target_semaphore(%arg10 : memref<!tpu.dma_semaphore, #tpu.memory_space<semaphore_mem>>)
    %scan3A = arith.constant 0 : i32
    %scan3A_4 = arith.constant 640 : i32
    %scan3A_5 = arith.addi %scan3A, %scan3A_4 : i32
    %scan3A_6 = arith.constant 1 : i32
    scf.for %scan3A_29 = %scan3A to %scan3A_5 step %scan3A_6  : i32 {
      %mul3A_30 = arith.constant 16 : i32
      %mul3A_31 = arith.muli %scan3A_29, %mul3A_30 : i32
      %add3A_32 = arith.constant 0 : i32
      %add3A_33 = arith.addi %add3A_32, %mul3A_31 : i32
      %broadcast_in_dim3A = arith.constant 0 : i32
      %broadcast_in_dim3A_34 = vector.broadcast %broadcast_in_dim3A : i32 to vector<16xi32>
      %swap3A = arith.index_cast %add3A_33 : i32 to index
      %swap3A_35 = tpu.vector_load %arg6[%swap3A] {strides = array<i32>} : memref<10240xi32, #tpu.memory_space<vmem>>, vector<16xi32>,
      tpu.vector_store %arg6[%swap3A], %broadcast_in_dim3A_34 {strides = array<i32>} : memref<10240xi32, #tpu.memory_space<vmem>>, vector<16xi32>,
    }
    %scan3A_7 = arith.constant 640 : i32
    %mul3A_8 = arith.constant 10080 : i32
    %mul3A_9 = arith.muli %add3A, %mul3A_8 : i32
    %dma_wait3A = tpu.memref_slice %arg2[%mul3A_9] : memref<322560xi32, #tpu.memory_space<hbm>> -> memref<10080xi32, #tpu.memory_space<hbm>>
    %dma_wait3A_10 = tpu.memref_slice %arg2[%mul3A_9] : memref<322560xi32, #tpu.memory_space<hbm>> -> memref<10080xi32, #tpu.memory_space<hbm>>
    tpu.wait_dma2 semaphore(%arg10 : memref<!tpu.dma_semaphore, #tpu.memory_space<semaphore_mem>>) src(%dma_wait3A_10 : memref<10080xi32, #tpu.memory_space<hbm>>) dst(%arg5 : memref<10080xi32, #tpu.memory_space<vmem>>)
    %scan3A_11 = arith.constant 0 : i32
    %scan3A_12 = arith.constant 630 : i32
    %scan3A_13 = arith.addi %scan3A_11, %scan3A_12 : i32
    %scan3A_14 = arith.constant 1 : i32
    scf.for %scan3A_29 = %scan3A_11 to %scan3A_13 step %scan3A_14  : i32 {
      %mul3A_30 = arith.constant 16 : i32
      %mul3A_31 = arith.muli %scan3A_29, %mul3A_30 : i32
      %add3A_32 = arith.constant 0 : i32
      %add3A_33 = arith.addi %add3A_32, %mul3A_31 : i32
      %get3A = arith.index_cast %add3A_33 : i32 to index
      %get3A_34 = tpu.vector_load %arg5[%get3A] {strides = array<i32>} : memref<10080xi32, #tpu.memory_space<vmem>>, vector<16xi32>,
      %broadcast_in_dim3A = arith.constant true
      %broadcast_in_dim3A_35 = vector.broadcast %broadcast_in_dim3A : i1 to vector<16xi1>
      %unique3A, %unique3A_36 = tpu.scan_count mask(%broadcast_in_dim3A_35 : vector<16xi1>) value(%get3A_34 : vector<16xi32>) : vector<16xi1>, vector<16xi32>
      tpu.vector_store_idx %arg6[%get3A_34], %unique3A_36 masked %unique3A {add = true} : memref<10240xi32, #tpu.memory_space<vmem>>[vector<16xi32>], vector<16xi32>, vector<16xi1>
    }
    %scan3A_15 = arith.constant 630 : i32
    "tpu.region"() ({
      %run_scoped3A = tpu.sem_alloc : memref<!tpu.dma_semaphore, #tpu.memory_space<semaphore_mem>>
      %dma_start3A_29 = arith.constant 0 : i32
      %dma_start3A_30 = tpu.memref_slice %arg9[%arg1, %dma_start3A_29] : memref<16x10240xi32, #tpu.memory_space<vmem_shared>> -> memref<1x10240xi32, #tpu.memory_space<vmem_shared>>
      %dma_start3A_31 = tpu.memref_squeeze %dma_start3A_30 : memref<1x10240xi32, #tpu.memory_space<vmem_shared>> -> memref<10240xi32, #tpu.memory_space<vmem_shared>>
      %dma_start3A_32 = arith.constant 0 : i32
      %dma_start3A_33 = tpu.memref_slice %arg9[%arg1, %dma_start3A_32] : memref<16x10240xi32, #tpu.memory_space<vmem_shared>> -> memref<1x10240xi32, #tpu.memory_space<vmem_shared>>
      %dma_start3A_34 = tpu.memref_squeeze %dma_start3A_33 : memref<1x10240xi32, #tpu.memory_space<vmem_shared>> -> memref<10240xi32, #tpu.memory_space<vmem_shared>>
      tpu.enqueue_dma source(%arg6 : memref<10240xi32, #tpu.memory_space<vmem>>) target(%dma_start3A_34 : memref<10240xi32, #tpu.memory_space<vmem_shared>>) target_semaphore(%run_scoped3A : memref<!tpu.dma_semaphore, #tpu.memory_space<semaphore_mem>>)
      %dma_wait3A_35 = arith.constant 0 : i32
      %dma_wait3A_36 = tpu.memref_slice %arg9[%arg1, %dma_wait3A_35] : memref<16x10240xi32, #tpu.memory_space<vmem_shared>> -> memref<1x10240xi32, #tpu.memory_space<vmem_shared>>
      %dma_wait3A_37 = tpu.memref_squeeze %dma_wait3A_36 : memref<1x10240xi32, #tpu.memory_space<vmem_shared>> -> memref<10240xi32, #tpu.memory_space<vmem_shared>>
      %dma_wait3A_38 = arith.constant 0 : i32
      %dma_wait3A_39 = tpu.memref_slice %arg9[%arg1, %dma_wait3A_38] : memref<16x10240xi32, #tpu.memory_space<vmem_shared>> -> memref<1x10240xi32, #tpu.memory_space<vmem_shared>>
      %dma_wait3A_40 = tpu.memref_squeeze %dma_wait3A_39 : memref<1x10240xi32, #tpu.memory_space<vmem_shared>> -> memref<10240xi32, #tpu.memory_space<vmem_shared>>
      tpu.wait_dma2 semaphore(%run_scoped3A : memref<!tpu.dma_semaphore, #tpu.memory_space<semaphore_mem>>) src(%arg6 : memref<10240xi32, #tpu.memory_space<vmem>>) dst(%dma_wait3A_40 : memref<10240xi32, #tpu.memory_space<vmem_shared>>)
      tpu.yield
    }) : () -> ()
    %barrier3A = arith.constant 0 : index
    tpu.barrier barrier_id(%barrier3A)
    %mul3A_16 = arith.constant 640 : i32
    %mul3A_17 = arith.muli %arg1, %mul3A_16 : i32
    "tpu.region"() ({
      %run_scoped3A = tpu.sem_alloc : memref<!tpu.dma_semaphore, #tpu.memory_space<semaphore_mem>>
      %dma_start3A_29 = arith.constant 0 : i32
      %dma_start3A_30 = tpu.memref_slice %arg9[%dma_start3A_29, %mul3A_17] : memref<16x10240xi32, #tpu.memory_space<vmem_shared>> -> memref<16x640xi32, #tpu.memory_space<vmem_shared>>
      %dma_start3A_31 = arith.constant 0 : i32
      %dma_start3A_32 = tpu.memref_slice %arg9[%dma_start3A_31, %mul3A_17] : memref<16x10240xi32, #tpu.memory_space<vmem_shared>> -> memref<16x640xi32, #tpu.memory_space<vmem_shared>>
      tpu.enqueue_dma source(%dma_start3A_32 : memref<16x640xi32, #tpu.memory_space<vmem_shared>>) target(%arg7 : memref<16x640xi32, #tpu.memory_space<vmem>>) target_semaphore(%run_scoped3A : memref<!tpu.dma_semaphore, #tpu.memory_space<semaphore_mem>>)
      %dma_wait3A_33 = arith.constant 0 : i32
      %dma_wait3A_34 = tpu.memref_slice %arg9[%dma_wait3A_33, %mul3A_17] : memref<16x10240xi32, #tpu.memory_space<vmem_shared>> -> memref<16x640xi32, #tpu.memory_space<vmem_shared>>
      %dma_wait3A_35 = arith.constant 0 : i32
      %dma_wait3A_36 = tpu.memref_slice %arg9[%dma_wait3A_35, %mul3A_17] : memref<16x10240xi32, #tpu.memory_space<vmem_shared>> -> memref<16x640xi32, #tpu.memory_space<vmem_shared>>
      tpu.wait_dma2 semaphore(%run_scoped3A : memref<!tpu.dma_semaphore, #tpu.memory_space<semaphore_mem>>) src(%dma_wait3A_36 : memref<16x640xi32, #tpu.memory_space<vmem_shared>>) dst(%arg7 : memref<16x640xi32, #tpu.memory_space<vmem>>)
      tpu.yield
    }) : () -> ()
    %scan3A_18 = arith.constant 0 : i32
    %scan3A_19 = arith.constant 40 : i32
    %scan3A_20 = arith.addi %scan3A_18, %scan3A_19 : i32
    %scan3A_21 = arith.constant 1 : i32
    scf.for %scan3A_29 = %scan3A_18 to %scan3A_20 step %scan3A_21  : i32 {
      %mul3A_30 = arith.constant 16 : i32
      %mul3A_31 = arith.muli %scan3A_29, %mul3A_30 : i32
      %add3A_32 = arith.constant 0 : i32
      %add3A_33 = arith.addi %add3A_32, %mul3A_31 : i32
      %get3A = arith.constant 0 : i32
      %get3A_34 = arith.index_cast %get3A : i32 to index
      %get3A_35 = arith.index_cast %add3A_33 : i32 to index
      %get3A_36 = tpu.vector_load %arg7[%get3A_34, %get3A_35] {strides = array<i32>} : memref<16x640xi32, #tpu.memory_space<vmem>>, vector<16xi32>,
      %get3A_37 = arith.constant 1 : i32
      %get3A_38 = arith.index_cast %get3A_37 : i32 to index
      %get3A_39 = arith.index_cast %add3A_33 : i32 to index
      %get3A_40 = tpu.vector_load %arg7[%get3A_38, %get3A_39] {strides = array<i32>} : memref<16x640xi32, #tpu.memory_space<vmem>>, vector<16xi32>,
      %add3A_41 = arith.addi %get3A_36, %get3A_40 : vector<16xi32>
      %get3A_42 = arith.constant 2 : i32
      %get3A_43 = arith.index_cast %get3A_42 : i32 to index
      %get3A_44 = arith.index_cast %add3A_33 : i32 to index
      %get3A_45 = tpu.vector_load %arg7[%get3A_43, %get3A_44] {strides = array<i32>} : memref<16x640xi32, #tpu.memory_space<vmem>>, vector<16xi32>,
      %add3A_46 = arith.addi %add3A_41, %get3A_45 : vector<16xi32>
      %get3A_47 = arith.constant 3 : i32
      %get3A_48 = arith.index_cast %get3A_47 : i32 to index
      %get3A_49 = arith.index_cast %add3A_33 : i32 to index
      %get3A_50 = tpu.vector_load %arg7[%get3A_48, %get3A_49] {strides = array<i32>} : memref<16x640xi32, #tpu.memory_space<vmem>>, vector<16xi32>,
      %add3A_51 = arith.addi %add3A_46, %get3A_50 : vector<16xi32>
      %get3A_52 = arith.constant 4 : i32
      %get3A_53 = arith.index_cast %get3A_52 : i32 to index
      %get3A_54 = arith.index_cast %add3A_33 : i32 to index
      %get3A_55 = tpu.vector_load %arg7[%get3A_53, %get3A_54] {strides = array<i32>} : memref<16x640xi32, #tpu.memory_space<vmem>>, vector<16xi32>,
      %add3A_56 = arith.addi %add3A_51, %get3A_55 : vector<16xi32>
      %get3A_57 = arith.constant 5 : i32
      %get3A_58 = arith.index_cast %get3A_57 : i32 to index
      %get3A_59 = arith.index_cast %add3A_33 : i32 to index
      %get3A_60 = tpu.vector_load %arg7[%get3A_58, %get3A_59] {strides = array<i32>} : memref<16x640xi32, #tpu.memory_space<vmem>>, vector<16xi32>,
      %add3A_61 = arith.addi %add3A_56, %get3A_60 : vector<16xi32>
      %get3A_62 = arith.constant 6 : i32
      %get3A_63 = arith.index_cast %get3A_62 : i32 to index
      %get3A_64 = arith.index_cast %add3A_33 : i32 to index
      %get3A_65 = tpu.vector_load %arg7[%get3A_63, %get3A_64] {strides = array<i32>} : memref<16x640xi32, #tpu.memory_space<vmem>>, vector<16xi32>,
      %add3A_66 = arith.addi %add3A_61, %get3A_65 : vector<16xi32>
      %get3A_67 = arith.constant 7 : i32
      %get3A_68 = arith.index_cast %get3A_67 : i32 to index
      %get3A_69 = arith.index_cast %add3A_33 : i32 to index
      %get3A_70 = tpu.vector_load %arg7[%get3A_68, %get3A_69] {strides = array<i32>} : memref<16x640xi32, #tpu.memory_space<vmem>>, vector<16xi32>,
      %add3A_71 = arith.addi %add3A_66, %get3A_70 : vector<16xi32>
      %get3A_72 = arith.constant 8 : i32
      %get3A_73 = arith.index_cast %get3A_72 : i32 to index
      %get3A_74 = arith.index_cast %add3A_33 : i32 to index
      %get3A_75 = tpu.vector_load %arg7[%get3A_73, %get3A_74] {strides = array<i32>} : memref<16x640xi32, #tpu.memory_space<vmem>>, vector<16xi32>,
      %add3A_76 = arith.addi %add3A_71, %get3A_75 : vector<16xi32>
      %get3A_77 = arith.constant 9 : i32
      %get3A_78 = arith.index_cast %get3A_77 : i32 to index
      %get3A_79 = arith.index_cast %add3A_33 : i32 to index
      %get3A_80 = tpu.vector_load %arg7[%get3A_78, %get3A_79] {strides = array<i32>} : memref<16x640xi32, #tpu.memory_space<vmem>>, vector<16xi32>,
      %add3A_81 = arith.addi %add3A_76, %get3A_80 : vector<16xi32>
      %get3A_82 = arith.constant 10 : i32
      %get3A_83 = arith.index_cast %get3A_82 : i32 to index
      %get3A_84 = arith.index_cast %add3A_33 : i32 to index
      %get3A_85 = tpu.vector_load %arg7[%get3A_83, %get3A_84] {strides = array<i32>} : memref<16x640xi32, #tpu.memory_space<vmem>>, vector<16xi32>,
      %add3A_86 = arith.addi %add3A_81, %get3A_85 : vector<16xi32>
      %get3A_87 = arith.constant 11 : i32
      %get3A_88 = arith.index_cast %get3A_87 : i32 to index
      %get3A_89 = arith.index_cast %add3A_33 : i32 to index
      %get3A_90 = tpu.vector_load %arg7[%get3A_88, %get3A_89] {strides = array<i32>} : memref<16x640xi32, #tpu.memory_space<vmem>>, vector<16xi32>,
      %add3A_91 = arith.addi %add3A_86, %get3A_90 : vector<16xi32>
      %get3A_92 = arith.constant 12 : i32
      %get3A_93 = arith.index_cast %get3A_92 : i32 to index
      %get3A_94 = arith.index_cast %add3A_33 : i32 to index
      %get3A_95 = tpu.vector_load %arg7[%get3A_93, %get3A_94] {strides = array<i32>} : memref<16x640xi32, #tpu.memory_space<vmem>>, vector<16xi32>,
      %add3A_96 = arith.addi %add3A_91, %get3A_95 : vector<16xi32>
      %get3A_97 = arith.constant 13 : i32
      %get3A_98 = arith.index_cast %get3A_97 : i32 to index
      %get3A_99 = arith.index_cast %add3A_33 : i32 to index
      %get3A_100 = tpu.vector_load %arg7[%get3A_98, %get3A_99] {strides = array<i32>} : memref<16x640xi32, #tpu.memory_space<vmem>>, vector<16xi32>,
      %add3A_101 = arith.addi %add3A_96, %get3A_100 : vector<16xi32>
      %get3A_102 = arith.constant 14 : i32
      %get3A_103 = arith.index_cast %get3A_102 : i32 to index
      %get3A_104 = arith.index_cast %add3A_33 : i32 to index
      %get3A_105 = tpu.vector_load %arg7[%get3A_103, %get3A_104] {strides = array<i32>} : memref<16x640xi32, #tpu.memory_space<vmem>>, vector<16xi32>,
      %add3A_106 = arith.addi %add3A_101, %get3A_105 : vector<16xi32>
      %get3A_107 = arith.constant 15 : i32
      %get3A_108 = arith.index_cast %get3A_107 : i32 to index
      %get3A_109 = arith.index_cast %add3A_33 : i32 to index
      %get3A_110 = tpu.vector_load %arg7[%get3A_108, %get3A_109] {strides = array<i32>} : memref<16x640xi32, #tpu.memory_space<vmem>>, vector<16xi32>,
      %add3A_111 = arith.addi %add3A_106, %get3A_110 : vector<16xi32>
      %swap3A = arith.index_cast %add3A_33 : i32 to index
      %swap3A_112 = tpu.vector_load %arg8[%swap3A] {strides = array<i32>} : memref<640xi32, #tpu.memory_space<vmem>>, vector<16xi32>,
      tpu.vector_store %arg8[%swap3A], %add3A_111 {strides = array<i32>} : memref<640xi32, #tpu.memory_space<vmem>>, vector<16xi32>,
    }
    %scan3A_22 = arith.constant 40 : i32
    %lt3A = arith.constant 15 : i32
    %lt3A_23 = arith.cmpi slt, %arg1, %lt3A : i32
    %convert_element_type3A = arith.extui %lt3A_23 : i1 to i32
    %cond3A = arith.constant 0 : i32
    %cond3A_24 = arith.cmpi ne, %convert_element_type3A, %cond3A : i32
    scf.if %cond3A_24 {
      %eq3A_29 = arith.constant 0 : i32
      %eq3A_30 = arith.cmpi eq, %arg0, %eq3A_29 : i32
      %convert_element_type3A_31 = arith.extui %eq3A_30 : i1 to i32
      %cond3A_32 = arith.constant 0 : i32
      %cond3A_33 = arith.cmpi ne, %convert_element_type3A_31, %cond3A_32 : i32
      scf.if %cond3A_33 {
        "tpu.region"() ({
          %run_scoped3A = tpu.sem_alloc : memref<!tpu.dma_semaphore, #tpu.memory_space<semaphore_mem>>
          %dma_start3A_39 = tpu.memref_slice %arg3[%mul3A_17] : memref<10000xi32, #tpu.memory_space<hbm>> -> memref<640xi32, #tpu.memory_space<hbm>>
          %dma_start3A_40 = tpu.memref_slice %arg3[%mul3A_17] : memref<10000xi32, #tpu.memory_space<hbm>> -> memref<640xi32, #tpu.memory_space<hbm>>
          tpu.enqueue_dma source(%arg8 : memref<640xi32, #tpu.memory_space<vmem>>) target(%dma_start3A_40 : memref<640xi32, #tpu.memory_space<hbm>>) target_semaphore(%run_scoped3A : memref<!tpu.dma_semaphore, #tpu.memory_space<semaphore_mem>>)
          %dma_wait3A_41 = tpu.memref_slice %arg3[%mul3A_17] : memref<10000xi32, #tpu.memory_space<hbm>> -> memref<640xi32, #tpu.memory_space<hbm>>
          %dma_wait3A_42 = tpu.memref_slice %arg3[%mul3A_17] : memref<10000xi32, #tpu.memory_space<hbm>> -> memref<640xi32, #tpu.memory_space<hbm>>
          tpu.wait_dma2 semaphore(%run_scoped3A : memref<!tpu.dma_semaphore, #tpu.memory_space<semaphore_mem>>) src(%arg8 : memref<640xi32, #tpu.memory_space<vmem>>) dst(%dma_wait3A_42 : memref<640xi32, #tpu.memory_space<hbm>>)
          tpu.yield
        }) : () -> ()
      } else {
      }
      %eq3A_34 = arith.constant 1 : i32
      %eq3A_35 = arith.cmpi eq, %arg0, %eq3A_34 : i32
      %convert_element_type3A_36 = arith.extui %eq3A_35 : i1 to i32
      %cond3A_37 = arith.constant 0 : i32
      %cond3A_38 = arith.cmpi ne, %convert_element_type3A_36, %cond3A_37 : i32
      scf.if %cond3A_38 {
        "tpu.region"() ({
          %run_scoped3A = tpu.sem_alloc : memref<!tpu.dma_semaphore, #tpu.memory_space<semaphore_mem>>
          %dma_start3A_39 = tpu.memref_slice %arg4[%mul3A_17] : memref<10000xi32, #tpu.memory_space<hbm>> -> memref<640xi32, #tpu.memory_space<hbm>>
          %dma_start3A_40 = tpu.memref_slice %arg4[%mul3A_17] : memref<10000xi32, #tpu.memory_space<hbm>> -> memref<640xi32, #tpu.memory_space<hbm>>
          tpu.enqueue_dma source(%arg8 : memref<640xi32, #tpu.memory_space<vmem>>) target(%dma_start3A_40 : memref<640xi32, #tpu.memory_space<hbm>>) target_semaphore(%run_scoped3A : memref<!tpu.dma_semaphore, #tpu.memory_space<semaphore_mem>>)
          %dma_wait3A_41 = tpu.memref_slice %arg4[%mul3A_17] : memref<10000xi32, #tpu.memory_space<hbm>> -> memref<640xi32, #tpu.memory_space<hbm>>
          %dma_wait3A_42 = tpu.memref_slice %arg4[%mul3A_17] : memref<10000xi32, #tpu.memory_space<hbm>> -> memref<640xi32, #tpu.memory_space<hbm>>
          tpu.wait_dma2 semaphore(%run_scoped3A : memref<!tpu.dma_semaphore, #tpu.memory_space<semaphore_mem>>) src(%arg8 : memref<640xi32, #tpu.memory_space<vmem>>) dst(%dma_wait3A_42 : memref<640xi32, #tpu.memory_space<hbm>>)
          tpu.yield
        }) : () -> ()
      } else {
      }
    } else {
    }
    %eq3A = arith.constant 15 : i32
    %eq3A_25 = arith.cmpi eq, %arg1, %eq3A : i32
    %convert_element_type3A_26 = arith.extui %eq3A_25 : i1 to i32
    %cond3A_27 = arith.constant 0 : i32
    %cond3A_28 = arith.cmpi ne, %convert_element_type3A_26, %cond3A_27 : i32
    scf.if %cond3A_28 {
      %eq3A_29 = arith.constant 0 : i32
      %eq3A_30 = arith.cmpi eq, %arg0, %eq3A_29 : i32
      %convert_element_type3A_31 = arith.extui %eq3A_30 : i1 to i32
      %cond3A_32 = arith.constant 0 : i32
      %cond3A_33 = arith.cmpi ne, %convert_element_type3A_31, %cond3A_32 : i32
      scf.if %cond3A_33 {
        "tpu.region"() ({
          %run_scoped3A = tpu.sem_alloc : memref<!tpu.dma_semaphore, #tpu.memory_space<semaphore_mem>>
          %dma_start3A_39 = arith.constant 0 : i32
          %dma_start3A_40 = tpu.memref_slice %arg8[%dma_start3A_39] : memref<640xi32, #tpu.memory_space<vmem>> -> memref<400xi32, #tpu.memory_space<vmem>>
          %dma_start3A_41 = tpu.memref_slice %arg3[%mul3A_17] : memref<10000xi32, #tpu.memory_space<hbm>> -> memref<400xi32, #tpu.memory_space<hbm>>
          %dma_start3A_42 = tpu.memref_slice %arg3[%mul3A_17] : memref<10000xi32, #tpu.memory_space<hbm>> -> memref<400xi32, #tpu.memory_space<hbm>>
          %dma_start3A_43 = arith.constant 0 : i32
          %dma_start3A_44 = tpu.memref_slice %arg8[%dma_start3A_43] : memref<640xi32, #tpu.memory_space<vmem>> -> memref<400xi32, #tpu.memory_space<vmem>>
          tpu.enqueue_dma source(%dma_start3A_44 : memref<400xi32, #tpu.memory_space<vmem>>) target(%dma_start3A_42 : memref<400xi32, #tpu.memory_space<hbm>>) target_semaphore(%run_scoped3A : memref<!tpu.dma_semaphore, #tpu.memory_space<semaphore_mem>>)
          %dma_wait3A_45 = arith.constant 0 : i32
          %dma_wait3A_46 = tpu.memref_slice %arg8[%dma_wait3A_45] : memref<640xi32, #tpu.memory_space<vmem>> -> memref<400xi32, #tpu.memory_space<vmem>>
          %dma_wait3A_47 = tpu.memref_slice %arg3[%mul3A_17] : memref<10000xi32, #tpu.memory_space<hbm>> -> memref<400xi32, #tpu.memory_space<hbm>>
          %dma_wait3A_48 = tpu.memref_slice %arg3[%mul3A_17] : memref<10000xi32, #tpu.memory_space<hbm>> -> memref<400xi32, #tpu.memory_space<hbm>>
          %dma_wait3A_49 = arith.constant 0 : i32
          %dma_wait3A_50 = tpu.memref_slice %arg8[%dma_wait3A_49] : memref<640xi32, #tpu.memory_space<vmem>> -> memref<400xi32, #tpu.memory_space<vmem>>
          tpu.wait_dma2 semaphore(%run_scoped3A : memref<!tpu.dma_semaphore, #tpu.memory_space<semaphore_mem>>) src(%dma_wait3A_50 : memref<400xi32, #tpu.memory_space<vmem>>) dst(%dma_wait3A_48 : memref<400xi32, #tpu.memory_space<hbm>>)
          tpu.yield
        }) : () -> ()
      } else {
      }
      %eq3A_34 = arith.constant 1 : i32
      %eq3A_35 = arith.cmpi eq, %arg0, %eq3A_34 : i32
      %convert_element_type3A_36 = arith.extui %eq3A_35 : i1 to i32
      %cond3A_37 = arith.constant 0 : i32
      %cond3A_38 = arith.cmpi ne, %convert_element_type3A_36, %cond3A_37 : i32
      scf.if %cond3A_38 {
        "tpu.region"() ({
          %run_scoped3A = tpu.sem_alloc : memref<!tpu.dma_semaphore, #tpu.memory_space<semaphore_mem>>
          %dma_start3A_39 = arith.constant 0 : i32
          %dma_start3A_40 = tpu.memref_slice %arg8[%dma_start3A_39] : memref<640xi32, #tpu.memory_space<vmem>> -> memref<400xi32, #tpu.memory_space<vmem>>
          %dma_start3A_41 = tpu.memref_slice %arg4[%mul3A_17] : memref<10000xi32, #tpu.memory_space<hbm>> -> memref<400xi32, #tpu.memory_space<hbm>>
          %dma_start3A_42 = tpu.memref_slice %arg4[%mul3A_17] : memref<10000xi32, #tpu.memory_space<hbm>> -> memref<400xi32, #tpu.memory_space<hbm>>
          %dma_start3A_43 = arith.constant 0 : i32
          %dma_start3A_44 = tpu.memref_slice %arg8[%dma_start3A_43] : memref<640xi32, #tpu.memory_space<vmem>> -> memref<400xi32, #tpu.memory_space<vmem>>
          tpu.enqueue_dma source(%dma_start3A_44 : memref<400xi32, #tpu.memory_space<vmem>>) target(%dma_start3A_42 : memref<400xi32, #tpu.memory_space<hbm>>) target_semaphore(%run_scoped3A : memref<!tpu.dma_semaphore, #tpu.memory_space<semaphore_mem>>)
          %dma_wait3A_45 = arith.constant 0 : i32
          %dma_wait3A_46 = tpu.memref_slice %arg8[%dma_wait3A_45] : memref<640xi32, #tpu.memory_space<vmem>> -> memref<400xi32, #tpu.memory_space<vmem>>
          %dma_wait3A_47 = tpu.memref_slice %arg4[%mul3A_17] : memref<10000xi32, #tpu.memory_space<hbm>> -> memref<400xi32, #tpu.memory_space<hbm>>
          %dma_wait3A_48 = tpu.memref_slice %arg4[%mul3A_17] : memref<10000xi32, #tpu.memory_space<hbm>> -> memref<400xi32, #tpu.memory_space<hbm>>
          %dma_wait3A_49 = arith.constant 0 : i32
          %dma_wait3A_50 = tpu.memref_slice %arg8[%dma_wait3A_49] : memref<640xi32, #tpu.memory_space<vmem>> -> memref<400xi32, #tpu.memory_space<vmem>>
          tpu.wait_dma2 semaphore(%run_scoped3A : memref<!tpu.dma_semaphore, #tpu.memory_space<semaphore_mem>>) src(%dma_wait3A_50 : memref<400xi32, #tpu.memory_space<vmem>>) dst(%dma_wait3A_48 : memref<400xi32, #tpu.memory_space<hbm>>)
          tpu.yield
        }) : () -> ()
      } else {
      }
    } else {
    }
    return
  }
}

#map = affine_map<(d0, d1) -> (0, 0)>
#map1 = affine_map<(d0, d1) -> (0)>
module attributes {stable_mosaic.version = 14 : i64} {
  func.func @_propagate_kernel(%arg0: i32, %arg1: i32, %arg2: memref<10000x128xf32, #tpu.memory_space<hbm>>, %arg3: memref<322560xi32, #tpu.memory_space<hbm>>, %arg4: memref<322560xi32, #tpu.memory_space<hbm>>, %arg5: memref<10000x128xf32, #tpu.memory_space<hbm>>, %arg6: memref<10000x128xf32, #tpu.memory_space<hbm>>, %arg7: memref<120xi32, #tpu.memory_space<vmem>>, %arg8: memref<120xi32, #tpu.memory_space<vmem>>, %arg9: memref<120xi32, #tpu.memory_space<vmem>>, %arg10: memref<120xi32, #tpu.memory_space<vmem>>, %arg11: memref<120xi32, #tpu.memory_space<vmem>>, %arg12: memref<120xi32, #tpu.memory_space<vmem>>, %arg13: memref<120x128xf32, #tpu.memory_space<vmem>>, %arg14: memref<120x128xf32, #tpu.memory_space<vmem>>, %arg15: memref<120x128xf32, #tpu.memory_space<vmem>>, %arg16: memref<10008x128xf32, #tpu.memory_space<vmem_shared>>, %arg17: memref<!tpu.dma_semaphore, #tpu.memory_space<semaphore_mem>>, %arg18: memref<!tpu.dma_semaphore, #tpu.memory_space<semaphore_mem>>, %arg19: memref<!tpu.dma_semaphore, #tpu.memory_space<semaphore_mem>>, %arg20: memref<!tpu.dma_semaphore, #tpu.memory_space<semaphore_mem>>, %arg21: memref<!tpu.dma_semaphore, #tpu.memory_space<semaphore_mem>>, %arg22: memref<!tpu.dma_semaphore, #tpu.memory_space<semaphore_mem>>, %arg23: memref<!tpu.dma_semaphore, #tpu.memory_space<semaphore_mem>>, %arg24: memref<!tpu.dma_semaphore, #tpu.memory_space<semaphore_mem>>, %arg25: memref<!tpu.dma_semaphore, #tpu.memory_space<semaphore_mem>>) attributes {dimension_semantics = [#tpu.dimension_semantics<core_parallel>, #tpu.dimension_semantics<subcore_parallel>], iteration_bounds = array<i64: 2, 16>, scalar_prefetch = 0 : i64, scratch_operands = 19 : i64, tpu.core_type = #tpu.core_type<sc_vector_subcore>, window_params = [{transform_indices = #map}, {transform_indices = #map1}, {transform_indices = #map1}, {transform_indices = #map}, {transform_indices = #map}]} {
    %mul3A = arith.constant 16 : i32
    %mul3A_0 = arith.muli %arg0, %mul3A : i32
    %add3A = arith.addi %mul3A_0, %arg1 : i32
    %mul3A_1 = arith.constant 10080 : i32
    %mul3A_2 = arith.muli %add3A, %mul3A_1 : i32
    %scan3A = arith.constant 0 : i32
    %scan3A_3 = arith.constant 120 : i32
    %scan3A_4 = arith.addi %scan3A, %scan3A_3 : i32
    %scan3A_5 = arith.constant 1 : i32
    scf.for %scan3A_95 = %scan3A to %scan3A_4 step %scan3A_5  : i32 {
      %mul3A_96 = arith.constant 1 : i32
      %mul3A_97 = arith.muli %scan3A_95, %mul3A_96 : i32
      %add3A_98 = arith.constant 0 : i32
      %add3A_99 = arith.addi %add3A_98, %mul3A_97 : i32
      %broadcast_in_dim3A = arith.constant 0.000000e+00 : f32
      %broadcast_in_dim3A_100 = vector.broadcast %broadcast_in_dim3A : f32 to vector<16xf32>
      %swap3A = arith.index_cast %add3A_99 : i32 to index
      %swap3A_101 = arith.constant 0 : index
      %swap3A_102 = tpu.vector_load %arg13[%swap3A, %swap3A_101] {strides = array<i32>} : memref<120x128xf32, #tpu.memory_space<vmem>>, vector<1x16xf32>,
      %swap3A_103 = vector.shape_cast %swap3A_102 : vector<1x16xf32> to vector<16xf32>
      %swap3A_104 = vector.shape_cast %broadcast_in_dim3A_100 : vector<16xf32> to vector<1x16xf32>
      tpu.vector_store %arg13[%swap3A, %swap3A_101], %swap3A_104 {strides = array<i32>} : memref<120x128xf32, #tpu.memory_space<vmem>>, vector<1x16xf32>,
      %broadcast_in_dim3A_105 = arith.constant 0.000000e+00 : f32
      %broadcast_in_dim3A_106 = vector.broadcast %broadcast_in_dim3A_105 : f32 to vector<16xf32>
      %swap3A_107 = arith.index_cast %add3A_99 : i32 to index
      %swap3A_108 = arith.constant 16 : index
      %swap3A_109 = tpu.vector_load %arg13[%swap3A_107, %swap3A_108] {strides = array<i32>} : memref<120x128xf32, #tpu.memory_space<vmem>>, vector<1x16xf32>,
      %swap3A_110 = vector.shape_cast %swap3A_109 : vector<1x16xf32> to vector<16xf32>
      %swap3A_111 = vector.shape_cast %broadcast_in_dim3A_106 : vector<16xf32> to vector<1x16xf32>
      tpu.vector_store %arg13[%swap3A_107, %swap3A_108], %swap3A_111 {strides = array<i32>} : memref<120x128xf32, #tpu.memory_space<vmem>>, vector<1x16xf32>,
      %broadcast_in_dim3A_112 = arith.constant 0.000000e+00 : f32
      %broadcast_in_dim3A_113 = vector.broadcast %broadcast_in_dim3A_112 : f32 to vector<16xf32>
      %swap3A_114 = arith.index_cast %add3A_99 : i32 to index
      %swap3A_115 = arith.constant 32 : index
      %swap3A_116 = tpu.vector_load %arg13[%swap3A_114, %swap3A_115] {strides = array<i32>} : memref<120x128xf32, #tpu.memory_space<vmem>>, vector<1x16xf32>,
      %swap3A_117 = vector.shape_cast %swap3A_116 : vector<1x16xf32> to vector<16xf32>
      %swap3A_118 = vector.shape_cast %broadcast_in_dim3A_113 : vector<16xf32> to vector<1x16xf32>
      tpu.vector_store %arg13[%swap3A_114, %swap3A_115], %swap3A_118 {strides = array<i32>} : memref<120x128xf32, #tpu.memory_space<vmem>>, vector<1x16xf32>,
      %broadcast_in_dim3A_119 = arith.constant 0.000000e+00 : f32
      %broadcast_in_dim3A_120 = vector.broadcast %broadcast_in_dim3A_119 : f32 to vector<16xf32>
      %swap3A_121 = arith.index_cast %add3A_99 : i32 to index
      %swap3A_122 = arith.constant 48 : index
      %swap3A_123 = tpu.vector_load %arg13[%swap3A_121, %swap3A_122] {strides = array<i32>} : memref<120x128xf32, #tpu.memory_space<vmem>>, vector<1x16xf32>,
      %swap3A_124 = vector.shape_cast %swap3A_123 : vector<1x16xf32> to vector<16xf32>
      %swap3A_125 = vector.shape_cast %broadcast_in_dim3A_120 : vector<16xf32> to vector<1x16xf32>
      tpu.vector_store %arg13[%swap3A_121, %swap3A_122], %swap3A_125 {strides = array<i32>} : memref<120x128xf32, #tpu.memory_space<vmem>>, vector<1x16xf32>,
      %broadcast_in_dim3A_126 = arith.constant 0.000000e+00 : f32
      %broadcast_in_dim3A_127 = vector.broadcast %broadcast_in_dim3A_126 : f32 to vector<16xf32>
      %swap3A_128 = arith.index_cast %add3A_99 : i32 to index
      %swap3A_129 = arith.constant 64 : index
      %swap3A_130 = tpu.vector_load %arg13[%swap3A_128, %swap3A_129] {strides = array<i32>} : memref<120x128xf32, #tpu.memory_space<vmem>>, vector<1x16xf32>,
      %swap3A_131 = vector.shape_cast %swap3A_130 : vector<1x16xf32> to vector<16xf32>
      %swap3A_132 = vector.shape_cast %broadcast_in_dim3A_127 : vector<16xf32> to vector<1x16xf32>
      tpu.vector_store %arg13[%swap3A_128, %swap3A_129], %swap3A_132 {strides = array<i32>} : memref<120x128xf32, #tpu.memory_space<vmem>>, vector<1x16xf32>,
      %broadcast_in_dim3A_133 = arith.constant 0.000000e+00 : f32
      %broadcast_in_dim3A_134 = vector.broadcast %broadcast_in_dim3A_133 : f32 to vector<16xf32>
      %swap3A_135 = arith.index_cast %add3A_99 : i32 to index
      %swap3A_136 = arith.constant 80 : index
      %swap3A_137 = tpu.vector_load %arg13[%swap3A_135, %swap3A_136] {strides = array<i32>} : memref<120x128xf32, #tpu.memory_space<vmem>>, vector<1x16xf32>,
      %swap3A_138 = vector.shape_cast %swap3A_137 : vector<1x16xf32> to vector<16xf32>
      %swap3A_139 = vector.shape_cast %broadcast_in_dim3A_134 : vector<16xf32> to vector<1x16xf32>
      tpu.vector_store %arg13[%swap3A_135, %swap3A_136], %swap3A_139 {strides = array<i32>} : memref<120x128xf32, #tpu.memory_space<vmem>>, vector<1x16xf32>,
      %broadcast_in_dim3A_140 = arith.constant 0.000000e+00 : f32
      %broadcast_in_dim3A_141 = vector.broadcast %broadcast_in_dim3A_140 : f32 to vector<16xf32>
      %swap3A_142 = arith.index_cast %add3A_99 : i32 to index
      %swap3A_143 = arith.constant 96 : index
      %swap3A_144 = tpu.vector_load %arg13[%swap3A_142, %swap3A_143] {strides = array<i32>} : memref<120x128xf32, #tpu.memory_space<vmem>>, vector<1x16xf32>,
      %swap3A_145 = vector.shape_cast %swap3A_144 : vector<1x16xf32> to vector<16xf32>
      %swap3A_146 = vector.shape_cast %broadcast_in_dim3A_141 : vector<16xf32> to vector<1x16xf32>
      tpu.vector_store %arg13[%swap3A_142, %swap3A_143], %swap3A_146 {strides = array<i32>} : memref<120x128xf32, #tpu.memory_space<vmem>>, vector<1x16xf32>,
      %broadcast_in_dim3A_147 = arith.constant 0.000000e+00 : f32
      %broadcast_in_dim3A_148 = vector.broadcast %broadcast_in_dim3A_147 : f32 to vector<16xf32>
      %swap3A_149 = arith.index_cast %add3A_99 : i32 to index
      %swap3A_150 = arith.constant 112 : index
      %swap3A_151 = tpu.vector_load %arg13[%swap3A_149, %swap3A_150] {strides = array<i32>} : memref<120x128xf32, #tpu.memory_space<vmem>>, vector<1x16xf32>,
      %swap3A_152 = vector.shape_cast %swap3A_151 : vector<1x16xf32> to vector<16xf32>
      %swap3A_153 = vector.shape_cast %broadcast_in_dim3A_148 : vector<16xf32> to vector<1x16xf32>
      tpu.vector_store %arg13[%swap3A_149, %swap3A_150], %swap3A_153 {strides = array<i32>} : memref<120x128xf32, #tpu.memory_space<vmem>>, vector<1x16xf32>,
    }
    %scan3A_6 = arith.constant 120 : i32
    %mul3A_7 = arith.constant 632 : i32
    %mul3A_8 = arith.muli %arg1, %mul3A_7 : i32
    %lt3A = arith.constant 15 : i32
    %lt3A_9 = arith.cmpi slt, %arg1, %lt3A : i32
    %convert_element_type3A = arith.extui %lt3A_9 : i1 to i32
    %cond3A = arith.constant 0 : i32
    %cond3A_10 = arith.cmpi ne, %convert_element_type3A, %cond3A : i32
    scf.if %cond3A_10 {
      %add3A_95 = arith.constant 0 : i32
      %add3A_96 = arith.addi %mul3A_8, %add3A_95 : i32
      "tpu.region"() ({
        %run_scoped3A = tpu.sem_alloc : memref<!tpu.dma_semaphore, #tpu.memory_space<semaphore_mem>>
        %dma_start3A_107 = arith.constant 0 : i32
        %dma_start3A_108 = tpu.memref_slice %arg16[%add3A_96, %dma_start3A_107] : memref<10008x128xf32, #tpu.memory_space<vmem_shared>> -> memref<120x128xf32, #tpu.memory_space<vmem_shared>>
        %dma_start3A_109 = arith.constant 0 : i32
        %dma_start3A_110 = tpu.memref_slice %arg16[%add3A_96, %dma_start3A_109] : memref<10008x128xf32, #tpu.memory_space<vmem_shared>> -> memref<120x128xf32, #tpu.memory_space<vmem_shared>>
        tpu.enqueue_dma source(%arg13 : memref<120x128xf32, #tpu.memory_space<vmem>>) target(%dma_start3A_110 : memref<120x128xf32, #tpu.memory_space<vmem_shared>>) target_semaphore(%run_scoped3A : memref<!tpu.dma_semaphore, #tpu.memory_space<semaphore_mem>>)
        %dma_wait3A_111 = arith.constant 0 : i32
        %dma_wait3A_112 = tpu.memref_slice %arg16[%add3A_96, %dma_wait3A_111] : memref<10008x128xf32, #tpu.memory_space<vmem_shared>> -> memref<120x128xf32, #tpu.memory_space<vmem_shared>>
        %dma_wait3A_113 = arith.constant 0 : i32
        %dma_wait3A_114 = tpu.memref_slice %arg16[%add3A_96, %dma_wait3A_113] : memref<10008x128xf32, #tpu.memory_space<vmem_shared>> -> memref<120x128xf32, #tpu.memory_space<vmem_shared>>
        tpu.wait_dma2 semaphore(%run_scoped3A : memref<!tpu.dma_semaphore, #tpu.memory_space<semaphore_mem>>) src(%arg13 : memref<120x128xf32, #tpu.memory_space<vmem>>) dst(%dma_wait3A_114 : memref<120x128xf32, #tpu.memory_space<vmem_shared>>)
        tpu.yield
      }) : () -> ()
      %add3A_97 = arith.constant 120 : i32
      %add3A_98 = arith.addi %mul3A_8, %add3A_97 : i32
      "tpu.region"() ({
        %run_scoped3A = tpu.sem_alloc : memref<!tpu.dma_semaphore, #tpu.memory_space<semaphore_mem>>
        %dma_start3A_107 = arith.constant 0 : i32
        %dma_start3A_108 = tpu.memref_slice %arg16[%add3A_98, %dma_start3A_107] : memref<10008x128xf32, #tpu.memory_space<vmem_shared>> -> memref<120x128xf32, #tpu.memory_space<vmem_shared>>
        %dma_start3A_109 = arith.constant 0 : i32
        %dma_start3A_110 = tpu.memref_slice %arg16[%add3A_98, %dma_start3A_109] : memref<10008x128xf32, #tpu.memory_space<vmem_shared>> -> memref<120x128xf32, #tpu.memory_space<vmem_shared>>
        tpu.enqueue_dma source(%arg13 : memref<120x128xf32, #tpu.memory_space<vmem>>) target(%dma_start3A_110 : memref<120x128xf32, #tpu.memory_space<vmem_shared>>) target_semaphore(%run_scoped3A : memref<!tpu.dma_semaphore, #tpu.memory_space<semaphore_mem>>)
        %dma_wait3A_111 = arith.constant 0 : i32
        %dma_wait3A_112 = tpu.memref_slice %arg16[%add3A_98, %dma_wait3A_111] : memref<10008x128xf32, #tpu.memory_space<vmem_shared>> -> memref<120x128xf32, #tpu.memory_space<vmem_shared>>
        %dma_wait3A_113 = arith.constant 0 : i32
        %dma_wait3A_114 = tpu.memref_slice %arg16[%add3A_98, %dma_wait3A_113] : memref<10008x128xf32, #tpu.memory_space<vmem_shared>> -> memref<120x128xf32, #tpu.memory_space<vmem_shared>>
        tpu.wait_dma2 semaphore(%run_scoped3A : memref<!tpu.dma_semaphore, #tpu.memory_space<semaphore_mem>>) src(%arg13 : memref<120x128xf32, #tpu.memory_space<vmem>>) dst(%dma_wait3A_114 : memref<120x128xf32, #tpu.memory_space<vmem_shared>>)
        tpu.yield
      }) : () -> ()
      %add3A_99 = arith.constant 240 : i32
      %add3A_100 = arith.addi %mul3A_8, %add3A_99 : i32
      "tpu.region"() ({
        %run_scoped3A = tpu.sem_alloc : memref<!tpu.dma_semaphore, #tpu.memory_space<semaphore_mem>>
        %dma_start3A_107 = arith.constant 0 : i32
        %dma_start3A_108 = tpu.memref_slice %arg16[%add3A_100, %dma_start3A_107] : memref<10008x128xf32, #tpu.memory_space<vmem_shared>> -> memref<120x128xf32, #tpu.memory_space<vmem_shared>>
        %dma_start3A_109 = arith.constant 0 : i32
        %dma_start3A_110 = tpu.memref_slice %arg16[%add3A_100, %dma_start3A_109] : memref<10008x128xf32, #tpu.memory_space<vmem_shared>> -> memref<120x128xf32, #tpu.memory_space<vmem_shared>>
        tpu.enqueue_dma source(%arg13 : memref<120x128xf32, #tpu.memory_space<vmem>>) target(%dma_start3A_110 : memref<120x128xf32, #tpu.memory_space<vmem_shared>>) target_semaphore(%run_scoped3A : memref<!tpu.dma_semaphore, #tpu.memory_space<semaphore_mem>>)
        %dma_wait3A_111 = arith.constant 0 : i32
        %dma_wait3A_112 = tpu.memref_slice %arg16[%add3A_100, %dma_wait3A_111] : memref<10008x128xf32, #tpu.memory_space<vmem_shared>> -> memref<120x128xf32, #tpu.memory_space<vmem_shared>>
        %dma_wait3A_113 = arith.constant 0 : i32
        %dma_wait3A_114 = tpu.memref_slice %arg16[%add3A_100, %dma_wait3A_113] : memref<10008x128xf32, #tpu.memory_space<vmem_shared>> -> memref<120x128xf32, #tpu.memory_space<vmem_shared>>
        tpu.wait_dma2 semaphore(%run_scoped3A : memref<!tpu.dma_semaphore, #tpu.memory_space<semaphore_mem>>) src(%arg13 : memref<120x128xf32, #tpu.memory_space<vmem>>) dst(%dma_wait3A_114 : memref<120x128xf32, #tpu.memory_space<vmem_shared>>)
        tpu.yield
      }) : () -> ()
      %add3A_101 = arith.constant 360 : i32
      %add3A_102 = arith.addi %mul3A_8, %add3A_101 : i32
      "tpu.region"() ({
        %run_scoped3A = tpu.sem_alloc : memref<!tpu.dma_semaphore, #tpu.memory_space<semaphore_mem>>
        %dma_start3A_107 = arith.constant 0 : i32
        %dma_start3A_108 = tpu.memref_slice %arg16[%add3A_102, %dma_start3A_107] : memref<10008x128xf32, #tpu.memory_space<vmem_shared>> -> memref<120x128xf32, #tpu.memory_space<vmem_shared>>
        %dma_start3A_109 = arith.constant 0 : i32
        %dma_start3A_110 = tpu.memref_slice %arg16[%add3A_102, %dma_start3A_109] : memref<10008x128xf32, #tpu.memory_space<vmem_shared>> -> memref<120x128xf32, #tpu.memory_space<vmem_shared>>
        tpu.enqueue_dma source(%arg13 : memref<120x128xf32, #tpu.memory_space<vmem>>) target(%dma_start3A_110 : memref<120x128xf32, #tpu.memory_space<vmem_shared>>) target_semaphore(%run_scoped3A : memref<!tpu.dma_semaphore, #tpu.memory_space<semaphore_mem>>)
        %dma_wait3A_111 = arith.constant 0 : i32
        %dma_wait3A_112 = tpu.memref_slice %arg16[%add3A_102, %dma_wait3A_111] : memref<10008x128xf32, #tpu.memory_space<vmem_shared>> -> memref<120x128xf32, #tpu.memory_space<vmem_shared>>
        %dma_wait3A_113 = arith.constant 0 : i32
        %dma_wait3A_114 = tpu.memref_slice %arg16[%add3A_102, %dma_wait3A_113] : memref<10008x128xf32, #tpu.memory_space<vmem_shared>> -> memref<120x128xf32, #tpu.memory_space<vmem_shared>>
        tpu.wait_dma2 semaphore(%run_scoped3A : memref<!tpu.dma_semaphore, #tpu.memory_space<semaphore_mem>>) src(%arg13 : memref<120x128xf32, #tpu.memory_space<vmem>>) dst(%dma_wait3A_114 : memref<120x128xf32, #tpu.memory_space<vmem_shared>>)
        tpu.yield
      }) : () -> ()
      %add3A_103 = arith.constant 480 : i32
      %add3A_104 = arith.addi %mul3A_8, %add3A_103 : i32
      "tpu.region"() ({
        %run_scoped3A = tpu.sem_alloc : memref<!tpu.dma_semaphore, #tpu.memory_space<semaphore_mem>>
        %dma_start3A_107 = arith.constant 0 : i32
        %dma_start3A_108 = tpu.memref_slice %arg16[%add3A_104, %dma_start3A_107] : memref<10008x128xf32, #tpu.memory_space<vmem_shared>> -> memref<120x128xf32, #tpu.memory_space<vmem_shared>>
        %dma_start3A_109 = arith.constant 0 : i32
        %dma_start3A_110 = tpu.memref_slice %arg16[%add3A_104, %dma_start3A_109] : memref<10008x128xf32, #tpu.memory_space<vmem_shared>> -> memref<120x128xf32, #tpu.memory_space<vmem_shared>>
        tpu.enqueue_dma source(%arg13 : memref<120x128xf32, #tpu.memory_space<vmem>>) target(%dma_start3A_110 : memref<120x128xf32, #tpu.memory_space<vmem_shared>>) target_semaphore(%run_scoped3A : memref<!tpu.dma_semaphore, #tpu.memory_space<semaphore_mem>>)
        %dma_wait3A_111 = arith.constant 0 : i32
        %dma_wait3A_112 = tpu.memref_slice %arg16[%add3A_104, %dma_wait3A_111] : memref<10008x128xf32, #tpu.memory_space<vmem_shared>> -> memref<120x128xf32, #tpu.memory_space<vmem_shared>>
        %dma_wait3A_113 = arith.constant 0 : i32
        %dma_wait3A_114 = tpu.memref_slice %arg16[%add3A_104, %dma_wait3A_113] : memref<10008x128xf32, #tpu.memory_space<vmem_shared>> -> memref<120x128xf32, #tpu.memory_space<vmem_shared>>
        tpu.wait_dma2 semaphore(%run_scoped3A : memref<!tpu.dma_semaphore, #tpu.memory_space<semaphore_mem>>) src(%arg13 : memref<120x128xf32, #tpu.memory_space<vmem>>) dst(%dma_wait3A_114 : memref<120x128xf32, #tpu.memory_space<vmem_shared>>)
        tpu.yield
      }) : () -> ()
      %add3A_105 = arith.constant 600 : i32
      %add3A_106 = arith.addi %mul3A_8, %add3A_105 : i32
      "tpu.region"() ({
        %run_scoped3A = tpu.sem_alloc : memref<!tpu.dma_semaphore, #tpu.memory_space<semaphore_mem>>
        %dma_start3A_107 = arith.constant 0 : i32
        %dma_start3A_108 = arith.constant 0 : i32
        %dma_start3A_109 = tpu.memref_slice %arg13[%dma_start3A_107, %dma_start3A_108] : memref<120x128xf32, #tpu.memory_space<vmem>> -> memref<32x128xf32, #tpu.memory_space<vmem>>
        %dma_start3A_110 = arith.constant 0 : i32
        %dma_start3A_111 = tpu.memref_slice %arg16[%add3A_106, %dma_start3A_110] : memref<10008x128xf32, #tpu.memory_space<vmem_shared>> -> memref<32x128xf32, #tpu.memory_space<vmem_shared>>
        %dma_start3A_112 = arith.constant 0 : i32
        %dma_start3A_113 = tpu.memref_slice %arg16[%add3A_106, %dma_start3A_112] : memref<10008x128xf32, #tpu.memory_space<vmem_shared>> -> memref<32x128xf32, #tpu.memory_space<vmem_shared>>
        %dma_start3A_114 = arith.constant 0 : i32
        %dma_start3A_115 = arith.constant 0 : i32
        %dma_start3A_116 = tpu.memref_slice %arg13[%dma_start3A_114, %dma_start3A_115] : memref<120x128xf32, #tpu.memory_space<vmem>> -> memref<32x128xf32, #tpu.memory_space<vmem>>
        tpu.enqueue_dma source(%dma_start3A_116 : memref<32x128xf32, #tpu.memory_space<vmem>>) target(%dma_start3A_113 : memref<32x128xf32, #tpu.memory_space<vmem_shared>>) target_semaphore(%run_scoped3A : memref<!tpu.dma_semaphore, #tpu.memory_space<semaphore_mem>>)
        %dma_wait3A_117 = arith.constant 0 : i32
        %dma_wait3A_118 = arith.constant 0 : i32
        %dma_wait3A_119 = tpu.memref_slice %arg13[%dma_wait3A_117, %dma_wait3A_118] : memref<120x128xf32, #tpu.memory_space<vmem>> -> memref<32x128xf32, #tpu.memory_space<vmem>>
        %dma_wait3A_120 = arith.constant 0 : i32
        %dma_wait3A_121 = tpu.memref_slice %arg16[%add3A_106, %dma_wait3A_120] : memref<10008x128xf32, #tpu.memory_space<vmem_shared>> -> memref<32x128xf32, #tpu.memory_space<vmem_shared>>
        %dma_wait3A_122 = arith.constant 0 : i32
        %dma_wait3A_123 = tpu.memref_slice %arg16[%add3A_106, %dma_wait3A_122] : memref<10008x128xf32, #tpu.memory_space<vmem_shared>> -> memref<32x128xf32, #tpu.memory_space<vmem_shared>>
        %dma_wait3A_124 = arith.constant 0 : i32
        %dma_wait3A_125 = arith.constant 0 : i32
        %dma_wait3A_126 = tpu.memref_slice %arg13[%dma_wait3A_124, %dma_wait3A_125] : memref<120x128xf32, #tpu.memory_space<vmem>> -> memref<32x128xf32, #tpu.memory_space<vmem>>
        tpu.wait_dma2 semaphore(%run_scoped3A : memref<!tpu.dma_semaphore, #tpu.memory_space<semaphore_mem>>) src(%dma_wait3A_126 : memref<32x128xf32, #tpu.memory_space<vmem>>) dst(%dma_wait3A_123 : memref<32x128xf32, #tpu.memory_space<vmem_shared>>)
        tpu.yield
      }) : () -> ()
    } else {
    }
    %eq3A = arith.constant 15 : i32
    %eq3A_11 = arith.cmpi eq, %arg1, %eq3A : i32
    %convert_element_type3A_12 = arith.extui %eq3A_11 : i1 to i32
    %cond3A_13 = arith.constant 0 : i32
    %cond3A_14 = arith.cmpi ne, %convert_element_type3A_12, %cond3A_13 : i32
    scf.if %cond3A_14 {
      %add3A_95 = arith.constant 0 : i32
      %add3A_96 = arith.addi %mul3A_8, %add3A_95 : i32
      "tpu.region"() ({
        %run_scoped3A = tpu.sem_alloc : memref<!tpu.dma_semaphore, #tpu.memory_space<semaphore_mem>>
        %dma_start3A_105 = arith.constant 0 : i32
        %dma_start3A_106 = tpu.memref_slice %arg16[%add3A_96, %dma_start3A_105] : memref<10008x128xf32, #tpu.memory_space<vmem_shared>> -> memref<120x128xf32, #tpu.memory_space<vmem_shared>>
        %dma_start3A_107 = arith.constant 0 : i32
        %dma_start3A_108 = tpu.memref_slice %arg16[%add3A_96, %dma_start3A_107] : memref<10008x128xf32, #tpu.memory_space<vmem_shared>> -> memref<120x128xf32, #tpu.memory_space<vmem_shared>>
        tpu.enqueue_dma source(%arg13 : memref<120x128xf32, #tpu.memory_space<vmem>>) target(%dma_start3A_108 : memref<120x128xf32, #tpu.memory_space<vmem_shared>>) target_semaphore(%run_scoped3A : memref<!tpu.dma_semaphore, #tpu.memory_space<semaphore_mem>>)
        %dma_wait3A_109 = arith.constant 0 : i32
        %dma_wait3A_110 = tpu.memref_slice %arg16[%add3A_96, %dma_wait3A_109] : memref<10008x128xf32, #tpu.memory_space<vmem_shared>> -> memref<120x128xf32, #tpu.memory_space<vmem_shared>>
        %dma_wait3A_111 = arith.constant 0 : i32
        %dma_wait3A_112 = tpu.memref_slice %arg16[%add3A_96, %dma_wait3A_111] : memref<10008x128xf32, #tpu.memory_space<vmem_shared>> -> memref<120x128xf32, #tpu.memory_space<vmem_shared>>
        tpu.wait_dma2 semaphore(%run_scoped3A : memref<!tpu.dma_semaphore, #tpu.memory_space<semaphore_mem>>) src(%arg13 : memref<120x128xf32, #tpu.memory_space<vmem>>) dst(%dma_wait3A_112 : memref<120x128xf32, #tpu.memory_space<vmem_shared>>)
        tpu.yield
      }) : () -> ()
      %add3A_97 = arith.constant 120 : i32
      %add3A_98 = arith.addi %mul3A_8, %add3A_97 : i32
      "tpu.region"() ({
        %run_scoped3A = tpu.sem_alloc : memref<!tpu.dma_semaphore, #tpu.memory_space<semaphore_mem>>
        %dma_start3A_105 = arith.constant 0 : i32
        %dma_start3A_106 = tpu.memref_slice %arg16[%add3A_98, %dma_start3A_105] : memref<10008x128xf32, #tpu.memory_space<vmem_shared>> -> memref<120x128xf32, #tpu.memory_space<vmem_shared>>
        %dma_start3A_107 = arith.constant 0 : i32
        %dma_start3A_108 = tpu.memref_slice %arg16[%add3A_98, %dma_start3A_107] : memref<10008x128xf32, #tpu.memory_space<vmem_shared>> -> memref<120x128xf32, #tpu.memory_space<vmem_shared>>
        tpu.enqueue_dma source(%arg13 : memref<120x128xf32, #tpu.memory_space<vmem>>) target(%dma_start3A_108 : memref<120x128xf32, #tpu.memory_space<vmem_shared>>) target_semaphore(%run_scoped3A : memref<!tpu.dma_semaphore, #tpu.memory_space<semaphore_mem>>)
        %dma_wait3A_109 = arith.constant 0 : i32
        %dma_wait3A_110 = tpu.memref_slice %arg16[%add3A_98, %dma_wait3A_109] : memref<10008x128xf32, #tpu.memory_space<vmem_shared>> -> memref<120x128xf32, #tpu.memory_space<vmem_shared>>
        %dma_wait3A_111 = arith.constant 0 : i32
        %dma_wait3A_112 = tpu.memref_slice %arg16[%add3A_98, %dma_wait3A_111] : memref<10008x128xf32, #tpu.memory_space<vmem_shared>> -> memref<120x128xf32, #tpu.memory_space<vmem_shared>>
        tpu.wait_dma2 semaphore(%run_scoped3A : memref<!tpu.dma_semaphore, #tpu.memory_space<semaphore_mem>>) src(%arg13 : memref<120x128xf32, #tpu.memory_space<vmem>>) dst(%dma_wait3A_112 : memref<120x128xf32, #tpu.memory_space<vmem_shared>>)
        tpu.yield
      }) : () -> ()
      %add3A_99 = arith.constant 240 : i32
      %add3A_100 = arith.addi %mul3A_8, %add3A_99 : i32
      "tpu.region"() ({
        %run_scoped3A = tpu.sem_alloc : memref<!tpu.dma_semaphore, #tpu.memory_space<semaphore_mem>>
        %dma_start3A_105 = arith.constant 0 : i32
        %dma_start3A_106 = tpu.memref_slice %arg16[%add3A_100, %dma_start3A_105] : memref<10008x128xf32, #tpu.memory_space<vmem_shared>> -> memref<120x128xf32, #tpu.memory_space<vmem_shared>>
        %dma_start3A_107 = arith.constant 0 : i32
        %dma_start3A_108 = tpu.memref_slice %arg16[%add3A_100, %dma_start3A_107] : memref<10008x128xf32, #tpu.memory_space<vmem_shared>> -> memref<120x128xf32, #tpu.memory_space<vmem_shared>>
        tpu.enqueue_dma source(%arg13 : memref<120x128xf32, #tpu.memory_space<vmem>>) target(%dma_start3A_108 : memref<120x128xf32, #tpu.memory_space<vmem_shared>>) target_semaphore(%run_scoped3A : memref<!tpu.dma_semaphore, #tpu.memory_space<semaphore_mem>>)
        %dma_wait3A_109 = arith.constant 0 : i32
        %dma_wait3A_110 = tpu.memref_slice %arg16[%add3A_100, %dma_wait3A_109] : memref<10008x128xf32, #tpu.memory_space<vmem_shared>> -> memref<120x128xf32, #tpu.memory_space<vmem_shared>>
        %dma_wait3A_111 = arith.constant 0 : i32
        %dma_wait3A_112 = tpu.memref_slice %arg16[%add3A_100, %dma_wait3A_111] : memref<10008x128xf32, #tpu.memory_space<vmem_shared>> -> memref<120x128xf32, #tpu.memory_space<vmem_shared>>
        tpu.wait_dma2 semaphore(%run_scoped3A : memref<!tpu.dma_semaphore, #tpu.memory_space<semaphore_mem>>) src(%arg13 : memref<120x128xf32, #tpu.memory_space<vmem>>) dst(%dma_wait3A_112 : memref<120x128xf32, #tpu.memory_space<vmem_shared>>)
        tpu.yield
      }) : () -> ()
      %add3A_101 = arith.constant 360 : i32
      %add3A_102 = arith.addi %mul3A_8, %add3A_101 : i32
      "tpu.region"() ({
        %run_scoped3A = tpu.sem_alloc : memref<!tpu.dma_semaphore, #tpu.memory_space<semaphore_mem>>
        %dma_start3A_105 = arith.constant 0 : i32
        %dma_start3A_106 = tpu.memref_slice %arg16[%add3A_102, %dma_start3A_105] : memref<10008x128xf32, #tpu.memory_space<vmem_shared>> -> memref<120x128xf32, #tpu.memory_space<vmem_shared>>
        %dma_start3A_107 = arith.constant 0 : i32
        %dma_start3A_108 = tpu.memref_slice %arg16[%add3A_102, %dma_start3A_107] : memref<10008x128xf32, #tpu.memory_space<vmem_shared>> -> memref<120x128xf32, #tpu.memory_space<vmem_shared>>
        tpu.enqueue_dma source(%arg13 : memref<120x128xf32, #tpu.memory_space<vmem>>) target(%dma_start3A_108 : memref<120x128xf32, #tpu.memory_space<vmem_shared>>) target_semaphore(%run_scoped3A : memref<!tpu.dma_semaphore, #tpu.memory_space<semaphore_mem>>)
        %dma_wait3A_109 = arith.constant 0 : i32
        %dma_wait3A_110 = tpu.memref_slice %arg16[%add3A_102, %dma_wait3A_109] : memref<10008x128xf32, #tpu.memory_space<vmem_shared>> -> memref<120x128xf32, #tpu.memory_space<vmem_shared>>
        %dma_wait3A_111 = arith.constant 0 : i32
        %dma_wait3A_112 = tpu.memref_slice %arg16[%add3A_102, %dma_wait3A_111] : memref<10008x128xf32, #tpu.memory_space<vmem_shared>> -> memref<120x128xf32, #tpu.memory_space<vmem_shared>>
        tpu.wait_dma2 semaphore(%run_scoped3A : memref<!tpu.dma_semaphore, #tpu.memory_space<semaphore_mem>>) src(%arg13 : memref<120x128xf32, #tpu.memory_space<vmem>>) dst(%dma_wait3A_112 : memref<120x128xf32, #tpu.memory_space<vmem_shared>>)
        tpu.yield
      }) : () -> ()
      %add3A_103 = arith.constant 480 : i32
      %add3A_104 = arith.addi %mul3A_8, %add3A_103 : i32
      "tpu.region"() ({
        %run_scoped3A = tpu.sem_alloc : memref<!tpu.dma_semaphore, #tpu.memory_space<semaphore_mem>>
        %dma_start3A_105 = arith.constant 0 : i32
        %dma_start3A_106 = arith.constant 0 : i32
        %dma_start3A_107 = tpu.memref_slice %arg13[%dma_start3A_105, %dma_start3A_106] : memref<120x128xf32, #tpu.memory_space<vmem>> -> memref<40x128xf32, #tpu.memory_space<vmem>>
        %dma_start3A_108 = arith.constant 0 : i32
        %dma_start3A_109 = tpu.memref_slice %arg16[%add3A_104, %dma_start3A_108] : memref<10008x128xf32, #tpu.memory_space<vmem_shared>> -> memref<40x128xf32, #tpu.memory_space<vmem_shared>>
        %dma_start3A_110 = arith.constant 0 : i32
        %dma_start3A_111 = tpu.memref_slice %arg16[%add3A_104, %dma_start3A_110] : memref<10008x128xf32, #tpu.memory_space<vmem_shared>> -> memref<40x128xf32, #tpu.memory_space<vmem_shared>>
        %dma_start3A_112 = arith.constant 0 : i32
        %dma_start3A_113 = arith.constant 0 : i32
        %dma_start3A_114 = tpu.memref_slice %arg13[%dma_start3A_112, %dma_start3A_113] : memref<120x128xf32, #tpu.memory_space<vmem>> -> memref<40x128xf32, #tpu.memory_space<vmem>>
        tpu.enqueue_dma source(%dma_start3A_114 : memref<40x128xf32, #tpu.memory_space<vmem>>) target(%dma_start3A_111 : memref<40x128xf32, #tpu.memory_space<vmem_shared>>) target_semaphore(%run_scoped3A : memref<!tpu.dma_semaphore, #tpu.memory_space<semaphore_mem>>)
        %dma_wait3A_115 = arith.constant 0 : i32
        %dma_wait3A_116 = arith.constant 0 : i32
        %dma_wait3A_117 = tpu.memref_slice %arg13[%dma_wait3A_115, %dma_wait3A_116] : memref<120x128xf32, #tpu.memory_space<vmem>> -> memref<40x128xf32, #tpu.memory_space<vmem>>
        %dma_wait3A_118 = arith.constant 0 : i32
        %dma_wait3A_119 = tpu.memref_slice %arg16[%add3A_104, %dma_wait3A_118] : memref<10008x128xf32, #tpu.memory_space<vmem_shared>> -> memref<40x128xf32, #tpu.memory_space<vmem_shared>>
        %dma_wait3A_120 = arith.constant 0 : i32
        %dma_wait3A_121 = tpu.memref_slice %arg16[%add3A_104, %dma_wait3A_120] : memref<10008x128xf32, #tpu.memory_space<vmem_shared>> -> memref<40x128xf32, #tpu.memory_space<vmem_shared>>
        %dma_wait3A_122 = arith.constant 0 : i32
        %dma_wait3A_123 = arith.constant 0 : i32
        %dma_wait3A_124 = tpu.memref_slice %arg13[%dma_wait3A_122, %dma_wait3A_123] : memref<120x128xf32, #tpu.memory_space<vmem>> -> memref<40x128xf32, #tpu.memory_space<vmem>>
        tpu.wait_dma2 semaphore(%run_scoped3A : memref<!tpu.dma_semaphore, #tpu.memory_space<semaphore_mem>>) src(%dma_wait3A_124 : memref<40x128xf32, #tpu.memory_space<vmem>>) dst(%dma_wait3A_121 : memref<40x128xf32, #tpu.memory_space<vmem_shared>>)
        tpu.yield
      }) : () -> ()
    } else {
    }
    %add3A_15 = arith.constant 0 : i32
    %add3A_16 = arith.addi %mul3A_2, %add3A_15 : i32
    %dma_start3A = tpu.memref_slice %arg3[%add3A_16] : memref<322560xi32, #tpu.memory_space<hbm>> -> memref<120xi32, #tpu.memory_space<hbm>>
    %dma_start3A_17 = tpu.memref_slice %arg3[%add3A_16] : memref<322560xi32, #tpu.memory_space<hbm>> -> memref<120xi32, #tpu.memory_space<hbm>>
    tpu.enqueue_dma source(%dma_start3A_17 : memref<120xi32, #tpu.memory_space<hbm>>) target(%arg7 : memref<120xi32, #tpu.memory_space<vmem>>) target_semaphore(%arg17 : memref<!tpu.dma_semaphore, #tpu.memory_space<semaphore_mem>>)
    %add3A_18 = arith.constant 0 : i32
    %add3A_19 = arith.addi %mul3A_2, %add3A_18 : i32
    %dma_start3A_20 = tpu.memref_slice %arg4[%add3A_19] : memref<322560xi32, #tpu.memory_space<hbm>> -> memref<120xi32, #tpu.memory_space<hbm>>
    %dma_start3A_21 = tpu.memref_slice %arg4[%add3A_19] : memref<322560xi32, #tpu.memory_space<hbm>> -> memref<120xi32, #tpu.memory_space<hbm>>
    tpu.enqueue_dma source(%dma_start3A_21 : memref<120xi32, #tpu.memory_space<hbm>>) target(%arg10 : memref<120xi32, #tpu.memory_space<vmem>>) target_semaphore(%arg17 : memref<!tpu.dma_semaphore, #tpu.memory_space<semaphore_mem>>)
    %add3A_22 = arith.constant 120 : i32
    %add3A_23 = arith.addi %mul3A_2, %add3A_22 : i32
    %dma_start3A_24 = tpu.memref_slice %arg3[%add3A_23] : memref<322560xi32, #tpu.memory_space<hbm>> -> memref<120xi32, #tpu.memory_space<hbm>>
    %dma_start3A_25 = tpu.memref_slice %arg3[%add3A_23] : memref<322560xi32, #tpu.memory_space<hbm>> -> memref<120xi32, #tpu.memory_space<hbm>>
    tpu.enqueue_dma source(%dma_start3A_25 : memref<120xi32, #tpu.memory_space<hbm>>) target(%arg8 : memref<120xi32, #tpu.memory_space<vmem>>) target_semaphore(%arg18 : memref<!tpu.dma_semaphore, #tpu.memory_space<semaphore_mem>>)
    %add3A_26 = arith.constant 120 : i32
    %add3A_27 = arith.addi %mul3A_2, %add3A_26 : i32
    %dma_start3A_28 = tpu.memref_slice %arg4[%add3A_27] : memref<322560xi32, #tpu.memory_space<hbm>> -> memref<120xi32, #tpu.memory_space<hbm>>
    %dma_start3A_29 = tpu.memref_slice %arg4[%add3A_27] : memref<322560xi32, #tpu.memory_space<hbm>> -> memref<120xi32, #tpu.memory_space<hbm>>
    tpu.enqueue_dma source(%dma_start3A_29 : memref<120xi32, #tpu.memory_space<hbm>>) target(%arg11 : memref<120xi32, #tpu.memory_space<vmem>>) target_semaphore(%arg18 : memref<!tpu.dma_semaphore, #tpu.memory_space<semaphore_mem>>)
    %add3A_30 = arith.constant 240 : i32
    %add3A_31 = arith.addi %mul3A_2, %add3A_30 : i32
    %dma_start3A_32 = tpu.memref_slice %arg3[%add3A_31] : memref<322560xi32, #tpu.memory_space<hbm>> -> memref<120xi32, #tpu.memory_space<hbm>>
    %dma_start3A_33 = tpu.memref_slice %arg3[%add3A_31] : memref<322560xi32, #tpu.memory_space<hbm>> -> memref<120xi32, #tpu.memory_space<hbm>>
    tpu.enqueue_dma source(%dma_start3A_33 : memref<120xi32, #tpu.memory_space<hbm>>) target(%arg9 : memref<120xi32, #tpu.memory_space<vmem>>) target_semaphore(%arg19 : memref<!tpu.dma_semaphore, #tpu.memory_space<semaphore_mem>>)
    %add3A_34 = arith.constant 240 : i32
    %add3A_35 = arith.addi %mul3A_2, %add3A_34 : i32
    %dma_start3A_36 = tpu.memref_slice %arg4[%add3A_35] : memref<322560xi32, #tpu.memory_space<hbm>> -> memref<120xi32, #tpu.memory_space<hbm>>
    %dma_start3A_37 = tpu.memref_slice %arg4[%add3A_35] : memref<322560xi32, #tpu.memory_space<hbm>> -> memref<120xi32, #tpu.memory_space<hbm>>
    tpu.enqueue_dma source(%dma_start3A_37 : memref<120xi32, #tpu.memory_space<hbm>>) target(%arg12 : memref<120xi32, #tpu.memory_space<vmem>>) target_semaphore(%arg19 : memref<!tpu.dma_semaphore, #tpu.memory_space<semaphore_mem>>)
    %barrier3A = arith.constant 0 : index
    tpu.barrier barrier_id(%barrier3A)
    %add3A_38 = arith.constant 0 : i32
    %add3A_39 = arith.addi %mul3A_2, %add3A_38 : i32
    %dma_wait3A = tpu.memref_slice %arg3[%add3A_39] : memref<322560xi32, #tpu.memory_space<hbm>> -> memref<120xi32, #tpu.memory_space<hbm>>
    %dma_wait3A_40 = tpu.memref_slice %arg3[%add3A_39] : memref<322560xi32, #tpu.memory_space<hbm>> -> memref<120xi32, #tpu.memory_space<hbm>>
    tpu.wait_dma2 semaphore(%arg17 : memref<!tpu.dma_semaphore, #tpu.memory_space<semaphore_mem>>) src(%dma_wait3A_40 : memref<120xi32, #tpu.memory_space<hbm>>) dst(%arg7 : memref<120xi32, #tpu.memory_space<vmem>>)
    %add3A_41 = arith.constant 0 : i32
    %add3A_42 = arith.addi %mul3A_2, %add3A_41 : i32
    %dma_wait3A_43 = tpu.memref_slice %arg4[%add3A_42] : memref<322560xi32, #tpu.memory_space<hbm>> -> memref<120xi32, #tpu.memory_space<hbm>>
    %dma_wait3A_44 = tpu.memref_slice %arg4[%add3A_42] : memref<322560xi32, #tpu.memory_space<hbm>> -> memref<120xi32, #tpu.memory_space<hbm>>
    tpu.wait_dma2 semaphore(%arg17 : memref<!tpu.dma_semaphore, #tpu.memory_space<semaphore_mem>>) src(%dma_wait3A_44 : memref<120xi32, #tpu.memory_space<hbm>>) dst(%arg10 : memref<120xi32, #tpu.memory_space<vmem>>)
    %dma_start3A_45 = arith.constant 0 : i32
    %dma_start3A_46 = arith.constant 0 : i32
    %dma_start3A_47 = tpu.memref_slice %arg2[%dma_start3A_45, %dma_start3A_46] : memref<10000x128xf32, #tpu.memory_space<hbm>> -> memref<10000x128xf32, #tpu.memory_space<hbm>>
    tpu.enqueue_indirect_dma source(%dma_start3A_47 : memref<10000x128xf32, #tpu.memory_space<hbm>>) target(%arg13 : memref<120x128xf32, #tpu.memory_space<vmem>>) offsets(%arg7 : memref<120xi32, #tpu.memory_space<vmem>>) semaphore(%arg20 : memref<!tpu.dma_semaphore, #tpu.memory_space<semaphore_mem>>)
    %add3A_48 = arith.constant 120 : i32
    %add3A_49 = arith.addi %mul3A_2, %add3A_48 : i32
    %dma_wait3A_50 = tpu.memref_slice %arg3[%add3A_49] : memref<322560xi32, #tpu.memory_space<hbm>> -> memref<120xi32, #tpu.memory_space<hbm>>
    %dma_wait3A_51 = tpu.memref_slice %arg3[%add3A_49] : memref<322560xi32, #tpu.memory_space<hbm>> -> memref<120xi32, #tpu.memory_space<hbm>>
    tpu.wait_dma2 semaphore(%arg18 : memref<!tpu.dma_semaphore, #tpu.memory_space<semaphore_mem>>) src(%dma_wait3A_51 : memref<120xi32, #tpu.memory_space<hbm>>) dst(%arg8 : memref<120xi32, #tpu.memory_space<vmem>>)
    %add3A_52 = arith.constant 120 : i32
    %add3A_53 = arith.addi %mul3A_2, %add3A_52 : i32
    %dma_wait3A_54 = tpu.memref_slice %arg4[%add3A_53] : memref<322560xi32, #tpu.memory_space<hbm>> -> memref<120xi32, #tpu.memory_space<hbm>>
    %dma_wait3A_55 = tpu.memref_slice %arg4[%add3A_53] : memref<322560xi32, #tpu.memory_space<hbm>> -> memref<120xi32, #tpu.memory_space<hbm>>
    tpu.wait_dma2 semaphore(%arg18 : memref<!tpu.dma_semaphore, #tpu.memory_space<semaphore_mem>>) src(%dma_wait3A_55 : memref<120xi32, #tpu.memory_space<hbm>>) dst(%arg11 : memref<120xi32, #tpu.memory_space<vmem>>)
    %dma_start3A_56 = arith.constant 0 : i32
    %dma_start3A_57 = arith.constant 0 : i32
    %dma_start3A_58 = tpu.memref_slice %arg2[%dma_start3A_56, %dma_start3A_57] : memref<10000x128xf32, #tpu.memory_space<hbm>> -> memref<10000x128xf32, #tpu.memory_space<hbm>>
    tpu.enqueue_indirect_dma source(%dma_start3A_58 : memref<10000x128xf32, #tpu.memory_space<hbm>>) target(%arg14 : memref<120x128xf32, #tpu.memory_space<vmem>>) offsets(%arg8 : memref<120xi32, #tpu.memory_space<vmem>>) semaphore(%arg21 : memref<!tpu.dma_semaphore, #tpu.memory_space<semaphore_mem>>)
    %add3A_59 = arith.constant 240 : i32
    %add3A_60 = arith.addi %mul3A_2, %add3A_59 : i32
    %dma_wait3A_61 = tpu.memref_slice %arg3[%add3A_60] : memref<322560xi32, #tpu.memory_space<hbm>> -> memref<120xi32, #tpu.memory_space<hbm>>
    %dma_wait3A_62 = tpu.memref_slice %arg3[%add3A_60] : memref<322560xi32, #tpu.memory_space<hbm>> -> memref<120xi32, #tpu.memory_space<hbm>>
    tpu.wait_dma2 semaphore(%arg19 : memref<!tpu.dma_semaphore, #tpu.memory_space<semaphore_mem>>) src(%dma_wait3A_62 : memref<120xi32, #tpu.memory_space<hbm>>) dst(%arg9 : memref<120xi32, #tpu.memory_space<vmem>>)
    %add3A_63 = arith.constant 240 : i32
    %add3A_64 = arith.addi %mul3A_2, %add3A_63 : i32
    %dma_wait3A_65 = tpu.memref_slice %arg4[%add3A_64] : memref<322560xi32, #tpu.memory_space<hbm>> -> memref<120xi32, #tpu.memory_space<hbm>>
    %dma_wait3A_66 = tpu.memref_slice %arg4[%add3A_64] : memref<322560xi32, #tpu.memory_space<hbm>> -> memref<120xi32, #tpu.memory_space<hbm>>
    tpu.wait_dma2 semaphore(%arg19 : memref<!tpu.dma_semaphore, #tpu.memory_space<semaphore_mem>>) src(%dma_wait3A_66 : memref<120xi32, #tpu.memory_space<hbm>>) dst(%arg12 : memref<120xi32, #tpu.memory_space<vmem>>)
    %dma_start3A_67 = arith.constant 0 : i32
    %dma_start3A_68 = arith.constant 0 : i32
    %dma_start3A_69 = tpu.memref_slice %arg2[%dma_start3A_67, %dma_start3A_68] : memref<10000x128xf32, #tpu.memory_space<hbm>> -> memref<10000x128xf32, #tpu.memory_space<hbm>>
    tpu.enqueue_indirect_dma source(%dma_start3A_69 : memref<10000x128xf32, #tpu.memory_space<hbm>>) target(%arg15 : memref<120x128xf32, #tpu.memory_space<vmem>>) offsets(%arg9 : memref<120xi32, #tpu.memory_space<vmem>>) semaphore(%arg22 : memref<!tpu.dma_semaphore, #tpu.memory_space<semaphore_mem>>)
    %scan3A_70 = arith.constant 0 : i32
    %scan3A_71 = arith.constant 28 : i32
    %scan3A_72 = arith.addi %scan3A_70, %scan3A_71 : i32
    %scan3A_73 = arith.constant 1 : i32
    scf.for %scan3A_95 = %scan3A_70 to %scan3A_72 step %scan3A_73  : i32 {
      %mul3A_96 = arith.constant 3 : i32
      %mul3A_97 = arith.muli %scan3A_95, %mul3A_96 : i32
      %add3A_98 = arith.constant 0 : i32
      %add3A_99 = arith.addi %add3A_98, %mul3A_97 : i32
      %dma_wait3A_100 = arith.constant 0 : i32
      %dma_wait3A_101 = arith.constant 0 : i32
      %dma_wait3A_102 = tpu.memref_slice %arg2[%dma_wait3A_100, %dma_wait3A_101] : memref<10000x128xf32, #tpu.memory_space<hbm>> -> memref<10000x128xf32, #tpu.memory_space<hbm>>
      tpu.wait_indirect_dma semaphore(%arg20 : memref<!tpu.dma_semaphore, #tpu.memory_space<semaphore_mem>>) src(%dma_wait3A_102 : memref<10000x128xf32, #tpu.memory_space<hbm>>) dst(%arg13 : memref<120x128xf32, #tpu.memory_space<vmem>>)
      %dma_start3A_103 = arith.constant 0 : i32
      %dma_start3A_104 = arith.constant 0 : i32
      %dma_start3A_105 = tpu.memref_slice %arg16[%dma_start3A_103, %dma_start3A_104] : memref<10008x128xf32, #tpu.memory_space<vmem_shared>> -> memref<10008x128xf32, #tpu.memory_space<vmem_shared>>
      tpu.enqueue_indirect_dma source(%arg13 : memref<120x128xf32, #tpu.memory_space<vmem>>) target(%dma_start3A_105 : memref<10008x128xf32, #tpu.memory_space<vmem_shared>>) offsets(%arg10 : memref<120xi32, #tpu.memory_space<vmem>>) semaphore(%arg23 : memref<!tpu.dma_semaphore, #tpu.memory_space<semaphore_mem>>) {add = true}
      %dma_wait3A_106 = arith.constant 0 : i32
      %dma_wait3A_107 = arith.constant 0 : i32
      %dma_wait3A_108 = tpu.memref_slice %arg2[%dma_wait3A_106, %dma_wait3A_107] : memref<10000x128xf32, #tpu.memory_space<hbm>> -> memref<10000x128xf32, #tpu.memory_space<hbm>>
      tpu.wait_indirect_dma semaphore(%arg21 : memref<!tpu.dma_semaphore, #tpu.memory_space<semaphore_mem>>) src(%dma_wait3A_108 : memref<10000x128xf32, #tpu.memory_space<hbm>>) dst(%arg14 : memref<120x128xf32, #tpu.memory_space<vmem>>)
      %dma_start3A_109 = arith.constant 0 : i32
      %dma_start3A_110 = arith.constant 0 : i32
      %dma_start3A_111 = tpu.memref_slice %arg16[%dma_start3A_109, %dma_start3A_110] : memref<10008x128xf32, #tpu.memory_space<vmem_shared>> -> memref<10008x128xf32, #tpu.memory_space<vmem_shared>>
      tpu.enqueue_indirect_dma source(%arg14 : memref<120x128xf32, #tpu.memory_space<vmem>>) target(%dma_start3A_111 : memref<10008x128xf32, #tpu.memory_space<vmem_shared>>) offsets(%arg11 : memref<120xi32, #tpu.memory_space<vmem>>) semaphore(%arg24 : memref<!tpu.dma_semaphore, #tpu.memory_space<semaphore_mem>>) {add = true}
      %dma_wait3A_112 = arith.constant 0 : i32
      %dma_wait3A_113 = arith.constant 0 : i32
      %dma_wait3A_114 = tpu.memref_slice %arg2[%dma_wait3A_112, %dma_wait3A_113] : memref<10000x128xf32, #tpu.memory_space<hbm>> -> memref<10000x128xf32, #tpu.memory_space<hbm>>
      tpu.wait_indirect_dma semaphore(%arg22 : memref<!tpu.dma_semaphore, #tpu.memory_space<semaphore_mem>>) src(%dma_wait3A_114 : memref<10000x128xf32, #tpu.memory_space<hbm>>) dst(%arg15 : memref<120x128xf32, #tpu.memory_space<vmem>>)
      %dma_start3A_115 = arith.constant 0 : i32
      %dma_start3A_116 = arith.constant 0 : i32
      %dma_start3A_117 = tpu.memref_slice %arg16[%dma_start3A_115, %dma_start3A_116] : memref<10008x128xf32, #tpu.memory_space<vmem_shared>> -> memref<10008x128xf32, #tpu.memory_space<vmem_shared>>
      tpu.enqueue_indirect_dma source(%arg15 : memref<120x128xf32, #tpu.memory_space<vmem>>) target(%dma_start3A_117 : memref<10008x128xf32, #tpu.memory_space<vmem_shared>>) offsets(%arg12 : memref<120xi32, #tpu.memory_space<vmem>>) semaphore(%arg25 : memref<!tpu.dma_semaphore, #tpu.memory_space<semaphore_mem>>) {add = true}
      %add3A_118 = arith.constant 3 : i32
      %add3A_119 = arith.addi %add3A_99, %add3A_118 : i32
      %add3A_120 = arith.constant 0 : i32
      %add3A_121 = arith.addi %add3A_119, %add3A_120 : i32
      %min3A = arith.constant 83 : i32
      %min3A_122 = arith.minsi %add3A_121, %min3A : i32
      %mul3A_123 = arith.constant 120 : i32
      %mul3A_124 = arith.muli %min3A_122, %mul3A_123 : i32
      %add3A_125 = arith.addi %mul3A_2, %mul3A_124 : i32
      %dma_start3A_126 = tpu.memref_slice %arg3[%add3A_125] : memref<322560xi32, #tpu.memory_space<hbm>> -> memref<120xi32, #tpu.memory_space<hbm>>
      %dma_start3A_127 = tpu.memref_slice %arg3[%add3A_125] : memref<322560xi32, #tpu.memory_space<hbm>> -> memref<120xi32, #tpu.memory_space<hbm>>
      tpu.enqueue_dma source(%dma_start3A_127 : memref<120xi32, #tpu.memory_space<hbm>>) target(%arg7 : memref<120xi32, #tpu.memory_space<vmem>>) target_semaphore(%arg17 : memref<!tpu.dma_semaphore, #tpu.memory_space<semaphore_mem>>)
      %dma_wait3A_128 = arith.constant 0 : i32
      %dma_wait3A_129 = arith.constant 0 : i32
      %dma_wait3A_130 = tpu.memref_slice %arg16[%dma_wait3A_128, %dma_wait3A_129] : memref<10008x128xf32, #tpu.memory_space<vmem_shared>> -> memref<10008x128xf32, #tpu.memory_space<vmem_shared>>
      tpu.wait_indirect_dma semaphore(%arg23 : memref<!tpu.dma_semaphore, #tpu.memory_space<semaphore_mem>>) src(%arg13 : memref<120x128xf32, #tpu.memory_space<vmem>>) dst(%dma_wait3A_130 : memref<10008x128xf32, #tpu.memory_space<vmem_shared>>)
      %mul3A_131 = arith.constant 120 : i32
      %mul3A_132 = arith.muli %min3A_122, %mul3A_131 : i32
      %add3A_133 = arith.addi %mul3A_2, %mul3A_132 : i32
      %dma_start3A_134 = tpu.memref_slice %arg4[%add3A_133] : memref<322560xi32, #tpu.memory_space<hbm>> -> memref<120xi32, #tpu.memory_space<hbm>>
      %dma_start3A_135 = tpu.memref_slice %arg4[%add3A_133] : memref<322560xi32, #tpu.memory_space<hbm>> -> memref<120xi32, #tpu.memory_space<hbm>>
      tpu.enqueue_dma source(%dma_start3A_135 : memref<120xi32, #tpu.memory_space<hbm>>) target(%arg10 : memref<120xi32, #tpu.memory_space<vmem>>) target_semaphore(%arg17 : memref<!tpu.dma_semaphore, #tpu.memory_space<semaphore_mem>>)
      %mul3A_136 = arith.constant 120 : i32
      %mul3A_137 = arith.muli %min3A_122, %mul3A_136 : i32
      %add3A_138 = arith.addi %mul3A_2, %mul3A_137 : i32
      %dma_wait3A_139 = tpu.memref_slice %arg3[%add3A_138] : memref<322560xi32, #tpu.memory_space<hbm>> -> memref<120xi32, #tpu.memory_space<hbm>>
      %dma_wait3A_140 = tpu.memref_slice %arg3[%add3A_138] : memref<322560xi32, #tpu.memory_space<hbm>> -> memref<120xi32, #tpu.memory_space<hbm>>
      tpu.wait_dma2 semaphore(%arg17 : memref<!tpu.dma_semaphore, #tpu.memory_space<semaphore_mem>>) src(%dma_wait3A_140 : memref<120xi32, #tpu.memory_space<hbm>>) dst(%arg7 : memref<120xi32, #tpu.memory_space<vmem>>)
      %mul3A_141 = arith.constant 120 : i32
      %mul3A_142 = arith.muli %min3A_122, %mul3A_141 : i32
      %add3A_143 = arith.addi %mul3A_2, %mul3A_142 : i32
      %dma_wait3A_144 = tpu.memref_slice %arg4[%add3A_143] : memref<322560xi32, #tpu.memory_space<hbm>> -> memref<120xi32, #tpu.memory_space<hbm>>
      %dma_wait3A_145 = tpu.memref_slice %arg4[%add3A_143] : memref<322560xi32, #tpu.memory_space<hbm>> -> memref<120xi32, #tpu.memory_space<hbm>>
      tpu.wait_dma2 semaphore(%arg17 : memref<!tpu.dma_semaphore, #tpu.memory_space<semaphore_mem>>) src(%dma_wait3A_145 : memref<120xi32, #tpu.memory_space<hbm>>) dst(%arg10 : memref<120xi32, #tpu.memory_space<vmem>>)
      %dma_start3A_146 = arith.constant 0 : i32
      %dma_start3A_147 = arith.constant 0 : i32
      %dma_start3A_148 = tpu.memref_slice %arg2[%dma_start3A_146, %dma_start3A_147] : memref<10000x128xf32, #tpu.memory_space<hbm>> -> memref<10000x128xf32, #tpu.memory_space<hbm>>
      tpu.enqueue_indirect_dma source(%dma_start3A_148 : memref<10000x128xf32, #tpu.memory_space<hbm>>) target(%arg13 : memref<120x128xf32, #tpu.memory_space<vmem>>) offsets(%arg7 : memref<120xi32, #tpu.memory_space<vmem>>) semaphore(%arg20 : memref<!tpu.dma_semaphore, #tpu.memory_space<semaphore_mem>>)
      %add3A_149 = arith.constant 3 : i32
      %add3A_150 = arith.addi %add3A_99, %add3A_149 : i32
      %add3A_151 = arith.constant 1 : i32
      %add3A_152 = arith.addi %add3A_150, %add3A_151 : i32
      %min3A_153 = arith.constant 83 : i32
      %min3A_154 = arith.minsi %add3A_152, %min3A_153 : i32
      %mul3A_155 = arith.constant 120 : i32
      %mul3A_156 = arith.muli %min3A_154, %mul3A_155 : i32
      %add3A_157 = arith.addi %mul3A_2, %mul3A_156 : i32
      %dma_start3A_158 = tpu.memref_slice %arg3[%add3A_157] : memref<322560xi32, #tpu.memory_space<hbm>> -> memref<120xi32, #tpu.memory_space<hbm>>
      %dma_start3A_159 = tpu.memref_slice %arg3[%add3A_157] : memref<322560xi32, #tpu.memory_space<hbm>> -> memref<120xi32, #tpu.memory_space<hbm>>
      tpu.enqueue_dma source(%dma_start3A_159 : memref<120xi32, #tpu.memory_space<hbm>>) target(%arg8 : memref<120xi32, #tpu.memory_space<vmem>>) target_semaphore(%arg18 : memref<!tpu.dma_semaphore, #tpu.memory_space<semaphore_mem>>)
      %dma_wait3A_160 = arith.constant 0 : i32
      %dma_wait3A_161 = arith.constant 0 : i32
      %dma_wait3A_162 = tpu.memref_slice %arg16[%dma_wait3A_160, %dma_wait3A_161] : memref<10008x128xf32, #tpu.memory_space<vmem_shared>> -> memref<10008x128xf32, #tpu.memory_space<vmem_shared>>
      tpu.wait_indirect_dma semaphore(%arg24 : memref<!tpu.dma_semaphore, #tpu.memory_space<semaphore_mem>>) src(%arg14 : memref<120x128xf32, #tpu.memory_space<vmem>>) dst(%dma_wait3A_162 : memref<10008x128xf32, #tpu.memory_space<vmem_shared>>)
      %mul3A_163 = arith.constant 120 : i32
      %mul3A_164 = arith.muli %min3A_154, %mul3A_163 : i32
      %add3A_165 = arith.addi %mul3A_2, %mul3A_164 : i32
      %dma_start3A_166 = tpu.memref_slice %arg4[%add3A_165] : memref<322560xi32, #tpu.memory_space<hbm>> -> memref<120xi32, #tpu.memory_space<hbm>>
      %dma_start3A_167 = tpu.memref_slice %arg4[%add3A_165] : memref<322560xi32, #tpu.memory_space<hbm>> -> memref<120xi32, #tpu.memory_space<hbm>>
      tpu.enqueue_dma source(%dma_start3A_167 : memref<120xi32, #tpu.memory_space<hbm>>) target(%arg11 : memref<120xi32, #tpu.memory_space<vmem>>) target_semaphore(%arg18 : memref<!tpu.dma_semaphore, #tpu.memory_space<semaphore_mem>>)
      %mul3A_168 = arith.constant 120 : i32
      %mul3A_169 = arith.muli %min3A_154, %mul3A_168 : i32
      %add3A_170 = arith.addi %mul3A_2, %mul3A_169 : i32
      %dma_wait3A_171 = tpu.memref_slice %arg3[%add3A_170] : memref<322560xi32, #tpu.memory_space<hbm>> -> memref<120xi32, #tpu.memory_space<hbm>>
      %dma_wait3A_172 = tpu.memref_slice %arg3[%add3A_170] : memref<322560xi32, #tpu.memory_space<hbm>> -> memref<120xi32, #tpu.memory_space<hbm>>
      tpu.wait_dma2 semaphore(%arg18 : memref<!tpu.dma_semaphore, #tpu.memory_space<semaphore_mem>>) src(%dma_wait3A_172 : memref<120xi32, #tpu.memory_space<hbm>>) dst(%arg8 : memref<120xi32, #tpu.memory_space<vmem>>)
      %mul3A_173 = arith.constant 120 : i32
      %mul3A_174 = arith.muli %min3A_154, %mul3A_173 : i32
      %add3A_175 = arith.addi %mul3A_2, %mul3A_174 : i32
      %dma_wait3A_176 = tpu.memref_slice %arg4[%add3A_175] : memref<322560xi32, #tpu.memory_space<hbm>> -> memref<120xi32, #tpu.memory_space<hbm>>
      %dma_wait3A_177 = tpu.memref_slice %arg4[%add3A_175] : memref<322560xi32, #tpu.memory_space<hbm>> -> memref<120xi32, #tpu.memory_space<hbm>>
      tpu.wait_dma2 semaphore(%arg18 : memref<!tpu.dma_semaphore, #tpu.memory_space<semaphore_mem>>) src(%dma_wait3A_177 : memref<120xi32, #tpu.memory_space<hbm>>) dst(%arg11 : memref<120xi32, #tpu.memory_space<vmem>>)
      %dma_start3A_178 = arith.constant 0 : i32
      %dma_start3A_179 = arith.constant 0 : i32
      %dma_start3A_180 = tpu.memref_slice %arg2[%dma_start3A_178, %dma_start3A_179] : memref<10000x128xf32, #tpu.memory_space<hbm>> -> memref<10000x128xf32, #tpu.memory_space<hbm>>
      tpu.enqueue_indirect_dma source(%dma_start3A_180 : memref<10000x128xf32, #tpu.memory_space<hbm>>) target(%arg14 : memref<120x128xf32, #tpu.memory_space<vmem>>) offsets(%arg8 : memref<120xi32, #tpu.memory_space<vmem>>) semaphore(%arg21 : memref<!tpu.dma_semaphore, #tpu.memory_space<semaphore_mem>>)
      %add3A_181 = arith.constant 3 : i32
      %add3A_182 = arith.addi %add3A_99, %add3A_181 : i32
      %add3A_183 = arith.constant 2 : i32
      %add3A_184 = arith.addi %add3A_182, %add3A_183 : i32
      %min3A_185 = arith.constant 83 : i32
      %min3A_186 = arith.minsi %add3A_184, %min3A_185 : i32
      %mul3A_187 = arith.constant 120 : i32
      %mul3A_188 = arith.muli %min3A_186, %mul3A_187 : i32
      %add3A_189 = arith.addi %mul3A_2, %mul3A_188 : i32
      %dma_start3A_190 = tpu.memref_slice %arg3[%add3A_189] : memref<322560xi32, #tpu.memory_space<hbm>> -> memref<120xi32, #tpu.memory_space<hbm>>
      %dma_start3A_191 = tpu.memref_slice %arg3[%add3A_189] : memref<322560xi32, #tpu.memory_space<hbm>> -> memref<120xi32, #tpu.memory_space<hbm>>
      tpu.enqueue_dma source(%dma_start3A_191 : memref<120xi32, #tpu.memory_space<hbm>>) target(%arg9 : memref<120xi32, #tpu.memory_space<vmem>>) target_semaphore(%arg19 : memref<!tpu.dma_semaphore, #tpu.memory_space<semaphore_mem>>)
      %dma_wait3A_192 = arith.constant 0 : i32
      %dma_wait3A_193 = arith.constant 0 : i32
      %dma_wait3A_194 = tpu.memref_slice %arg16[%dma_wait3A_192, %dma_wait3A_193] : memref<10008x128xf32, #tpu.memory_space<vmem_shared>> -> memref<10008x128xf32, #tpu.memory_space<vmem_shared>>
      tpu.wait_indirect_dma semaphore(%arg25 : memref<!tpu.dma_semaphore, #tpu.memory_space<semaphore_mem>>) src(%arg15 : memref<120x128xf32, #tpu.memory_space<vmem>>) dst(%dma_wait3A_194 : memref<10008x128xf32, #tpu.memory_space<vmem_shared>>)
      %mul3A_195 = arith.constant 120 : i32
      %mul3A_196 = arith.muli %min3A_186, %mul3A_195 : i32
      %add3A_197 = arith.addi %mul3A_2, %mul3A_196 : i32
      %dma_start3A_198 = tpu.memref_slice %arg4[%add3A_197] : memref<322560xi32, #tpu.memory_space<hbm>> -> memref<120xi32, #tpu.memory_space<hbm>>
      %dma_start3A_199 = tpu.memref_slice %arg4[%add3A_197] : memref<322560xi32, #tpu.memory_space<hbm>> -> memref<120xi32, #tpu.memory_space<hbm>>
      tpu.enqueue_dma source(%dma_start3A_199 : memref<120xi32, #tpu.memory_space<hbm>>) target(%arg12 : memref<120xi32, #tpu.memory_space<vmem>>) target_semaphore(%arg19 : memref<!tpu.dma_semaphore, #tpu.memory_space<semaphore_mem>>)
      %mul3A_200 = arith.constant 120 : i32
      %mul3A_201 = arith.muli %min3A_186, %mul3A_200 : i32
      %add3A_202 = arith.addi %mul3A_2, %mul3A_201 : i32
      %dma_wait3A_203 = tpu.memref_slice %arg3[%add3A_202] : memref<322560xi32, #tpu.memory_space<hbm>> -> memref<120xi32, #tpu.memory_space<hbm>>
      %dma_wait3A_204 = tpu.memref_slice %arg3[%add3A_202] : memref<322560xi32, #tpu.memory_space<hbm>> -> memref<120xi32, #tpu.memory_space<hbm>>
      tpu.wait_dma2 semaphore(%arg19 : memref<!tpu.dma_semaphore, #tpu.memory_space<semaphore_mem>>) src(%dma_wait3A_204 : memref<120xi32, #tpu.memory_space<hbm>>) dst(%arg9 : memref<120xi32, #tpu.memory_space<vmem>>)
      %mul3A_205 = arith.constant 120 : i32
      %mul3A_206 = arith.muli %min3A_186, %mul3A_205 : i32
      %add3A_207 = arith.addi %mul3A_2, %mul3A_206 : i32
      %dma_wait3A_208 = tpu.memref_slice %arg4[%add3A_207] : memref<322560xi32, #tpu.memory_space<hbm>> -> memref<120xi32, #tpu.memory_space<hbm>>
      %dma_wait3A_209 = tpu.memref_slice %arg4[%add3A_207] : memref<322560xi32, #tpu.memory_space<hbm>> -> memref<120xi32, #tpu.memory_space<hbm>>
      tpu.wait_dma2 semaphore(%arg19 : memref<!tpu.dma_semaphore, #tpu.memory_space<semaphore_mem>>) src(%dma_wait3A_209 : memref<120xi32, #tpu.memory_space<hbm>>) dst(%arg12 : memref<120xi32, #tpu.memory_space<vmem>>)
      %dma_start3A_210 = arith.constant 0 : i32
      %dma_start3A_211 = arith.constant 0 : i32
      %dma_start3A_212 = tpu.memref_slice %arg2[%dma_start3A_210, %dma_start3A_211] : memref<10000x128xf32, #tpu.memory_space<hbm>> -> memref<10000x128xf32, #tpu.memory_space<hbm>>
      tpu.enqueue_indirect_dma source(%dma_start3A_212 : memref<10000x128xf32, #tpu.memory_space<hbm>>) target(%arg15 : memref<120x128xf32, #tpu.memory_space<vmem>>) offsets(%arg9 : memref<120xi32, #tpu.memory_space<vmem>>) semaphore(%arg22 : memref<!tpu.dma_semaphore, #tpu.memory_space<semaphore_mem>>)
    }
    %scan3A_74 = arith.constant 28 : i32
    %dma_wait3A_75 = arith.constant 0 : i32
    %dma_wait3A_76 = arith.constant 0 : i32
    %dma_wait3A_77 = tpu.memref_slice %arg2[%dma_wait3A_75, %dma_wait3A_76] : memref<10000x128xf32, #tpu.memory_space<hbm>> -> memref<10000x128xf32, #tpu.memory_space<hbm>>
    tpu.wait_indirect_dma semaphore(%arg20 : memref<!tpu.dma_semaphore, #tpu.memory_space<semaphore_mem>>) src(%dma_wait3A_77 : memref<10000x128xf32, #tpu.memory_space<hbm>>) dst(%arg13 : memref<120x128xf32, #tpu.memory_space<vmem>>)
    %dma_wait3A_78 = arith.constant 0 : i32
    %dma_wait3A_79 = arith.constant 0 : i32
    %dma_wait3A_80 = tpu.memref_slice %arg2[%dma_wait3A_78, %dma_wait3A_79] : memref<10000x128xf32, #tpu.memory_space<hbm>> -> memref<10000x128xf32, #tpu.memory_space<hbm>>
    tpu.wait_indirect_dma semaphore(%arg21 : memref<!tpu.dma_semaphore, #tpu.memory_space<semaphore_mem>>) src(%dma_wait3A_80 : memref<10000x128xf32, #tpu.memory_space<hbm>>) dst(%arg14 : memref<120x128xf32, #tpu.memory_space<vmem>>)
    %dma_wait3A_81 = arith.constant 0 : i32
    %dma_wait3A_82 = arith.constant 0 : i32
    %dma_wait3A_83 = tpu.memref_slice %arg2[%dma_wait3A_81, %dma_wait3A_82] : memref<10000x128xf32, #tpu.memory_space<hbm>> -> memref<10000x128xf32, #tpu.memory_space<hbm>>
    tpu.wait_indirect_dma semaphore(%arg22 : memref<!tpu.dma_semaphore, #tpu.memory_space<semaphore_mem>>) src(%dma_wait3A_83 : memref<10000x128xf32, #tpu.memory_space<hbm>>) dst(%arg15 : memref<120x128xf32, #tpu.memory_space<vmem>>)
    %barrier3A_84 = arith.constant 0 : index
    tpu.barrier barrier_id(%barrier3A_84)
    %lt3A_85 = arith.constant 15 : i32
    %lt3A_86 = arith.cmpi slt, %arg1, %lt3A_85 : i32
    %convert_element_type3A_87 = arith.extui %lt3A_86 : i1 to i32
    %cond3A_88 = arith.constant 0 : i32
    %cond3A_89 = arith.cmpi ne, %convert_element_type3A_87, %cond3A_88 : i32
    scf.if %cond3A_89 {
      %eq3A_95 = arith.constant 0 : i32
      %eq3A_96 = arith.cmpi eq, %arg0, %eq3A_95 : i32
      %convert_element_type3A_97 = arith.extui %eq3A_96 : i1 to i32
      %cond3A_98 = arith.constant 0 : i32
      %cond3A_99 = arith.cmpi ne, %convert_element_type3A_97, %cond3A_98 : i32
      scf.if %cond3A_99 {
        %mul3A_105 = arith.constant 632 : i32
        %mul3A_106 = arith.muli %arg1, %mul3A_105 : i32
        %mul3A_107 = arith.constant 632 : i32
        %mul3A_108 = arith.muli %arg1, %mul3A_107 : i32
        "tpu.region"() ({
          %run_scoped3A = tpu.sem_alloc : memref<!tpu.dma_semaphore, #tpu.memory_space<semaphore_mem>>
          %dma_start3A_109 = arith.constant 0 : i32
          %dma_start3A_110 = tpu.memref_slice %arg5[%mul3A_108, %dma_start3A_109] : memref<10000x128xf32, #tpu.memory_space<hbm>> -> memref<632x128xf32, #tpu.memory_space<hbm>>
          %dma_start3A_111 = arith.constant 0 : i32
          %dma_start3A_112 = tpu.memref_slice %arg16[%mul3A_106, %dma_start3A_111] : memref<10008x128xf32, #tpu.memory_space<vmem_shared>> -> memref<632x128xf32, #tpu.memory_space<vmem_shared>>
          tpu.enqueue_dma source(%dma_start3A_112 : memref<632x128xf32, #tpu.memory_space<vmem_shared>>) target(%dma_start3A_110 : memref<632x128xf32, #tpu.memory_space<hbm>>) target_semaphore(%run_scoped3A : memref<!tpu.dma_semaphore, #tpu.memory_space<semaphore_mem>>)
          %dma_wait3A_113 = arith.constant 0 : i32
          %dma_wait3A_114 = tpu.memref_slice %arg5[%mul3A_108, %dma_wait3A_113] : memref<10000x128xf32, #tpu.memory_space<hbm>> -> memref<632x128xf32, #tpu.memory_space<hbm>>
          %dma_wait3A_115 = arith.constant 0 : i32
          %dma_wait3A_116 = tpu.memref_slice %arg16[%mul3A_106, %dma_wait3A_115] : memref<10008x128xf32, #tpu.memory_space<vmem_shared>> -> memref<632x128xf32, #tpu.memory_space<vmem_shared>>
          tpu.wait_dma2 semaphore(%run_scoped3A : memref<!tpu.dma_semaphore, #tpu.memory_space<semaphore_mem>>) src(%dma_wait3A_116 : memref<632x128xf32, #tpu.memory_space<vmem_shared>>) dst(%dma_wait3A_114 : memref<632x128xf32, #tpu.memory_space<hbm>>)
          tpu.yield
        }) : () -> ()
      } else {
      }
      %eq3A_100 = arith.constant 1 : i32
      %eq3A_101 = arith.cmpi eq, %arg0, %eq3A_100 : i32
      %convert_element_type3A_102 = arith.extui %eq3A_101 : i1 to i32
      %cond3A_103 = arith.constant 0 : i32
      %cond3A_104 = arith.cmpi ne, %convert_element_type3A_102, %cond3A_103 : i32
      scf.if %cond3A_104 {
        %mul3A_105 = arith.constant 632 : i32
        %mul3A_106 = arith.muli %arg1, %mul3A_105 : i32
        %mul3A_107 = arith.constant 632 : i32
        %mul3A_108 = arith.muli %arg1, %mul3A_107 : i32
        "tpu.region"() ({
          %run_scoped3A = tpu.sem_alloc : memref<!tpu.dma_semaphore, #tpu.memory_space<semaphore_mem>>
          %dma_start3A_109 = arith.constant 0 : i32
          %dma_start3A_110 = tpu.memref_slice %arg6[%mul3A_108, %dma_start3A_109] : memref<10000x128xf32, #tpu.memory_space<hbm>> -> memref<632x128xf32, #tpu.memory_space<hbm>>
          %dma_start3A_111 = arith.constant 0 : i32
          %dma_start3A_112 = tpu.memref_slice %arg16[%mul3A_106, %dma_start3A_111] : memref<10008x128xf32, #tpu.memory_space<vmem_shared>> -> memref<632x128xf32, #tpu.memory_space<vmem_shared>>
          tpu.enqueue_dma source(%dma_start3A_112 : memref<632x128xf32, #tpu.memory_space<vmem_shared>>) target(%dma_start3A_110 : memref<632x128xf32, #tpu.memory_space<hbm>>) target_semaphore(%run_scoped3A : memref<!tpu.dma_semaphore, #tpu.memory_space<semaphore_mem>>)
          %dma_wait3A_113 = arith.constant 0 : i32
          %dma_wait3A_114 = tpu.memref_slice %arg6[%mul3A_108, %dma_wait3A_113] : memref<10000x128xf32, #tpu.memory_space<hbm>> -> memref<632x128xf32, #tpu.memory_space<hbm>>
          %dma_wait3A_115 = arith.constant 0 : i32
          %dma_wait3A_116 = tpu.memref_slice %arg16[%mul3A_106, %dma_wait3A_115] : memref<10008x128xf32, #tpu.memory_space<vmem_shared>> -> memref<632x128xf32, #tpu.memory_space<vmem_shared>>
          tpu.wait_dma2 semaphore(%run_scoped3A : memref<!tpu.dma_semaphore, #tpu.memory_space<semaphore_mem>>) src(%dma_wait3A_116 : memref<632x128xf32, #tpu.memory_space<vmem_shared>>) dst(%dma_wait3A_114 : memref<632x128xf32, #tpu.memory_space<hbm>>)
          tpu.yield
        }) : () -> ()
      } else {
      }
    } else {
    }
    %eq3A_90 = arith.constant 15 : i32
    %eq3A_91 = arith.cmpi eq, %arg1, %eq3A_90 : i32
    %convert_element_type3A_92 = arith.extui %eq3A_91 : i1 to i32
    %cond3A_93 = arith.constant 0 : i32
    %cond3A_94 = arith.cmpi ne, %convert_element_type3A_92, %cond3A_93 : i32
    scf.if %cond3A_94 {
      %eq3A_95 = arith.constant 0 : i32
      %eq3A_96 = arith.cmpi eq, %arg0, %eq3A_95 : i32
      %convert_element_type3A_97 = arith.extui %eq3A_96 : i1 to i32
      %cond3A_98 = arith.constant 0 : i32
      %cond3A_99 = arith.cmpi ne, %convert_element_type3A_97, %cond3A_98 : i32
      scf.if %cond3A_99 {
        %mul3A_105 = arith.constant 632 : i32
        %mul3A_106 = arith.muli %arg1, %mul3A_105 : i32
        %mul3A_107 = arith.constant 632 : i32
        %mul3A_108 = arith.muli %arg1, %mul3A_107 : i32
        "tpu.region"() ({
          %run_scoped3A = tpu.sem_alloc : memref<!tpu.dma_semaphore, #tpu.memory_space<semaphore_mem>>
          %dma_start3A_109 = arith.constant 0 : i32
          %dma_start3A_110 = tpu.memref_slice %arg5[%mul3A_108, %dma_start3A_109] : memref<10000x128xf32, #tpu.memory_space<hbm>> -> memref<520x128xf32, #tpu.memory_space<hbm>>
          %dma_start3A_111 = arith.constant 0 : i32
          %dma_start3A_112 = tpu.memref_slice %arg16[%mul3A_106, %dma_start3A_111] : memref<10008x128xf32, #tpu.memory_space<vmem_shared>> -> memref<520x128xf32, #tpu.memory_space<vmem_shared>>
          tpu.enqueue_dma source(%dma_start3A_112 : memref<520x128xf32, #tpu.memory_space<vmem_shared>>) target(%dma_start3A_110 : memref<520x128xf32, #tpu.memory_space<hbm>>) target_semaphore(%run_scoped3A : memref<!tpu.dma_semaphore, #tpu.memory_space<semaphore_mem>>)
          %dma_wait3A_113 = arith.constant 0 : i32
          %dma_wait3A_114 = tpu.memref_slice %arg5[%mul3A_108, %dma_wait3A_113] : memref<10000x128xf32, #tpu.memory_space<hbm>> -> memref<520x128xf32, #tpu.memory_space<hbm>>
          %dma_wait3A_115 = arith.constant 0 : i32
          %dma_wait3A_116 = tpu.memref_slice %arg16[%mul3A_106, %dma_wait3A_115] : memref<10008x128xf32, #tpu.memory_space<vmem_shared>> -> memref<520x128xf32, #tpu.memory_space<vmem_shared>>
          tpu.wait_dma2 semaphore(%run_scoped3A : memref<!tpu.dma_semaphore, #tpu.memory_space<semaphore_mem>>) src(%dma_wait3A_116 : memref<520x128xf32, #tpu.memory_space<vmem_shared>>) dst(%dma_wait3A_114 : memref<520x128xf32, #tpu.memory_space<hbm>>)
          tpu.yield
        }) : () -> ()
      } else {
      }
      %eq3A_100 = arith.constant 1 : i32
      %eq3A_101 = arith.cmpi eq, %arg0, %eq3A_100 : i32
      %convert_element_type3A_102 = arith.extui %eq3A_101 : i1 to i32
      %cond3A_103 = arith.constant 0 : i32
      %cond3A_104 = arith.cmpi ne, %convert_element_type3A_102, %cond3A_103 : i32
      scf.if %cond3A_104 {
        %mul3A_105 = arith.constant 632 : i32
        %mul3A_106 = arith.muli %arg1, %mul3A_105 : i32
        %mul3A_107 = arith.constant 632 : i32
        %mul3A_108 = arith.muli %arg1, %mul3A_107 : i32
        "tpu.region"() ({
          %run_scoped3A = tpu.sem_alloc : memref<!tpu.dma_semaphore, #tpu.memory_space<semaphore_mem>>
          %dma_start3A_109 = arith.constant 0 : i32
          %dma_start3A_110 = tpu.memref_slice %arg6[%mul3A_108, %dma_start3A_109] : memref<10000x128xf32, #tpu.memory_space<hbm>> -> memref<520x128xf32, #tpu.memory_space<hbm>>
          %dma_start3A_111 = arith.constant 0 : i32
          %dma_start3A_112 = tpu.memref_slice %arg16[%mul3A_106, %dma_start3A_111] : memref<10008x128xf32, #tpu.memory_space<vmem_shared>> -> memref<520x128xf32, #tpu.memory_space<vmem_shared>>
          tpu.enqueue_dma source(%dma_start3A_112 : memref<520x128xf32, #tpu.memory_space<vmem_shared>>) target(%dma_start3A_110 : memref<520x128xf32, #tpu.memory_space<hbm>>) target_semaphore(%run_scoped3A : memref<!tpu.dma_semaphore, #tpu.memory_space<semaphore_mem>>)
          %dma_wait3A_113 = arith.constant 0 : i32
          %dma_wait3A_114 = tpu.memref_slice %arg6[%mul3A_108, %dma_wait3A_113] : memref<10000x128xf32, #tpu.memory_space<hbm>> -> memref<520x128xf32, #tpu.memory_space<hbm>>
          %dma_wait3A_115 = arith.constant 0 : i32
          %dma_wait3A_116 = tpu.memref_slice %arg16[%mul3A_106, %dma_wait3A_115] : memref<10008x128xf32, #tpu.memory_space<vmem_shared>> -> memref<520x128xf32, #tpu.memory_space<vmem_shared>>
          tpu.wait_dma2 semaphore(%run_scoped3A : memref<!tpu.dma_semaphore, #tpu.memory_space<semaphore_mem>>) src(%dma_wait3A_116 : memref<520x128xf32, #tpu.memory_space<vmem_shared>>) dst(%dma_wait3A_114 : memref<520x128xf32, #tpu.memory_space<hbm>>)
          tpu.yield
        }) : () -> ()
      } else {
      }
    } else {
    }
    return
  }
}

#map = affine_map<(d0, d1) -> (0, 0)>
#map1 = affine_map<(d0, d1) -> (0)>
module attributes {stable_mosaic.version = 14 : i64} {
  func.func @_propagate_kernel(%arg0: i32, %arg1: i32, %arg2: memref<10000x128xf32, #tpu.memory_space<hbm>>, %arg3: memref<322560xi32, #tpu.memory_space<hbm>>, %arg4: memref<322560xi32, #tpu.memory_space<hbm>>, %arg5: memref<10000x128xf32, #tpu.memory_space<hbm>>, %arg6: memref<10000x128xf32, #tpu.memory_space<hbm>>, %arg7: memref<120xi32, #tpu.memory_space<vmem>>, %arg8: memref<120xi32, #tpu.memory_space<vmem>>, %arg9: memref<120xi32, #tpu.memory_space<vmem>>, %arg10: memref<120xi32, #tpu.memory_space<vmem>>, %arg11: memref<120xi32, #tpu.memory_space<vmem>>, %arg12: memref<120xi32, #tpu.memory_space<vmem>>, %arg13: memref<120x128xf32, #tpu.memory_space<vmem>>, %arg14: memref<120x128xf32, #tpu.memory_space<vmem>>, %arg15: memref<120x128xf32, #tpu.memory_space<vmem>>, %arg16: memref<10008x128xf32, #tpu.memory_space<vmem_shared>>, %arg17: memref<!tpu.dma_semaphore, #tpu.memory_space<semaphore_mem>>, %arg18: memref<!tpu.dma_semaphore, #tpu.memory_space<semaphore_mem>>, %arg19: memref<!tpu.dma_semaphore, #tpu.memory_space<semaphore_mem>>, %arg20: memref<!tpu.dma_semaphore, #tpu.memory_space<semaphore_mem>>, %arg21: memref<!tpu.dma_semaphore, #tpu.memory_space<semaphore_mem>>, %arg22: memref<!tpu.dma_semaphore, #tpu.memory_space<semaphore_mem>>, %arg23: memref<!tpu.dma_semaphore, #tpu.memory_space<semaphore_mem>>, %arg24: memref<!tpu.dma_semaphore, #tpu.memory_space<semaphore_mem>>, %arg25: memref<!tpu.dma_semaphore, #tpu.memory_space<semaphore_mem>>) attributes {dimension_semantics = [#tpu.dimension_semantics<core_parallel>, #tpu.dimension_semantics<subcore_parallel>], iteration_bounds = array<i64: 2, 16>, scalar_prefetch = 0 : i64, scratch_operands = 19 : i64, tpu.core_type = #tpu.core_type<sc_vector_subcore>, window_params = [{transform_indices = #map}, {transform_indices = #map1}, {transform_indices = #map1}, {transform_indices = #map}, {transform_indices = #map}]} {
    %mul3A = arith.constant 16 : i32
    %mul3A_0 = arith.muli %arg0, %mul3A : i32
    %add3A = arith.addi %mul3A_0, %arg1 : i32
    %mul3A_1 = arith.constant 10080 : i32
    %mul3A_2 = arith.muli %add3A, %mul3A_1 : i32
    %scan3A = arith.constant 0 : i32
    %scan3A_3 = arith.constant 120 : i32
    %scan3A_4 = arith.addi %scan3A, %scan3A_3 : i32
    %scan3A_5 = arith.constant 1 : i32
    scf.for %scan3A_95 = %scan3A to %scan3A_4 step %scan3A_5  : i32 {
      %mul3A_96 = arith.constant 1 : i32
      %mul3A_97 = arith.muli %scan3A_95, %mul3A_96 : i32
      %add3A_98 = arith.constant 0 : i32
      %add3A_99 = arith.addi %add3A_98, %mul3A_97 : i32
      %broadcast_in_dim3A = arith.constant 0.000000e+00 : f32
      %broadcast_in_dim3A_100 = vector.broadcast %broadcast_in_dim3A : f32 to vector<16xf32>
      %swap3A = arith.index_cast %add3A_99 : i32 to index
      %swap3A_101 = arith.constant 0 : index
      %swap3A_102 = tpu.vector_load %arg13[%swap3A, %swap3A_101] {strides = array<i32>} : memref<120x128xf32, #tpu.memory_space<vmem>>, vector<1x16xf32>,
      %swap3A_103 = vector.shape_cast %swap3A_102 : vector<1x16xf32> to vector<16xf32>
      %swap3A_104 = vector.shape_cast %broadcast_in_dim3A_100 : vector<16xf32> to vector<1x16xf32>
      tpu.vector_store %arg13[%swap3A, %swap3A_101], %swap3A_104 {strides = array<i32>} : memref<120x128xf32, #tpu.memory_space<vmem>>, vector<1x16xf32>,
      %broadcast_in_dim3A_105 = arith.constant 0.000000e+00 : f32
      %broadcast_in_dim3A_106 = vector.broadcast %broadcast_in_dim3A_105 : f32 to vector<16xf32>
      %swap3A_107 = arith.index_cast %add3A_99 : i32 to index
      %swap3A_108 = arith.constant 16 : index
      %swap3A_109 = tpu.vector_load %arg13[%swap3A_107, %swap3A_108] {strides = array<i32>} : memref<120x128xf32, #tpu.memory_space<vmem>>, vector<1x16xf32>,
      %swap3A_110 = vector.shape_cast %swap3A_109 : vector<1x16xf32> to vector<16xf32>
      %swap3A_111 = vector.shape_cast %broadcast_in_dim3A_106 : vector<16xf32> to vector<1x16xf32>
      tpu.vector_store %arg13[%swap3A_107, %swap3A_108], %swap3A_111 {strides = array<i32>} : memref<120x128xf32, #tpu.memory_space<vmem>>, vector<1x16xf32>,
      %broadcast_in_dim3A_112 = arith.constant 0.000000e+00 : f32
      %broadcast_in_dim3A_113 = vector.broadcast %broadcast_in_dim3A_112 : f32 to vector<16xf32>
      %swap3A_114 = arith.index_cast %add3A_99 : i32 to index
      %swap3A_115 = arith.constant 32 : index
      %swap3A_116 = tpu.vector_load %arg13[%swap3A_114, %swap3A_115] {strides = array<i32>} : memref<120x128xf32, #tpu.memory_space<vmem>>, vector<1x16xf32>,
      %swap3A_117 = vector.shape_cast %swap3A_116 : vector<1x16xf32> to vector<16xf32>
      %swap3A_118 = vector.shape_cast %broadcast_in_dim3A_113 : vector<16xf32> to vector<1x16xf32>
      tpu.vector_store %arg13[%swap3A_114, %swap3A_115], %swap3A_118 {strides = array<i32>} : memref<120x128xf32, #tpu.memory_space<vmem>>, vector<1x16xf32>,
      %broadcast_in_dim3A_119 = arith.constant 0.000000e+00 : f32
      %broadcast_in_dim3A_120 = vector.broadcast %broadcast_in_dim3A_119 : f32 to vector<16xf32>
      %swap3A_121 = arith.index_cast %add3A_99 : i32 to index
      %swap3A_122 = arith.constant 48 : index
      %swap3A_123 = tpu.vector_load %arg13[%swap3A_121, %swap3A_122] {strides = array<i32>} : memref<120x128xf32, #tpu.memory_space<vmem>>, vector<1x16xf32>,
      %swap3A_124 = vector.shape_cast %swap3A_123 : vector<1x16xf32> to vector<16xf32>
      %swap3A_125 = vector.shape_cast %broadcast_in_dim3A_120 : vector<16xf32> to vector<1x16xf32>
      tpu.vector_store %arg13[%swap3A_121, %swap3A_122], %swap3A_125 {strides = array<i32>} : memref<120x128xf32, #tpu.memory_space<vmem>>, vector<1x16xf32>,
      %broadcast_in_dim3A_126 = arith.constant 0.000000e+00 : f32
      %broadcast_in_dim3A_127 = vector.broadcast %broadcast_in_dim3A_126 : f32 to vector<16xf32>
      %swap3A_128 = arith.index_cast %add3A_99 : i32 to index
      %swap3A_129 = arith.constant 64 : index
      %swap3A_130 = tpu.vector_load %arg13[%swap3A_128, %swap3A_129] {strides = array<i32>} : memref<120x128xf32, #tpu.memory_space<vmem>>, vector<1x16xf32>,
      %swap3A_131 = vector.shape_cast %swap3A_130 : vector<1x16xf32> to vector<16xf32>
      %swap3A_132 = vector.shape_cast %broadcast_in_dim3A_127 : vector<16xf32> to vector<1x16xf32>
      tpu.vector_store %arg13[%swap3A_128, %swap3A_129], %swap3A_132 {strides = array<i32>} : memref<120x128xf32, #tpu.memory_space<vmem>>, vector<1x16xf32>,
      %broadcast_in_dim3A_133 = arith.constant 0.000000e+00 : f32
      %broadcast_in_dim3A_134 = vector.broadcast %broadcast_in_dim3A_133 : f32 to vector<16xf32>
      %swap3A_135 = arith.index_cast %add3A_99 : i32 to index
      %swap3A_136 = arith.constant 80 : index
      %swap3A_137 = tpu.vector_load %arg13[%swap3A_135, %swap3A_136] {strides = array<i32>} : memref<120x128xf32, #tpu.memory_space<vmem>>, vector<1x16xf32>,
      %swap3A_138 = vector.shape_cast %swap3A_137 : vector<1x16xf32> to vector<16xf32>
      %swap3A_139 = vector.shape_cast %broadcast_in_dim3A_134 : vector<16xf32> to vector<1x16xf32>
      tpu.vector_store %arg13[%swap3A_135, %swap3A_136], %swap3A_139 {strides = array<i32>} : memref<120x128xf32, #tpu.memory_space<vmem>>, vector<1x16xf32>,
      %broadcast_in_dim3A_140 = arith.constant 0.000000e+00 : f32
      %broadcast_in_dim3A_141 = vector.broadcast %broadcast_in_dim3A_140 : f32 to vector<16xf32>
      %swap3A_142 = arith.index_cast %add3A_99 : i32 to index
      %swap3A_143 = arith.constant 96 : index
      %swap3A_144 = tpu.vector_load %arg13[%swap3A_142, %swap3A_143] {strides = array<i32>} : memref<120x128xf32, #tpu.memory_space<vmem>>, vector<1x16xf32>,
      %swap3A_145 = vector.shape_cast %swap3A_144 : vector<1x16xf32> to vector<16xf32>
      %swap3A_146 = vector.shape_cast %broadcast_in_dim3A_141 : vector<16xf32> to vector<1x16xf32>
      tpu.vector_store %arg13[%swap3A_142, %swap3A_143], %swap3A_146 {strides = array<i32>} : memref<120x128xf32, #tpu.memory_space<vmem>>, vector<1x16xf32>,
      %broadcast_in_dim3A_147 = arith.constant 0.000000e+00 : f32
      %broadcast_in_dim3A_148 = vector.broadcast %broadcast_in_dim3A_147 : f32 to vector<16xf32>
      %swap3A_149 = arith.index_cast %add3A_99 : i32 to index
      %swap3A_150 = arith.constant 112 : index
      %swap3A_151 = tpu.vector_load %arg13[%swap3A_149, %swap3A_150] {strides = array<i32>} : memref<120x128xf32, #tpu.memory_space<vmem>>, vector<1x16xf32>,
      %swap3A_152 = vector.shape_cast %swap3A_151 : vector<1x16xf32> to vector<16xf32>
      %swap3A_153 = vector.shape_cast %broadcast_in_dim3A_148 : vector<16xf32> to vector<1x16xf32>
      tpu.vector_store %arg13[%swap3A_149, %swap3A_150], %swap3A_153 {strides = array<i32>} : memref<120x128xf32, #tpu.memory_space<vmem>>, vector<1x16xf32>,
    }
    %scan3A_6 = arith.constant 120 : i32
    %mul3A_7 = arith.constant 632 : i32
    %mul3A_8 = arith.muli %arg1, %mul3A_7 : i32
    %lt3A = arith.constant 15 : i32
    %lt3A_9 = arith.cmpi slt, %arg1, %lt3A : i32
    %convert_element_type3A = arith.extui %lt3A_9 : i1 to i32
    %cond3A = arith.constant 0 : i32
    %cond3A_10 = arith.cmpi ne, %convert_element_type3A, %cond3A : i32
    scf.if %cond3A_10 {
      %add3A_95 = arith.constant 0 : i32
      %add3A_96 = arith.addi %mul3A_8, %add3A_95 : i32
      "tpu.region"() ({
        %run_scoped3A = tpu.sem_alloc : memref<!tpu.dma_semaphore, #tpu.memory_space<semaphore_mem>>
        %dma_start3A_107 = arith.constant 0 : i32
        %dma_start3A_108 = tpu.memref_slice %arg16[%add3A_96, %dma_start3A_107] : memref<10008x128xf32, #tpu.memory_space<vmem_shared>> -> memref<120x128xf32, #tpu.memory_space<vmem_shared>>
        %dma_start3A_109 = arith.constant 0 : i32
        %dma_start3A_110 = tpu.memref_slice %arg16[%add3A_96, %dma_start3A_109] : memref<10008x128xf32, #tpu.memory_space<vmem_shared>> -> memref<120x128xf32, #tpu.memory_space<vmem_shared>>
        tpu.enqueue_dma source(%arg13 : memref<120x128xf32, #tpu.memory_space<vmem>>) target(%dma_start3A_110 : memref<120x128xf32, #tpu.memory_space<vmem_shared>>) target_semaphore(%run_scoped3A : memref<!tpu.dma_semaphore, #tpu.memory_space<semaphore_mem>>)
        %dma_wait3A_111 = arith.constant 0 : i32
        %dma_wait3A_112 = tpu.memref_slice %arg16[%add3A_96, %dma_wait3A_111] : memref<10008x128xf32, #tpu.memory_space<vmem_shared>> -> memref<120x128xf32, #tpu.memory_space<vmem_shared>>
        %dma_wait3A_113 = arith.constant 0 : i32
        %dma_wait3A_114 = tpu.memref_slice %arg16[%add3A_96, %dma_wait3A_113] : memref<10008x128xf32, #tpu.memory_space<vmem_shared>> -> memref<120x128xf32, #tpu.memory_space<vmem_shared>>
        tpu.wait_dma2 semaphore(%run_scoped3A : memref<!tpu.dma_semaphore, #tpu.memory_space<semaphore_mem>>) src(%arg13 : memref<120x128xf32, #tpu.memory_space<vmem>>) dst(%dma_wait3A_114 : memref<120x128xf32, #tpu.memory_space<vmem_shared>>)
        tpu.yield
      }) : () -> ()
      %add3A_97 = arith.constant 120 : i32
      %add3A_98 = arith.addi %mul3A_8, %add3A_97 : i32
      "tpu.region"() ({
        %run_scoped3A = tpu.sem_alloc : memref<!tpu.dma_semaphore, #tpu.memory_space<semaphore_mem>>
        %dma_start3A_107 = arith.constant 0 : i32
        %dma_start3A_108 = tpu.memref_slice %arg16[%add3A_98, %dma_start3A_107] : memref<10008x128xf32, #tpu.memory_space<vmem_shared>> -> memref<120x128xf32, #tpu.memory_space<vmem_shared>>
        %dma_start3A_109 = arith.constant 0 : i32
        %dma_start3A_110 = tpu.memref_slice %arg16[%add3A_98, %dma_start3A_109] : memref<10008x128xf32, #tpu.memory_space<vmem_shared>> -> memref<120x128xf32, #tpu.memory_space<vmem_shared>>
        tpu.enqueue_dma source(%arg13 : memref<120x128xf32, #tpu.memory_space<vmem>>) target(%dma_start3A_110 : memref<120x128xf32, #tpu.memory_space<vmem_shared>>) target_semaphore(%run_scoped3A : memref<!tpu.dma_semaphore, #tpu.memory_space<semaphore_mem>>)
        %dma_wait3A_111 = arith.constant 0 : i32
        %dma_wait3A_112 = tpu.memref_slice %arg16[%add3A_98, %dma_wait3A_111] : memref<10008x128xf32, #tpu.memory_space<vmem_shared>> -> memref<120x128xf32, #tpu.memory_space<vmem_shared>>
        %dma_wait3A_113 = arith.constant 0 : i32
        %dma_wait3A_114 = tpu.memref_slice %arg16[%add3A_98, %dma_wait3A_113] : memref<10008x128xf32, #tpu.memory_space<vmem_shared>> -> memref<120x128xf32, #tpu.memory_space<vmem_shared>>
        tpu.wait_dma2 semaphore(%run_scoped3A : memref<!tpu.dma_semaphore, #tpu.memory_space<semaphore_mem>>) src(%arg13 : memref<120x128xf32, #tpu.memory_space<vmem>>) dst(%dma_wait3A_114 : memref<120x128xf32, #tpu.memory_space<vmem_shared>>)
        tpu.yield
      }) : () -> ()
      %add3A_99 = arith.constant 240 : i32
      %add3A_100 = arith.addi %mul3A_8, %add3A_99 : i32
      "tpu.region"() ({
        %run_scoped3A = tpu.sem_alloc : memref<!tpu.dma_semaphore, #tpu.memory_space<semaphore_mem>>
        %dma_start3A_107 = arith.constant 0 : i32
        %dma_start3A_108 = tpu.memref_slice %arg16[%add3A_100, %dma_start3A_107] : memref<10008x128xf32, #tpu.memory_space<vmem_shared>> -> memref<120x128xf32, #tpu.memory_space<vmem_shared>>
        %dma_start3A_109 = arith.constant 0 : i32
        %dma_start3A_110 = tpu.memref_slice %arg16[%add3A_100, %dma_start3A_109] : memref<10008x128xf32, #tpu.memory_space<vmem_shared>> -> memref<120x128xf32, #tpu.memory_space<vmem_shared>>
        tpu.enqueue_dma source(%arg13 : memref<120x128xf32, #tpu.memory_space<vmem>>) target(%dma_start3A_110 : memref<120x128xf32, #tpu.memory_space<vmem_shared>>) target_semaphore(%run_scoped3A : memref<!tpu.dma_semaphore, #tpu.memory_space<semaphore_mem>>)
        %dma_wait3A_111 = arith.constant 0 : i32
        %dma_wait3A_112 = tpu.memref_slice %arg16[%add3A_100, %dma_wait3A_111] : memref<10008x128xf32, #tpu.memory_space<vmem_shared>> -> memref<120x128xf32, #tpu.memory_space<vmem_shared>>
        %dma_wait3A_113 = arith.constant 0 : i32
        %dma_wait3A_114 = tpu.memref_slice %arg16[%add3A_100, %dma_wait3A_113] : memref<10008x128xf32, #tpu.memory_space<vmem_shared>> -> memref<120x128xf32, #tpu.memory_space<vmem_shared>>
        tpu.wait_dma2 semaphore(%run_scoped3A : memref<!tpu.dma_semaphore, #tpu.memory_space<semaphore_mem>>) src(%arg13 : memref<120x128xf32, #tpu.memory_space<vmem>>) dst(%dma_wait3A_114 : memref<120x128xf32, #tpu.memory_space<vmem_shared>>)
        tpu.yield
      }) : () -> ()
      %add3A_101 = arith.constant 360 : i32
      %add3A_102 = arith.addi %mul3A_8, %add3A_101 : i32
      "tpu.region"() ({
        %run_scoped3A = tpu.sem_alloc : memref<!tpu.dma_semaphore, #tpu.memory_space<semaphore_mem>>
        %dma_start3A_107 = arith.constant 0 : i32
        %dma_start3A_108 = tpu.memref_slice %arg16[%add3A_102, %dma_start3A_107] : memref<10008x128xf32, #tpu.memory_space<vmem_shared>> -> memref<120x128xf32, #tpu.memory_space<vmem_shared>>
        %dma_start3A_109 = arith.constant 0 : i32
        %dma_start3A_110 = tpu.memref_slice %arg16[%add3A_102, %dma_start3A_109] : memref<10008x128xf32, #tpu.memory_space<vmem_shared>> -> memref<120x128xf32, #tpu.memory_space<vmem_shared>>
        tpu.enqueue_dma source(%arg13 : memref<120x128xf32, #tpu.memory_space<vmem>>) target(%dma_start3A_110 : memref<120x128xf32, #tpu.memory_space<vmem_shared>>) target_semaphore(%run_scoped3A : memref<!tpu.dma_semaphore, #tpu.memory_space<semaphore_mem>>)
        %dma_wait3A_111 = arith.constant 0 : i32
        %dma_wait3A_112 = tpu.memref_slice %arg16[%add3A_102, %dma_wait3A_111] : memref<10008x128xf32, #tpu.memory_space<vmem_shared>> -> memref<120x128xf32, #tpu.memory_space<vmem_shared>>
        %dma_wait3A_113 = arith.constant 0 : i32
        %dma_wait3A_114 = tpu.memref_slice %arg16[%add3A_102, %dma_wait3A_113] : memref<10008x128xf32, #tpu.memory_space<vmem_shared>> -> memref<120x128xf32, #tpu.memory_space<vmem_shared>>
        tpu.wait_dma2 semaphore(%run_scoped3A : memref<!tpu.dma_semaphore, #tpu.memory_space<semaphore_mem>>) src(%arg13 : memref<120x128xf32, #tpu.memory_space<vmem>>) dst(%dma_wait3A_114 : memref<120x128xf32, #tpu.memory_space<vmem_shared>>)
        tpu.yield
      }) : () -> ()
      %add3A_103 = arith.constant 480 : i32
      %add3A_104 = arith.addi %mul3A_8, %add3A_103 : i32
      "tpu.region"() ({
        %run_scoped3A = tpu.sem_alloc : memref<!tpu.dma_semaphore, #tpu.memory_space<semaphore_mem>>
        %dma_start3A_107 = arith.constant 0 : i32
        %dma_start3A_108 = tpu.memref_slice %arg16[%add3A_104, %dma_start3A_107] : memref<10008x128xf32, #tpu.memory_space<vmem_shared>> -> memref<120x128xf32, #tpu.memory_space<vmem_shared>>
        %dma_start3A_109 = arith.constant 0 : i32
        %dma_start3A_110 = tpu.memref_slice %arg16[%add3A_104, %dma_start3A_109] : memref<10008x128xf32, #tpu.memory_space<vmem_shared>> -> memref<120x128xf32, #tpu.memory_space<vmem_shared>>
        tpu.enqueue_dma source(%arg13 : memref<120x128xf32, #tpu.memory_space<vmem>>) target(%dma_start3A_110 : memref<120x128xf32, #tpu.memory_space<vmem_shared>>) target_semaphore(%run_scoped3A : memref<!tpu.dma_semaphore, #tpu.memory_space<semaphore_mem>>)
        %dma_wait3A_111 = arith.constant 0 : i32
        %dma_wait3A_112 = tpu.memref_slice %arg16[%add3A_104, %dma_wait3A_111] : memref<10008x128xf32, #tpu.memory_space<vmem_shared>> -> memref<120x128xf32, #tpu.memory_space<vmem_shared>>
        %dma_wait3A_113 = arith.constant 0 : i32
        %dma_wait3A_114 = tpu.memref_slice %arg16[%add3A_104, %dma_wait3A_113] : memref<10008x128xf32, #tpu.memory_space<vmem_shared>> -> memref<120x128xf32, #tpu.memory_space<vmem_shared>>
        tpu.wait_dma2 semaphore(%run_scoped3A : memref<!tpu.dma_semaphore, #tpu.memory_space<semaphore_mem>>) src(%arg13 : memref<120x128xf32, #tpu.memory_space<vmem>>) dst(%dma_wait3A_114 : memref<120x128xf32, #tpu.memory_space<vmem_shared>>)
        tpu.yield
      }) : () -> ()
      %add3A_105 = arith.constant 600 : i32
      %add3A_106 = arith.addi %mul3A_8, %add3A_105 : i32
      "tpu.region"() ({
        %run_scoped3A = tpu.sem_alloc : memref<!tpu.dma_semaphore, #tpu.memory_space<semaphore_mem>>
        %dma_start3A_107 = arith.constant 0 : i32
        %dma_start3A_108 = arith.constant 0 : i32
        %dma_start3A_109 = tpu.memref_slice %arg13[%dma_start3A_107, %dma_start3A_108] : memref<120x128xf32, #tpu.memory_space<vmem>> -> memref<32x128xf32, #tpu.memory_space<vmem>>
        %dma_start3A_110 = arith.constant 0 : i32
        %dma_start3A_111 = tpu.memref_slice %arg16[%add3A_106, %dma_start3A_110] : memref<10008x128xf32, #tpu.memory_space<vmem_shared>> -> memref<32x128xf32, #tpu.memory_space<vmem_shared>>
        %dma_start3A_112 = arith.constant 0 : i32
        %dma_start3A_113 = tpu.memref_slice %arg16[%add3A_106, %dma_start3A_112] : memref<10008x128xf32, #tpu.memory_space<vmem_shared>> -> memref<32x128xf32, #tpu.memory_space<vmem_shared>>
        %dma_start3A_114 = arith.constant 0 : i32
        %dma_start3A_115 = arith.constant 0 : i32
        %dma_start3A_116 = tpu.memref_slice %arg13[%dma_start3A_114, %dma_start3A_115] : memref<120x128xf32, #tpu.memory_space<vmem>> -> memref<32x128xf32, #tpu.memory_space<vmem>>
        tpu.enqueue_dma source(%dma_start3A_116 : memref<32x128xf32, #tpu.memory_space<vmem>>) target(%dma_start3A_113 : memref<32x128xf32, #tpu.memory_space<vmem_shared>>) target_semaphore(%run_scoped3A : memref<!tpu.dma_semaphore, #tpu.memory_space<semaphore_mem>>)
        %dma_wait3A_117 = arith.constant 0 : i32
        %dma_wait3A_118 = arith.constant 0 : i32
        %dma_wait3A_119 = tpu.memref_slice %arg13[%dma_wait3A_117, %dma_wait3A_118] : memref<120x128xf32, #tpu.memory_space<vmem>> -> memref<32x128xf32, #tpu.memory_space<vmem>>
        %dma_wait3A_120 = arith.constant 0 : i32
        %dma_wait3A_121 = tpu.memref_slice %arg16[%add3A_106, %dma_wait3A_120] : memref<10008x128xf32, #tpu.memory_space<vmem_shared>> -> memref<32x128xf32, #tpu.memory_space<vmem_shared>>
        %dma_wait3A_122 = arith.constant 0 : i32
        %dma_wait3A_123 = tpu.memref_slice %arg16[%add3A_106, %dma_wait3A_122] : memref<10008x128xf32, #tpu.memory_space<vmem_shared>> -> memref<32x128xf32, #tpu.memory_space<vmem_shared>>
        %dma_wait3A_124 = arith.constant 0 : i32
        %dma_wait3A_125 = arith.constant 0 : i32
        %dma_wait3A_126 = tpu.memref_slice %arg13[%dma_wait3A_124, %dma_wait3A_125] : memref<120x128xf32, #tpu.memory_space<vmem>> -> memref<32x128xf32, #tpu.memory_space<vmem>>
        tpu.wait_dma2 semaphore(%run_scoped3A : memref<!tpu.dma_semaphore, #tpu.memory_space<semaphore_mem>>) src(%dma_wait3A_126 : memref<32x128xf32, #tpu.memory_space<vmem>>) dst(%dma_wait3A_123 : memref<32x128xf32, #tpu.memory_space<vmem_shared>>)
        tpu.yield
      }) : () -> ()
    } else {
    }
    %eq3A = arith.constant 15 : i32
    %eq3A_11 = arith.cmpi eq, %arg1, %eq3A : i32
    %convert_element_type3A_12 = arith.extui %eq3A_11 : i1 to i32
    %cond3A_13 = arith.constant 0 : i32
    %cond3A_14 = arith.cmpi ne, %convert_element_type3A_12, %cond3A_13 : i32
    scf.if %cond3A_14 {
      %add3A_95 = arith.constant 0 : i32
      %add3A_96 = arith.addi %mul3A_8, %add3A_95 : i32
      "tpu.region"() ({
        %run_scoped3A = tpu.sem_alloc : memref<!tpu.dma_semaphore, #tpu.memory_space<semaphore_mem>>
        %dma_start3A_105 = arith.constant 0 : i32
        %dma_start3A_106 = tpu.memref_slice %arg16[%add3A_96, %dma_start3A_105] : memref<10008x128xf32, #tpu.memory_space<vmem_shared>> -> memref<120x128xf32, #tpu.memory_space<vmem_shared>>
        %dma_start3A_107 = arith.constant 0 : i32
        %dma_start3A_108 = tpu.memref_slice %arg16[%add3A_96, %dma_start3A_107] : memref<10008x128xf32, #tpu.memory_space<vmem_shared>> -> memref<120x128xf32, #tpu.memory_space<vmem_shared>>
        tpu.enqueue_dma source(%arg13 : memref<120x128xf32, #tpu.memory_space<vmem>>) target(%dma_start3A_108 : memref<120x128xf32, #tpu.memory_space<vmem_shared>>) target_semaphore(%run_scoped3A : memref<!tpu.dma_semaphore, #tpu.memory_space<semaphore_mem>>)
        %dma_wait3A_109 = arith.constant 0 : i32
        %dma_wait3A_110 = tpu.memref_slice %arg16[%add3A_96, %dma_wait3A_109] : memref<10008x128xf32, #tpu.memory_space<vmem_shared>> -> memref<120x128xf32, #tpu.memory_space<vmem_shared>>
        %dma_wait3A_111 = arith.constant 0 : i32
        %dma_wait3A_112 = tpu.memref_slice %arg16[%add3A_96, %dma_wait3A_111] : memref<10008x128xf32, #tpu.memory_space<vmem_shared>> -> memref<120x128xf32, #tpu.memory_space<vmem_shared>>
        tpu.wait_dma2 semaphore(%run_scoped3A : memref<!tpu.dma_semaphore, #tpu.memory_space<semaphore_mem>>) src(%arg13 : memref<120x128xf32, #tpu.memory_space<vmem>>) dst(%dma_wait3A_112 : memref<120x128xf32, #tpu.memory_space<vmem_shared>>)
        tpu.yield
      }) : () -> ()
      %add3A_97 = arith.constant 120 : i32
      %add3A_98 = arith.addi %mul3A_8, %add3A_97 : i32
      "tpu.region"() ({
        %run_scoped3A = tpu.sem_alloc : memref<!tpu.dma_semaphore, #tpu.memory_space<semaphore_mem>>
        %dma_start3A_105 = arith.constant 0 : i32
        %dma_start3A_106 = tpu.memref_slice %arg16[%add3A_98, %dma_start3A_105] : memref<10008x128xf32, #tpu.memory_space<vmem_shared>> -> memref<120x128xf32, #tpu.memory_space<vmem_shared>>
        %dma_start3A_107 = arith.constant 0 : i32
        %dma_start3A_108 = tpu.memref_slice %arg16[%add3A_98, %dma_start3A_107] : memref<10008x128xf32, #tpu.memory_space<vmem_shared>> -> memref<120x128xf32, #tpu.memory_space<vmem_shared>>
        tpu.enqueue_dma source(%arg13 : memref<120x128xf32, #tpu.memory_space<vmem>>) target(%dma_start3A_108 : memref<120x128xf32, #tpu.memory_space<vmem_shared>>) target_semaphore(%run_scoped3A : memref<!tpu.dma_semaphore, #tpu.memory_space<semaphore_mem>>)
        %dma_wait3A_109 = arith.constant 0 : i32
        %dma_wait3A_110 = tpu.memref_slice %arg16[%add3A_98, %dma_wait3A_109] : memref<10008x128xf32, #tpu.memory_space<vmem_shared>> -> memref<120x128xf32, #tpu.memory_space<vmem_shared>>
        %dma_wait3A_111 = arith.constant 0 : i32
        %dma_wait3A_112 = tpu.memref_slice %arg16[%add3A_98, %dma_wait3A_111] : memref<10008x128xf32, #tpu.memory_space<vmem_shared>> -> memref<120x128xf32, #tpu.memory_space<vmem_shared>>
        tpu.wait_dma2 semaphore(%run_scoped3A : memref<!tpu.dma_semaphore, #tpu.memory_space<semaphore_mem>>) src(%arg13 : memref<120x128xf32, #tpu.memory_space<vmem>>) dst(%dma_wait3A_112 : memref<120x128xf32, #tpu.memory_space<vmem_shared>>)
        tpu.yield
      }) : () -> ()
      %add3A_99 = arith.constant 240 : i32
      %add3A_100 = arith.addi %mul3A_8, %add3A_99 : i32
      "tpu.region"() ({
        %run_scoped3A = tpu.sem_alloc : memref<!tpu.dma_semaphore, #tpu.memory_space<semaphore_mem>>
        %dma_start3A_105 = arith.constant 0 : i32
        %dma_start3A_106 = tpu.memref_slice %arg16[%add3A_100, %dma_start3A_105] : memref<10008x128xf32, #tpu.memory_space<vmem_shared>> -> memref<120x128xf32, #tpu.memory_space<vmem_shared>>
        %dma_start3A_107 = arith.constant 0 : i32
        %dma_start3A_108 = tpu.memref_slice %arg16[%add3A_100, %dma_start3A_107] : memref<10008x128xf32, #tpu.memory_space<vmem_shared>> -> memref<120x128xf32, #tpu.memory_space<vmem_shared>>
        tpu.enqueue_dma source(%arg13 : memref<120x128xf32, #tpu.memory_space<vmem>>) target(%dma_start3A_108 : memref<120x128xf32, #tpu.memory_space<vmem_shared>>) target_semaphore(%run_scoped3A : memref<!tpu.dma_semaphore, #tpu.memory_space<semaphore_mem>>)
        %dma_wait3A_109 = arith.constant 0 : i32
        %dma_wait3A_110 = tpu.memref_slice %arg16[%add3A_100, %dma_wait3A_109] : memref<10008x128xf32, #tpu.memory_space<vmem_shared>> -> memref<120x128xf32, #tpu.memory_space<vmem_shared>>
        %dma_wait3A_111 = arith.constant 0 : i32
        %dma_wait3A_112 = tpu.memref_slice %arg16[%add3A_100, %dma_wait3A_111] : memref<10008x128xf32, #tpu.memory_space<vmem_shared>> -> memref<120x128xf32, #tpu.memory_space<vmem_shared>>
        tpu.wait_dma2 semaphore(%run_scoped3A : memref<!tpu.dma_semaphore, #tpu.memory_space<semaphore_mem>>) src(%arg13 : memref<120x128xf32, #tpu.memory_space<vmem>>) dst(%dma_wait3A_112 : memref<120x128xf32, #tpu.memory_space<vmem_shared>>)
        tpu.yield
      }) : () -> ()
      %add3A_101 = arith.constant 360 : i32
      %add3A_102 = arith.addi %mul3A_8, %add3A_101 : i32
      "tpu.region"() ({
        %run_scoped3A = tpu.sem_alloc : memref<!tpu.dma_semaphore, #tpu.memory_space<semaphore_mem>>
        %dma_start3A_105 = arith.constant 0 : i32
        %dma_start3A_106 = tpu.memref_slice %arg16[%add3A_102, %dma_start3A_105] : memref<10008x128xf32, #tpu.memory_space<vmem_shared>> -> memref<120x128xf32, #tpu.memory_space<vmem_shared>>
        %dma_start3A_107 = arith.constant 0 : i32
        %dma_start3A_108 = tpu.memref_slice %arg16[%add3A_102, %dma_start3A_107] : memref<10008x128xf32, #tpu.memory_space<vmem_shared>> -> memref<120x128xf32, #tpu.memory_space<vmem_shared>>
        tpu.enqueue_dma source(%arg13 : memref<120x128xf32, #tpu.memory_space<vmem>>) target(%dma_start3A_108 : memref<120x128xf32, #tpu.memory_space<vmem_shared>>) target_semaphore(%run_scoped3A : memref<!tpu.dma_semaphore, #tpu.memory_space<semaphore_mem>>)
        %dma_wait3A_109 = arith.constant 0 : i32
        %dma_wait3A_110 = tpu.memref_slice %arg16[%add3A_102, %dma_wait3A_109] : memref<10008x128xf32, #tpu.memory_space<vmem_shared>> -> memref<120x128xf32, #tpu.memory_space<vmem_shared>>
        %dma_wait3A_111 = arith.constant 0 : i32
        %dma_wait3A_112 = tpu.memref_slice %arg16[%add3A_102, %dma_wait3A_111] : memref<10008x128xf32, #tpu.memory_space<vmem_shared>> -> memref<120x128xf32, #tpu.memory_space<vmem_shared>>
        tpu.wait_dma2 semaphore(%run_scoped3A : memref<!tpu.dma_semaphore, #tpu.memory_space<semaphore_mem>>) src(%arg13 : memref<120x128xf32, #tpu.memory_space<vmem>>) dst(%dma_wait3A_112 : memref<120x128xf32, #tpu.memory_space<vmem_shared>>)
        tpu.yield
      }) : () -> ()
      %add3A_103 = arith.constant 480 : i32
      %add3A_104 = arith.addi %mul3A_8, %add3A_103 : i32
      "tpu.region"() ({
        %run_scoped3A = tpu.sem_alloc : memref<!tpu.dma_semaphore, #tpu.memory_space<semaphore_mem>>
        %dma_start3A_105 = arith.constant 0 : i32
        %dma_start3A_106 = arith.constant 0 : i32
        %dma_start3A_107 = tpu.memref_slice %arg13[%dma_start3A_105, %dma_start3A_106] : memref<120x128xf32, #tpu.memory_space<vmem>> -> memref<40x128xf32, #tpu.memory_space<vmem>>
        %dma_start3A_108 = arith.constant 0 : i32
        %dma_start3A_109 = tpu.memref_slice %arg16[%add3A_104, %dma_start3A_108] : memref<10008x128xf32, #tpu.memory_space<vmem_shared>> -> memref<40x128xf32, #tpu.memory_space<vmem_shared>>
        %dma_start3A_110 = arith.constant 0 : i32
        %dma_start3A_111 = tpu.memref_slice %arg16[%add3A_104, %dma_start3A_110] : memref<10008x128xf32, #tpu.memory_space<vmem_shared>> -> memref<40x128xf32, #tpu.memory_space<vmem_shared>>
        %dma_start3A_112 = arith.constant 0 : i32
        %dma_start3A_113 = arith.constant 0 : i32
        %dma_start3A_114 = tpu.memref_slice %arg13[%dma_start3A_112, %dma_start3A_113] : memref<120x128xf32, #tpu.memory_space<vmem>> -> memref<40x128xf32, #tpu.memory_space<vmem>>
        tpu.enqueue_dma source(%dma_start3A_114 : memref<40x128xf32, #tpu.memory_space<vmem>>) target(%dma_start3A_111 : memref<40x128xf32, #tpu.memory_space<vmem_shared>>) target_semaphore(%run_scoped3A : memref<!tpu.dma_semaphore, #tpu.memory_space<semaphore_mem>>)
        %dma_wait3A_115 = arith.constant 0 : i32
        %dma_wait3A_116 = arith.constant 0 : i32
        %dma_wait3A_117 = tpu.memref_slice %arg13[%dma_wait3A_115, %dma_wait3A_116] : memref<120x128xf32, #tpu.memory_space<vmem>> -> memref<40x128xf32, #tpu.memory_space<vmem>>
        %dma_wait3A_118 = arith.constant 0 : i32
        %dma_wait3A_119 = tpu.memref_slice %arg16[%add3A_104, %dma_wait3A_118] : memref<10008x128xf32, #tpu.memory_space<vmem_shared>> -> memref<40x128xf32, #tpu.memory_space<vmem_shared>>
        %dma_wait3A_120 = arith.constant 0 : i32
        %dma_wait3A_121 = tpu.memref_slice %arg16[%add3A_104, %dma_wait3A_120] : memref<10008x128xf32, #tpu.memory_space<vmem_shared>> -> memref<40x128xf32, #tpu.memory_space<vmem_shared>>
        %dma_wait3A_122 = arith.constant 0 : i32
        %dma_wait3A_123 = arith.constant 0 : i32
        %dma_wait3A_124 = tpu.memref_slice %arg13[%dma_wait3A_122, %dma_wait3A_123] : memref<120x128xf32, #tpu.memory_space<vmem>> -> memref<40x128xf32, #tpu.memory_space<vmem>>
        tpu.wait_dma2 semaphore(%run_scoped3A : memref<!tpu.dma_semaphore, #tpu.memory_space<semaphore_mem>>) src(%dma_wait3A_124 : memref<40x128xf32, #tpu.memory_space<vmem>>) dst(%dma_wait3A_121 : memref<40x128xf32, #tpu.memory_space<vmem_shared>>)
        tpu.yield
      }) : () -> ()
    } else {
    }
    %add3A_15 = arith.constant 0 : i32
    %add3A_16 = arith.addi %mul3A_2, %add3A_15 : i32
    %dma_start3A = tpu.memref_slice %arg3[%add3A_16] : memref<322560xi32, #tpu.memory_space<hbm>> -> memref<120xi32, #tpu.memory_space<hbm>>
    %dma_start3A_17 = tpu.memref_slice %arg3[%add3A_16] : memref<322560xi32, #tpu.memory_space<hbm>> -> memref<120xi32, #tpu.memory_space<hbm>>
    tpu.enqueue_dma source(%dma_start3A_17 : memref<120xi32, #tpu.memory_space<hbm>>) target(%arg7 : memref<120xi32, #tpu.memory_space<vmem>>) target_semaphore(%arg17 : memref<!tpu.dma_semaphore, #tpu.memory_space<semaphore_mem>>)
    %add3A_18 = arith.constant 0 : i32
    %add3A_19 = arith.addi %mul3A_2, %add3A_18 : i32
    %dma_start3A_20 = tpu.memref_slice %arg4[%add3A_19] : memref<322560xi32, #tpu.memory_space<hbm>> -> memref<120xi32, #tpu.memory_space<hbm>>
    %dma_start3A_21 = tpu.memref_slice %arg4[%add3A_19] : memref<322560xi32, #tpu.memory_space<hbm>> -> memref<120xi32, #tpu.memory_space<hbm>>
    tpu.enqueue_dma source(%dma_start3A_21 : memref<120xi32, #tpu.memory_space<hbm>>) target(%arg10 : memref<120xi32, #tpu.memory_space<vmem>>) target_semaphore(%arg17 : memref<!tpu.dma_semaphore, #tpu.memory_space<semaphore_mem>>)
    %add3A_22 = arith.constant 120 : i32
    %add3A_23 = arith.addi %mul3A_2, %add3A_22 : i32
    %dma_start3A_24 = tpu.memref_slice %arg3[%add3A_23] : memref<322560xi32, #tpu.memory_space<hbm>> -> memref<120xi32, #tpu.memory_space<hbm>>
    %dma_start3A_25 = tpu.memref_slice %arg3[%add3A_23] : memref<322560xi32, #tpu.memory_space<hbm>> -> memref<120xi32, #tpu.memory_space<hbm>>
    tpu.enqueue_dma source(%dma_start3A_25 : memref<120xi32, #tpu.memory_space<hbm>>) target(%arg8 : memref<120xi32, #tpu.memory_space<vmem>>) target_semaphore(%arg18 : memref<!tpu.dma_semaphore, #tpu.memory_space<semaphore_mem>>)
    %add3A_26 = arith.constant 120 : i32
    %add3A_27 = arith.addi %mul3A_2, %add3A_26 : i32
    %dma_start3A_28 = tpu.memref_slice %arg4[%add3A_27] : memref<322560xi32, #tpu.memory_space<hbm>> -> memref<120xi32, #tpu.memory_space<hbm>>
    %dma_start3A_29 = tpu.memref_slice %arg4[%add3A_27] : memref<322560xi32, #tpu.memory_space<hbm>> -> memref<120xi32, #tpu.memory_space<hbm>>
    tpu.enqueue_dma source(%dma_start3A_29 : memref<120xi32, #tpu.memory_space<hbm>>) target(%arg11 : memref<120xi32, #tpu.memory_space<vmem>>) target_semaphore(%arg18 : memref<!tpu.dma_semaphore, #tpu.memory_space<semaphore_mem>>)
    %add3A_30 = arith.constant 240 : i32
    %add3A_31 = arith.addi %mul3A_2, %add3A_30 : i32
    %dma_start3A_32 = tpu.memref_slice %arg3[%add3A_31] : memref<322560xi32, #tpu.memory_space<hbm>> -> memref<120xi32, #tpu.memory_space<hbm>>
    %dma_start3A_33 = tpu.memref_slice %arg3[%add3A_31] : memref<322560xi32, #tpu.memory_space<hbm>> -> memref<120xi32, #tpu.memory_space<hbm>>
    tpu.enqueue_dma source(%dma_start3A_33 : memref<120xi32, #tpu.memory_space<hbm>>) target(%arg9 : memref<120xi32, #tpu.memory_space<vmem>>) target_semaphore(%arg19 : memref<!tpu.dma_semaphore, #tpu.memory_space<semaphore_mem>>)
    %add3A_34 = arith.constant 240 : i32
    %add3A_35 = arith.addi %mul3A_2, %add3A_34 : i32
    %dma_start3A_36 = tpu.memref_slice %arg4[%add3A_35] : memref<322560xi32, #tpu.memory_space<hbm>> -> memref<120xi32, #tpu.memory_space<hbm>>
    %dma_start3A_37 = tpu.memref_slice %arg4[%add3A_35] : memref<322560xi32, #tpu.memory_space<hbm>> -> memref<120xi32, #tpu.memory_space<hbm>>
    tpu.enqueue_dma source(%dma_start3A_37 : memref<120xi32, #tpu.memory_space<hbm>>) target(%arg12 : memref<120xi32, #tpu.memory_space<vmem>>) target_semaphore(%arg19 : memref<!tpu.dma_semaphore, #tpu.memory_space<semaphore_mem>>)
    %barrier3A = arith.constant 0 : index
    tpu.barrier barrier_id(%barrier3A)
    %add3A_38 = arith.constant 0 : i32
    %add3A_39 = arith.addi %mul3A_2, %add3A_38 : i32
    %dma_wait3A = tpu.memref_slice %arg3[%add3A_39] : memref<322560xi32, #tpu.memory_space<hbm>> -> memref<120xi32, #tpu.memory_space<hbm>>
    %dma_wait3A_40 = tpu.memref_slice %arg3[%add3A_39] : memref<322560xi32, #tpu.memory_space<hbm>> -> memref<120xi32, #tpu.memory_space<hbm>>
    tpu.wait_dma2 semaphore(%arg17 : memref<!tpu.dma_semaphore, #tpu.memory_space<semaphore_mem>>) src(%dma_wait3A_40 : memref<120xi32, #tpu.memory_space<hbm>>) dst(%arg7 : memref<120xi32, #tpu.memory_space<vmem>>)
    %add3A_41 = arith.constant 0 : i32
    %add3A_42 = arith.addi %mul3A_2, %add3A_41 : i32
    %dma_wait3A_43 = tpu.memref_slice %arg4[%add3A_42] : memref<322560xi32, #tpu.memory_space<hbm>> -> memref<120xi32, #tpu.memory_space<hbm>>
    %dma_wait3A_44 = tpu.memref_slice %arg4[%add3A_42] : memref<322560xi32, #tpu.memory_space<hbm>> -> memref<120xi32, #tpu.memory_space<hbm>>
    tpu.wait_dma2 semaphore(%arg17 : memref<!tpu.dma_semaphore, #tpu.memory_space<semaphore_mem>>) src(%dma_wait3A_44 : memref<120xi32, #tpu.memory_space<hbm>>) dst(%arg10 : memref<120xi32, #tpu.memory_space<vmem>>)
    %dma_start3A_45 = arith.constant 0 : i32
    %dma_start3A_46 = arith.constant 0 : i32
    %dma_start3A_47 = tpu.memref_slice %arg2[%dma_start3A_45, %dma_start3A_46] : memref<10000x128xf32, #tpu.memory_space<hbm>> -> memref<10000x128xf32, #tpu.memory_space<hbm>>
    tpu.enqueue_indirect_dma source(%dma_start3A_47 : memref<10000x128xf32, #tpu.memory_space<hbm>>) target(%arg13 : memref<120x128xf32, #tpu.memory_space<vmem>>) offsets(%arg7 : memref<120xi32, #tpu.memory_space<vmem>>) semaphore(%arg20 : memref<!tpu.dma_semaphore, #tpu.memory_space<semaphore_mem>>)
    %add3A_48 = arith.constant 120 : i32
    %add3A_49 = arith.addi %mul3A_2, %add3A_48 : i32
    %dma_wait3A_50 = tpu.memref_slice %arg3[%add3A_49] : memref<322560xi32, #tpu.memory_space<hbm>> -> memref<120xi32, #tpu.memory_space<hbm>>
    %dma_wait3A_51 = tpu.memref_slice %arg3[%add3A_49] : memref<322560xi32, #tpu.memory_space<hbm>> -> memref<120xi32, #tpu.memory_space<hbm>>
    tpu.wait_dma2 semaphore(%arg18 : memref<!tpu.dma_semaphore, #tpu.memory_space<semaphore_mem>>) src(%dma_wait3A_51 : memref<120xi32, #tpu.memory_space<hbm>>) dst(%arg8 : memref<120xi32, #tpu.memory_space<vmem>>)
    %add3A_52 = arith.constant 120 : i32
    %add3A_53 = arith.addi %mul3A_2, %add3A_52 : i32
    %dma_wait3A_54 = tpu.memref_slice %arg4[%add3A_53] : memref<322560xi32, #tpu.memory_space<hbm>> -> memref<120xi32, #tpu.memory_space<hbm>>
    %dma_wait3A_55 = tpu.memref_slice %arg4[%add3A_53] : memref<322560xi32, #tpu.memory_space<hbm>> -> memref<120xi32, #tpu.memory_space<hbm>>
    tpu.wait_dma2 semaphore(%arg18 : memref<!tpu.dma_semaphore, #tpu.memory_space<semaphore_mem>>) src(%dma_wait3A_55 : memref<120xi32, #tpu.memory_space<hbm>>) dst(%arg11 : memref<120xi32, #tpu.memory_space<vmem>>)
    %dma_start3A_56 = arith.constant 0 : i32
    %dma_start3A_57 = arith.constant 0 : i32
    %dma_start3A_58 = tpu.memref_slice %arg2[%dma_start3A_56, %dma_start3A_57] : memref<10000x128xf32, #tpu.memory_space<hbm>> -> memref<10000x128xf32, #tpu.memory_space<hbm>>
    tpu.enqueue_indirect_dma source(%dma_start3A_58 : memref<10000x128xf32, #tpu.memory_space<hbm>>) target(%arg14 : memref<120x128xf32, #tpu.memory_space<vmem>>) offsets(%arg8 : memref<120xi32, #tpu.memory_space<vmem>>) semaphore(%arg21 : memref<!tpu.dma_semaphore, #tpu.memory_space<semaphore_mem>>)
    %add3A_59 = arith.constant 240 : i32
    %add3A_60 = arith.addi %mul3A_2, %add3A_59 : i32
    %dma_wait3A_61 = tpu.memref_slice %arg3[%add3A_60] : memref<322560xi32, #tpu.memory_space<hbm>> -> memref<120xi32, #tpu.memory_space<hbm>>
    %dma_wait3A_62 = tpu.memref_slice %arg3[%add3A_60] : memref<322560xi32, #tpu.memory_space<hbm>> -> memref<120xi32, #tpu.memory_space<hbm>>
    tpu.wait_dma2 semaphore(%arg19 : memref<!tpu.dma_semaphore, #tpu.memory_space<semaphore_mem>>) src(%dma_wait3A_62 : memref<120xi32, #tpu.memory_space<hbm>>) dst(%arg9 : memref<120xi32, #tpu.memory_space<vmem>>)
    %add3A_63 = arith.constant 240 : i32
    %add3A_64 = arith.addi %mul3A_2, %add3A_63 : i32
    %dma_wait3A_65 = tpu.memref_slice %arg4[%add3A_64] : memref<322560xi32, #tpu.memory_space<hbm>> -> memref<120xi32, #tpu.memory_space<hbm>>
    %dma_wait3A_66 = tpu.memref_slice %arg4[%add3A_64] : memref<322560xi32, #tpu.memory_space<hbm>> -> memref<120xi32, #tpu.memory_space<hbm>>
    tpu.wait_dma2 semaphore(%arg19 : memref<!tpu.dma_semaphore, #tpu.memory_space<semaphore_mem>>) src(%dma_wait3A_66 : memref<120xi32, #tpu.memory_space<hbm>>) dst(%arg12 : memref<120xi32, #tpu.memory_space<vmem>>)
    %dma_start3A_67 = arith.constant 0 : i32
    %dma_start3A_68 = arith.constant 0 : i32
    %dma_start3A_69 = tpu.memref_slice %arg2[%dma_start3A_67, %dma_start3A_68] : memref<10000x128xf32, #tpu.memory_space<hbm>> -> memref<10000x128xf32, #tpu.memory_space<hbm>>
    tpu.enqueue_indirect_dma source(%dma_start3A_69 : memref<10000x128xf32, #tpu.memory_space<hbm>>) target(%arg15 : memref<120x128xf32, #tpu.memory_space<vmem>>) offsets(%arg9 : memref<120xi32, #tpu.memory_space<vmem>>) semaphore(%arg22 : memref<!tpu.dma_semaphore, #tpu.memory_space<semaphore_mem>>)
    %scan3A_70 = arith.constant 0 : i32
    %scan3A_71 = arith.constant 28 : i32
    %scan3A_72 = arith.addi %scan3A_70, %scan3A_71 : i32
    %scan3A_73 = arith.constant 1 : i32
    scf.for %scan3A_95 = %scan3A_70 to %scan3A_72 step %scan3A_73  : i32 {
      %mul3A_96 = arith.constant 3 : i32
      %mul3A_97 = arith.muli %scan3A_95, %mul3A_96 : i32
      %add3A_98 = arith.constant 0 : i32
      %add3A_99 = arith.addi %add3A_98, %mul3A_97 : i32
      %dma_wait3A_100 = arith.constant 0 : i32
      %dma_wait3A_101 = arith.constant 0 : i32
      %dma_wait3A_102 = tpu.memref_slice %arg2[%dma_wait3A_100, %dma_wait3A_101] : memref<10000x128xf32, #tpu.memory_space<hbm>> -> memref<10000x128xf32, #tpu.memory_space<hbm>>
      tpu.wait_indirect_dma semaphore(%arg20 : memref<!tpu.dma_semaphore, #tpu.memory_space<semaphore_mem>>) src(%dma_wait3A_102 : memref<10000x128xf32, #tpu.memory_space<hbm>>) dst(%arg13 : memref<120x128xf32, #tpu.memory_space<vmem>>)
      %dma_start3A_103 = arith.constant 0 : i32
      %dma_start3A_104 = arith.constant 0 : i32
      %dma_start3A_105 = tpu.memref_slice %arg16[%dma_start3A_103, %dma_start3A_104] : memref<10008x128xf32, #tpu.memory_space<vmem_shared>> -> memref<10008x128xf32, #tpu.memory_space<vmem_shared>>
      tpu.enqueue_indirect_dma source(%arg13 : memref<120x128xf32, #tpu.memory_space<vmem>>) target(%dma_start3A_105 : memref<10008x128xf32, #tpu.memory_space<vmem_shared>>) offsets(%arg10 : memref<120xi32, #tpu.memory_space<vmem>>) semaphore(%arg23 : memref<!tpu.dma_semaphore, #tpu.memory_space<semaphore_mem>>) {add = true}
      %dma_wait3A_106 = arith.constant 0 : i32
      %dma_wait3A_107 = arith.constant 0 : i32
      %dma_wait3A_108 = tpu.memref_slice %arg2[%dma_wait3A_106, %dma_wait3A_107] : memref<10000x128xf32, #tpu.memory_space<hbm>> -> memref<10000x128xf32, #tpu.memory_space<hbm>>
      tpu.wait_indirect_dma semaphore(%arg21 : memref<!tpu.dma_semaphore, #tpu.memory_space<semaphore_mem>>) src(%dma_wait3A_108 : memref<10000x128xf32, #tpu.memory_space<hbm>>) dst(%arg14 : memref<120x128xf32, #tpu.memory_space<vmem>>)
      %dma_start3A_109 = arith.constant 0 : i32
      %dma_start3A_110 = arith.constant 0 : i32
      %dma_start3A_111 = tpu.memref_slice %arg16[%dma_start3A_109, %dma_start3A_110] : memref<10008x128xf32, #tpu.memory_space<vmem_shared>> -> memref<10008x128xf32, #tpu.memory_space<vmem_shared>>
      tpu.enqueue_indirect_dma source(%arg14 : memref<120x128xf32, #tpu.memory_space<vmem>>) target(%dma_start3A_111 : memref<10008x128xf32, #tpu.memory_space<vmem_shared>>) offsets(%arg11 : memref<120xi32, #tpu.memory_space<vmem>>) semaphore(%arg24 : memref<!tpu.dma_semaphore, #tpu.memory_space<semaphore_mem>>) {add = true}
      %dma_wait3A_112 = arith.constant 0 : i32
      %dma_wait3A_113 = arith.constant 0 : i32
      %dma_wait3A_114 = tpu.memref_slice %arg2[%dma_wait3A_112, %dma_wait3A_113] : memref<10000x128xf32, #tpu.memory_space<hbm>> -> memref<10000x128xf32, #tpu.memory_space<hbm>>
      tpu.wait_indirect_dma semaphore(%arg22 : memref<!tpu.dma_semaphore, #tpu.memory_space<semaphore_mem>>) src(%dma_wait3A_114 : memref<10000x128xf32, #tpu.memory_space<hbm>>) dst(%arg15 : memref<120x128xf32, #tpu.memory_space<vmem>>)
      %dma_start3A_115 = arith.constant 0 : i32
      %dma_start3A_116 = arith.constant 0 : i32
      %dma_start3A_117 = tpu.memref_slice %arg16[%dma_start3A_115, %dma_start3A_116] : memref<10008x128xf32, #tpu.memory_space<vmem_shared>> -> memref<10008x128xf32, #tpu.memory_space<vmem_shared>>
      tpu.enqueue_indirect_dma source(%arg15 : memref<120x128xf32, #tpu.memory_space<vmem>>) target(%dma_start3A_117 : memref<10008x128xf32, #tpu.memory_space<vmem_shared>>) offsets(%arg12 : memref<120xi32, #tpu.memory_space<vmem>>) semaphore(%arg25 : memref<!tpu.dma_semaphore, #tpu.memory_space<semaphore_mem>>) {add = true}
      %add3A_118 = arith.constant 3 : i32
      %add3A_119 = arith.addi %add3A_99, %add3A_118 : i32
      %add3A_120 = arith.constant 0 : i32
      %add3A_121 = arith.addi %add3A_119, %add3A_120 : i32
      %min3A = arith.constant 83 : i32
      %min3A_122 = arith.minsi %add3A_121, %min3A : i32
      %mul3A_123 = arith.constant 120 : i32
      %mul3A_124 = arith.muli %min3A_122, %mul3A_123 : i32
      %add3A_125 = arith.addi %mul3A_2, %mul3A_124 : i32
      %dma_start3A_126 = tpu.memref_slice %arg3[%add3A_125] : memref<322560xi32, #tpu.memory_space<hbm>> -> memref<120xi32, #tpu.memory_space<hbm>>
      %dma_start3A_127 = tpu.memref_slice %arg3[%add3A_125] : memref<322560xi32, #tpu.memory_space<hbm>> -> memref<120xi32, #tpu.memory_space<hbm>>
      tpu.enqueue_dma source(%dma_start3A_127 : memref<120xi32, #tpu.memory_space<hbm>>) target(%arg7 : memref<120xi32, #tpu.memory_space<vmem>>) target_semaphore(%arg17 : memref<!tpu.dma_semaphore, #tpu.memory_space<semaphore_mem>>)
      %dma_wait3A_128 = arith.constant 0 : i32
      %dma_wait3A_129 = arith.constant 0 : i32
      %dma_wait3A_130 = tpu.memref_slice %arg16[%dma_wait3A_128, %dma_wait3A_129] : memref<10008x128xf32, #tpu.memory_space<vmem_shared>> -> memref<10008x128xf32, #tpu.memory_space<vmem_shared>>
      tpu.wait_indirect_dma semaphore(%arg23 : memref<!tpu.dma_semaphore, #tpu.memory_space<semaphore_mem>>) src(%arg13 : memref<120x128xf32, #tpu.memory_space<vmem>>) dst(%dma_wait3A_130 : memref<10008x128xf32, #tpu.memory_space<vmem_shared>>)
      %mul3A_131 = arith.constant 120 : i32
      %mul3A_132 = arith.muli %min3A_122, %mul3A_131 : i32
      %add3A_133 = arith.addi %mul3A_2, %mul3A_132 : i32
      %dma_start3A_134 = tpu.memref_slice %arg4[%add3A_133] : memref<322560xi32, #tpu.memory_space<hbm>> -> memref<120xi32, #tpu.memory_space<hbm>>
      %dma_start3A_135 = tpu.memref_slice %arg4[%add3A_133] : memref<322560xi32, #tpu.memory_space<hbm>> -> memref<120xi32, #tpu.memory_space<hbm>>
      tpu.enqueue_dma source(%dma_start3A_135 : memref<120xi32, #tpu.memory_space<hbm>>) target(%arg10 : memref<120xi32, #tpu.memory_space<vmem>>) target_semaphore(%arg17 : memref<!tpu.dma_semaphore, #tpu.memory_space<semaphore_mem>>)
      %mul3A_136 = arith.constant 120 : i32
      %mul3A_137 = arith.muli %min3A_122, %mul3A_136 : i32
      %add3A_138 = arith.addi %mul3A_2, %mul3A_137 : i32
      %dma_wait3A_139 = tpu.memref_slice %arg3[%add3A_138] : memref<322560xi32, #tpu.memory_space<hbm>> -> memref<120xi32, #tpu.memory_space<hbm>>
      %dma_wait3A_140 = tpu.memref_slice %arg3[%add3A_138] : memref<322560xi32, #tpu.memory_space<hbm>> -> memref<120xi32, #tpu.memory_space<hbm>>
      tpu.wait_dma2 semaphore(%arg17 : memref<!tpu.dma_semaphore, #tpu.memory_space<semaphore_mem>>) src(%dma_wait3A_140 : memref<120xi32, #tpu.memory_space<hbm>>) dst(%arg7 : memref<120xi32, #tpu.memory_space<vmem>>)
      %mul3A_141 = arith.constant 120 : i32
      %mul3A_142 = arith.muli %min3A_122, %mul3A_141 : i32
      %add3A_143 = arith.addi %mul3A_2, %mul3A_142 : i32
      %dma_wait3A_144 = tpu.memref_slice %arg4[%add3A_143] : memref<322560xi32, #tpu.memory_space<hbm>> -> memref<120xi32, #tpu.memory_space<hbm>>
      %dma_wait3A_145 = tpu.memref_slice %arg4[%add3A_143] : memref<322560xi32, #tpu.memory_space<hbm>> -> memref<120xi32, #tpu.memory_space<hbm>>
      tpu.wait_dma2 semaphore(%arg17 : memref<!tpu.dma_semaphore, #tpu.memory_space<semaphore_mem>>) src(%dma_wait3A_145 : memref<120xi32, #tpu.memory_space<hbm>>) dst(%arg10 : memref<120xi32, #tpu.memory_space<vmem>>)
      %dma_start3A_146 = arith.constant 0 : i32
      %dma_start3A_147 = arith.constant 0 : i32
      %dma_start3A_148 = tpu.memref_slice %arg2[%dma_start3A_146, %dma_start3A_147] : memref<10000x128xf32, #tpu.memory_space<hbm>> -> memref<10000x128xf32, #tpu.memory_space<hbm>>
      tpu.enqueue_indirect_dma source(%dma_start3A_148 : memref<10000x128xf32, #tpu.memory_space<hbm>>) target(%arg13 : memref<120x128xf32, #tpu.memory_space<vmem>>) offsets(%arg7 : memref<120xi32, #tpu.memory_space<vmem>>) semaphore(%arg20 : memref<!tpu.dma_semaphore, #tpu.memory_space<semaphore_mem>>)
      %add3A_149 = arith.constant 3 : i32
      %add3A_150 = arith.addi %add3A_99, %add3A_149 : i32
      %add3A_151 = arith.constant 1 : i32
      %add3A_152 = arith.addi %add3A_150, %add3A_151 : i32
      %min3A_153 = arith.constant 83 : i32
      %min3A_154 = arith.minsi %add3A_152, %min3A_153 : i32
      %mul3A_155 = arith.constant 120 : i32
      %mul3A_156 = arith.muli %min3A_154, %mul3A_155 : i32
      %add3A_157 = arith.addi %mul3A_2, %mul3A_156 : i32
      %dma_start3A_158 = tpu.memref_slice %arg3[%add3A_157] : memref<322560xi32, #tpu.memory_space<hbm>> -> memref<120xi32, #tpu.memory_space<hbm>>
      %dma_start3A_159 = tpu.memref_slice %arg3[%add3A_157] : memref<322560xi32, #tpu.memory_space<hbm>> -> memref<120xi32, #tpu.memory_space<hbm>>
      tpu.enqueue_dma source(%dma_start3A_159 : memref<120xi32, #tpu.memory_space<hbm>>) target(%arg8 : memref<120xi32, #tpu.memory_space<vmem>>) target_semaphore(%arg18 : memref<!tpu.dma_semaphore, #tpu.memory_space<semaphore_mem>>)
      %dma_wait3A_160 = arith.constant 0 : i32
      %dma_wait3A_161 = arith.constant 0 : i32
      %dma_wait3A_162 = tpu.memref_slice %arg16[%dma_wait3A_160, %dma_wait3A_161] : memref<10008x128xf32, #tpu.memory_space<vmem_shared>> -> memref<10008x128xf32, #tpu.memory_space<vmem_shared>>
      tpu.wait_indirect_dma semaphore(%arg24 : memref<!tpu.dma_semaphore, #tpu.memory_space<semaphore_mem>>) src(%arg14 : memref<120x128xf32, #tpu.memory_space<vmem>>) dst(%dma_wait3A_162 : memref<10008x128xf32, #tpu.memory_space<vmem_shared>>)
      %mul3A_163 = arith.constant 120 : i32
      %mul3A_164 = arith.muli %min3A_154, %mul3A_163 : i32
      %add3A_165 = arith.addi %mul3A_2, %mul3A_164 : i32
      %dma_start3A_166 = tpu.memref_slice %arg4[%add3A_165] : memref<322560xi32, #tpu.memory_space<hbm>> -> memref<120xi32, #tpu.memory_space<hbm>>
      %dma_start3A_167 = tpu.memref_slice %arg4[%add3A_165] : memref<322560xi32, #tpu.memory_space<hbm>> -> memref<120xi32, #tpu.memory_space<hbm>>
      tpu.enqueue_dma source(%dma_start3A_167 : memref<120xi32, #tpu.memory_space<hbm>>) target(%arg11 : memref<120xi32, #tpu.memory_space<vmem>>) target_semaphore(%arg18 : memref<!tpu.dma_semaphore, #tpu.memory_space<semaphore_mem>>)
      %mul3A_168 = arith.constant 120 : i32
      %mul3A_169 = arith.muli %min3A_154, %mul3A_168 : i32
      %add3A_170 = arith.addi %mul3A_2, %mul3A_169 : i32
      %dma_wait3A_171 = tpu.memref_slice %arg3[%add3A_170] : memref<322560xi32, #tpu.memory_space<hbm>> -> memref<120xi32, #tpu.memory_space<hbm>>
      %dma_wait3A_172 = tpu.memref_slice %arg3[%add3A_170] : memref<322560xi32, #tpu.memory_space<hbm>> -> memref<120xi32, #tpu.memory_space<hbm>>
      tpu.wait_dma2 semaphore(%arg18 : memref<!tpu.dma_semaphore, #tpu.memory_space<semaphore_mem>>) src(%dma_wait3A_172 : memref<120xi32, #tpu.memory_space<hbm>>) dst(%arg8 : memref<120xi32, #tpu.memory_space<vmem>>)
      %mul3A_173 = arith.constant 120 : i32
      %mul3A_174 = arith.muli %min3A_154, %mul3A_173 : i32
      %add3A_175 = arith.addi %mul3A_2, %mul3A_174 : i32
      %dma_wait3A_176 = tpu.memref_slice %arg4[%add3A_175] : memref<322560xi32, #tpu.memory_space<hbm>> -> memref<120xi32, #tpu.memory_space<hbm>>
      %dma_wait3A_177 = tpu.memref_slice %arg4[%add3A_175] : memref<322560xi32, #tpu.memory_space<hbm>> -> memref<120xi32, #tpu.memory_space<hbm>>
      tpu.wait_dma2 semaphore(%arg18 : memref<!tpu.dma_semaphore, #tpu.memory_space<semaphore_mem>>) src(%dma_wait3A_177 : memref<120xi32, #tpu.memory_space<hbm>>) dst(%arg11 : memref<120xi32, #tpu.memory_space<vmem>>)
      %dma_start3A_178 = arith.constant 0 : i32
      %dma_start3A_179 = arith.constant 0 : i32
      %dma_start3A_180 = tpu.memref_slice %arg2[%dma_start3A_178, %dma_start3A_179] : memref<10000x128xf32, #tpu.memory_space<hbm>> -> memref<10000x128xf32, #tpu.memory_space<hbm>>
      tpu.enqueue_indirect_dma source(%dma_start3A_180 : memref<10000x128xf32, #tpu.memory_space<hbm>>) target(%arg14 : memref<120x128xf32, #tpu.memory_space<vmem>>) offsets(%arg8 : memref<120xi32, #tpu.memory_space<vmem>>) semaphore(%arg21 : memref<!tpu.dma_semaphore, #tpu.memory_space<semaphore_mem>>)
      %add3A_181 = arith.constant 3 : i32
      %add3A_182 = arith.addi %add3A_99, %add3A_181 : i32
      %add3A_183 = arith.constant 2 : i32
      %add3A_184 = arith.addi %add3A_182, %add3A_183 : i32
      %min3A_185 = arith.constant 83 : i32
      %min3A_186 = arith.minsi %add3A_184, %min3A_185 : i32
      %mul3A_187 = arith.constant 120 : i32
      %mul3A_188 = arith.muli %min3A_186, %mul3A_187 : i32
      %add3A_189 = arith.addi %mul3A_2, %mul3A_188 : i32
      %dma_start3A_190 = tpu.memref_slice %arg3[%add3A_189] : memref<322560xi32, #tpu.memory_space<hbm>> -> memref<120xi32, #tpu.memory_space<hbm>>
      %dma_start3A_191 = tpu.memref_slice %arg3[%add3A_189] : memref<322560xi32, #tpu.memory_space<hbm>> -> memref<120xi32, #tpu.memory_space<hbm>>
      tpu.enqueue_dma source(%dma_start3A_191 : memref<120xi32, #tpu.memory_space<hbm>>) target(%arg9 : memref<120xi32, #tpu.memory_space<vmem>>) target_semaphore(%arg19 : memref<!tpu.dma_semaphore, #tpu.memory_space<semaphore_mem>>)
      %dma_wait3A_192 = arith.constant 0 : i32
      %dma_wait3A_193 = arith.constant 0 : i32
      %dma_wait3A_194 = tpu.memref_slice %arg16[%dma_wait3A_192, %dma_wait3A_193] : memref<10008x128xf32, #tpu.memory_space<vmem_shared>> -> memref<10008x128xf32, #tpu.memory_space<vmem_shared>>
      tpu.wait_indirect_dma semaphore(%arg25 : memref<!tpu.dma_semaphore, #tpu.memory_space<semaphore_mem>>) src(%arg15 : memref<120x128xf32, #tpu.memory_space<vmem>>) dst(%dma_wait3A_194 : memref<10008x128xf32, #tpu.memory_space<vmem_shared>>)
      %mul3A_195 = arith.constant 120 : i32
      %mul3A_196 = arith.muli %min3A_186, %mul3A_195 : i32
      %add3A_197 = arith.addi %mul3A_2, %mul3A_196 : i32
      %dma_start3A_198 = tpu.memref_slice %arg4[%add3A_197] : memref<322560xi32, #tpu.memory_space<hbm>> -> memref<120xi32, #tpu.memory_space<hbm>>
      %dma_start3A_199 = tpu.memref_slice %arg4[%add3A_197] : memref<322560xi32, #tpu.memory_space<hbm>> -> memref<120xi32, #tpu.memory_space<hbm>>
      tpu.enqueue_dma source(%dma_start3A_199 : memref<120xi32, #tpu.memory_space<hbm>>) target(%arg12 : memref<120xi32, #tpu.memory_space<vmem>>) target_semaphore(%arg19 : memref<!tpu.dma_semaphore, #tpu.memory_space<semaphore_mem>>)
      %mul3A_200 = arith.constant 120 : i32
      %mul3A_201 = arith.muli %min3A_186, %mul3A_200 : i32
      %add3A_202 = arith.addi %mul3A_2, %mul3A_201 : i32
      %dma_wait3A_203 = tpu.memref_slice %arg3[%add3A_202] : memref<322560xi32, #tpu.memory_space<hbm>> -> memref<120xi32, #tpu.memory_space<hbm>>
      %dma_wait3A_204 = tpu.memref_slice %arg3[%add3A_202] : memref<322560xi32, #tpu.memory_space<hbm>> -> memref<120xi32, #tpu.memory_space<hbm>>
      tpu.wait_dma2 semaphore(%arg19 : memref<!tpu.dma_semaphore, #tpu.memory_space<semaphore_mem>>) src(%dma_wait3A_204 : memref<120xi32, #tpu.memory_space<hbm>>) dst(%arg9 : memref<120xi32, #tpu.memory_space<vmem>>)
      %mul3A_205 = arith.constant 120 : i32
      %mul3A_206 = arith.muli %min3A_186, %mul3A_205 : i32
      %add3A_207 = arith.addi %mul3A_2, %mul3A_206 : i32
      %dma_wait3A_208 = tpu.memref_slice %arg4[%add3A_207] : memref<322560xi32, #tpu.memory_space<hbm>> -> memref<120xi32, #tpu.memory_space<hbm>>
      %dma_wait3A_209 = tpu.memref_slice %arg4[%add3A_207] : memref<322560xi32, #tpu.memory_space<hbm>> -> memref<120xi32, #tpu.memory_space<hbm>>
      tpu.wait_dma2 semaphore(%arg19 : memref<!tpu.dma_semaphore, #tpu.memory_space<semaphore_mem>>) src(%dma_wait3A_209 : memref<120xi32, #tpu.memory_space<hbm>>) dst(%arg12 : memref<120xi32, #tpu.memory_space<vmem>>)
      %dma_start3A_210 = arith.constant 0 : i32
      %dma_start3A_211 = arith.constant 0 : i32
      %dma_start3A_212 = tpu.memref_slice %arg2[%dma_start3A_210, %dma_start3A_211] : memref<10000x128xf32, #tpu.memory_space<hbm>> -> memref<10000x128xf32, #tpu.memory_space<hbm>>
      tpu.enqueue_indirect_dma source(%dma_start3A_212 : memref<10000x128xf32, #tpu.memory_space<hbm>>) target(%arg15 : memref<120x128xf32, #tpu.memory_space<vmem>>) offsets(%arg9 : memref<120xi32, #tpu.memory_space<vmem>>) semaphore(%arg22 : memref<!tpu.dma_semaphore, #tpu.memory_space<semaphore_mem>>)
    }
    %scan3A_74 = arith.constant 28 : i32
    %dma_wait3A_75 = arith.constant 0 : i32
    %dma_wait3A_76 = arith.constant 0 : i32
    %dma_wait3A_77 = tpu.memref_slice %arg2[%dma_wait3A_75, %dma_wait3A_76] : memref<10000x128xf32, #tpu.memory_space<hbm>> -> memref<10000x128xf32, #tpu.memory_space<hbm>>
    tpu.wait_indirect_dma semaphore(%arg20 : memref<!tpu.dma_semaphore, #tpu.memory_space<semaphore_mem>>) src(%dma_wait3A_77 : memref<10000x128xf32, #tpu.memory_space<hbm>>) dst(%arg13 : memref<120x128xf32, #tpu.memory_space<vmem>>)
    %dma_wait3A_78 = arith.constant 0 : i32
    %dma_wait3A_79 = arith.constant 0 : i32
    %dma_wait3A_80 = tpu.memref_slice %arg2[%dma_wait3A_78, %dma_wait3A_79] : memref<10000x128xf32, #tpu.memory_space<hbm>> -> memref<10000x128xf32, #tpu.memory_space<hbm>>
    tpu.wait_indirect_dma semaphore(%arg21 : memref<!tpu.dma_semaphore, #tpu.memory_space<semaphore_mem>>) src(%dma_wait3A_80 : memref<10000x128xf32, #tpu.memory_space<hbm>>) dst(%arg14 : memref<120x128xf32, #tpu.memory_space<vmem>>)
    %dma_wait3A_81 = arith.constant 0 : i32
    %dma_wait3A_82 = arith.constant 0 : i32
    %dma_wait3A_83 = tpu.memref_slice %arg2[%dma_wait3A_81, %dma_wait3A_82] : memref<10000x128xf32, #tpu.memory_space<hbm>> -> memref<10000x128xf32, #tpu.memory_space<hbm>>
    tpu.wait_indirect_dma semaphore(%arg22 : memref<!tpu.dma_semaphore, #tpu.memory_space<semaphore_mem>>) src(%dma_wait3A_83 : memref<10000x128xf32, #tpu.memory_space<hbm>>) dst(%arg15 : memref<120x128xf32, #tpu.memory_space<vmem>>)
    %barrier3A_84 = arith.constant 0 : index
    tpu.barrier barrier_id(%barrier3A_84)
    %lt3A_85 = arith.constant 15 : i32
    %lt3A_86 = arith.cmpi slt, %arg1, %lt3A_85 : i32
    %convert_element_type3A_87 = arith.extui %lt3A_86 : i1 to i32
    %cond3A_88 = arith.constant 0 : i32
    %cond3A_89 = arith.cmpi ne, %convert_element_type3A_87, %cond3A_88 : i32
    scf.if %cond3A_89 {
      %eq3A_95 = arith.constant 0 : i32
      %eq3A_96 = arith.cmpi eq, %arg0, %eq3A_95 : i32
      %convert_element_type3A_97 = arith.extui %eq3A_96 : i1 to i32
      %cond3A_98 = arith.constant 0 : i32
      %cond3A_99 = arith.cmpi ne, %convert_element_type3A_97, %cond3A_98 : i32
      scf.if %cond3A_99 {
        %mul3A_105 = arith.constant 632 : i32
        %mul3A_106 = arith.muli %arg1, %mul3A_105 : i32
        %mul3A_107 = arith.constant 632 : i32
        %mul3A_108 = arith.muli %arg1, %mul3A_107 : i32
        "tpu.region"() ({
          %run_scoped3A = tpu.sem_alloc : memref<!tpu.dma_semaphore, #tpu.memory_space<semaphore_mem>>
          %dma_start3A_109 = arith.constant 0 : i32
          %dma_start3A_110 = tpu.memref_slice %arg5[%mul3A_108, %dma_start3A_109] : memref<10000x128xf32, #tpu.memory_space<hbm>> -> memref<632x128xf32, #tpu.memory_space<hbm>>
          %dma_start3A_111 = arith.constant 0 : i32
          %dma_start3A_112 = tpu.memref_slice %arg16[%mul3A_106, %dma_start3A_111] : memref<10008x128xf32, #tpu.memory_space<vmem_shared>> -> memref<632x128xf32, #tpu.memory_space<vmem_shared>>
          tpu.enqueue_dma source(%dma_start3A_112 : memref<632x128xf32, #tpu.memory_space<vmem_shared>>) target(%dma_start3A_110 : memref<632x128xf32, #tpu.memory_space<hbm>>) target_semaphore(%run_scoped3A : memref<!tpu.dma_semaphore, #tpu.memory_space<semaphore_mem>>)
          %dma_wait3A_113 = arith.constant 0 : i32
          %dma_wait3A_114 = tpu.memref_slice %arg5[%mul3A_108, %dma_wait3A_113] : memref<10000x128xf32, #tpu.memory_space<hbm>> -> memref<632x128xf32, #tpu.memory_space<hbm>>
          %dma_wait3A_115 = arith.constant 0 : i32
          %dma_wait3A_116 = tpu.memref_slice %arg16[%mul3A_106, %dma_wait3A_115] : memref<10008x128xf32, #tpu.memory_space<vmem_shared>> -> memref<632x128xf32, #tpu.memory_space<vmem_shared>>
          tpu.wait_dma2 semaphore(%run_scoped3A : memref<!tpu.dma_semaphore, #tpu.memory_space<semaphore_mem>>) src(%dma_wait3A_116 : memref<632x128xf32, #tpu.memory_space<vmem_shared>>) dst(%dma_wait3A_114 : memref<632x128xf32, #tpu.memory_space<hbm>>)
          tpu.yield
        }) : () -> ()
      } else {
      }
      %eq3A_100 = arith.constant 1 : i32
      %eq3A_101 = arith.cmpi eq, %arg0, %eq3A_100 : i32
      %convert_element_type3A_102 = arith.extui %eq3A_101 : i1 to i32
      %cond3A_103 = arith.constant 0 : i32
      %cond3A_104 = arith.cmpi ne, %convert_element_type3A_102, %cond3A_103 : i32
      scf.if %cond3A_104 {
        %mul3A_105 = arith.constant 632 : i32
        %mul3A_106 = arith.muli %arg1, %mul3A_105 : i32
        %mul3A_107 = arith.constant 632 : i32
        %mul3A_108 = arith.muli %arg1, %mul3A_107 : i32
        "tpu.region"() ({
          %run_scoped3A = tpu.sem_alloc : memref<!tpu.dma_semaphore, #tpu.memory_space<semaphore_mem>>
          %dma_start3A_109 = arith.constant 0 : i32
          %dma_start3A_110 = tpu.memref_slice %arg6[%mul3A_108, %dma_start3A_109] : memref<10000x128xf32, #tpu.memory_space<hbm>> -> memref<632x128xf32, #tpu.memory_space<hbm>>
          %dma_start3A_111 = arith.constant 0 : i32
          %dma_start3A_112 = tpu.memref_slice %arg16[%mul3A_106, %dma_start3A_111] : memref<10008x128xf32, #tpu.memory_space<vmem_shared>> -> memref<632x128xf32, #tpu.memory_space<vmem_shared>>
          tpu.enqueue_dma source(%dma_start3A_112 : memref<632x128xf32, #tpu.memory_space<vmem_shared>>) target(%dma_start3A_110 : memref<632x128xf32, #tpu.memory_space<hbm>>) target_semaphore(%run_scoped3A : memref<!tpu.dma_semaphore, #tpu.memory_space<semaphore_mem>>)
          %dma_wait3A_113 = arith.constant 0 : i32
          %dma_wait3A_114 = tpu.memref_slice %arg6[%mul3A_108, %dma_wait3A_113] : memref<10000x128xf32, #tpu.memory_space<hbm>> -> memref<632x128xf32, #tpu.memory_space<hbm>>
          %dma_wait3A_115 = arith.constant 0 : i32
          %dma_wait3A_116 = tpu.memref_slice %arg16[%mul3A_106, %dma_wait3A_115] : memref<10008x128xf32, #tpu.memory_space<vmem_shared>> -> memref<632x128xf32, #tpu.memory_space<vmem_shared>>
          tpu.wait_dma2 semaphore(%run_scoped3A : memref<!tpu.dma_semaphore, #tpu.memory_space<semaphore_mem>>) src(%dma_wait3A_116 : memref<632x128xf32, #tpu.memory_space<vmem_shared>>) dst(%dma_wait3A_114 : memref<632x128xf32, #tpu.memory_space<hbm>>)
          tpu.yield
        }) : () -> ()
      } else {
      }
    } else {
    }
    %eq3A_90 = arith.constant 15 : i32
    %eq3A_91 = arith.cmpi eq, %arg1, %eq3A_90 : i32
    %convert_element_type3A_92 = arith.extui %eq3A_91 : i1 to i32
    %cond3A_93 = arith.constant 0 : i32
    %cond3A_94 = arith.cmpi ne, %convert_element_type3A_92, %cond3A_93 : i32
    scf.if %cond3A_94 {
      %eq3A_95 = arith.constant 0 : i32
      %eq3A_96 = arith.cmpi eq, %arg0, %eq3A_95 : i32
      %convert_element_type3A_97 = arith.extui %eq3A_96 : i1 to i32
      %cond3A_98 = arith.constant 0 : i32
      %cond3A_99 = arith.cmpi ne, %convert_element_type3A_97, %cond3A_98 : i32
      scf.if %cond3A_99 {
        %mul3A_105 = arith.constant 632 : i32
        %mul3A_106 = arith.muli %arg1, %mul3A_105 : i32
        %mul3A_107 = arith.constant 632 : i32
        %mul3A_108 = arith.muli %arg1, %mul3A_107 : i32
        "tpu.region"() ({
          %run_scoped3A = tpu.sem_alloc : memref<!tpu.dma_semaphore, #tpu.memory_space<semaphore_mem>>
          %dma_start3A_109 = arith.constant 0 : i32
          %dma_start3A_110 = tpu.memref_slice %arg5[%mul3A_108, %dma_start3A_109] : memref<10000x128xf32, #tpu.memory_space<hbm>> -> memref<520x128xf32, #tpu.memory_space<hbm>>
          %dma_start3A_111 = arith.constant 0 : i32
          %dma_start3A_112 = tpu.memref_slice %arg16[%mul3A_106, %dma_start3A_111] : memref<10008x128xf32, #tpu.memory_space<vmem_shared>> -> memref<520x128xf32, #tpu.memory_space<vmem_shared>>
          tpu.enqueue_dma source(%dma_start3A_112 : memref<520x128xf32, #tpu.memory_space<vmem_shared>>) target(%dma_start3A_110 : memref<520x128xf32, #tpu.memory_space<hbm>>) target_semaphore(%run_scoped3A : memref<!tpu.dma_semaphore, #tpu.memory_space<semaphore_mem>>)
          %dma_wait3A_113 = arith.constant 0 : i32
          %dma_wait3A_114 = tpu.memref_slice %arg5[%mul3A_108, %dma_wait3A_113] : memref<10000x128xf32, #tpu.memory_space<hbm>> -> memref<520x128xf32, #tpu.memory_space<hbm>>
          %dma_wait3A_115 = arith.constant 0 : i32
          %dma_wait3A_116 = tpu.memref_slice %arg16[%mul3A_106, %dma_wait3A_115] : memref<10008x128xf32, #tpu.memory_space<vmem_shared>> -> memref<520x128xf32, #tpu.memory_space<vmem_shared>>
          tpu.wait_dma2 semaphore(%run_scoped3A : memref<!tpu.dma_semaphore, #tpu.memory_space<semaphore_mem>>) src(%dma_wait3A_116 : memref<520x128xf32, #tpu.memory_space<vmem_shared>>) dst(%dma_wait3A_114 : memref<520x128xf32, #tpu.memory_space<hbm>>)
          tpu.yield
        }) : () -> ()
      } else {
      }
      %eq3A_100 = arith.constant 1 : i32
      %eq3A_101 = arith.cmpi eq, %arg0, %eq3A_100 : i32
      %convert_element_type3A_102 = arith.extui %eq3A_101 : i1 to i32
      %cond3A_103 = arith.constant 0 : i32
      %cond3A_104 = arith.cmpi ne, %convert_element_type3A_102, %cond3A_103 : i32
      scf.if %cond3A_104 {
        %mul3A_105 = arith.constant 632 : i32
        %mul3A_106 = arith.muli %arg1, %mul3A_105 : i32
        %mul3A_107 = arith.constant 632 : i32
        %mul3A_108 = arith.muli %arg1, %mul3A_107 : i32
        "tpu.region"() ({
          %run_scoped3A = tpu.sem_alloc : memref<!tpu.dma_semaphore, #tpu.memory_space<semaphore_mem>>
          %dma_start3A_109 = arith.constant 0 : i32
          %dma_start3A_110 = tpu.memref_slice %arg6[%mul3A_108, %dma_start3A_109] : memref<10000x128xf32, #tpu.memory_space<hbm>> -> memref<520x128xf32, #tpu.memory_space<hbm>>
          %dma_start3A_111 = arith.constant 0 : i32
          %dma_start3A_112 = tpu.memref_slice %arg16[%mul3A_106, %dma_start3A_111] : memref<10008x128xf32, #tpu.memory_space<vmem_shared>> -> memref<520x128xf32, #tpu.memory_space<vmem_shared>>
          tpu.enqueue_dma source(%dma_start3A_112 : memref<520x128xf32, #tpu.memory_space<vmem_shared>>) target(%dma_start3A_110 : memref<520x128xf32, #tpu.memory_space<hbm>>) target_semaphore(%run_scoped3A : memref<!tpu.dma_semaphore, #tpu.memory_space<semaphore_mem>>)
          %dma_wait3A_113 = arith.constant 0 : i32
          %dma_wait3A_114 = tpu.memref_slice %arg6[%mul3A_108, %dma_wait3A_113] : memref<10000x128xf32, #tpu.memory_space<hbm>> -> memref<520x128xf32, #tpu.memory_space<hbm>>
          %dma_wait3A_115 = arith.constant 0 : i32
          %dma_wait3A_116 = tpu.memref_slice %arg16[%mul3A_106, %dma_wait3A_115] : memref<10008x128xf32, #tpu.memory_space<vmem_shared>> -> memref<520x128xf32, #tpu.memory_space<vmem_shared>>
          tpu.wait_dma2 semaphore(%run_scoped3A : memref<!tpu.dma_semaphore, #tpu.memory_space<semaphore_mem>>) src(%dma_wait3A_116 : memref<520x128xf32, #tpu.memory_space<vmem_shared>>) dst(%dma_wait3A_114 : memref<520x128xf32, #tpu.memory_space<hbm>>)
          tpu.yield
        }) : () -> ()
      } else {
      }
    } else {
    }
    return
  }
}

module attributes {stable_mosaic.version = 14 : i64} {
  func.func @_pre_body(%arg0: i32, %arg1: memref<1000x128xf32, #tpu.memory_space<vmem>>, %arg2: memref<128x128xf32, #tpu.memory_space<vmem>>, %arg3: memref<1000x1xi32, #tpu.memory_space<vmem>>, %arg4: memref<1000x1xi32, #tpu.memory_space<vmem>>, %arg5: memref<1000x128xf32, #tpu.memory_space<vmem>>, %arg6: memref<1000x128xf32, #tpu.memory_space<vmem>>) attributes {dimension_semantics = [#tpu.dimension_semantics<arbitrary>], iteration_bounds = array<i64: 10>, scalar_prefetch = 0 : i64, scratch_operands = 0 : i64, tpu.core_type = #tpu.core_type<tc>, window_params = [{transform_indices = @transform_0, window_bounds = array<i64: 1000, 128>}, {pipeline_mode = #tpu.pipeline_mode<synchronous>, transform_indices = @transform_1, window_bounds = array<i64: 128, 128>}, {transform_indices = @transform_2, window_bounds = array<i64: 1000, 1>}, {transform_indices = @transform_3, window_bounds = array<i64: 1000, 1>}, {transform_indices = @transform_4, window_bounds = array<i64: 1000, 128>}, {transform_indices = @transform_5, window_bounds = array<i64: 1000, 128>}]} {
    %get3A = arith.constant 0 : index
    %get3A_0 = arith.constant 0 : index
    %get3A_1 = vector.load %arg3[%get3A, %get3A_0] : memref<1000x1xi32, #tpu.memory_space<vmem>>, vector<1000x1xi32>
    %get3A_2 = arith.constant 0 : index
    %get3A_3 = arith.constant 0 : index
    %get3A_4 = vector.load %arg4[%get3A_2, %get3A_3] : memref<1000x1xi32, #tpu.memory_space<vmem>>, vector<1000x1xi32>
    %add3A = arith.addi %get3A_1, %get3A_4 : vector<1000x1xi32>
    %convert_element_type3A = arith.sitofp %add3A : vector<1000x1xi32> to vector<1000x1xf32>
    %add3A_5 = arith.constant 1.000000e+00 : f32
    %add3A_6 = vector.broadcast %add3A_5 : f32 to vector<1000x1xf32>
    %add3A_7 = arith.addf %convert_element_type3A, %add3A_6 : vector<1000x1xf32>
    %rsqrt3A = math.rsqrt %add3A_7 : vector<1000x1xf32>
    %get3A_8 = arith.constant 0 : index
    %get3A_9 = arith.constant 0 : index
    %get3A_10 = vector.load %arg1[%get3A_8, %get3A_9] : memref<1000x128xf32, #tpu.memory_space<vmem>>, vector<1000x128xf32>
    %get3A_11 = arith.constant 0 : index
    %get3A_12 = arith.constant 0 : index
    %get3A_13 = vector.load %arg2[%get3A_11, %get3A_12] : memref<128x128xf32, #tpu.memory_space<vmem>>, vector<128x128xf32>
    %dot_general3A = arith.constant dense<0.000000e+00> : vector<1000x128xf32>
    %dot_general3A_14 = tpu.matmul %get3A_10, %get3A_13, %dot_general3A {dimension_numbers = #tpu.dot_dimension_numbers<[1], [0], [0], [1], [0, 0, 1, 1], [], []>, transpose_lhs_hint = false} : vector<1000x128xf32>, vector<128x128xf32>, vector<1000x128xf32> -> vector<1000x128xf32>
    %swap3A = arith.constant 0 : index
    %swap3A_15 = arith.constant 0 : index
    %swap3A_16 = vector.load %arg5[%swap3A, %swap3A_15] : memref<1000x128xf32, #tpu.memory_space<vmem>>, vector<1000x128xf32>
    tpu.vector_store %arg5[%swap3A, %swap3A_15], %dot_general3A_14 {strides = array<i32>} : memref<1000x128xf32, #tpu.memory_space<vmem>>, vector<1000x128xf32>,
    %mul3A = vector.broadcast %rsqrt3A : vector<1000x1xf32> to vector<1000x128xf32>
    %mul3A_17 = arith.mulf %dot_general3A_14, %mul3A : vector<1000x128xf32>
    %swap3A_18 = arith.constant 0 : index
    %swap3A_19 = arith.constant 0 : index
    %swap3A_20 = vector.load %arg6[%swap3A_18, %swap3A_19] : memref<1000x128xf32, #tpu.memory_space<vmem>>, vector<1000x128xf32>
    tpu.vector_store %arg6[%swap3A_18, %swap3A_19], %mul3A_17 {strides = array<i32>} : memref<1000x128xf32, #tpu.memory_space<vmem>>, vector<1000x128xf32>,
    return
  }
  func.func @transform_0(%arg0: i32) -> (i32, i32) {
    %c0_i32 = arith.constant 0 : i32
    %c0_i32_0 = arith.constant 0 : i32
    return %arg0, %c0_i32 : i32, i32
  }
  func.func @transform_1(%arg0: i32) -> (i32, i32) {
    %c0_i32 = arith.constant 0 : i32
    %c0_i32_0 = arith.constant 0 : i32
    %c0_i32_1 = arith.constant 0 : i32
    return %c0_i32, %c0_i32_0 : i32, i32
  }
  func.func @transform_2(%arg0: i32) -> (i32, i32) {
    %c0_i32 = arith.constant 0 : i32
    %c0_i32_0 = arith.constant 0 : i32
    return %arg0, %c0_i32 : i32, i32
  }
  func.func @transform_3(%arg0: i32) -> (i32, i32) {
    %c0_i32 = arith.constant 0 : i32
    %c0_i32_0 = arith.constant 0 : i32
    return %arg0, %c0_i32 : i32, i32
  }
  func.func @transform_4(%arg0: i32) -> (i32, i32) {
    %c0_i32 = arith.constant 0 : i32
    %c0_i32_0 = arith.constant 0 : i32
    return %arg0, %c0_i32 : i32, i32
  }
  func.func @transform_5(%arg0: i32) -> (i32, i32) {
    %c0_i32 = arith.constant 0 : i32
    %c0_i32_0 = arith.constant 0 : i32
    return %arg0, %c0_i32 : i32, i32
  }
}

module attributes {stable_mosaic.version = 14 : i64} {
  func.func @_mid_body(%arg0: i32, %arg1: memref<1000x128xf32, #tpu.memory_space<vmem>>, %arg2: memref<1000x128xf32, #tpu.memory_space<vmem>>, %arg3: memref<1000x128xf32, #tpu.memory_space<vmem>>, %arg4: memref<1000x1xi32, #tpu.memory_space<vmem>>, %arg5: memref<1000x1xi32, #tpu.memory_space<vmem>>, %arg6: memref<128x128xf32, #tpu.memory_space<vmem>>, %arg7: memref<1x128xf32, #tpu.memory_space<vmem>>, %arg8: memref<1000x128xf32, #tpu.memory_space<vmem>>, %arg9: memref<1000x128xf32, #tpu.memory_space<vmem>>) attributes {dimension_semantics = [#tpu.dimension_semantics<arbitrary>], iteration_bounds = array<i64: 10>, scalar_prefetch = 0 : i64, scratch_operands = 0 : i64, tpu.core_type = #tpu.core_type<tc>, window_params = [{transform_indices = @transform_0, window_bounds = array<i64: 1000, 128>}, {transform_indices = @transform_1, window_bounds = array<i64: 1000, 128>}, {transform_indices = @transform_2, window_bounds = array<i64: 1000, 128>}, {transform_indices = @transform_3, window_bounds = array<i64: 1000, 1>}, {transform_indices = @transform_4, window_bounds = array<i64: 1000, 1>}, {pipeline_mode = #tpu.pipeline_mode<synchronous>, transform_indices = @transform_5, window_bounds = array<i64: 128, 128>}, {pipeline_mode = #tpu.pipeline_mode<synchronous>, transform_indices = @transform_6, window_bounds = array<i64: 1, 128>}, {transform_indices = @transform_7, window_bounds = array<i64: 1000, 128>}, {transform_indices = @transform_8, window_bounds = array<i64: 1000, 128>}]} {
    %get3A = arith.constant 0 : index
    %get3A_0 = arith.constant 0 : index
    %get3A_1 = vector.load %arg4[%get3A, %get3A_0] : memref<1000x1xi32, #tpu.memory_space<vmem>>, vector<1000x1xi32>
    %get3A_2 = arith.constant 0 : index
    %get3A_3 = arith.constant 0 : index
    %get3A_4 = vector.load %arg5[%get3A_2, %get3A_3] : memref<1000x1xi32, #tpu.memory_space<vmem>>, vector<1000x1xi32>
    %add3A = arith.addi %get3A_1, %get3A_4 : vector<1000x1xi32>
    %convert_element_type3A = arith.sitofp %add3A : vector<1000x1xi32> to vector<1000x1xf32>
    %add3A_5 = arith.constant 1.000000e+00 : f32
    %add3A_6 = vector.broadcast %add3A_5 : f32 to vector<1000x1xf32>
    %add3A_7 = arith.addf %convert_element_type3A, %add3A_6 : vector<1000x1xf32>
    %rsqrt3A = math.rsqrt %add3A_7 : vector<1000x1xf32>
    %get3A_8 = arith.constant 0 : index
    %get3A_9 = arith.constant 0 : index
    %get3A_10 = vector.load %arg1[%get3A_8, %get3A_9] : memref<1000x128xf32, #tpu.memory_space<vmem>>, vector<1000x128xf32>
    %get3A_11 = arith.constant 0 : index
    %get3A_12 = arith.constant 0 : index
    %get3A_13 = vector.load %arg2[%get3A_11, %get3A_12] : memref<1000x128xf32, #tpu.memory_space<vmem>>, vector<1000x128xf32>
    %add3A_14 = arith.addf %get3A_10, %get3A_13 : vector<1000x128xf32>
    %mul3A = vector.broadcast %rsqrt3A : vector<1000x1xf32> to vector<1000x128xf32>
    %mul3A_15 = arith.mulf %mul3A, %add3A_14 : vector<1000x128xf32>
    %mul3A_16 = arith.mulf %rsqrt3A, %rsqrt3A : vector<1000x1xf32>
    %get3A_17 = arith.constant 0 : index
    %get3A_18 = arith.constant 0 : index
    %get3A_19 = vector.load %arg3[%get3A_17, %get3A_18] : memref<1000x128xf32, #tpu.memory_space<vmem>>, vector<1000x128xf32>
    %mul3A_20 = vector.broadcast %mul3A_16 : vector<1000x1xf32> to vector<1000x128xf32>
    %mul3A_21 = arith.mulf %mul3A_20, %get3A_19 : vector<1000x128xf32>
    %add3A_22 = arith.addf %mul3A_15, %mul3A_21 : vector<1000x128xf32>
    %get3A_23 = arith.constant 0 : index
    %get3A_24 = arith.constant 0 : index
    %get3A_25 = vector.load %arg7[%get3A_23, %get3A_24] : memref<1x128xf32, #tpu.memory_space<vmem>>, vector<1x128xf32>
    %add3A_26 = vector.broadcast %get3A_25 : vector<1x128xf32> to vector<1000x128xf32>
    %add3A_27 = arith.addf %add3A_22, %add3A_26 : vector<1000x128xf32>
    %max3A = arith.constant 0.000000e+00 : f32
    %max3A_28 = vector.broadcast %max3A : f32 to vector<1000x128xf32>
    %max3A_29 = arith.maximumf %add3A_27, %max3A_28 : vector<1000x128xf32>
    %get3A_30 = arith.constant 0 : index
    %get3A_31 = arith.constant 0 : index
    %get3A_32 = vector.load %arg6[%get3A_30, %get3A_31] : memref<128x128xf32, #tpu.memory_space<vmem>>, vector<128x128xf32>
    %dot_general3A = arith.constant dense<0.000000e+00> : vector<1000x128xf32>
    %dot_general3A_33 = tpu.matmul %max3A_29, %get3A_32, %dot_general3A {dimension_numbers = #tpu.dot_dimension_numbers<[1], [0], [0], [1], [0, 0, 1, 1], [], []>, transpose_lhs_hint = false} : vector<1000x128xf32>, vector<128x128xf32>, vector<1000x128xf32> -> vector<1000x128xf32>
    %swap3A = arith.constant 0 : index
    %swap3A_34 = arith.constant 0 : index
    %swap3A_35 = vector.load %arg8[%swap3A, %swap3A_34] : memref<1000x128xf32, #tpu.memory_space<vmem>>, vector<1000x128xf32>
    tpu.vector_store %arg8[%swap3A, %swap3A_34], %dot_general3A_33 {strides = array<i32>} : memref<1000x128xf32, #tpu.memory_space<vmem>>, vector<1000x128xf32>,
    %mul3A_36 = vector.broadcast %rsqrt3A : vector<1000x1xf32> to vector<1000x128xf32>
    %mul3A_37 = arith.mulf %dot_general3A_33, %mul3A_36 : vector<1000x128xf32>
    %swap3A_38 = arith.constant 0 : index
    %swap3A_39 = arith.constant 0 : index
    %swap3A_40 = vector.load %arg9[%swap3A_38, %swap3A_39] : memref<1000x128xf32, #tpu.memory_space<vmem>>, vector<1000x128xf32>
    tpu.vector_store %arg9[%swap3A_38, %swap3A_39], %mul3A_37 {strides = array<i32>} : memref<1000x128xf32, #tpu.memory_space<vmem>>, vector<1000x128xf32>,
    return
  }
  func.func @transform_0(%arg0: i32) -> (i32, i32) {
    %c0_i32 = arith.constant 0 : i32
    %c0_i32_0 = arith.constant 0 : i32
    return %arg0, %c0_i32 : i32, i32
  }
  func.func @transform_1(%arg0: i32) -> (i32, i32) {
    %c0_i32 = arith.constant 0 : i32
    %c0_i32_0 = arith.constant 0 : i32
    return %arg0, %c0_i32 : i32, i32
  }
  func.func @transform_2(%arg0: i32) -> (i32, i32) {
    %c0_i32 = arith.constant 0 : i32
    %c0_i32_0 = arith.constant 0 : i32
    return %arg0, %c0_i32 : i32, i32
  }
  func.func @transform_3(%arg0: i32) -> (i32, i32) {
    %c0_i32 = arith.constant 0 : i32
    %c0_i32_0 = arith.constant 0 : i32
    return %arg0, %c0_i32 : i32, i32
  }
  func.func @transform_4(%arg0: i32) -> (i32, i32) {
    %c0_i32 = arith.constant 0 : i32
    %c0_i32_0 = arith.constant 0 : i32
    return %arg0, %c0_i32 : i32, i32
  }
  func.func @transform_5(%arg0: i32) -> (i32, i32) {
    %c0_i32 = arith.constant 0 : i32
    %c0_i32_0 = arith.constant 0 : i32
    %c0_i32_1 = arith.constant 0 : i32
    return %c0_i32, %c0_i32_0 : i32, i32
  }
  func.func @transform_6(%arg0: i32) -> (i32, i32) {
    %c0_i32 = arith.constant 0 : i32
    %c0_i32_0 = arith.constant 0 : i32
    %c0_i32_1 = arith.constant 0 : i32
    return %c0_i32, %c0_i32_0 : i32, i32
  }
  func.func @transform_7(%arg0: i32) -> (i32, i32) {
    %c0_i32 = arith.constant 0 : i32
    %c0_i32_0 = arith.constant 0 : i32
    return %arg0, %c0_i32 : i32, i32
  }
  func.func @transform_8(%arg0: i32) -> (i32, i32) {
    %c0_i32 = arith.constant 0 : i32
    %c0_i32_0 = arith.constant 0 : i32
    return %arg0, %c0_i32 : i32, i32
  }
}

module attributes {stable_mosaic.version = 14 : i64} {
  func.func @_post_body(%arg0: i32, %arg1: memref<1000x128xf32, #tpu.memory_space<vmem>>, %arg2: memref<1000x128xf32, #tpu.memory_space<vmem>>, %arg3: memref<1000x128xf32, #tpu.memory_space<vmem>>, %arg4: memref<1000x1xi32, #tpu.memory_space<vmem>>, %arg5: memref<1000x1xi32, #tpu.memory_space<vmem>>, %arg6: memref<1x128xf32, #tpu.memory_space<vmem>>, %arg7: memref<1000x128xf32, #tpu.memory_space<vmem>>) attributes {dimension_semantics = [#tpu.dimension_semantics<arbitrary>], iteration_bounds = array<i64: 10>, scalar_prefetch = 0 : i64, scratch_operands = 0 : i64, tpu.core_type = #tpu.core_type<tc>, window_params = [{transform_indices = @transform_0, window_bounds = array<i64: 1000, 128>}, {transform_indices = @transform_1, window_bounds = array<i64: 1000, 128>}, {transform_indices = @transform_2, window_bounds = array<i64: 1000, 128>}, {transform_indices = @transform_3, window_bounds = array<i64: 1000, 1>}, {transform_indices = @transform_4, window_bounds = array<i64: 1000, 1>}, {pipeline_mode = #tpu.pipeline_mode<synchronous>, transform_indices = @transform_5, window_bounds = array<i64: 1, 128>}, {transform_indices = @transform_6, window_bounds = array<i64: 1000, 128>}]} {
    %get3A = arith.constant 0 : index
    %get3A_0 = arith.constant 0 : index
    %get3A_1 = vector.load %arg4[%get3A, %get3A_0] : memref<1000x1xi32, #tpu.memory_space<vmem>>, vector<1000x1xi32>
    %get3A_2 = arith.constant 0 : index
    %get3A_3 = arith.constant 0 : index
    %get3A_4 = vector.load %arg5[%get3A_2, %get3A_3] : memref<1000x1xi32, #tpu.memory_space<vmem>>, vector<1000x1xi32>
    %add3A = arith.addi %get3A_1, %get3A_4 : vector<1000x1xi32>
    %convert_element_type3A = arith.sitofp %add3A : vector<1000x1xi32> to vector<1000x1xf32>
    %add3A_5 = arith.constant 1.000000e+00 : f32
    %add3A_6 = vector.broadcast %add3A_5 : f32 to vector<1000x1xf32>
    %add3A_7 = arith.addf %convert_element_type3A, %add3A_6 : vector<1000x1xf32>
    %rsqrt3A = math.rsqrt %add3A_7 : vector<1000x1xf32>
    %get3A_8 = arith.constant 0 : index
    %get3A_9 = arith.constant 0 : index
    %get3A_10 = vector.load %arg1[%get3A_8, %get3A_9] : memref<1000x128xf32, #tpu.memory_space<vmem>>, vector<1000x128xf32>
    %get3A_11 = arith.constant 0 : index
    %get3A_12 = arith.constant 0 : index
    %get3A_13 = vector.load %arg2[%get3A_11, %get3A_12] : memref<1000x128xf32, #tpu.memory_space<vmem>>, vector<1000x128xf32>
    %add3A_14 = arith.addf %get3A_10, %get3A_13 : vector<1000x128xf32>
    %mul3A = vector.broadcast %rsqrt3A : vector<1000x1xf32> to vector<1000x128xf32>
    %mul3A_15 = arith.mulf %mul3A, %add3A_14 : vector<1000x128xf32>
    %mul3A_16 = arith.mulf %rsqrt3A, %rsqrt3A : vector<1000x1xf32>
    %get3A_17 = arith.constant 0 : index
    %get3A_18 = arith.constant 0 : index
    %get3A_19 = vector.load %arg3[%get3A_17, %get3A_18] : memref<1000x128xf32, #tpu.memory_space<vmem>>, vector<1000x128xf32>
    %mul3A_20 = vector.broadcast %mul3A_16 : vector<1000x1xf32> to vector<1000x128xf32>
    %mul3A_21 = arith.mulf %mul3A_20, %get3A_19 : vector<1000x128xf32>
    %add3A_22 = arith.addf %mul3A_15, %mul3A_21 : vector<1000x128xf32>
    %get3A_23 = arith.constant 0 : index
    %get3A_24 = arith.constant 0 : index
    %get3A_25 = vector.load %arg6[%get3A_23, %get3A_24] : memref<1x128xf32, #tpu.memory_space<vmem>>, vector<1x128xf32>
    %add3A_26 = vector.broadcast %get3A_25 : vector<1x128xf32> to vector<1000x128xf32>
    %add3A_27 = arith.addf %add3A_22, %add3A_26 : vector<1000x128xf32>
    %swap3A = arith.constant 0 : index
    %swap3A_28 = arith.constant 0 : index
    %swap3A_29 = vector.load %arg7[%swap3A, %swap3A_28] : memref<1000x128xf32, #tpu.memory_space<vmem>>, vector<1000x128xf32>
    tpu.vector_store %arg7[%swap3A, %swap3A_28], %add3A_27 {strides = array<i32>} : memref<1000x128xf32, #tpu.memory_space<vmem>>, vector<1000x128xf32>,
    return
  }
  func.func @transform_0(%arg0: i32) -> (i32, i32) {
    %c0_i32 = arith.constant 0 : i32
    %c0_i32_0 = arith.constant 0 : i32
    return %arg0, %c0_i32 : i32, i32
  }
  func.func @transform_1(%arg0: i32) -> (i32, i32) {
    %c0_i32 = arith.constant 0 : i32
    %c0_i32_0 = arith.constant 0 : i32
    return %arg0, %c0_i32 : i32, i32
  }
  func.func @transform_2(%arg0: i32) -> (i32, i32) {
    %c0_i32 = arith.constant 0 : i32
    %c0_i32_0 = arith.constant 0 : i32
    return %arg0, %c0_i32 : i32, i32
  }
  func.func @transform_3(%arg0: i32) -> (i32, i32) {
    %c0_i32 = arith.constant 0 : i32
    %c0_i32_0 = arith.constant 0 : i32
    return %arg0, %c0_i32 : i32, i32
  }
  func.func @transform_4(%arg0: i32) -> (i32, i32) {
    %c0_i32 = arith.constant 0 : i32
    %c0_i32_0 = arith.constant 0 : i32
    return %arg0, %c0_i32 : i32, i32
  }
  func.func @transform_5(%arg0: i32) -> (i32, i32) {
    %c0_i32 = arith.constant 0 : i32
    %c0_i32_0 = arith.constant 0 : i32
    %c0_i32_1 = arith.constant 0 : i32
    return %c0_i32, %c0_i32_0 : i32, i32
  }
  func.func @transform_6(%arg0: i32) -> (i32, i32) {
    %c0_i32 = arith.constant 0 : i32
    %c0_i32_0 = arith.constant 0 : i32
    return %arg0, %c0_i32 : i32, i32
  }
}

</mosaic_0001>

<sc_bundles>
// kernel: kernel.10.cloned.1.call-start
scs
__scs_entry_jumppad:
0x0: {  	(pc) =	sbr.rel $0x88, $3  }
0x1: {  	(tag) =	ssettag $0x0;
	lr =	simm.s32 $0x1  }
0x2: {  	[smem:$0x3F99] =	sst lr;
	_ =	strace $0xD0000000  }
0x3: {  	_ = 	snop  }
0x4: {  	_ = 	snop  }
0x5: {  	_ = 	snop  }
0x6: {  	_ = 	snop  }
0x7: {  	_ = 	snop  }
__scs_overlays_trampoline_lowered:
0x8: {  	[smem:$0x3FA8] =	sst s0  }
0x9: {  	[smem:$0x3FA9] =	sst s1  }
0xa: {  	[smem:$0x3FAA] =	sst s2  }
0xb: {  	[smem:$0x3FAB] =	sst s3  }
0xc: {  	[smem:$0x3FAC] =	sst s4  }
0xd: {  	[smem:$0x3FAD] =	sst s5  }
0xe: {  	[smem:$0x3FAE] =	sst s6  }
0xf: {  	[smem:$0x3FAF] =	sst s7  }
0x10: {  	[smem:$0x3FB0] =	sst s8  }
0x11: {  	[smem:$0x3FB1] =	sst s9;
	s0 =	simm.s32 @!p0 $0x0  }
0x12: {  	s1 =	sld [smem:$0x3F97];
	s0 =	simm.s32 @p0 $0x1  }
0x13: {  	[smem:$0x3FB2] =	sst s0;
	s0 =	simm.s32 @!p1 $0x0  }
0x14: {  	s2 =	sld [smem:$0x3F96];
	s0 =	simm.s32 @p1 $0x1  }
0x15: {  	[smem:$0x3FB3] =	sst s0;
	s0 =	simm.s32 @!p2 $0x0  }
0x16: {  	s3 =	sld [smem:$0x3FDB];
	s0 =	simm.s32 @p2 $0x1  }
0x17: {  	s4 =	simm.s32 $0x1BF5;
	[smem:$0x3FB5] =	sst s0  }
0x18: {  	s0 =	sld [smem:$0x3F98];
	_ =	swait.ge [sflag:s4], $0x0  }
0x19: {  	s7 =	sld [smem:$0x3F99]  }
0x1a: {  	s8 =	sadd.s32 $0xFFFFE003, lr  }
0x1b: {  	s9 =	sadd.s32 $0xFFFFFEF7, lr;
	s5 =	simm.s32 $0xFFFFFFFF;
	p2 =	slt.u32 s8, $0xFFFFF086  }
0x1c: {  	p1 =	slt.u32 s9, $0xF7A;
	s5 =	simm.s32 @!p2 $0x0  }
0x1d: {  	s5 =	simm.s32 @p1 $0x1;
	p0 =	seq.s32 s7, s2  }
0x1e: {  	s7 =	smul.u32 @!p0 $0xF7A, s2;
	p2 =	seq.s32 @!p0 s5, $0x0  }
0x1f: {  	s9 =	smul.u32 $0xF7A, s1;
	s8 =	simm.s32 @!p0 $0x1BF5;
	p2 =	por !p2, p0  }
0x20: {  	[sflag:s8] =	ssyncset.s32 @!p0 $0xFFFFF086;
	s6 =	sadd.s32 @!p0 s3, s7;
	s7 =	simm.s32 @!p0 $0x108  }
0x21: {  	s3 =	sadd.s32 s3, s9;
	s6 =	sadd.s32 @!p0 $0x88, s6;
	s7 =	simm.s32 @p2 $0x1082  }
0x22: {  	[simem:s7], [sflag:s8] =	dma.local @!p0 [hbm:s6], $0xF7A  }
0x23: {  	s9 =	sor.u32 $0xD0000000, s2;
	s6 =	simm.s32 $0x108;
	_ =	swait.ge @!p0 [sflag:s8], $0x0  }
0x24: {  	s3 =	sadd.s32 $0x88, s3;
	s6 =	simm.s32 @!p1 $0x1082;
	[sflag:s4] =	ssyncset.s32 $0xFFFFF086  }
0x25: {  	[simem:s6], [sflag:s4] =	dma.local [hbm:s3], $0xF7A  }
0x26: {  	[smem:$0x3F99] =	sst s1;
	(tag) =	ssettag s2;
	_ =	strace s9  }
0x27: {  	s1 =	sld [smem:$0x3FA9]  }
0x28: {  	s2 =	sld [smem:$0x3FAA]  }
0x29: {  	s4 =	sld [smem:$0x3FAC]  }
0x2a: {  	p0 =	seq.s32 s5, $0x0;
	s5 =	sld [smem:$0x3FAD]  }
0x2b: {  	s6 =	sld [smem:$0x3FAE]  }
0x2c: {  	s7 =	sld [smem:$0x3FAF]  }
0x2d: {  	s3 =	simm.s32 $0x108;
	s8 =	sld [smem:$0x3FB0]  }
0x2e: {  	s3 =	simm.s32 @!p0 $0x1082;
	s9 =	sld [smem:$0x3FB1]  }
0x2f: {  	lr =	sadd.s32 s0, s3;
	s0 =	sld [smem:$0x3FA8]  }
0x30: {  	s3 =	sld [smem:$0x3FAB]  }
0x31: {  	[smem:$0x3FB4] =	sst s10  }
0x32: {  	s10 =	sld [smem:$0x3FB2];
	_ =	sdelay $0x3  }
0x33: {  	p0 =	seq.s32 s10, $0x1;
	s10 =	sld [smem:$0x3FB4];
	_ =	sdelay $0x3  }
0x34: {  	[smem:$0x3FB4] =	sst s10  }
0x35: {  	s10 =	sld [smem:$0x3FB3];
	_ =	sdelay $0x3  }
0x36: {  	p1 =	seq.s32 s10, $0x1;
	s10 =	sld [smem:$0x3FB4];
	_ =	sdelay $0x3  }
0x37: {  	[smem:$0x3FB4] =	sst s10  }
0x38: {  	s10 =	sld [smem:$0x3FB5]  }
0x39: {  	_ = 	snop;
	(pc) =	sbr.ind lr, $3  }
0x3a: {  	_ = 	snop  }
0x3b: {  	_ = 	snop  }
0x3c: {  	p2 =	seq.s32 s10, $0x1;
	s10 =	sld [smem:$0x3FB4]  }
0x3d: {  	_ =	shalt  }
0x3e: {  	_ =	shalt  }
0x3f: {  	_ =	shalt  }
0x40: {  	_ =	shalt  }
0x41: {  	_ =	shalt  }
0x42: {  	_ =	shalt  }
0x43: {  	_ =	shalt  }
0x44: {  	_ =	shalt  }
0x45: {  	_ =	shalt  }
0x46: {  	_ =	shalt  }
0x47: {  	_ =	shalt  }
0x48: {  	_ =	shalt  }
0x49: {  	_ =	shalt  }
0x4a: {  	_ =	shalt  }
0x4b: {  	_ =	shalt  }
0x4c: {  	_ =	shalt  }
0x4d: {  	_ =	shalt  }
0x4e: {  	_ =	shalt  }
0x4f: {  	_ =	shalt  }
0x50: {  	_ =	shalt  }
0x51: {  	_ =	shalt  }
0x52: {  	_ =	shalt  }
0x53: {  	_ =	shalt  }
0x54: {  	_ =	shalt  }
0x55: {  	_ =	shalt  }
0x56: {  	_ =	shalt  }
0x57: {  	_ =	shalt  }
0x58: {  	_ =	shalt  }
0x59: {  	_ =	shalt  }
0x5a: {  	_ =	shalt  }
0x5b: {  	_ =	shalt  }
0x5c: {  	_ =	shalt  }
0x5d: {  	_ =	shalt  }
0x5e: {  	_ =	shalt  }
0x5f: {  	_ =	shalt  }
0x60: {  	_ =	shalt  }
0x61: {  	_ =	shalt  }
0x62: {  	_ =	shalt  }
0x63: {  	_ =	shalt  }
0x64: {  	_ =	shalt  }
0x65: {  	_ =	shalt  }
0x66: {  	_ =	shalt  }
0x67: {  	_ =	shalt  }
0x68: {  	_ =	shalt  }
0x69: {  	_ =	shalt  }
0x6a: {  	_ =	shalt  }
0x6b: {  	_ =	shalt  }
0x6c: {  	_ =	shalt  }
0x6d: {  	_ =	shalt  }
0x6e: {  	_ =	shalt  }
0x6f: {  	_ =	shalt  }
0x70: {  	_ =	shalt  }
0x71: {  	_ =	shalt  }
0x72: {  	_ =	shalt  }
0x73: {  	_ =	shalt  }
0x74: {  	_ =	shalt  }
0x75: {  	_ =	shalt  }
0x76: {  	_ =	shalt  }
0x77: {  	_ =	shalt  }
0x78: {  	_ =	shalt  }
0x79: {  	_ =	shalt  }
0x7a: {  	_ =	shalt  }
0x7b: {  	_ =	shalt  }
0x7c: {  	_ =	shalt  }
0x7d: {  	_ =	shalt  }
0x7e: {  	_ =	shalt  }
0x7f: {  	_ =	shalt  }
0x80: {  	_ =	shalt  }
0x81: {  	_ =	shalt  }
0x82: {  	_ =	shalt  }
0x83: {  	_ =	shalt  }
0x84: {  	_ =	shalt  }
0x85: {  	_ =	shalt  }
0x86: {  	_ =	shalt  }
0x87: {  	_ =	shalt  }
.Lfunc_end0:
.L_simem_size_0:
called_computation_lowered:
.L_overlay_start_0:
0x88: {  	s2 =	sld [smem:$0x3FD9]  }
0x89: {  	s3 =	sld [smem:$0x3FFE];
	_ =	sdelay $0x1  }
0x8a: {  	s1 =	srdreg.scid  }
0x8b: {  	s0 =	sand.u32 $0x1, s1  }
0x8c: {  	s17 =	sshll.u32 s0, $0xA;
	s2 =	sadd.s32 s3, s2  }
0x8d: {  	s2 =	sadd.s32 s2, s17  }
0x8e: {  	[smem:$0x3FC0] =	sst s2  }
0x8f: {  	_ = 	snop  }
0x90: {  	s2 =	sld [smem:$0x3FD0];
	(tm) =	ssettm $0x1  }
0x91: {  	s18 =	sld [smem:$0x3FFB];
	_ =	sdelay $0x3  }
0x92: {  	_ =	strace s18  }
0x93: {  	s3 =	sld [smem:$0x3FFC];
	_ =	sdelay $0x3  }
0x94: {  	_ =	strace s3  }
0x95: {  	s3 =	sld [smem:$0x3FFD];
	_ =	sdelay $0x3  }
0x96: {  	_ =	strace s3  }
0x97: {  	_ =	strace $0x8FFFFFFF  }
0x98: {  	s19 =	sld [smem:$0x3FDB];
	_ =	sdelay $0x1  }
0x99: {  	s4 =	simm.s32 $_scs_section_size  }
0x9a: {  	s5 =	simm.s32 $_size__tile_overlayer_lowered;
	s6 =	simm.s32 $_tile_overlayer_lowered  }
0x9b: {  	s22 =	simm.s32 $0x1BFF;
	s21 =	sshll.u32 s6, $0x1;
	s3 =	sadd.s32 s4, s19  }
0x9c: {  	s7 =	simm.s32 $0x0;
	s20 =	sshll.u32 s5, $0x1;
	s5 =	sadd.s32 s21, s3  }
0x9d: {  	[timem:s7], [sflag:s22] =	dma.local [hbm:s5], s20  }
0x9e: {  	_ =	swait.ge [sflag:s22], s20  }
0x9f: {  	s4 =	ssub.s32 $0x0, s20;
	[sflag:s22] =	ssyncset.done $0x0  }
0xa0: {  	[sflag:s22] =	ssyncadd.s32 s4;
	_ =	sdelay $0x1  }
0xa1: {  	s23 =	simm.s32 $0x1B8B  }
0xa2: {  	_ =	swait.ge [sflag:s23], $0x1  }
0xa3: {  	[sflag:s23] =	ssyncset.done $0x0  }
0xa4: {  	s25 =	simm.s32 $0x1B8E;
	s24 =	sld [smem:$0x3FFE];
	[sflag:s23] =	ssyncadd.s32 $0xFFFFFFFF  }
0xa5: {  	s26 =	simm.s32 $execute0_lowered;
	[smem:$0x3FD2] =	sst s25  }
0xa6: {  	s5 =	sshll.u32 s26, $0x1;
	_ =	strace $0x80000046;
	[dreg:$0x1] =	wrdreg $0xFFFFFFFF  }
0xa7: {  	s28 =	simm.s32 $_size_execute0_lowered;
	s3 =	sadd.s32 s3, s5;
	[dreg:$0x0] =	wrdreg $0x0  }
0xa8: {  	s5 =	sshll.u32 s28, $0x1;
	[dreg:$0x2] =	wrdreg s3  }
0xa9: {  	[dreg:$0x3] =	wrdreg s5  }
0xaa: {  	[dreg:$0x4] =	wrdreg $0xC0  }
0xab: {  	_ =	task [dreg:s7], $0x5FFFF  }
0xac: {  	[dreg:$0x1] =	wrdreg $0xFFFFFFFF  }
0xad: {  	[dreg:$0x0] =	wrdreg $0x60  }
0xae: {  	[dreg:$0x2] =	wrdreg s24  }
0xaf: {  	[dreg:$0x3] =	wrdreg s2  }
0xb0: {  	[dreg:$0x4] =	wrdreg $0x7A000  }
0xb1: {  	[dreg:$0x5] =	wrdreg $0x9  }
0xb2: {  	_ =	task.clear_ibuf [dreg:s7], $0x6FFFF;
	_ =	strace $0x90000046  }
0xb3: {  	s29 =	simm.s32 $0x9;
	_ =	strace $0x80000048  }
0xb4: {  	_ =	swait.ge [sflag:s29], $0x1  }
0xb5: {  	[sflag:s29] =	ssyncadd.s32 $0xFFFFFFFF  }
0xb6: {  	_ =	strace $0x90000048  }
0xb7: {  	_ =	sfence  }
0xb8: {  	s30 =	sld [smem:$0x0];
	_ =	sdelay $0x2  }
0xb9: {  	s31 =	sshll.u32 s1, $0xD;
	s1 =	sshrl.u32 s1, $0x2  }
0xba: {  	s3 =	sand.u32 $0x4000, s31;
	s1 =	sadd.s32 s1, s30  }
0xbb: {  	s0 =	sor.u32 s3, s0;
	s1 =	sshll.u32 s1, $0x11  }
0xbc: {  	s0 =	sor.u32 s1, s0  }
0xbd: {  	s0 =	sadd.s32 $0x8F2B, s0  }
0xbe: {  	[sflag:s0] =	ssyncadd.remote.s32 $0x1  }
0xbf: {  	_ =	sfence.sel $0xFFFF  }
0xc0: {  	[dreg:$0x0] =	wrdreg $0xFFFFFFFF;
	(pc) =	sbr.abs _section_cstart, $3  }
0xc1: {  	[dreg:$0x1] =	wrdreg $0xFFFFFFFF  }
0xc2: {  	_ =	task.clear_ibuf [dreg:s7], $0x2FFFF;
	_ =	strace $0x9FFFFFFF  }
0xc3: {  	(tm) =	ssettm $0x7FFFFFFF  }
tec
execute0_lowered:
.L_overlay_start_1:
0x0: {  	(tag) =	ssettag $0x1  }
0x1: {  	s9 =	rddreg [dreg:$0x0]  }
0x2: {  	s8 =	rddreg [dreg:$0x1]  }
0x3: {  	s0 =	srdreg.scid;
	s5 =	rddreg [dreg:$0x2];
	s2 =	simm.s32 $0x0  }
0x4: {  	s15 =	simm.s32 $0x2;
	s16 =	simm.s32 $0x1400;
	s17 =	simm.s32 $0x14000  }
0x5: {  	s18 =	simm.s32 $0x4F80;
	s19 =	simm.s32 $0x0;
	s6 =	sand.u32 $0x1, s0  }
0x6: {  	s0 =	stileid.u32;
	[smem:$0x7FF] =	sst s2;
	s1 =	sshll.u32 s6, $0x4  }
0x7: {  	s7 =	smul.u32 $0x50, s0;
	s4 =	sshrl.u32 s0, $0x3;
	s10 =	ssub.s32 $0x2, s6  }
0x8: {  	s13 =	sshll.u32 s0, $0x7;
	s14 =	smul.u32 $0x5000, s0;
	p3 =	seq.s32 s6, $0x1  }
0x9: {  	p4 =	seq.s32 s0, $0xF;
	s3 =	sor.u32 s0, s1;
	s1 =	rddreg [dreg:$0x3]  }
0xa: {  	_ =	strace $0x80000047;
	s4 =	smul.u32 $0x50000, s4;
	s12 =	sshrl.u32 s10, $0x1  }
0xb: {  	s30 =	sand.u32 $0x380, s13;
	s13 =	simm.s32 $0x80;
	p0 =	por !p3, !p4  }
0xc: {  	p1 =	por p3, !p4;
	p2 =	por !p3, p4;
	p3 =	por p3, p4  }
0xd: {  	s3 =	smul.u32 $0x4EC, s3;
	s11 =	sadd.s32 s7, s9;
	s10 =	ssub.s32 s10, s12  }
0xe: {  	s31 =	sshrl.u32 s14, $0x2;
	s6 =	sadd.s32 s8, s7;
	s8 =	sadd.s32 $0x4B0, s8  }
0xf: {  	s12 =	simm.s32 $0x2780;
	s14 =	simm.s32 $0x400;
	s4 =	sshrl.u32 s4, $0x2  }
0x10: {  	s7 =	sadd.s32 $0x19200, s11;
	s10 =	smax.u32 s10, $0x1;
	s11 =	simm.s32 $0x1  }
0x11: {  	s3 =	sadd.s32 s3, s9;
	s4 =	sadd.s32 s4, s5;
	s5 =	sadd.s32 s31, s5  }
0x12: {  	v0 =	vimm.s32 $0x0;
	s9 =	sadd.s32 $0x196B0, s9;
	s3 =	sadd.s32 $0x5600, s3;
	s4 =	sadd.s32 s30, s4  }
.LBB2_1:
0x13: {  	[tilespmem:s2], [sflag:$0x1] =	stream.linear.gather [hbm4b:s3+s2], $0x2760, $0x38;
	[tilespmem:$0xA200] =	vst v63  }
0x14: {  	s20 =	simm.s32 $0x40;
	s21 =	simm.s32 $0x0  }
.LBB2_2:
0x15: {  	p4 =	sne.s32 s20, $0x9FC0;
	[tilespmem:s21+$0x2780] =	vst v0;
	s21 =	smov.u32 s20;
	s20 =	sadd.s32 $0x40, s20  }
.Ltmp0:
0x16: {  	(pc) =	sbr.rel @p4 .LBB2_2-.Ltmp0, $2  }
0x17: {  	_ =	sdelay $0x2  }
0x18: {  	s21 =	sshra.s32 s21, $0x2  }
0x19: {  	[tilespmem:s21+$0x2780] =	vst v0  }
0x1a: {  	_ =	swait.ge [sflag:s11], $0x2760  }
0x1b: {  	[sflag:s11] =	ssyncset.done $0x0  }
0x1c: {  	s21 =	simm.s32 $0x0;
	s20 =	simm.s32 $0x40;
	[sflag:s11] =	ssyncadd.s32 $0xFFFFD8A0  }
.LBB2_4:
0x1d: {  	p4 =	sne.s32 s20, $0x9D40;
	v1 =	vld [tilespmem:s21+$0x0];
	_ =	sdelay $0x4  }
0x1e: {  	(xrf1) =	vunique.msk.u32 $0xffff, v1;
	_ =	sdelay $0xd  }
0x1f: {  	_, v2, vm0 =	vpop (xrf1);
	_ =	sdelay $0x1  }
.Ltmp1:
0x20: {  	(pc) =	sbr.rel @p4 .LBB2_4-.Ltmp1, $2  }
0x21: {  	_ =	sdelay $0x2  }
0x22: {  	s21 =	sshra.s32 s20, $0x2;
	s20 =	sadd.s32 $0x40, s20;
	[tilespmem:v1+s12+$0x0] =	vst.idx.add.s32.msk vm0, v2  }
0x23: {  	v1 =	vld [tilespmem:s21+$0x0];
	_ =	sdelay $0x4  }
0x24: {  	(xrf1) =	vunique.msk.u32 $0xffff, v1;
	_ =	sdelay $0xd  }
0x25: {  	_, v2, vm0 =	vpop (xrf1);
	_ =	sdelay $0x5  }
0x26: {  	[tilespmem:v1+s12+$0x0] =	vst.idx.add.s32.msk vm0, v2  }
0x27: {  	[spmem:s4] =	stream.strided.scatter [tilespmem:s12], [sflag:$0x2], $0x2800, s14, s13, $0x38;
	[tilespmem:$0xA200] =	vst v63  }
0x28: {  	_ =	swait.ge [sflag:s15], $0x2800  }
0x29: {  	[sflag:s15] =	ssyncset.done $0x0  }
0x2a: {  	[sflag:s15] =	ssyncadd.s32 $0xFFFFD800  }
0x2b: {  	[bflag:$0x0] =	sbarrier.arrive $0xFFFF  }
0x2c: {  	[tilespmem:s18], [sflag:$0x2] =	stream.strided.gather [spmem:s5], $0x2800, s17, s16, $0x38;
	[tilespmem:$0xA200] =	vst v63  }
0x2d: {  	s20 =	simm.s32 $0x0;
	_ =	swait.ge [sflag:s15], $0x2800  }
0x2e: {  	s30 =	sand.u32 $0x70, s20;
	s20 =	sand.u32 $0x1C00, s20;
	[sflag:s15] =	ssyncset.done $0x0  }
0x2f: {  	s20 =	sor.u32 s30, s20;
	[sflag:s15] =	ssyncadd.s32 $0xFFFFD800  }
0x30: {  	v1 =	vld [tilespmem:s20+$0x5000]  }
0x31: {  	v2 =	vld [tilespmem:s20+$0x4F80]  }
0x32: {  	v3 =	vld [tilespmem:s20+$0x5080]  }
0x33: {  	v4 =	vld [tilespmem:s20+$0x5100]  }
0x34: {  	v5 =	vld [tilespmem:s20+$0x5180]  }
0x35: {  	v6 =	vld [tilespmem:s20+$0x5200]  }
0x36: {  	v1 =	vadd.s32 v2, v1;
	v2 =	vld [tilespmem:s20+$0x5280]  }
0x37: {  	v1 =	vadd.s32 v3, v1;
	v3 =	vld [tilespmem:s20+$0x5300]  }
0x38: {  	v58 =	vld [tilespmem:s20+$0x6380];
	v1 =	vadd.s32 v4, v1  }
0x39: {  	v59 =	vld [tilespmem:s20+$0x6400];
	v1 =	vadd.s32 v5, v1  }
0x3a: {  	v60 =	vld [tilespmem:s20+$0x6480];
	v1 =	vadd.s32 v6, v1  }
0x3b: {  	v1 =	vadd.s32 v2, v1;
	v2 =	vld [tilespmem:s20+$0x6500]  }
0x3c: {  	v1 =	vadd.s32 v3, v1;
	v3 =	vld [tilespmem:s20+$0x6580]  }
0x3d: {  	v61 =	vld [tilespmem:s20+$0x6600];
	v1 =	vadd.s32 v58, v1  }
0x3e: {  	v62 =	vld [tilespmem:s20+$0x6680];
	v1 =	vadd.s32 v59, v1  }
0x3f: {  	v63 =	vld [tilespmem:s20+$0x6700];
	v1 =	vadd.s32 v60, v1  }
0x40: {  	v1 =	vadd.s32 v2, v1  }
0x41: {  	v1 =	vadd.s32 v3, v1  }
0x42: {  	v1 =	vadd.s32 v61, v1  }
0x43: {  	s31 =	simm.s32 $0x10;
	s22 =	simm.s32 $0x80;
	v1 =	vadd.s32 v62, v1  }
0x44: {  	s21 =	sand.u32 $0x70, s31;
	s23 =	sand.u32 $0x1C00, s22;
	s20 =	simm.s32 $0x7780;
	v1 =	vadd.s32 v63, v1  }
0x45: {  	s21 =	sor.u32 s21, s23;
	s23 =	simm.s32 $0x20;
	[tilespmem:s20+$0x0] =	vst v1  }
.LBB2_6:
0x46: {  	p4 =	sne.s32 s23, $0x270;
	v1 =	vld [tilespmem:s21+$0x5000]  }
0x47: {  	v2 =	vld [tilespmem:s21+$0x4F80]  }
0x48: {  	v3 =	vld [tilespmem:s21+$0x5080]  }
0x49: {  	v4 =	vld [tilespmem:s21+$0x5100]  }
0x4a: {  	v5 =	vld [tilespmem:s21+$0x5180]  }
0x4b: {  	v6 =	vld [tilespmem:s21+$0x5200]  }
0x4c: {  	v1 =	vadd.s32 v2, v1;
	v2 =	vld [tilespmem:s21+$0x5280]  }
0x4d: {  	v1 =	vadd.s32 v3, v1;
	v3 =	vld [tilespmem:s21+$0x5300]  }
0x4e: {  	v1 =	vadd.s32 v4, v1;
	v4 =	vld [tilespmem:s21+$0x6380]  }
0x4f: {  	v1 =	vadd.s32 v5, v1;
	v5 =	vld [tilespmem:s21+$0x6400]  }
0x50: {  	v1 =	vadd.s32 v6, v1;
	v6 =	vld [tilespmem:s21+$0x6480]  }
0x51: {  	v1 =	vadd.s32 v2, v1;
	v2 =	vld [tilespmem:s21+$0x6500]  }
0x52: {  	v1 =	vadd.s32 v3, v1;
	v3 =	vld [tilespmem:s21+$0x6580]  }
0x53: {  	v1 =	vadd.s32 v4, v1;
	v4 =	vld [tilespmem:s21+$0x6600]  }
0x54: {  	v1 =	vadd.s32 v5, v1;
	v5 =	vld [tilespmem:s21+$0x6680]  }
0x55: {  	v1 =	vadd.s32 v6, v1;
	v6 =	vld [tilespmem:s21+$0x6700]  }
0x56: {  	v1 =	vadd.s32 v2, v1  }
.Ltmp2:
0x57: {  	v1 =	vadd.s32 v3, v1;
	(pc) =	sbr.rel @p4 .LBB2_6-.Ltmp2, $4  }
0x58: {  	v1 =	vadd.s32 v4, v1  }
0x59: {  	s22 =	sadd.s32 $0x80, s22;
	v1 =	vadd.s32 v5, v1  }
0x5a: {  	s20 =	sadd.s32 $0x10, s20;
	s24 =	sand.u32 $0x1C00, s22;
	s21 =	sand.u32 $0x70, s23;
	v1 =	vadd.s32 v6, v1  }
0x5b: {  	s23 =	sadd.s32 $0x10, s23;
	s21 =	sor.u32 s21, s24;
	[tilespmem:s20+$0x0] =	vst v1  }
0x5c: {  	v1 =	vld [tilespmem:s21+$0x5000]  }
0x5d: {  	v2 =	vld [tilespmem:s21+$0x4F80]  }
0x5e: {  	v3 =	vld [tilespmem:s21+$0x5080]  }
0x5f: {  	v4 =	vld [tilespmem:s21+$0x5100]  }
0x60: {  	v5 =	vld [tilespmem:s21+$0x5180]  }
0x61: {  	v6 =	vld [tilespmem:s21+$0x5200]  }
0x62: {  	v1 =	vadd.s32 v2, v1;
	v2 =	vld [tilespmem:s21+$0x5280]  }
0x63: {  	v1 =	vadd.s32 v3, v1;
	v3 =	vld [tilespmem:s21+$0x5300]  }
0x64: {  	v58 =	vld [tilespmem:s21+$0x6380];
	v1 =	vadd.s32 v4, v1  }
0x65: {  	v59 =	vld [tilespmem:s21+$0x6400];
	v1 =	vadd.s32 v5, v1  }
0x66: {  	v60 =	vld [tilespmem:s21+$0x6480];
	v1 =	vadd.s32 v6, v1  }
0x67: {  	v1 =	vadd.s32 v2, v1;
	v2 =	vld [tilespmem:s21+$0x6500]  }
0x68: {  	v1 =	vadd.s32 v3, v1;
	v3 =	vld [tilespmem:s21+$0x6580]  }
0x69: {  	v61 =	vld [tilespmem:s21+$0x6600];
	v1 =	vadd.s32 v58, v1  }
0x6a: {  	v62 =	vld [tilespmem:s21+$0x6680];
	v1 =	vadd.s32 v59, v1  }
0x6b: {  	v63 =	vld [tilespmem:s21+$0x6700];
	v1 =	vadd.s32 v60, v1  }
0x6c: {  	v1 =	vadd.s32 v2, v1  }
0x6d: {  	v1 =	vadd.s32 v3, v1  }
0x6e: {  	v1 =	vadd.s32 v61, v1  }
0x6f: {  	v1 =	vadd.s32 v62, v1  }
0x70: {  	s20 =	sadd.s32 $0x10, s20;
	v1 =	vadd.s32 v63, v1  }
0x71: {  	s21 =	simm.s32 @!p0 $0x7780;
	[tilespmem:s20+$0x0] =	vst v1;
	s20 =	simm.s32 @!p0 $0x0  }
0x72: {  	[hbm4b:s9+s20] =	stream.linear.scatter @!p0 [tilespmem:s21], [sflag:$0x2], $0x190, $0x38;
	[tilespmem:$0xA200] =	vst v63  }
0x73: {  	s20 =	simm.s32 @!p0 $0x2  }
0x74: {  	_ =	swait.ge @!p0 [sflag:s20], $0x190  }
0x75: {  	[sflag:s20] =	ssyncset.done @!p0 $0x0  }
0x76: {  	s21 =	simm.s32 @!p1 $0x7780;
	[sflag:s20] =	ssyncadd.s32 @!p0 $0xFFFFFE70;
	s20 =	simm.s32 @!p1 $0x0  }
0x77: {  	[hbm4b:s8+s20] =	stream.linear.scatter @!p1 [tilespmem:s21], [sflag:$0x2], $0x190, $0x38;
	[tilespmem:$0xA200] =	vst v63  }
0x78: {  	s20 =	simm.s32 @!p1 $0x2  }
0x79: {  	_ =	swait.ge @!p1 [sflag:s20], $0x190  }
0x7a: {  	[sflag:s20] =	ssyncset.done @!p1 $0x0  }
0x7b: {  	s21 =	simm.s32 @!p2 $0x7780;
	[sflag:s20] =	ssyncadd.s32 @!p1 $0xFFFFFE70;
	s20 =	simm.s32 @!p2 $0x0  }
0x7c: {  	[hbm4b:s7+s20] =	stream.linear.scatter @!p2 [tilespmem:s21], [sflag:$0x2], $0x280, $0x38;
	[tilespmem:$0xA200] =	vst v63  }
0x7d: {  	s20 =	simm.s32 @!p2 $0x2  }
0x7e: {  	s19 =	sadd.s32 $0x1, s19;
	_ =	swait.ge @!p2 [sflag:s20], $0x280  }
0x7f: {  	p4 =	sne.s32 s19, s10;
	[sflag:s20] =	ssyncset.done @!p2 $0x0  }
0x80: {  	s21 =	simm.s32 @!p3 $0x7780;
	[sflag:s20] =	ssyncadd.s32 @!p2 $0xFFFFFD80;
	s20 =	simm.s32 @!p3 $0x0  }
0x81: {  	[hbm4b:s6+s20] =	stream.linear.scatter @!p3 [tilespmem:s21], [sflag:$0x2], $0x280, $0x38;
	[tilespmem:$0xA200] =	vst v63  }
.Ltmp3:
0x82: {  	_ = 	snop;
	(pc) =	sbr.rel @p4 .LBB2_1-.Ltmp3, $4  }
0x83: {  	s20 =	simm.s32 @!p3 $0x2  }
0x84: {  	_ =	swait.ge @!p3 [sflag:s20], $0x280  }
0x85: {  	[sflag:s20] =	ssyncset.done @!p3 $0x0  }
0x86: {  	[sflag:s20] =	ssyncadd.s32 @!p3 $0xFFFFFD80  }
0x87: {  	_ =	sfence.sel $0x180000  }
0x88: {  	[bflag:$0x0] =	sbarrier.arrive $0xFFFF  }
0x89: {  	p0 =	sne.s32 s0, $0x0;
	_ =	strace $0x90000047  }
0x8a: {  	s0 =	sadd.s32 @!p0 $0x100000, s1;
	[bflag:$0x2] =	sbarrier.arrive $0xFFFF  }
0x8b: {  	[sflag:s0] =	ssyncadd.tile.s32 @!p0 $0x1;
	_ =	shalt  }
.Lfunc_end2:
_tile_overlayer_lowered:
.L_overlay_start_2:
0x8c: {  	(tag) =	ssettag $0x2  }
0x8d: {  	s0 =	rddreg [dreg:$0x0];
	s2 =	stileid.u32  }
0x8e: {  	s1 =	rddreg [dreg:$0x1];
	p0 =	sne.s32 s2, $0x0  }
0x8f: {  	s3 =	rddreg [dreg:$0x2];
	[bflag:$0x3] =	sbarrier.arrive $0xFFFF;
	s2 =	simm.s32 @!p0 $0x1C02  }
0x90: {  	[timem:s3], [sflag:s2] =	dma.local @!p0 [hbm:s0], s1  }
0x91: {  	s0 =	simm.s32 @!p0 $0x2  }
0x92: {  	_ =	swait.ge @!p0 [sflag:s0], s1  }
0x93: {  	s1 =	ssub.s32 @!p0 $0x0, s1;
	[sflag:s0] =	ssyncset.done @!p0 $0x0  }
0x94: {  	[sflag:s0] =	ssyncadd.s32 @!p0 s1  }
0x95: {  	[bflag:$0x3] =	sbarrier.arrive $0xFFFF  }
0x96: {  	_ =	shalt  }

// kernel: kernel.13.cloned.1.call-start
scs
__scs_entry_jumppad:
0x0: {  	(pc) =	sbr.rel $0x88, $3  }
0x1: {  	(tag) =	ssettag $0x0;
	lr =	simm.s32 $0x1  }
0x2: {  	[smem:$0x3F99] =	sst lr;
	_ =	strace $0xD0000000  }
0x3: {  	_ = 	snop  }
0x4: {  	_ = 	snop  }
0x5: {  	_ = 	snop  }
0x6: {  	_ = 	snop  }
0x7: {  	_ = 	snop  }
__scs_overlays_trampoline_lowered:
0x8: {  	[smem:$0x3FA8] =	sst s0  }
0x9: {  	[smem:$0x3FA9] =	sst s1  }
0xa: {  	[smem:$0x3FAA] =	sst s2  }
0xb: {  	[smem:$0x3FAB] =	sst s3  }
0xc: {  	[smem:$0x3FAC] =	sst s4  }
0xd: {  	[smem:$0x3FAD] =	sst s5  }
0xe: {  	[smem:$0x3FAE] =	sst s6  }
0xf: {  	[smem:$0x3FAF] =	sst s7  }
0x10: {  	[smem:$0x3FB0] =	sst s8  }
0x11: {  	[smem:$0x3FB1] =	sst s9;
	s0 =	simm.s32 @!p0 $0x0  }
0x12: {  	s1 =	sld [smem:$0x3F97];
	s0 =	simm.s32 @p0 $0x1  }
0x13: {  	[smem:$0x3FB2] =	sst s0;
	s0 =	simm.s32 @!p1 $0x0  }
0x14: {  	s2 =	sld [smem:$0x3F96];
	s0 =	simm.s32 @p1 $0x1  }
0x15: {  	[smem:$0x3FB3] =	sst s0;
	s0 =	simm.s32 @!p2 $0x0  }
0x16: {  	s3 =	sld [smem:$0x3FDB];
	s0 =	simm.s32 @p2 $0x1  }
0x17: {  	s4 =	simm.s32 $0x1BF5;
	[smem:$0x3FB5] =	sst s0  }
0x18: {  	s0 =	sld [smem:$0x3F98];
	_ =	swait.ge [sflag:s4], $0x0  }
0x19: {  	s7 =	sld [smem:$0x3F99]  }
0x1a: {  	s8 =	sadd.s32 $0xFFFFE003, lr  }
0x1b: {  	s9 =	sadd.s32 $0xFFFFFEF7, lr;
	s5 =	simm.s32 $0xFFFFFFFF;
	p2 =	slt.u32 s8, $0xFFFFF086  }
0x1c: {  	p1 =	slt.u32 s9, $0xF7A;
	s5 =	simm.s32 @!p2 $0x0  }
0x1d: {  	s5 =	simm.s32 @p1 $0x1;
	p0 =	seq.s32 s7, s2  }
0x1e: {  	s7 =	smul.u32 @!p0 $0xF7A, s2;
	p2 =	seq.s32 @!p0 s5, $0x0  }
0x1f: {  	s9 =	smul.u32 $0xF7A, s1;
	s8 =	simm.s32 @!p0 $0x1BF5;
	p2 =	por !p2, p0  }
0x20: {  	[sflag:s8] =	ssyncset.s32 @!p0 $0xFFFFF086;
	s6 =	sadd.s32 @!p0 s3, s7;
	s7 =	simm.s32 @!p0 $0x108  }
0x21: {  	s3 =	sadd.s32 s3, s9;
	s6 =	sadd.s32 @!p0 $0x88, s6;
	s7 =	simm.s32 @p2 $0x1082  }
0x22: {  	[simem:s7], [sflag:s8] =	dma.local @!p0 [hbm:s6], $0xF7A  }
0x23: {  	s9 =	sor.u32 $0xD0000000, s2;
	s6 =	simm.s32 $0x108;
	_ =	swait.ge @!p0 [sflag:s8], $0x0  }
0x24: {  	s3 =	sadd.s32 $0x88, s3;
	s6 =	simm.s32 @!p1 $0x1082;
	[sflag:s4] =	ssyncset.s32 $0xFFFFF086  }
0x25: {  	[simem:s6], [sflag:s4] =	dma.local [hbm:s3], $0xF7A  }
0x26: {  	[smem:$0x3F99] =	sst s1;
	(tag) =	ssettag s2;
	_ =	strace s9  }
0x27: {  	s1 =	sld [smem:$0x3FA9]  }
0x28: {  	s2 =	sld [smem:$0x3FAA]  }
0x29: {  	s4 =	sld [smem:$0x3FAC]  }
0x2a: {  	p0 =	seq.s32 s5, $0x0;
	s5 =	sld [smem:$0x3FAD]  }
0x2b: {  	s6 =	sld [smem:$0x3FAE]  }
0x2c: {  	s7 =	sld [smem:$0x3FAF]  }
0x2d: {  	s3 =	simm.s32 $0x108;
	s8 =	sld [smem:$0x3FB0]  }
0x2e: {  	s3 =	simm.s32 @!p0 $0x1082;
	s9 =	sld [smem:$0x3FB1]  }
0x2f: {  	lr =	sadd.s32 s0, s3;
	s0 =	sld [smem:$0x3FA8]  }
0x30: {  	s3 =	sld [smem:$0x3FAB]  }
0x31: {  	[smem:$0x3FB4] =	sst s10  }
0x32: {  	s10 =	sld [smem:$0x3FB2];
	_ =	sdelay $0x3  }
0x33: {  	p0 =	seq.s32 s10, $0x1;
	s10 =	sld [smem:$0x3FB4];
	_ =	sdelay $0x3  }
0x34: {  	[smem:$0x3FB4] =	sst s10  }
0x35: {  	s10 =	sld [smem:$0x3FB3];
	_ =	sdelay $0x3  }
0x36: {  	p1 =	seq.s32 s10, $0x1;
	s10 =	sld [smem:$0x3FB4];
	_ =	sdelay $0x3  }
0x37: {  	[smem:$0x3FB4] =	sst s10  }
0x38: {  	s10 =	sld [smem:$0x3FB5]  }
0x39: {  	_ = 	snop;
	(pc) =	sbr.ind lr, $3  }
0x3a: {  	_ = 	snop  }
0x3b: {  	_ = 	snop  }
0x3c: {  	p2 =	seq.s32 s10, $0x1;
	s10 =	sld [smem:$0x3FB4]  }
0x3d: {  	_ =	shalt  }
0x3e: {  	_ =	shalt  }
0x3f: {  	_ =	shalt  }
0x40: {  	_ =	shalt  }
0x41: {  	_ =	shalt  }
0x42: {  	_ =	shalt  }
0x43: {  	_ =	shalt  }
0x44: {  	_ =	shalt  }
0x45: {  	_ =	shalt  }
0x46: {  	_ =	shalt  }
0x47: {  	_ =	shalt  }
0x48: {  	_ =	shalt  }
0x49: {  	_ =	shalt  }
0x4a: {  	_ =	shalt  }
0x4b: {  	_ =	shalt  }
0x4c: {  	_ =	shalt  }
0x4d: {  	_ =	shalt  }
0x4e: {  	_ =	shalt  }
0x4f: {  	_ =	shalt  }
0x50: {  	_ =	shalt  }
0x51: {  	_ =	shalt  }
0x52: {  	_ =	shalt  }
0x53: {  	_ =	shalt  }
0x54: {  	_ =	shalt  }
0x55: {  	_ =	shalt  }
0x56: {  	_ =	shalt  }
0x57: {  	_ =	shalt  }
0x58: {  	_ =	shalt  }
0x59: {  	_ =	shalt  }
0x5a: {  	_ =	shalt  }
0x5b: {  	_ =	shalt  }
0x5c: {  	_ =	shalt  }
0x5d: {  	_ =	shalt  }
0x5e: {  	_ =	shalt  }
0x5f: {  	_ =	shalt  }
0x60: {  	_ =	shalt  }
0x61: {  	_ =	shalt  }
0x62: {  	_ =	shalt  }
0x63: {  	_ =	shalt  }
0x64: {  	_ =	shalt  }
0x65: {  	_ =	shalt  }
0x66: {  	_ =	shalt  }
0x67: {  	_ =	shalt  }
0x68: {  	_ =	shalt  }
0x69: {  	_ =	shalt  }
0x6a: {  	_ =	shalt  }
0x6b: {  	_ =	shalt  }
0x6c: {  	_ =	shalt  }
0x6d: {  	_ =	shalt  }
0x6e: {  	_ =	shalt  }
0x6f: {  	_ =	shalt  }
0x70: {  	_ =	shalt  }
0x71: {  	_ =	shalt  }
0x72: {  	_ =	shalt  }
0x73: {  	_ =	shalt  }
0x74: {  	_ =	shalt  }
0x75: {  	_ =	shalt  }
0x76: {  	_ =	shalt  }
0x77: {  	_ =	shalt  }
0x78: {  	_ =	shalt  }
0x79: {  	_ =	shalt  }
0x7a: {  	_ =	shalt  }
0x7b: {  	_ =	shalt  }
0x7c: {  	_ =	shalt  }
0x7d: {  	_ =	shalt  }
0x7e: {  	_ =	shalt  }
0x7f: {  	_ =	shalt  }
0x80: {  	_ =	shalt  }
0x81: {  	_ =	shalt  }
0x82: {  	_ =	shalt  }
0x83: {  	_ =	shalt  }
0x84: {  	_ =	shalt  }
0x85: {  	_ =	shalt  }
0x86: {  	_ =	shalt  }
0x87: {  	_ =	shalt  }
.Lfunc_end0:
.L_simem_size_0:
called_computation.1_lowered:
.L_overlay_start_0:
0x88: {  	s2 =	sld [smem:$0x3FD9]  }
0x89: {  	s3 =	sld [smem:$0x3FFE];
	_ =	sdelay $0x1  }
0x8a: {  	s1 =	srdreg.scid  }
0x8b: {  	s0 =	sand.u32 $0x1, s1  }
0x8c: {  	s17 =	sshll.u32 s0, $0xA;
	s2 =	sadd.s32 s3, s2  }
0x8d: {  	s2 =	sadd.s32 s2, s17  }
0x8e: {  	[smem:$0x3FC0] =	sst s2  }
0x8f: {  	_ = 	snop  }
0x90: {  	s2 =	sld [smem:$0x3FD0];
	(tm) =	ssettm $0x1  }
0x91: {  	s18 =	sld [smem:$0x3FFB];
	_ =	sdelay $0x3  }
0x92: {  	_ =	strace s18  }
0x93: {  	s3 =	sld [smem:$0x3FFC];
	_ =	sdelay $0x3  }
0x94: {  	_ =	strace s3  }
0x95: {  	s3 =	sld [smem:$0x3FFD];
	_ =	sdelay $0x3  }
0x96: {  	_ =	strace s3  }
0x97: {  	_ =	strace $0x8FFFFFFF  }
0x98: {  	s19 =	sld [smem:$0x3FDB];
	_ =	sdelay $0x1  }
0x99: {  	s4 =	simm.s32 $_scs_section_size  }
0x9a: {  	s5 =	simm.s32 $_size__tile_overlayer_lowered;
	s6 =	simm.s32 $_tile_overlayer_lowered  }
0x9b: {  	s22 =	simm.s32 $0x1BFF;
	s21 =	sshll.u32 s6, $0x1;
	s3 =	sadd.s32 s4, s19  }
0x9c: {  	s7 =	simm.s32 $0x0;
	s20 =	sshll.u32 s5, $0x1;
	s5 =	sadd.s32 s21, s3  }
0x9d: {  	[timem:s7], [sflag:s22] =	dma.local [hbm:s5], s20  }
0x9e: {  	_ =	swait.ge [sflag:s22], s20  }
0x9f: {  	s4 =	ssub.s32 $0x0, s20;
	[sflag:s22] =	ssyncset.done $0x0  }
0xa0: {  	[sflag:s22] =	ssyncadd.s32 s4;
	_ =	sdelay $0x1  }
0xa1: {  	s23 =	simm.s32 $0x1B8B  }
0xa2: {  	_ =	swait.ge [sflag:s23], $0x1  }
0xa3: {  	[sflag:s23] =	ssyncset.done $0x0  }
0xa4: {  	s25 =	simm.s32 $0x1B8E;
	s24 =	sld [smem:$0x3FFE];
	[sflag:s23] =	ssyncadd.s32 $0xFFFFFFFF  }
0xa5: {  	s26 =	simm.s32 $execute0_lowered;
	[smem:$0x3FD2] =	sst s25  }
0xa6: {  	s5 =	sshll.u32 s26, $0x1;
	_ =	strace $0x80000049;
	[dreg:$0x1] =	wrdreg $0xFFFFFFFF  }
0xa7: {  	s28 =	simm.s32 $_size_execute0_lowered;
	s3 =	sadd.s32 s3, s5;
	[dreg:$0x0] =	wrdreg $0x0  }
0xa8: {  	s5 =	sshll.u32 s28, $0x1;
	[dreg:$0x2] =	wrdreg s3  }
0xa9: {  	[dreg:$0x3] =	wrdreg s5  }
0xaa: {  	[dreg:$0x4] =	wrdreg $0xC0  }
0xab: {  	_ =	task [dreg:s7], $0x5FFFF  }
0xac: {  	[dreg:$0x1] =	wrdreg $0xFFFFFFFF  }
0xad: {  	[dreg:$0x0] =	wrdreg $0x60  }
0xae: {  	[dreg:$0x2] =	wrdreg s2  }
0xaf: {  	[dreg:$0x3] =	wrdreg s24  }
0xb0: {  	[dreg:$0x4] =	wrdreg $0xB7000  }
0xb1: {  	[dreg:$0x5] =	wrdreg $0x9  }
0xb2: {  	_ =	task.clear_ibuf [dreg:s7], $0x6FFFF;
	_ =	strace $0x90000049  }
0xb3: {  	s29 =	simm.s32 $0x9;
	_ =	strace $0x8000004B  }
0xb4: {  	_ =	swait.ge [sflag:s29], $0x1  }
0xb5: {  	[sflag:s29] =	ssyncadd.s32 $0xFFFFFFFF  }
0xb6: {  	_ =	strace $0x9000004B  }
0xb7: {  	_ =	sfence  }
0xb8: {  	s30 =	sld [smem:$0x0];
	_ =	sdelay $0x2  }
0xb9: {  	s31 =	sshll.u32 s1, $0xD;
	s1 =	sshrl.u32 s1, $0x2  }
0xba: {  	s3 =	sand.u32 $0x4000, s31;
	s1 =	sadd.s32 s1, s30  }
0xbb: {  	s0 =	sor.u32 s3, s0;
	s1 =	sshll.u32 s1, $0x11  }
0xbc: {  	s0 =	sor.u32 s1, s0  }
0xbd: {  	s0 =	sadd.s32 $0x8F2B, s0  }
0xbe: {  	[sflag:s0] =	ssyncadd.remote.s32 $0x1  }
0xbf: {  	_ =	sfence.sel $0xFFFF  }
0xc0: {  	[dreg:$0x0] =	wrdreg $0xFFFFFFFF;
	(pc) =	sbr.abs _section_cstart, $3  }
0xc1: {  	[dreg:$0x1] =	wrdreg $0xFFFFFFFF  }
0xc2: {  	_ =	task.clear_ibuf [dreg:s7], $0x2FFFF;
	_ =	strace $0x9FFFFFFF  }
0xc3: {  	(tm) =	ssettm $0x7FFFFFFF  }
tec
execute0_lowered:
.L_overlay_start_1:
0x0: {  	(tag) =	ssettag $0x1  }
0x1: {  	s1 =	rddreg [dreg:$0x0]  }
0x2: {  	s0 =	rddreg [dreg:$0x1]  }
0x3: {  	s3 =	rddreg [dreg:$0x2];
	s4 =	simm.s32 $0x0  }
0x4: {  	s15 =	stileid.u32;
	s6 =	srdreg.scid;
	s30 =	simm.s32 $0x180  }
0x5: {  	s31 =	simm.s32 $0x80;
	[smem:$0x7FF] =	sst s4;
	s2 =	smul.u32 $0x2780, s15  }
0x6: {  	s5 =	sadd.s32 $0xF400, s0;
	s8 =	sand.u32 $0x1, s6;
	s7 =	smul.u32 $0x4F000, s15  }
0x7: {  	s6 =	sadd.s32 $0x5600, s0;
	s24 =	sadd.s32 $0xB3E80, s0;
	p0 =	seq.s32 s15, $0xF  }
0x8: {  	s29 =	sadd.s32 $0x137400, s3;
	_ =	strace $0x8000004A;
	s9 =	ssub.s32 $0x2, s8  }
0x9: {  	s11 =	sshll.u32 s8, $0x4;
	p4 =	seq.s32 s8, $0x1;
	[dreg:$0x15] =	wrdreg s24  }
0xa: {  	s8 =	simm.s32 $0x100;
	s2 =	sadd.s32 s2, s0;
	s10 =	sshrl.u32 s9, $0x1  }
0xb: {  	s7 =	sshrl.u32 s7, $0x2;
	s25 =	sor.u32 s15, s11;
	s0 =	sadd.s32 $0xDB080, s0  }
0xc: {  	p1 =	por !p4, !p0;
	p2 =	por p4, !p0;
	p3 =	por !p4, p0  }
0xd: {  	p4 =	por p4, p0;
	s23 =	sadd.s32 $0x8EE00, s2;
	[dreg:$0x16] =	wrdreg s0  }
0xe: {  	s7 =	sadd.s32 s7, s3;
	s2 =	sadd.s32 $0xB6000, s2;
	[dreg:$0x13] =	wrdreg s23  }
0xf: {  	s15 =	simm.s32 $0x3;
	s26 =	sadd.s32 $0x3C00, s7;
	[dreg:$0x14] =	wrdreg s2  }
0x10: {  	s9 =	ssub.s32 s9, s10;
	s28 =	sadd.s32 $0x7800, s7;
	[dreg:$0x7] =	wrdreg s26  }
0x11: {  	s10 =	smul.u32 $0x2760, s25;
	s12 =	sadd.s32 $0xB400, s7;
	[dreg:$0x8] =	wrdreg s28  }
0x12: {  	s0 =	simm.s32 $0x200;
	s13 =	sadd.s32 $0xF000, s7;
	[dreg:$0x9] =	wrdreg s12  }
0x13: {  	s14 =	sadd.s32 $0x12C00, s7;
	s25 =	smax.u32 s9, $0x1;
	[dreg:$0xa] =	wrdreg s13  }
0x14: {  	s9 =	simm.s32 $0x280;
	s2 =	simm.s32 $0x2;
	[dreg:$0xb] =	wrdreg s14  }
0x15: {  	s23 =	simm.s32 $0x0;
	s14 =	sadd.s32 $0x12FC00, s3;
	[dreg:$0x17] =	wrdreg s25  }
0x16: {  	s13 =	sadd.s32 $0x128400, s3;
	s20 =	sadd.s32 $0x168, s10;
	[dreg:$0xc] =	wrdreg s14  }
0x17: {  	s16 =	sshrl.u32 s10, $0x3;
	s21 =	sadd.s32 $0x1E0, s10;
	[dreg:$0x4] =	wrdreg s20  }
0x18: {  	s12 =	sadd.s32 $0x78, s10;
	s10 =	sadd.s32 $0x258, s10;
	[dreg:$0x5] =	wrdreg s21  }
0x19: {  	s26 =	sadd.s32 $0x133800, s3;
	s28 =	sadd.s32 $0x12C000, s3;
	[dreg:$0x6] =	wrdreg s10  }
0x1a: {  	s17 =	sadd.s32 s5, s16;
	s12 =	sshrl.u32 s12, $0x3;
	[dreg:$0x18] =	wrdreg s26  }
0x1b: {  	s18 =	sadd.s32 s6, s16;
	s11 =	sadd.s32 $0x1E, s16;
	[dreg:$0x19] =	wrdreg s28  }
0x1c: {  	s10 =	simm.s32 $0x1;
	s14 =	simm.s32 $0x3F00;
	[dreg:$0xd] =	wrdreg s17  }
0x1d: {  	s16 =	simm.s32 $0x7B00;
	[dreg:$0xe] =	wrdreg s18;
	s19 =	sadd.s32 s5, s12  }
0x1e: {  	s20 =	simm.s32 $0x7;
	s12 =	sadd.s32 s6, s12;
	[dreg:$0xf] =	wrdreg s19  }
0x1f: {  	s21 =	simm.s32 $0x8;
	s22 =	sadd.s32 s5, s11;
	[dreg:$0x10] =	wrdreg s12  }
0x20: {  	s11 =	sadd.s32 s6, s11;
	s17 =	simm.s32 $0x4;
	[dreg:$0x11] =	wrdreg s22  }
0x21: {  	s18 =	simm.s32 $0x5;
	[dreg:$0x12] =	wrdreg s11;
	s11 =	simm.s32 $0x78  }
0x22: {  	v0 =	vimm.f32 $0.0e+00;
	s12 =	simm.s32 $0x300;
	s19 =	simm.s32 $0x6;
	s22 =	simm.s32 $0x9  }
.LBB2_1:
0x23: {  	s24 =	simm.s32 $0x0;
	s25 =	simm.s32 $0x200  }
.LBB2_2:
0x24: {  	p5 =	sne.s32 s25, $0xEE00;
	[tilespmem:s24+$0x370] =	vst v0  }
0x25: {  	[tilespmem:s24+$0x300] =	vst v0  }
0x26: {  	[tilespmem:s24+$0x310] =	vst v0  }
.Ltmp0:
0x27: {  	[tilespmem:s24+$0x320] =	vst v0;
	(pc) =	sbr.rel @p5 .LBB2_2-.Ltmp0, $4  }
0x28: {  	[tilespmem:s24+$0x330] =	vst v0  }
0x29: {  	[tilespmem:s24+$0x340] =	vst v0  }
0x2a: {  	[tilespmem:s24+$0x350] =	vst v0  }
0x2b: {  	[tilespmem:s24+$0x360] =	vst v0;
	s24 =	sshra.s32 s25, $0x2;
	s25 =	sadd.s32 $0x200, s25  }
0x2c: {  	[tilespmem:s24+$0x370] =	vst v0  }
0x2d: {  	[tilespmem:s24+$0x300] =	vst v0  }
0x2e: {  	[tilespmem:s24+$0x310] =	vst v0  }
0x2f: {  	[tilespmem:s24+$0x320] =	vst v0  }
0x30: {  	[tilespmem:s24+$0x330] =	vst v0  }
0x31: {  	[tilespmem:s24+$0x340] =	vst v0  }
0x32: {  	[tilespmem:s24+$0x350] =	vst v0  }
0x33: {  	[tilespmem:s24+$0x360] =	vst v0;
	s24 =	simm.s32 @p0 $0x300;
	s25 =	simm.s32 @p0 $0xA  }
0x34: {  	[spmem:s13] =	stream.linear.scatter @p0 [tilespmem:s24], [sflag:$0xA], $0x3C00, $0x38;
	[tilespmem:$0x1EFC0] =	vst v63  }
0x35: {  	_ =	swait.ge @p0 [sflag:s25], $0x3C00  }
0x36: {  	[sflag:s25] =	ssyncset.done @p0 $0x0  }
0x37: {  	s26 =	rddreg [dreg:$0x19];
	[sflag:s25] =	ssyncadd.s32 @p0 $0xFFFFC400  }
0x38: {  	[spmem:s26] =	stream.linear.scatter @p0 [tilespmem:s24], [sflag:$0xA], $0x3C00, $0x38;
	[tilespmem:$0x1EFC0] =	vst v63  }
0x39: {  	_ =	swait.ge @p0 [sflag:s25], $0x3C00  }
0x3a: {  	[sflag:s25] =	ssyncset.done @p0 $0x0  }
0x3b: {  	s26 =	rddreg [dreg:$0xc];
	[sflag:s25] =	ssyncadd.s32 @p0 $0xFFFFC400  }
0x3c: {  	[spmem:s26] =	stream.linear.scatter @p0 [tilespmem:s24], [sflag:$0xA], $0x3C00, $0x38;
	[tilespmem:$0x1EFC0] =	vst v63  }
0x3d: {  	_ =	swait.ge @p0 [sflag:s25], $0x3C00  }
0x3e: {  	[sflag:s25] =	ssyncset.done @p0 $0x0  }
0x3f: {  	s26 =	rddreg [dreg:$0x18];
	[sflag:s25] =	ssyncadd.s32 @p0 $0xFFFFC400  }
0x40: {  	[spmem:s26] =	stream.linear.scatter @p0 [tilespmem:s24], [sflag:$0xA], $0x3C00, $0x38;
	[tilespmem:$0x1EFC0] =	vst v63  }
0x41: {  	_ =	swait.ge @p0 [sflag:s25], $0x3C00  }
0x42: {  	[sflag:s25] =	ssyncset.done @p0 $0x0  }
0x43: {  	[sflag:s25] =	ssyncadd.s32 @p0 $0xFFFFC400  }
0x44: {  	[spmem:s29] =	stream.linear.scatter @p0 [tilespmem:s24], [sflag:$0xA], $0x1400, $0x38;
	[tilespmem:$0x1EFC0] =	vst v63  }
0x45: {  	_ =	swait.ge @p0 [sflag:s25], $0x1400  }
0x46: {  	[sflag:s25] =	ssyncset.done @p0 $0x0  }
0x47: {  	s24 =	simm.s32 @!p0 $0x300;
	[sflag:s25] =	ssyncadd.s32 @p0 $0xFFFFEC00;
	s25 =	simm.s32 @!p0 $0xA  }
0x48: {  	[spmem:s7] =	stream.linear.scatter @!p0 [tilespmem:s24], [sflag:$0xA], $0x3C00, $0x38;
	[tilespmem:$0x1EFC0] =	vst v63  }
0x49: {  	_ =	swait.ge @!p0 [sflag:s25], $0x3C00  }
0x4a: {  	[sflag:s25] =	ssyncset.done @!p0 $0x0  }
0x4b: {  	s26 =	rddreg [dreg:$0x7];
	[sflag:s25] =	ssyncadd.s32 @!p0 $0xFFFFC400  }
0x4c: {  	[spmem:s26] =	stream.linear.scatter @!p0 [tilespmem:s24], [sflag:$0xA], $0x3C00, $0x38;
	[tilespmem:$0x1EFC0] =	vst v63  }
0x4d: {  	_ =	swait.ge @!p0 [sflag:s25], $0x3C00  }
0x4e: {  	[sflag:s25] =	ssyncset.done @!p0 $0x0  }
0x4f: {  	s26 =	rddreg [dreg:$0x8];
	[sflag:s25] =	ssyncadd.s32 @!p0 $0xFFFFC400  }
0x50: {  	[spmem:s26] =	stream.linear.scatter @!p0 [tilespmem:s24], [sflag:$0xA], $0x3C00, $0x38;
	[tilespmem:$0x1EFC0] =	vst v63  }
0x51: {  	_ =	swait.ge @!p0 [sflag:s25], $0x3C00  }
0x52: {  	[sflag:s25] =	ssyncset.done @!p0 $0x0  }
0x53: {  	s26 =	rddreg [dreg:$0x9];
	[sflag:s25] =	ssyncadd.s32 @!p0 $0xFFFFC400  }
0x54: {  	[spmem:s26] =	stream.linear.scatter @!p0 [tilespmem:s24], [sflag:$0xA], $0x3C00, $0x38;
	[tilespmem:$0x1EFC0] =	vst v63  }
0x55: {  	_ =	swait.ge @!p0 [sflag:s25], $0x3C00  }
0x56: {  	[sflag:s25] =	ssyncset.done @!p0 $0x0  }
0x57: {  	s26 =	rddreg [dreg:$0xa];
	[sflag:s25] =	ssyncadd.s32 @!p0 $0xFFFFC400  }
0x58: {  	[spmem:s26] =	stream.linear.scatter @!p0 [tilespmem:s24], [sflag:$0xA], $0x3C00, $0x38;
	[tilespmem:$0x1EFC0] =	vst v63  }
0x59: {  	_ =	swait.ge @!p0 [sflag:s25], $0x3C00  }
0x5a: {  	[sflag:s25] =	ssyncset.done @!p0 $0x0  }
0x5b: {  	s26 =	rddreg [dreg:$0xb];
	[sflag:s25] =	ssyncadd.s32 @!p0 $0xFFFFC400  }
0x5c: {  	[spmem:s26] =	stream.linear.scatter @!p0 [tilespmem:s24], [sflag:$0xA], $0x1000, $0x38;
	[tilespmem:$0x1EFC0] =	vst v63  }
0x5d: {  	_ =	swait.ge @!p0 [sflag:s25], $0x1000  }
0x5e: {  	[sflag:s25] =	ssyncset.done @!p0 $0x0  }
0x5f: {  	s24 =	simm.s32 $0x0;
	s26 =	rddreg [dreg:$0xd];
	[sflag:s25] =	ssyncadd.s32 @!p0 $0xFFFFF000  }
0x60: {  	[tilespmem:s24], [sflag:$0x1] =	stream.linear.gather [hbm4b:s26+s24], $0x78, $0x38;
	[tilespmem:$0x1EFC0] =	vst v63  }
0x61: {  	s28 =	rddreg [dreg:$0xe]  }
0x62: {  	[tilespmem:s30], [sflag:$0x1] =	stream.linear.gather [hbm4b:s28+s24], $0x78, $0x38;
	[tilespmem:$0x1EFC0] =	vst v63  }
0x63: {  	s26 =	rddreg [dreg:$0xf]  }
0x64: {  	[tilespmem:s31], [sflag:$0x2] =	stream.linear.gather [hbm4b:s26+s24], $0x78, $0x38;
	[tilespmem:$0x1EFC0] =	vst v63  }
0x65: {  	s28 =	rddreg [dreg:$0x10]  }
0x66: {  	[tilespmem:s0], [sflag:$0x2] =	stream.linear.gather [hbm4b:s28+s24], $0x78, $0x38;
	[tilespmem:$0x1EFC0] =	vst v63  }
0x67: {  	s26 =	rddreg [dreg:$0x11]  }
0x68: {  	[tilespmem:s8], [sflag:$0x3] =	stream.linear.gather [hbm4b:s26+s24], $0x78, $0x38;
	[tilespmem:$0x1EFC0] =	vst v63  }
0x69: {  	s28 =	rddreg [dreg:$0x12]  }
0x6a: {  	[tilespmem:s9], [sflag:$0x3] =	stream.linear.gather [hbm4b:s28+s24], $0x78, $0x38;
	[tilespmem:$0x1EFC0] =	vst v63  }
0x6b: {  	[bflag:$0x0] =	sbarrier.arrive $0xFFFF  }
0x6c: {  	_ =	swait.ge [sflag:s10], $0x78  }
0x6d: {  	[sflag:s10] =	ssyncset.done $0x0  }
0x6e: {  	[sflag:s10] =	ssyncadd.s32 $0xFFFFFF88  }
0x6f: {  	_ =	swait.ge [sflag:s10], $0x78  }
0x70: {  	[sflag:s10] =	ssyncset.done $0x0  }
0x71: {  	[sflag:s10] =	ssyncadd.s32 $0xFFFFFF88  }
0x72: {  	[tilespmem:s12], [sflag:$0x4] =	stream.indirect.gather [hbm4b:s1+s11], $0x80, s24, s11, $0xb8;
	[tilespmem:$0x1EFC0] =	vst v63  }
0x73: {  	_ =	swait.ge [sflag:s2], $0x78  }
0x74: {  	[sflag:s2] =	ssyncset.done $0x0  }
0x75: {  	[sflag:s2] =	ssyncadd.s32 $0xFFFFFF88  }
0x76: {  	_ =	swait.ge [sflag:s2], $0x78  }
0x77: {  	[sflag:s2] =	ssyncset.done $0x0  }
0x78: {  	[sflag:s2] =	ssyncadd.s32 $0xFFFFFF88  }
0x79: {  	[tilespmem:s14], [sflag:$0x5] =	stream.indirect.gather [hbm4b:s1+s11], $0x80, s31, s11, $0xb8;
	[tilespmem:$0x1EFC0] =	vst v63  }
0x7a: {  	_ =	swait.ge [sflag:s15], $0x78  }
0x7b: {  	[sflag:s15] =	ssyncset.done $0x0  }
0x7c: {  	[sflag:s15] =	ssyncadd.s32 $0xFFFFFF88  }
0x7d: {  	_ =	swait.ge [sflag:s15], $0x78  }
0x7e: {  	[sflag:s15] =	ssyncset.done $0x0  }
0x7f: {  	[sflag:s15] =	ssyncadd.s32 $0xFFFFFF88  }
0x80: {  	[tilespmem:s16], [sflag:$0x6] =	stream.indirect.gather [hbm4b:s1+s11], $0x80, s8, s11, $0xb8;
	[tilespmem:$0x1EFC0] =	vst v63  }
0x81: {  	_ =	swait.ge [sflag:s17], $0x3C00  }
0x82: {  	[sflag:s17] =	ssyncset.done $0x0  }
0x83: {  	[sflag:s17] =	ssyncadd.s32 $0xFFFFC400  }
0x84: {  	[spmem:s3] =	stream.indirect.scatter.add.f32 [tilespmem:s12], [sflag:$0x7], $0x80, s30, s11, $0xb8;
	[tilespmem:$0x1EFC0] =	vst v63  }
0x85: {  	_ =	swait.ge [sflag:s18], $0x3C00  }
0x86: {  	[sflag:s18] =	ssyncset.done $0x0  }
0x87: {  	s26 =	smin.u32 s24, $0x50;
	[sflag:s18] =	ssyncadd.s32 $0xFFFFC400  }
0x88: {  	[spmem:s3] =	stream.indirect.scatter.add.f32 [tilespmem:s14], [sflag:$0x8], $0x80, s0, s11, $0xb8;
	[tilespmem:$0x1EFC0] =	vst v63  }
0x89: {  	s25 =	smul.u32 $0x78, s26;
	_ =	swait.ge [sflag:s19], $0x3C00  }
0x8a: {  	s28 =	rddreg [dreg:$0x4]  }
0x8b: {  	[sflag:s19] =	ssyncset.done $0x0;
	s25 =	sadd.s32 s25, s28  }
0x8c: {  	[sflag:s19] =	ssyncadd.s32 $0xFFFFC400;
	s25 =	sshrl.u32 s25, $0x3  }
0x8d: {  	[spmem:s3] =	stream.indirect.scatter.add.f32 [tilespmem:s16], [sflag:$0x9], $0x80, s9, s11, $0xb8;
	[tilespmem:$0x1EFC0] =	vst v63  }
0x8e: {  	s28 =	sadd.s32 s5, s25  }
0x8f: {  	[tilespmem:s4], [sflag:$0x1] =	stream.linear.gather [hbm4b:s28+s4], $0x78, $0x38;
	[tilespmem:$0x1EFC0] =	vst v63  }
0x90: {  	_ =	swait.ge [sflag:s20], $0x3C00  }
0x91: {  	[sflag:s20] =	ssyncset.done $0x0  }
0x92: {  	s25 =	sadd.s32 s6, s25;
	[sflag:s20] =	ssyncadd.s32 $0xFFFFC400  }
0x93: {  	[tilespmem:s30], [sflag:$0x1] =	stream.linear.gather [hbm4b:s25+s4], $0x78, $0x38;
	[tilespmem:$0x1EFC0] =	vst v63  }
0x94: {  	_ =	swait.ge [sflag:s10], $0x78  }
0x95: {  	[sflag:s10] =	ssyncset.done $0x0  }
0x96: {  	s26 =	smin.u32 s24, $0x4F;
	[sflag:s10] =	ssyncadd.s32 $0xFFFFFF88  }
0x97: {  	s25 =	smul.u32 $0x78, s26;
	_ =	swait.ge [sflag:s10], $0x78  }
0x98: {  	[sflag:s10] =	ssyncset.done $0x0;
	s28 =	rddreg [dreg:$0x5]  }
0x99: {  	[sflag:s10] =	ssyncadd.s32 $0xFFFFFF88;
	s25 =	sadd.s32 s25, s28  }
0x9a: {  	[tilespmem:s12], [sflag:$0x4] =	stream.indirect.gather [hbm4b:s1+s11], $0x80, s4, s11, $0xb8;
	[tilespmem:$0x1EFC0] =	vst v63  }
0x9b: {  	s25 =	sshrl.u32 s25, $0x3  }
0x9c: {  	s28 =	sadd.s32 s5, s25  }
0x9d: {  	[tilespmem:s31], [sflag:$0x2] =	stream.linear.gather [hbm4b:s28+s4], $0x78, $0x38;
	[tilespmem:$0x1EFC0] =	vst v63  }
0x9e: {  	_ =	swait.ge [sflag:s21], $0x3C00  }
0x9f: {  	[sflag:s21] =	ssyncset.done $0x0  }
0xa0: {  	s25 =	sadd.s32 s6, s25;
	[sflag:s21] =	ssyncadd.s32 $0xFFFFC400  }
0xa1: {  	[tilespmem:s0], [sflag:$0x2] =	stream.linear.gather [hbm4b:s25+s4], $0x78, $0x38;
	[tilespmem:$0x1EFC0] =	vst v63  }
0xa2: {  	_ =	swait.ge [sflag:s2], $0x78  }
0xa3: {  	[sflag:s2] =	ssyncset.done $0x0  }
0xa4: {  	s24 =	smin.u32 s24, $0x4E;
	[sflag:s2] =	ssyncadd.s32 $0xFFFFFF88  }
0xa5: {  	s24 =	smul.u32 $0x78, s24;
	_ =	swait.ge [sflag:s2], $0x78  }
0xa6: {  	[sflag:s2] =	ssyncset.done $0x0;
	s26 =	rddreg [dreg:$0x6]  }
0xa7: {  	[sflag:s2] =	ssyncadd.s32 $0xFFFFFF88;
	s24 =	sadd.s32 s24, s26  }
0xa8: {  	[tilespmem:s14], [sflag:$0x5] =	stream.indirect.gather [hbm4b:s1+s11], $0x80, s31, s11, $0xb8;
	[tilespmem:$0x1EFC0] =	vst v63  }
0xa9: {  	s24 =	sshrl.u32 s24, $0x3  }
0xaa: {  	s28 =	sadd.s32 s5, s24  }
0xab: {  	[tilespmem:s8], [sflag:$0x3] =	stream.linear.gather [hbm4b:s28+s4], $0x78, $0x38;
	[tilespmem:$0x1EFC0] =	vst v63  }
0xac: {  	_ =	swait.ge [sflag:s22], $0x3C00  }
0xad: {  	[sflag:s22] =	ssyncset.done $0x0  }
0xae: {  	s24 =	sadd.s32 s6, s24;
	[sflag:s22] =	ssyncadd.s32 $0xFFFFC400  }
0xaf: {  	[tilespmem:s9], [sflag:$0x3] =	stream.linear.gather [hbm4b:s24+s4], $0x78, $0x38;
	[tilespmem:$0x1EFC0] =	vst v63  }
0xb0: {  	_ =	swait.ge [sflag:s15], $0x78  }
0xb1: {  	[sflag:s15] =	ssyncset.done $0x0  }
0xb2: {  	[sflag:s15] =	ssyncadd.s32 $0xFFFFFF88  }
0xb3: {  	s24 =	simm.s32 $0x3;
	_ =	swait.ge [sflag:s15], $0x78  }
.LBB2_4:
0xb4: {  	[sflag:s15] =	ssyncset.done $0x0  }
0xb5: {  	[sflag:s15] =	ssyncadd.s32 $0xFFFFFF88  }
0xb6: {  	[tilespmem:s16], [sflag:$0x6] =	stream.indirect.gather [hbm4b:s1+s11], $0x80, s8, s11, $0xb8;
	[tilespmem:$0x1EFC0] =	vst v63  }
0xb7: {  	_ =	swait.ge [sflag:s17], $0x3C00  }
0xb8: {  	[sflag:s17] =	ssyncset.done $0x0  }
0xb9: {  	[sflag:s17] =	ssyncadd.s32 $0xFFFFC400  }
0xba: {  	[spmem:s3] =	stream.indirect.scatter.add.f32 [tilespmem:s12], [sflag:$0x7], $0x80, s30, s11, $0xb8;
	[tilespmem:$0x1EFC0] =	vst v63  }
0xbb: {  	_ =	swait.ge [sflag:s18], $0x3C00  }
0xbc: {  	s25 =	smov.u32 s24;
	[sflag:s18] =	ssyncset.done $0x0  }
0xbd: {  	s26 =	smin.u32 s25, $0x50;
	[sflag:s18] =	ssyncadd.s32 $0xFFFFC400  }
0xbe: {  	[spmem:s3] =	stream.indirect.scatter.add.f32 [tilespmem:s14], [sflag:$0x8], $0x80, s0, s11, $0xb8;
	[tilespmem:$0x1EFC0] =	vst v63  }
0xbf: {  	s26 =	smul.u32 $0x78, s26;
	_ =	swait.ge [sflag:s19], $0x3C00  }
0xc0: {  	s28 =	rddreg [dreg:$0x4]  }
0xc1: {  	[sflag:s19] =	ssyncset.done $0x0;
	s26 =	sadd.s32 s26, s28  }
0xc2: {  	[sflag:s19] =	ssyncadd.s32 $0xFFFFC400;
	s26 =	sshrl.u32 s26, $0x3  }
0xc3: {  	[spmem:s3] =	stream.indirect.scatter.add.f32 [tilespmem:s16], [sflag:$0x9], $0x80, s9, s11, $0xb8;
	[tilespmem:$0x1EFC0] =	vst v63  }
0xc4: {  	s28 =	sadd.s32 s5, s26  }
0xc5: {  	[tilespmem:s4], [sflag:$0x1] =	stream.linear.gather [hbm4b:s28+s4], $0x78, $0x38;
	[tilespmem:$0x1EFC0] =	vst v63  }
0xc6: {  	_ =	swait.ge [sflag:s20], $0x3C00  }
0xc7: {  	[sflag:s20] =	ssyncset.done $0x0  }
0xc8: {  	s26 =	sadd.s32 s6, s26;
	[sflag:s20] =	ssyncadd.s32 $0xFFFFC400  }
0xc9: {  	[tilespmem:s30], [sflag:$0x1] =	stream.linear.gather [hbm4b:s26+s4], $0x78, $0x38;
	[tilespmem:$0x1EFC0] =	vst v63  }
0xca: {  	_ =	swait.ge [sflag:s10], $0x78  }
0xcb: {  	[sflag:s10] =	ssyncset.done $0x0  }
0xcc: {  	s28 =	smin.u32 s25, $0x4F;
	[sflag:s10] =	ssyncadd.s32 $0xFFFFFF88  }
0xcd: {  	s26 =	smul.u32 $0x78, s28;
	_ =	swait.ge [sflag:s10], $0x78  }
0xce: {  	[sflag:s10] =	ssyncset.done $0x0;
	s28 =	rddreg [dreg:$0x5]  }
0xcf: {  	[sflag:s10] =	ssyncadd.s32 $0xFFFFFF88;
	s26 =	sadd.s32 s26, s28  }
0xd0: {  	[tilespmem:s12], [sflag:$0x4] =	stream.indirect.gather [hbm4b:s1+s11], $0x80, s4, s11, $0xb8;
	[tilespmem:$0x1EFC0] =	vst v63  }
0xd1: {  	s26 =	sshrl.u32 s26, $0x3  }
0xd2: {  	s28 =	sadd.s32 s5, s26  }
0xd3: {  	[tilespmem:s31], [sflag:$0x2] =	stream.linear.gather [hbm4b:s28+s4], $0x78, $0x38;
	[tilespmem:$0x1EFC0] =	vst v63  }
0xd4: {  	_ =	swait.ge [sflag:s21], $0x3C00  }
0xd5: {  	[sflag:s21] =	ssyncset.done $0x0  }
0xd6: {  	s26 =	sadd.s32 s6, s26;
	[sflag:s21] =	ssyncadd.s32 $0xFFFFC400  }
0xd7: {  	[tilespmem:s0], [sflag:$0x2] =	stream.linear.gather [hbm4b:s26+s4], $0x78, $0x38;
	[tilespmem:$0x1EFC0] =	vst v63  }
0xd8: {  	_ =	swait.ge [sflag:s2], $0x78  }
0xd9: {  	[sflag:s2] =	ssyncset.done $0x0  }
0xda: {  	s25 =	smin.u32 s25, $0x4E;
	[sflag:s2] =	ssyncadd.s32 $0xFFFFFF88  }
0xdb: {  	s25 =	smul.u32 $0x78, s25;
	_ =	swait.ge [sflag:s2], $0x78  }
0xdc: {  	[sflag:s2] =	ssyncset.done $0x0;
	s28 =	rddreg [dreg:$0x6]  }
0xdd: {  	[sflag:s2] =	ssyncadd.s32 $0xFFFFFF88;
	s25 =	sadd.s32 s25, s28  }
0xde: {  	[tilespmem:s14], [sflag:$0x5] =	stream.indirect.gather [hbm4b:s1+s11], $0x80, s31, s11, $0xb8;
	[tilespmem:$0x1EFC0] =	vst v63  }
0xdf: {  	s25 =	sshrl.u32 s25, $0x3  }
0xe0: {  	s28 =	sadd.s32 s5, s25  }
0xe1: {  	[tilespmem:s8], [sflag:$0x3] =	stream.linear.gather [hbm4b:s28+s4], $0x78, $0x38;
	[tilespmem:$0x1EFC0] =	vst v63  }
0xe2: {  	_ =	swait.ge [sflag:s22], $0x3C00  }
0xe3: {  	[sflag:s22] =	ssyncset.done $0x0  }
0xe4: {  	p5 =	sne.s32 s24, $0x51;
	s25 =	sadd.s32 s6, s25;
	[sflag:s22] =	ssyncadd.s32 $0xFFFFC400  }
0xe5: {  	[tilespmem:s9], [sflag:$0x3] =	stream.linear.gather [hbm4b:s25+s4], $0x78, $0x38;
	[tilespmem:$0x1EFC0] =	vst v63  }
.Ltmp1:
0xe6: {  	_ = 	snop;
	(pc) =	sbr.rel @p5 .LBB2_4-.Ltmp1, $4  }
0xe7: {  	_ =	swait.ge [sflag:s15], $0x78  }
0xe8: {  	[sflag:s15] =	ssyncset.done $0x0  }
0xe9: {  	[sflag:s15] =	ssyncadd.s32 $0xFFFFFF88  }
0xea: {  	s24 =	sadd.s32 $0x3, s24;
	_ =	swait.ge [sflag:s15], $0x78  }
0xeb: {  	[sflag:s15] =	ssyncset.done $0x0  }
0xec: {  	[sflag:s15] =	ssyncadd.s32 $0xFFFFFF88  }
0xed: {  	[tilespmem:s16], [sflag:$0x6] =	stream.indirect.gather [hbm4b:s1+s11], $0x80, s8, s11, $0xb8;
	[tilespmem:$0x1EFC0] =	vst v63  }
0xee: {  	_ =	swait.ge [sflag:s17], $0x3C00  }
0xef: {  	[sflag:s17] =	ssyncset.done $0x0  }
0xf0: {  	[sflag:s17] =	ssyncadd.s32 $0xFFFFC400  }
0xf1: {  	_ =	swait.ge [sflag:s18], $0x3C00  }
0xf2: {  	[sflag:s18] =	ssyncset.done $0x0  }
0xf3: {  	[sflag:s18] =	ssyncadd.s32 $0xFFFFC400  }
0xf4: {  	_ =	swait.ge [sflag:s19], $0x3C00  }
0xf5: {  	[sflag:s19] =	ssyncset.done $0x0  }
0xf6: {  	[sflag:s19] =	ssyncadd.s32 $0xFFFFC400  }
0xf7: {  	[bflag:$0x0] =	sbarrier.arrive $0xFFFF  }
0xf8: {  	s24 =	sshrl.u32 @!p1 s13, $0x3;
	s25 =	simm.s32 @!p1 $0x1FCA;
	s26 =	rddreg [dreg:$0x16]  }
0xf9: {  	[hbm:s26], [sflag:s25] =	dma.local @!p1 [spmem:s24], $0x2080  }
0xfa: {  	s24 =	simm.s32 @!p1 $0xA  }
0xfb: {  	_ =	swait.ge @!p1 [sflag:s24], $0x2080  }
0xfc: {  	s25 =	simm.s32 @!p2 $0x1FCA;
	[sflag:s24] =	ssyncset.done @!p1 $0x0  }
0xfd: {  	s26 =	rddreg [dreg:$0x15];
	[sflag:s24] =	ssyncadd.s32 @!p1 $0xFFFFDF80;
	s24 =	sshrl.u32 @!p2 s13, $0x3  }
0xfe: {  	[hbm:s26], [sflag:s25] =	dma.local @!p2 [spmem:s24], $0x2080  }
0xff: {  	s24 =	simm.s32 @!p2 $0xA  }
0x100: {  	s28 =	stileid.u32;
	_ =	swait.ge @!p2 [sflag:s24], $0x2080  }
0x101: {  	s25 =	sshll.u32 @!p3 s28, $0x6;
	[sflag:s24] =	ssyncset.done @!p2 $0x0;
	s26 =	rddreg [dreg:$0x14]  }
0x102: {  	[sflag:s24] =	ssyncadd.s32 @!p2 $0xFFFFDF80;
	s24 =	sor.u32 @!p3 $0x1C0A, s25;
	s25 =	sshrl.u32 @!p3 s7, $0x3  }
0x103: {  	[hbm:s26], [sflag:s24] =	dma.local @!p3 [spmem:s25], $0x2780  }
0x104: {  	s24 =	simm.s32 @!p3 $0xA  }
0x105: {  	_ =	swait.ge @!p3 [sflag:s24], $0x2780  }
0x106: {  	s25 =	sshll.u32 @!p4 s28, $0x6;
	[sflag:s24] =	ssyncset.done @!p3 $0x0;
	s28 =	rddreg [dreg:$0x13]  }
0x107: {  	[sflag:s24] =	ssyncadd.s32 @!p3 $0xFFFFD880;
	s24 =	sor.u32 @!p4 $0x1C0A, s25;
	s25 =	sshrl.u32 @!p4 s7, $0x3  }
0x108: {  	[hbm:s28], [sflag:s24] =	dma.local @!p4 [spmem:s25], $0x2780  }
0x109: {  	s24 =	simm.s32 @!p4 $0xA  }
0x10a: {  	_ =	swait.ge @!p4 [sflag:s24], $0x2780  }
0x10b: {  	s23 =	sadd.s32 $0x1, s23;
	s28 =	rddreg [dreg:$0x17]  }
0x10c: {  	p5 =	sne.s32 s23, s28  }
.Ltmp2:
0x10d: {  	_ = 	snop;
	(pc) =	sbr.rel @p5 .LBB2_1-.Ltmp2, $3  }
0x10e: {  	_ =	sdelay $0x1  }
0x10f: {  	[sflag:s24] =	ssyncset.done @!p4 $0x0  }
0x110: {  	s26 =	stileid.u32;
	[sflag:s24] =	ssyncadd.s32 @!p4 $0xFFFFD880  }
0x111: {  	_ =	sfence.sel $0x180000  }
0x112: {  	[bflag:$0x0] =	sbarrier.arrive $0xFFFF  }
0x113: {  	_ =	strace $0x9000004A  }
0x114: {  	[bflag:$0x2] =	sbarrier.arrive $0xFFFF  }
0x115: {  	p0 =	sne.s32 s26, $0x0;
	s0 =	rddreg [dreg:$0x3]  }
0x116: {  	s0 =	sadd.s32 @!p0 $0x100000, s0  }
0x117: {  	[sflag:s0] =	ssyncadd.tile.s32 @!p0 $0x1;
	_ =	shalt  }
.Lfunc_end2:
_tile_overlayer_lowered:
.L_overlay_start_2:
0x118: {  	(tag) =	ssettag $0x2  }
0x119: {  	s0 =	rddreg [dreg:$0x0];
	s2 =	stileid.u32  }
0x11a: {  	s1 =	rddreg [dreg:$0x1];
	p0 =	sne.s32 s2, $0x0  }
0x11b: {  	s3 =	rddreg [dreg:$0x2];
	[bflag:$0x3] =	sbarrier.arrive $0xFFFF;
	s2 =	simm.s32 @!p0 $0x1C0A  }
0x11c: {  	[timem:s3], [sflag:s2] =	dma.local @!p0 [hbm:s0], s1  }
0x11d: {  	s0 =	simm.s32 @!p0 $0xA  }
0x11e: {  	_ =	swait.ge @!p0 [sflag:s0], s1  }
0x11f: {  	s1 =	ssub.s32 @!p0 $0x0, s1;
	[sflag:s0] =	ssyncset.done @!p0 $0x0  }
0x120: {  	[sflag:s0] =	ssyncadd.s32 @!p0 s1  }
0x121: {  	[bflag:$0x3] =	sbarrier.arrive $0xFFFF  }
0x122: {  	_ =	shalt  }

// kernel: kernel.16.cloned.1.call-start
scs
__scs_entry_jumppad:
0x0: {  	(pc) =	sbr.rel $0x88, $3  }
0x1: {  	(tag) =	ssettag $0x0;
	lr =	simm.s32 $0x1  }
0x2: {  	[smem:$0x3F99] =	sst lr;
	_ =	strace $0xD0000000  }
0x3: {  	_ = 	snop  }
0x4: {  	_ = 	snop  }
0x5: {  	_ = 	snop  }
0x6: {  	_ = 	snop  }
0x7: {  	_ = 	snop  }
__scs_overlays_trampoline_lowered:
0x8: {  	[smem:$0x3FA8] =	sst s0  }
0x9: {  	[smem:$0x3FA9] =	sst s1  }
0xa: {  	[smem:$0x3FAA] =	sst s2  }
0xb: {  	[smem:$0x3FAB] =	sst s3  }
0xc: {  	[smem:$0x3FAC] =	sst s4  }
0xd: {  	[smem:$0x3FAD] =	sst s5  }
0xe: {  	[smem:$0x3FAE] =	sst s6  }
0xf: {  	[smem:$0x3FAF] =	sst s7  }
0x10: {  	[smem:$0x3FB0] =	sst s8  }
0x11: {  	[smem:$0x3FB1] =	sst s9;
	s0 =	simm.s32 @!p0 $0x0  }
0x12: {  	s1 =	sld [smem:$0x3F97];
	s0 =	simm.s32 @p0 $0x1  }
0x13: {  	[smem:$0x3FB2] =	sst s0;
	s0 =	simm.s32 @!p1 $0x0  }
0x14: {  	s2 =	sld [smem:$0x3F96];
	s0 =	simm.s32 @p1 $0x1  }
0x15: {  	[smem:$0x3FB3] =	sst s0;
	s0 =	simm.s32 @!p2 $0x0  }
0x16: {  	s3 =	sld [smem:$0x3FDB];
	s0 =	simm.s32 @p2 $0x1  }
0x17: {  	s4 =	simm.s32 $0x1BF5;
	[smem:$0x3FB5] =	sst s0  }
0x18: {  	s0 =	sld [smem:$0x3F98];
	_ =	swait.ge [sflag:s4], $0x0  }
0x19: {  	s7 =	sld [smem:$0x3F99]  }
0x1a: {  	s8 =	sadd.s32 $0xFFFFE003, lr  }
0x1b: {  	s9 =	sadd.s32 $0xFFFFFEF7, lr;
	s5 =	simm.s32 $0xFFFFFFFF;
	p2 =	slt.u32 s8, $0xFFFFF086  }
0x1c: {  	p1 =	slt.u32 s9, $0xF7A;
	s5 =	simm.s32 @!p2 $0x0  }
0x1d: {  	s5 =	simm.s32 @p1 $0x1;
	p0 =	seq.s32 s7, s2  }
0x1e: {  	s7 =	smul.u32 @!p0 $0xF7A, s2;
	p2 =	seq.s32 @!p0 s5, $0x0  }
0x1f: {  	s9 =	smul.u32 $0xF7A, s1;
	s8 =	simm.s32 @!p0 $0x1BF5;
	p2 =	por !p2, p0  }
0x20: {  	[sflag:s8] =	ssyncset.s32 @!p0 $0xFFFFF086;
	s6 =	sadd.s32 @!p0 s3, s7;
	s7 =	simm.s32 @!p0 $0x108  }
0x21: {  	s3 =	sadd.s32 s3, s9;
	s6 =	sadd.s32 @!p0 $0x88, s6;
	s7 =	simm.s32 @p2 $0x1082  }
0x22: {  	[simem:s7], [sflag:s8] =	dma.local @!p0 [hbm:s6], $0xF7A  }
0x23: {  	s9 =	sor.u32 $0xD0000000, s2;
	s6 =	simm.s32 $0x108;
	_ =	swait.ge @!p0 [sflag:s8], $0x0  }
0x24: {  	s3 =	sadd.s32 $0x88, s3;
	s6 =	simm.s32 @!p1 $0x1082;
	[sflag:s4] =	ssyncset.s32 $0xFFFFF086  }
0x25: {  	[simem:s6], [sflag:s4] =	dma.local [hbm:s3], $0xF7A  }
0x26: {  	[smem:$0x3F99] =	sst s1;
	(tag) =	ssettag s2;
	_ =	strace s9  }
0x27: {  	s1 =	sld [smem:$0x3FA9]  }
0x28: {  	s2 =	sld [smem:$0x3FAA]  }
0x29: {  	s4 =	sld [smem:$0x3FAC]  }
0x2a: {  	p0 =	seq.s32 s5, $0x0;
	s5 =	sld [smem:$0x3FAD]  }
0x2b: {  	s6 =	sld [smem:$0x3FAE]  }
0x2c: {  	s7 =	sld [smem:$0x3FAF]  }
0x2d: {  	s3 =	simm.s32 $0x108;
	s8 =	sld [smem:$0x3FB0]  }
0x2e: {  	s3 =	simm.s32 @!p0 $0x1082;
	s9 =	sld [smem:$0x3FB1]  }
0x2f: {  	lr =	sadd.s32 s0, s3;
	s0 =	sld [smem:$0x3FA8]  }
0x30: {  	s3 =	sld [smem:$0x3FAB]  }
0x31: {  	[smem:$0x3FB4] =	sst s10  }
0x32: {  	s10 =	sld [smem:$0x3FB2];
	_ =	sdelay $0x3  }
0x33: {  	p0 =	seq.s32 s10, $0x1;
	s10 =	sld [smem:$0x3FB4];
	_ =	sdelay $0x3  }
0x34: {  	[smem:$0x3FB4] =	sst s10  }
0x35: {  	s10 =	sld [smem:$0x3FB3];
	_ =	sdelay $0x3  }
0x36: {  	p1 =	seq.s32 s10, $0x1;
	s10 =	sld [smem:$0x3FB4];
	_ =	sdelay $0x3  }
0x37: {  	[smem:$0x3FB4] =	sst s10  }
0x38: {  	s10 =	sld [smem:$0x3FB5]  }
0x39: {  	_ = 	snop;
	(pc) =	sbr.ind lr, $3  }
0x3a: {  	_ = 	snop  }
0x3b: {  	_ = 	snop  }
0x3c: {  	p2 =	seq.s32 s10, $0x1;
	s10 =	sld [smem:$0x3FB4]  }
0x3d: {  	_ =	shalt  }
0x3e: {  	_ =	shalt  }
0x3f: {  	_ =	shalt  }
0x40: {  	_ =	shalt  }
0x41: {  	_ =	shalt  }
0x42: {  	_ =	shalt  }
0x43: {  	_ =	shalt  }
0x44: {  	_ =	shalt  }
0x45: {  	_ =	shalt  }
0x46: {  	_ =	shalt  }
0x47: {  	_ =	shalt  }
0x48: {  	_ =	shalt  }
0x49: {  	_ =	shalt  }
0x4a: {  	_ =	shalt  }
0x4b: {  	_ =	shalt  }
0x4c: {  	_ =	shalt  }
0x4d: {  	_ =	shalt  }
0x4e: {  	_ =	shalt  }
0x4f: {  	_ =	shalt  }
0x50: {  	_ =	shalt  }
0x51: {  	_ =	shalt  }
0x52: {  	_ =	shalt  }
0x53: {  	_ =	shalt  }
0x54: {  	_ =	shalt  }
0x55: {  	_ =	shalt  }
0x56: {  	_ =	shalt  }
0x57: {  	_ =	shalt  }
0x58: {  	_ =	shalt  }
0x59: {  	_ =	shalt  }
0x5a: {  	_ =	shalt  }
0x5b: {  	_ =	shalt  }
0x5c: {  	_ =	shalt  }
0x5d: {  	_ =	shalt  }
0x5e: {  	_ =	shalt  }
0x5f: {  	_ =	shalt  }
0x60: {  	_ =	shalt  }
0x61: {  	_ =	shalt  }
0x62: {  	_ =	shalt  }
0x63: {  	_ =	shalt  }
0x64: {  	_ =	shalt  }
0x65: {  	_ =	shalt  }
0x66: {  	_ =	shalt  }
0x67: {  	_ =	shalt  }
0x68: {  	_ =	shalt  }
0x69: {  	_ =	shalt  }
0x6a: {  	_ =	shalt  }
0x6b: {  	_ =	shalt  }
0x6c: {  	_ =	shalt  }
0x6d: {  	_ =	shalt  }
0x6e: {  	_ =	shalt  }
0x6f: {  	_ =	shalt  }
0x70: {  	_ =	shalt  }
0x71: {  	_ =	shalt  }
0x72: {  	_ =	shalt  }
0x73: {  	_ =	shalt  }
0x74: {  	_ =	shalt  }
0x75: {  	_ =	shalt  }
0x76: {  	_ =	shalt  }
0x77: {  	_ =	shalt  }
0x78: {  	_ =	shalt  }
0x79: {  	_ =	shalt  }
0x7a: {  	_ =	shalt  }
0x7b: {  	_ =	shalt  }
0x7c: {  	_ =	shalt  }
0x7d: {  	_ =	shalt  }
0x7e: {  	_ =	shalt  }
0x7f: {  	_ =	shalt  }
0x80: {  	_ =	shalt  }
0x81: {  	_ =	shalt  }
0x82: {  	_ =	shalt  }
0x83: {  	_ =	shalt  }
0x84: {  	_ =	shalt  }
0x85: {  	_ =	shalt  }
0x86: {  	_ =	shalt  }
0x87: {  	_ =	shalt  }
.Lfunc_end0:
.L_simem_size_0:
called_computation.2_lowered:
.L_overlay_start_0:
0x88: {  	s2 =	sld [smem:$0x3FD9]  }
0x89: {  	s3 =	sld [smem:$0x3FFE];
	_ =	sdelay $0x1  }
0x8a: {  	s1 =	srdreg.scid  }
0x8b: {  	s0 =	sand.u32 $0x1, s1  }
0x8c: {  	s17 =	sshll.u32 s0, $0xA;
	s2 =	sadd.s32 s3, s2  }
0x8d: {  	s2 =	sadd.s32 s2, s17  }
0x8e: {  	[smem:$0x3FC0] =	sst s2  }
0x8f: {  	_ = 	snop  }
0x90: {  	s2 =	sld [smem:$0x3FD0];
	(tm) =	ssettm $0x1  }
0x91: {  	s18 =	sld [smem:$0x3FFB];
	_ =	sdelay $0x3  }
0x92: {  	_ =	strace s18  }
0x93: {  	s3 =	sld [smem:$0x3FFC];
	_ =	sdelay $0x3  }
0x94: {  	_ =	strace s3  }
0x95: {  	s3 =	sld [smem:$0x3FFD];
	_ =	sdelay $0x3  }
0x96: {  	_ =	strace s3  }
0x97: {  	_ =	strace $0x8FFFFFFF  }
0x98: {  	s19 =	sld [smem:$0x3FDB];
	_ =	sdelay $0x1  }
0x99: {  	s4 =	simm.s32 $_scs_section_size  }
0x9a: {  	s5 =	simm.s32 $_size__tile_overlayer_lowered;
	s6 =	simm.s32 $_tile_overlayer_lowered  }
0x9b: {  	s22 =	simm.s32 $0x1BFF;
	s21 =	sshll.u32 s6, $0x1;
	s3 =	sadd.s32 s4, s19  }
0x9c: {  	s7 =	simm.s32 $0x0;
	s20 =	sshll.u32 s5, $0x1;
	s5 =	sadd.s32 s21, s3  }
0x9d: {  	[timem:s7], [sflag:s22] =	dma.local [hbm:s5], s20  }
0x9e: {  	_ =	swait.ge [sflag:s22], s20  }
0x9f: {  	s4 =	ssub.s32 $0x0, s20;
	[sflag:s22] =	ssyncset.done $0x0  }
0xa0: {  	[sflag:s22] =	ssyncadd.s32 s4;
	_ =	sdelay $0x1  }
0xa1: {  	s23 =	simm.s32 $0x1B8B  }
0xa2: {  	_ =	swait.ge [sflag:s23], $0x1  }
0xa3: {  	[sflag:s23] =	ssyncset.done $0x0  }
0xa4: {  	s25 =	simm.s32 $0x1B8E;
	s24 =	sld [smem:$0x3FFE];
	[sflag:s23] =	ssyncadd.s32 $0xFFFFFFFF  }
0xa5: {  	s26 =	simm.s32 $execute0_lowered;
	[smem:$0x3FD2] =	sst s25  }
0xa6: {  	s5 =	sshll.u32 s26, $0x1;
	_ =	strace $0x8000004C;
	[dreg:$0x1] =	wrdreg $0xFFFFFFFF  }
0xa7: {  	s28 =	simm.s32 $_size_execute0_lowered;
	s3 =	sadd.s32 s3, s5;
	[dreg:$0x0] =	wrdreg $0x0  }
0xa8: {  	s5 =	sshll.u32 s28, $0x1;
	[dreg:$0x2] =	wrdreg s3  }
0xa9: {  	[dreg:$0x3] =	wrdreg s5  }
0xaa: {  	[dreg:$0x4] =	wrdreg $0xC0  }
0xab: {  	_ =	task [dreg:s7], $0x5FFFF  }
0xac: {  	[dreg:$0x1] =	wrdreg $0xFFFFFFFF  }
0xad: {  	[dreg:$0x0] =	wrdreg $0x60  }
0xae: {  	[dreg:$0x2] =	wrdreg s2  }
0xaf: {  	[dreg:$0x3] =	wrdreg s24  }
0xb0: {  	[dreg:$0x4] =	wrdreg $0xB7000  }
0xb1: {  	[dreg:$0x5] =	wrdreg $0x9  }
0xb2: {  	_ =	task.clear_ibuf [dreg:s7], $0x6FFFF;
	_ =	strace $0x9000004C  }
0xb3: {  	s29 =	simm.s32 $0x9;
	_ =	strace $0x8000004E  }
0xb4: {  	_ =	swait.ge [sflag:s29], $0x1  }
0xb5: {  	[sflag:s29] =	ssyncadd.s32 $0xFFFFFFFF  }
0xb6: {  	_ =	strace $0x9000004E  }
0xb7: {  	_ =	sfence  }
0xb8: {  	s30 =	sld [smem:$0x0];
	_ =	sdelay $0x2  }
0xb9: {  	s31 =	sshll.u32 s1, $0xD;
	s1 =	sshrl.u32 s1, $0x2  }
0xba: {  	s3 =	sand.u32 $0x4000, s31;
	s1 =	sadd.s32 s1, s30  }
0xbb: {  	s0 =	sor.u32 s3, s0;
	s1 =	sshll.u32 s1, $0x11  }
0xbc: {  	s0 =	sor.u32 s1, s0  }
0xbd: {  	s0 =	sadd.s32 $0x8F2B, s0  }
0xbe: {  	[sflag:s0] =	ssyncadd.remote.s32 $0x1  }
0xbf: {  	_ =	sfence.sel $0xFFFF  }
0xc0: {  	[dreg:$0x0] =	wrdreg $0xFFFFFFFF;
	(pc) =	sbr.abs _section_cstart, $3  }
0xc1: {  	[dreg:$0x1] =	wrdreg $0xFFFFFFFF  }
0xc2: {  	_ =	task.clear_ibuf [dreg:s7], $0x2FFFF;
	_ =	strace $0x9FFFFFFF  }
0xc3: {  	(tm) =	ssettm $0x7FFFFFFF  }
tec
execute0_lowered:
.L_overlay_start_1:
0x0: {  	(tag) =	ssettag $0x1  }
0x1: {  	s1 =	rddreg [dreg:$0x0]  }
0x2: {  	s0 =	rddreg [dreg:$0x1]  }
0x3: {  	s3 =	rddreg [dreg:$0x2];
	s4 =	simm.s32 $0x0  }
0x4: {  	s15 =	stileid.u32;
	s6 =	srdreg.scid;
	s30 =	simm.s32 $0x180  }
0x5: {  	s31 =	simm.s32 $0x80;
	[smem:$0x7FF] =	sst s4;
	s2 =	smul.u32 $0x2780, s15  }
0x6: {  	s5 =	sadd.s32 $0xF400, s0;
	s8 =	sand.u32 $0x1, s6;
	s7 =	smul.u32 $0x4F000, s15  }
0x7: {  	s6 =	sadd.s32 $0x5600, s0;
	s24 =	sadd.s32 $0xB3E80, s0;
	p0 =	seq.s32 s15, $0xF  }
0x8: {  	s29 =	sadd.s32 $0x137400, s3;
	_ =	strace $0x8000004D;
	s9 =	ssub.s32 $0x2, s8  }
0x9: {  	s11 =	sshll.u32 s8, $0x4;
	p4 =	seq.s32 s8, $0x1;
	[dreg:$0x15] =	wrdreg s24  }
0xa: {  	s8 =	simm.s32 $0x100;
	s2 =	sadd.s32 s2, s0;
	s10 =	sshrl.u32 s9, $0x1  }
0xb: {  	s7 =	sshrl.u32 s7, $0x2;
	s25 =	sor.u32 s15, s11;
	s0 =	sadd.s32 $0xDB080, s0  }
0xc: {  	p1 =	por !p4, !p0;
	p2 =	por p4, !p0;
	p3 =	por !p4, p0  }
0xd: {  	p4 =	por p4, p0;
	s23 =	sadd.s32 $0x8EE00, s2;
	[dreg:$0x16] =	wrdreg s0  }
0xe: {  	s7 =	sadd.s32 s7, s3;
	s2 =	sadd.s32 $0xB6000, s2;
	[dreg:$0x13] =	wrdreg s23  }
0xf: {  	s15 =	simm.s32 $0x3;
	s26 =	sadd.s32 $0x3C00, s7;
	[dreg:$0x14] =	wrdreg s2  }
0x10: {  	s9 =	ssub.s32 s9, s10;
	s28 =	sadd.s32 $0x7800, s7;
	[dreg:$0x7] =	wrdreg s26  }
0x11: {  	s10 =	smul.u32 $0x2760, s25;
	s12 =	sadd.s32 $0xB400, s7;
	[dreg:$0x8] =	wrdreg s28  }
0x12: {  	s0 =	simm.s32 $0x200;
	s13 =	sadd.s32 $0xF000, s7;
	[dreg:$0x9] =	wrdreg s12  }
0x13: {  	s14 =	sadd.s32 $0x12C00, s7;
	s25 =	smax.u32 s9, $0x1;
	[dreg:$0xa] =	wrdreg s13  }
0x14: {  	s9 =	simm.s32 $0x280;
	s2 =	simm.s32 $0x2;
	[dreg:$0xb] =	wrdreg s14  }
0x15: {  	s23 =	simm.s32 $0x0;
	s14 =	sadd.s32 $0x12FC00, s3;
	[dreg:$0x17] =	wrdreg s25  }
0x16: {  	s13 =	sadd.s32 $0x128400, s3;
	s20 =	sadd.s32 $0x168, s10;
	[dreg:$0xc] =	wrdreg s14  }
0x17: {  	s16 =	sshrl.u32 s10, $0x3;
	s21 =	sadd.s32 $0x1E0, s10;
	[dreg:$0x4] =	wrdreg s20  }
0x18: {  	s12 =	sadd.s32 $0x78, s10;
	s10 =	sadd.s32 $0x258, s10;
	[dreg:$0x5] =	wrdreg s21  }
0x19: {  	s26 =	sadd.s32 $0x133800, s3;
	s28 =	sadd.s32 $0x12C000, s3;
	[dreg:$0x6] =	wrdreg s10  }
0x1a: {  	s17 =	sadd.s32 s5, s16;
	s12 =	sshrl.u32 s12, $0x3;
	[dreg:$0x18] =	wrdreg s26  }
0x1b: {  	s18 =	sadd.s32 s6, s16;
	s11 =	sadd.s32 $0x1E, s16;
	[dreg:$0x19] =	wrdreg s28  }
0x1c: {  	s10 =	simm.s32 $0x1;
	s14 =	simm.s32 $0x3F00;
	[dreg:$0xd] =	wrdreg s17  }
0x1d: {  	s16 =	simm.s32 $0x7B00;
	[dreg:$0xe] =	wrdreg s18;
	s19 =	sadd.s32 s5, s12  }
0x1e: {  	s20 =	simm.s32 $0x7;
	s12 =	sadd.s32 s6, s12;
	[dreg:$0xf] =	wrdreg s19  }
0x1f: {  	s21 =	simm.s32 $0x8;
	s22 =	sadd.s32 s5, s11;
	[dreg:$0x10] =	wrdreg s12  }
0x20: {  	s11 =	sadd.s32 s6, s11;
	s17 =	simm.s32 $0x4;
	[dreg:$0x11] =	wrdreg s22  }
0x21: {  	s18 =	simm.s32 $0x5;
	[dreg:$0x12] =	wrdreg s11;
	s11 =	simm.s32 $0x78  }
0x22: {  	v0 =	vimm.f32 $0.0e+00;
	s12 =	simm.s32 $0x300;
	s19 =	simm.s32 $0x6;
	s22 =	simm.s32 $0x9  }
.LBB2_1:
0x23: {  	s24 =	simm.s32 $0x0;
	s25 =	simm.s32 $0x200  }
.LBB2_2:
0x24: {  	p5 =	sne.s32 s25, $0xEE00;
	[tilespmem:s24+$0x370] =	vst v0  }
0x25: {  	[tilespmem:s24+$0x300] =	vst v0  }
0x26: {  	[tilespmem:s24+$0x310] =	vst v0  }
.Ltmp0:
0x27: {  	[tilespmem:s24+$0x320] =	vst v0;
	(pc) =	sbr.rel @p5 .LBB2_2-.Ltmp0, $4  }
0x28: {  	[tilespmem:s24+$0x330] =	vst v0  }
0x29: {  	[tilespmem:s24+$0x340] =	vst v0  }
0x2a: {  	[tilespmem:s24+$0x350] =	vst v0  }
0x2b: {  	[tilespmem:s24+$0x360] =	vst v0;
	s24 =	sshra.s32 s25, $0x2;
	s25 =	sadd.s32 $0x200, s25  }
0x2c: {  	[tilespmem:s24+$0x370] =	vst v0  }
0x2d: {  	[tilespmem:s24+$0x300] =	vst v0  }
0x2e: {  	[tilespmem:s24+$0x310] =	vst v0  }
0x2f: {  	[tilespmem:s24+$0x320] =	vst v0  }
0x30: {  	[tilespmem:s24+$0x330] =	vst v0  }
0x31: {  	[tilespmem:s24+$0x340] =	vst v0  }
0x32: {  	[tilespmem:s24+$0x350] =	vst v0  }
0x33: {  	[tilespmem:s24+$0x360] =	vst v0;
	s24 =	simm.s32 @p0 $0x300;
	s25 =	simm.s32 @p0 $0xA  }
0x34: {  	[spmem:s13] =	stream.linear.scatter @p0 [tilespmem:s24], [sflag:$0xA], $0x3C00, $0x38;
	[tilespmem:$0x1EFC0] =	vst v63  }
0x35: {  	_ =	swait.ge @p0 [sflag:s25], $0x3C00  }
0x36: {  	[sflag:s25] =	ssyncset.done @p0 $0x0  }
0x37: {  	s26 =	rddreg [dreg:$0x19];
	[sflag:s25] =	ssyncadd.s32 @p0 $0xFFFFC400  }
0x38: {  	[spmem:s26] =	stream.linear.scatter @p0 [tilespmem:s24], [sflag:$0xA], $0x3C00, $0x38;
	[tilespmem:$0x1EFC0] =	vst v63  }
0x39: {  	_ =	swait.ge @p0 [sflag:s25], $0x3C00  }
0x3a: {  	[sflag:s25] =	ssyncset.done @p0 $0x0  }
0x3b: {  	s26 =	rddreg [dreg:$0xc];
	[sflag:s25] =	ssyncadd.s32 @p0 $0xFFFFC400  }
0x3c: {  	[spmem:s26] =	stream.linear.scatter @p0 [tilespmem:s24], [sflag:$0xA], $0x3C00, $0x38;
	[tilespmem:$0x1EFC0] =	vst v63  }
0x3d: {  	_ =	swait.ge @p0 [sflag:s25], $0x3C00  }
0x3e: {  	[sflag:s25] =	ssyncset.done @p0 $0x0  }
0x3f: {  	s26 =	rddreg [dreg:$0x18];
	[sflag:s25] =	ssyncadd.s32 @p0 $0xFFFFC400  }
0x40: {  	[spmem:s26] =	stream.linear.scatter @p0 [tilespmem:s24], [sflag:$0xA], $0x3C00, $0x38;
	[tilespmem:$0x1EFC0] =	vst v63  }
0x41: {  	_ =	swait.ge @p0 [sflag:s25], $0x3C00  }
0x42: {  	[sflag:s25] =	ssyncset.done @p0 $0x0  }
0x43: {  	[sflag:s25] =	ssyncadd.s32 @p0 $0xFFFFC400  }
0x44: {  	[spmem:s29] =	stream.linear.scatter @p0 [tilespmem:s24], [sflag:$0xA], $0x1400, $0x38;
	[tilespmem:$0x1EFC0] =	vst v63  }
0x45: {  	_ =	swait.ge @p0 [sflag:s25], $0x1400  }
0x46: {  	[sflag:s25] =	ssyncset.done @p0 $0x0  }
0x47: {  	s24 =	simm.s32 @!p0 $0x300;
	[sflag:s25] =	ssyncadd.s32 @p0 $0xFFFFEC00;
	s25 =	simm.s32 @!p0 $0xA  }
0x48: {  	[spmem:s7] =	stream.linear.scatter @!p0 [tilespmem:s24], [sflag:$0xA], $0x3C00, $0x38;
	[tilespmem:$0x1EFC0] =	vst v63  }
0x49: {  	_ =	swait.ge @!p0 [sflag:s25], $0x3C00  }
0x4a: {  	[sflag:s25] =	ssyncset.done @!p0 $0x0  }
0x4b: {  	s26 =	rddreg [dreg:$0x7];
	[sflag:s25] =	ssyncadd.s32 @!p0 $0xFFFFC400  }
0x4c: {  	[spmem:s26] =	stream.linear.scatter @!p0 [tilespmem:s24], [sflag:$0xA], $0x3C00, $0x38;
	[tilespmem:$0x1EFC0] =	vst v63  }
0x4d: {  	_ =	swait.ge @!p0 [sflag:s25], $0x3C00  }
0x4e: {  	[sflag:s25] =	ssyncset.done @!p0 $0x0  }
0x4f: {  	s26 =	rddreg [dreg:$0x8];
	[sflag:s25] =	ssyncadd.s32 @!p0 $0xFFFFC400  }
0x50: {  	[spmem:s26] =	stream.linear.scatter @!p0 [tilespmem:s24], [sflag:$0xA], $0x3C00, $0x38;
	[tilespmem:$0x1EFC0] =	vst v63  }
0x51: {  	_ =	swait.ge @!p0 [sflag:s25], $0x3C00  }
0x52: {  	[sflag:s25] =	ssyncset.done @!p0 $0x0  }
0x53: {  	s26 =	rddreg [dreg:$0x9];
	[sflag:s25] =	ssyncadd.s32 @!p0 $0xFFFFC400  }
0x54: {  	[spmem:s26] =	stream.linear.scatter @!p0 [tilespmem:s24], [sflag:$0xA], $0x3C00, $0x38;
	[tilespmem:$0x1EFC0] =	vst v63  }
0x55: {  	_ =	swait.ge @!p0 [sflag:s25], $0x3C00  }
0x56: {  	[sflag:s25] =	ssyncset.done @!p0 $0x0  }
0x57: {  	s26 =	rddreg [dreg:$0xa];
	[sflag:s25] =	ssyncadd.s32 @!p0 $0xFFFFC400  }
0x58: {  	[spmem:s26] =	stream.linear.scatter @!p0 [tilespmem:s24], [sflag:$0xA], $0x3C00, $0x38;
	[tilespmem:$0x1EFC0] =	vst v63  }
0x59: {  	_ =	swait.ge @!p0 [sflag:s25], $0x3C00  }
0x5a: {  	[sflag:s25] =	ssyncset.done @!p0 $0x0  }
0x5b: {  	s26 =	rddreg [dreg:$0xb];
	[sflag:s25] =	ssyncadd.s32 @!p0 $0xFFFFC400  }
0x5c: {  	[spmem:s26] =	stream.linear.scatter @!p0 [tilespmem:s24], [sflag:$0xA], $0x1000, $0x38;
	[tilespmem:$0x1EFC0] =	vst v63  }
0x5d: {  	_ =	swait.ge @!p0 [sflag:s25], $0x1000  }
0x5e: {  	[sflag:s25] =	ssyncset.done @!p0 $0x0  }
0x5f: {  	s24 =	simm.s32 $0x0;
	s26 =	rddreg [dreg:$0xd];
	[sflag:s25] =	ssyncadd.s32 @!p0 $0xFFFFF000  }
0x60: {  	[tilespmem:s24], [sflag:$0x1] =	stream.linear.gather [hbm4b:s26+s24], $0x78, $0x38;
	[tilespmem:$0x1EFC0] =	vst v63  }
0x61: {  	s28 =	rddreg [dreg:$0xe]  }
0x62: {  	[tilespmem:s30], [sflag:$0x1] =	stream.linear.gather [hbm4b:s28+s24], $0x78, $0x38;
	[tilespmem:$0x1EFC0] =	vst v63  }
0x63: {  	s26 =	rddreg [dreg:$0xf]  }
0x64: {  	[tilespmem:s31], [sflag:$0x2] =	stream.linear.gather [hbm4b:s26+s24], $0x78, $0x38;
	[tilespmem:$0x1EFC0] =	vst v63  }
0x65: {  	s28 =	rddreg [dreg:$0x10]  }
0x66: {  	[tilespmem:s0], [sflag:$0x2] =	stream.linear.gather [hbm4b:s28+s24], $0x78, $0x38;
	[tilespmem:$0x1EFC0] =	vst v63  }
0x67: {  	s26 =	rddreg [dreg:$0x11]  }
0x68: {  	[tilespmem:s8], [sflag:$0x3] =	stream.linear.gather [hbm4b:s26+s24], $0x78, $0x38;
	[tilespmem:$0x1EFC0] =	vst v63  }
0x69: {  	s28 =	rddreg [dreg:$0x12]  }
0x6a: {  	[tilespmem:s9], [sflag:$0x3] =	stream.linear.gather [hbm4b:s28+s24], $0x78, $0x38;
	[tilespmem:$0x1EFC0] =	vst v63  }
0x6b: {  	[bflag:$0x0] =	sbarrier.arrive $0xFFFF  }
0x6c: {  	_ =	swait.ge [sflag:s10], $0x78  }
0x6d: {  	[sflag:s10] =	ssyncset.done $0x0  }
0x6e: {  	[sflag:s10] =	ssyncadd.s32 $0xFFFFFF88  }
0x6f: {  	_ =	swait.ge [sflag:s10], $0x78  }
0x70: {  	[sflag:s10] =	ssyncset.done $0x0  }
0x71: {  	[sflag:s10] =	ssyncadd.s32 $0xFFFFFF88  }
0x72: {  	[tilespmem:s12], [sflag:$0x4] =	stream.indirect.gather [hbm4b:s1+s11], $0x80, s24, s11, $0xb8;
	[tilespmem:$0x1EFC0] =	vst v63  }
0x73: {  	_ =	swait.ge [sflag:s2], $0x78  }
0x74: {  	[sflag:s2] =	ssyncset.done $0x0  }
0x75: {  	[sflag:s2] =	ssyncadd.s32 $0xFFFFFF88  }
0x76: {  	_ =	swait.ge [sflag:s2], $0x78  }
0x77: {  	[sflag:s2] =	ssyncset.done $0x0  }
0x78: {  	[sflag:s2] =	ssyncadd.s32 $0xFFFFFF88  }
0x79: {  	[tilespmem:s14], [sflag:$0x5] =	stream.indirect.gather [hbm4b:s1+s11], $0x80, s31, s11, $0xb8;
	[tilespmem:$0x1EFC0] =	vst v63  }
0x7a: {  	_ =	swait.ge [sflag:s15], $0x78  }
0x7b: {  	[sflag:s15] =	ssyncset.done $0x0  }
0x7c: {  	[sflag:s15] =	ssyncadd.s32 $0xFFFFFF88  }
0x7d: {  	_ =	swait.ge [sflag:s15], $0x78  }
0x7e: {  	[sflag:s15] =	ssyncset.done $0x0  }
0x7f: {  	[sflag:s15] =	ssyncadd.s32 $0xFFFFFF88  }
0x80: {  	[tilespmem:s16], [sflag:$0x6] =	stream.indirect.gather [hbm4b:s1+s11], $0x80, s8, s11, $0xb8;
	[tilespmem:$0x1EFC0] =	vst v63  }
0x81: {  	_ =	swait.ge [sflag:s17], $0x3C00  }
0x82: {  	[sflag:s17] =	ssyncset.done $0x0  }
0x83: {  	[sflag:s17] =	ssyncadd.s32 $0xFFFFC400  }
0x84: {  	[spmem:s3] =	stream.indirect.scatter.add.f32 [tilespmem:s12], [sflag:$0x7], $0x80, s30, s11, $0xb8;
	[tilespmem:$0x1EFC0] =	vst v63  }
0x85: {  	_ =	swait.ge [sflag:s18], $0x3C00  }
0x86: {  	[sflag:s18] =	ssyncset.done $0x0  }
0x87: {  	s26 =	smin.u32 s24, $0x50;
	[sflag:s18] =	ssyncadd.s32 $0xFFFFC400  }
0x88: {  	[spmem:s3] =	stream.indirect.scatter.add.f32 [tilespmem:s14], [sflag:$0x8], $0x80, s0, s11, $0xb8;
	[tilespmem:$0x1EFC0] =	vst v63  }
0x89: {  	s25 =	smul.u32 $0x78, s26;
	_ =	swait.ge [sflag:s19], $0x3C00  }
0x8a: {  	s28 =	rddreg [dreg:$0x4]  }
0x8b: {  	[sflag:s19] =	ssyncset.done $0x0;
	s25 =	sadd.s32 s25, s28  }
0x8c: {  	[sflag:s19] =	ssyncadd.s32 $0xFFFFC400;
	s25 =	sshrl.u32 s25, $0x3  }
0x8d: {  	[spmem:s3] =	stream.indirect.scatter.add.f32 [tilespmem:s16], [sflag:$0x9], $0x80, s9, s11, $0xb8;
	[tilespmem:$0x1EFC0] =	vst v63  }
0x8e: {  	s28 =	sadd.s32 s5, s25  }
0x8f: {  	[tilespmem:s4], [sflag:$0x1] =	stream.linear.gather [hbm4b:s28+s4], $0x78, $0x38;
	[tilespmem:$0x1EFC0] =	vst v63  }
0x90: {  	_ =	swait.ge [sflag:s20], $0x3C00  }
0x91: {  	[sflag:s20] =	ssyncset.done $0x0  }
0x92: {  	s25 =	sadd.s32 s6, s25;
	[sflag:s20] =	ssyncadd.s32 $0xFFFFC400  }
0x93: {  	[tilespmem:s30], [sflag:$0x1] =	stream.linear.gather [hbm4b:s25+s4], $0x78, $0x38;
	[tilespmem:$0x1EFC0] =	vst v63  }
0x94: {  	_ =	swait.ge [sflag:s10], $0x78  }
0x95: {  	[sflag:s10] =	ssyncset.done $0x0  }
0x96: {  	s26 =	smin.u32 s24, $0x4F;
	[sflag:s10] =	ssyncadd.s32 $0xFFFFFF88  }
0x97: {  	s25 =	smul.u32 $0x78, s26;
	_ =	swait.ge [sflag:s10], $0x78  }
0x98: {  	[sflag:s10] =	ssyncset.done $0x0;
	s28 =	rddreg [dreg:$0x5]  }
0x99: {  	[sflag:s10] =	ssyncadd.s32 $0xFFFFFF88;
	s25 =	sadd.s32 s25, s28  }
0x9a: {  	[tilespmem:s12], [sflag:$0x4] =	stream.indirect.gather [hbm4b:s1+s11], $0x80, s4, s11, $0xb8;
	[tilespmem:$0x1EFC0] =	vst v63  }
0x9b: {  	s25 =	sshrl.u32 s25, $0x3  }
0x9c: {  	s28 =	sadd.s32 s5, s25  }
0x9d: {  	[tilespmem:s31], [sflag:$0x2] =	stream.linear.gather [hbm4b:s28+s4], $0x78, $0x38;
	[tilespmem:$0x1EFC0] =	vst v63  }
0x9e: {  	_ =	swait.ge [sflag:s21], $0x3C00  }
0x9f: {  	[sflag:s21] =	ssyncset.done $0x0  }
0xa0: {  	s25 =	sadd.s32 s6, s25;
	[sflag:s21] =	ssyncadd.s32 $0xFFFFC400  }
0xa1: {  	[tilespmem:s0], [sflag:$0x2] =	stream.linear.gather [hbm4b:s25+s4], $0x78, $0x38;
	[tilespmem:$0x1EFC0] =	vst v63  }
0xa2: {  	_ =	swait.ge [sflag:s2], $0x78  }
0xa3: {  	[sflag:s2] =	ssyncset.done $0x0  }
0xa4: {  	s24 =	smin.u32 s24, $0x4E;
	[sflag:s2] =	ssyncadd.s32 $0xFFFFFF88  }
0xa5: {  	s24 =	smul.u32 $0x78, s24;
	_ =	swait.ge [sflag:s2], $0x78  }
0xa6: {  	[sflag:s2] =	ssyncset.done $0x0;
	s26 =	rddreg [dreg:$0x6]  }
0xa7: {  	[sflag:s2] =	ssyncadd.s32 $0xFFFFFF88;
	s24 =	sadd.s32 s24, s26  }
0xa8: {  	[tilespmem:s14], [sflag:$0x5] =	stream.indirect.gather [hbm4b:s1+s11], $0x80, s31, s11, $0xb8;
	[tilespmem:$0x1EFC0] =	vst v63  }
0xa9: {  	s24 =	sshrl.u32 s24, $0x3  }
0xaa: {  	s28 =	sadd.s32 s5, s24  }
0xab: {  	[tilespmem:s8], [sflag:$0x3] =	stream.linear.gather [hbm4b:s28+s4], $0x78, $0x38;
	[tilespmem:$0x1EFC0] =	vst v63  }
0xac: {  	_ =	swait.ge [sflag:s22], $0x3C00  }
0xad: {  	[sflag:s22] =	ssyncset.done $0x0  }
0xae: {  	s24 =	sadd.s32 s6, s24;
	[sflag:s22] =	ssyncadd.s32 $0xFFFFC400  }
0xaf: {  	[tilespmem:s9], [sflag:$0x3] =	stream.linear.gather [hbm4b:s24+s4], $0x78, $0x38;
	[tilespmem:$0x1EFC0] =	vst v63  }
0xb0: {  	_ =	swait.ge [sflag:s15], $0x78  }
0xb1: {  	[sflag:s15] =	ssyncset.done $0x0  }
0xb2: {  	[sflag:s15] =	ssyncadd.s32 $0xFFFFFF88  }
0xb3: {  	s24 =	simm.s32 $0x3;
	_ =	swait.ge [sflag:s15], $0x78  }
.LBB2_4:
0xb4: {  	[sflag:s15] =	ssyncset.done $0x0  }
0xb5: {  	[sflag:s15] =	ssyncadd.s32 $0xFFFFFF88  }
0xb6: {  	[tilespmem:s16], [sflag:$0x6] =	stream.indirect.gather [hbm4b:s1+s11], $0x80, s8, s11, $0xb8;
	[tilespmem:$0x1EFC0] =	vst v63  }
0xb7: {  	_ =	swait.ge [sflag:s17], $0x3C00  }
0xb8: {  	[sflag:s17] =	ssyncset.done $0x0  }
0xb9: {  	[sflag:s17] =	ssyncadd.s32 $0xFFFFC400  }
0xba: {  	[spmem:s3] =	stream.indirect.scatter.add.f32 [tilespmem:s12], [sflag:$0x7], $0x80, s30, s11, $0xb8;
	[tilespmem:$0x1EFC0] =	vst v63  }
0xbb: {  	_ =	swait.ge [sflag:s18], $0x3C00  }
0xbc: {  	s25 =	smov.u32 s24;
	[sflag:s18] =	ssyncset.done $0x0  }
0xbd: {  	s26 =	smin.u32 s25, $0x50;
	[sflag:s18] =	ssyncadd.s32 $0xFFFFC400  }
0xbe: {  	[spmem:s3] =	stream.indirect.scatter.add.f32 [tilespmem:s14], [sflag:$0x8], $0x80, s0, s11, $0xb8;
	[tilespmem:$0x1EFC0] =	vst v63  }
0xbf: {  	s26 =	smul.u32 $0x78, s26;
	_ =	swait.ge [sflag:s19], $0x3C00  }
0xc0: {  	s28 =	rddreg [dreg:$0x4]  }
0xc1: {  	[sflag:s19] =	ssyncset.done $0x0;
	s26 =	sadd.s32 s26, s28  }
0xc2: {  	[sflag:s19] =	ssyncadd.s32 $0xFFFFC400;
	s26 =	sshrl.u32 s26, $0x3  }
0xc3: {  	[spmem:s3] =	stream.indirect.scatter.add.f32 [tilespmem:s16], [sflag:$0x9], $0x80, s9, s11, $0xb8;
	[tilespmem:$0x1EFC0] =	vst v63  }
0xc4: {  	s28 =	sadd.s32 s5, s26  }
0xc5: {  	[tilespmem:s4], [sflag:$0x1] =	stream.linear.gather [hbm4b:s28+s4], $0x78, $0x38;
	[tilespmem:$0x1EFC0] =	vst v63  }
0xc6: {  	_ =	swait.ge [sflag:s20], $0x3C00  }
0xc7: {  	[sflag:s20] =	ssyncset.done $0x0  }
0xc8: {  	s26 =	sadd.s32 s6, s26;
	[sflag:s20] =	ssyncadd.s32 $0xFFFFC400  }
0xc9: {  	[tilespmem:s30], [sflag:$0x1] =	stream.linear.gather [hbm4b:s26+s4], $0x78, $0x38;
	[tilespmem:$0x1EFC0] =	vst v63  }
0xca: {  	_ =	swait.ge [sflag:s10], $0x78  }
0xcb: {  	[sflag:s10] =	ssyncset.done $0x0  }
0xcc: {  	s28 =	smin.u32 s25, $0x4F;
	[sflag:s10] =	ssyncadd.s32 $0xFFFFFF88  }
0xcd: {  	s26 =	smul.u32 $0x78, s28;
	_ =	swait.ge [sflag:s10], $0x78  }
0xce: {  	[sflag:s10] =	ssyncset.done $0x0;
	s28 =	rddreg [dreg:$0x5]  }
0xcf: {  	[sflag:s10] =	ssyncadd.s32 $0xFFFFFF88;
	s26 =	sadd.s32 s26, s28  }
0xd0: {  	[tilespmem:s12], [sflag:$0x4] =	stream.indirect.gather [hbm4b:s1+s11], $0x80, s4, s11, $0xb8;
	[tilespmem:$0x1EFC0] =	vst v63  }
0xd1: {  	s26 =	sshrl.u32 s26, $0x3  }
0xd2: {  	s28 =	sadd.s32 s5, s26  }
0xd3: {  	[tilespmem:s31], [sflag:$0x2] =	stream.linear.gather [hbm4b:s28+s4], $0x78, $0x38;
	[tilespmem:$0x1EFC0] =	vst v63  }
0xd4: {  	_ =	swait.ge [sflag:s21], $0x3C00  }
0xd5: {  	[sflag:s21] =	ssyncset.done $0x0  }
0xd6: {  	s26 =	sadd.s32 s6, s26;
	[sflag:s21] =	ssyncadd.s32 $0xFFFFC400  }
0xd7: {  	[tilespmem:s0], [sflag:$0x2] =	stream.linear.gather [hbm4b:s26+s4], $0x78, $0x38;
	[tilespmem:$0x1EFC0] =	vst v63  }
0xd8: {  	_ =	swait.ge [sflag:s2], $0x78  }
0xd9: {  	[sflag:s2] =	ssyncset.done $0x0  }
0xda: {  	s25 =	smin.u32 s25, $0x4E;
	[sflag:s2] =	ssyncadd.s32 $0xFFFFFF88  }
0xdb: {  	s25 =	smul.u32 $0x78, s25;
	_ =	swait.ge [sflag:s2], $0x78  }
0xdc: {  	[sflag:s2] =	ssyncset.done $0x0;
	s28 =	rddreg [dreg:$0x6]  }
0xdd: {  	[sflag:s2] =	ssyncadd.s32 $0xFFFFFF88;
	s25 =	sadd.s32 s25, s28  }
0xde: {  	[tilespmem:s14], [sflag:$0x5] =	stream.indirect.gather [hbm4b:s1+s11], $0x80, s31, s11, $0xb8;
	[tilespmem:$0x1EFC0] =	vst v63  }
0xdf: {  	s25 =	sshrl.u32 s25, $0x3  }
0xe0: {  	s28 =	sadd.s32 s5, s25  }
0xe1: {  	[tilespmem:s8], [sflag:$0x3] =	stream.linear.gather [hbm4b:s28+s4], $0x78, $0x38;
	[tilespmem:$0x1EFC0] =	vst v63  }
0xe2: {  	_ =	swait.ge [sflag:s22], $0x3C00  }
0xe3: {  	[sflag:s22] =	ssyncset.done $0x0  }
0xe4: {  	p5 =	sne.s32 s24, $0x51;
	s25 =	sadd.s32 s6, s25;
	[sflag:s22] =	ssyncadd.s32 $0xFFFFC400  }
0xe5: {  	[tilespmem:s9], [sflag:$0x3] =	stream.linear.gather [hbm4b:s25+s4], $0x78, $0x38;
	[tilespmem:$0x1EFC0] =	vst v63  }
.Ltmp1:
0xe6: {  	_ = 	snop;
	(pc) =	sbr.rel @p5 .LBB2_4-.Ltmp1, $4  }
0xe7: {  	_ =	swait.ge [sflag:s15], $0x78  }
0xe8: {  	[sflag:s15] =	ssyncset.done $0x0  }
0xe9: {  	[sflag:s15] =	ssyncadd.s32 $0xFFFFFF88  }
0xea: {  	s24 =	sadd.s32 $0x3, s24;
	_ =	swait.ge [sflag:s15], $0x78  }
0xeb: {  	[sflag:s15] =	ssyncset.done $0x0  }
0xec: {  	[sflag:s15] =	ssyncadd.s32 $0xFFFFFF88  }
0xed: {  	[tilespmem:s16], [sflag:$0x6] =	stream.indirect.gather [hbm4b:s1+s11], $0x80, s8, s11, $0xb8;
	[tilespmem:$0x1EFC0] =	vst v63  }
0xee: {  	_ =	swait.ge [sflag:s17], $0x3C00  }
0xef: {  	[sflag:s17] =	ssyncset.done $0x0  }
0xf0: {  	[sflag:s17] =	ssyncadd.s32 $0xFFFFC400  }
0xf1: {  	_ =	swait.ge [sflag:s18], $0x3C00  }
0xf2: {  	[sflag:s18] =	ssyncset.done $0x0  }
0xf3: {  	[sflag:s18] =	ssyncadd.s32 $0xFFFFC400  }
0xf4: {  	_ =	swait.ge [sflag:s19], $0x3C00  }
0xf5: {  	[sflag:s19] =	ssyncset.done $0x0  }
0xf6: {  	[sflag:s19] =	ssyncadd.s32 $0xFFFFC400  }
0xf7: {  	[bflag:$0x0] =	sbarrier.arrive $0xFFFF  }
0xf8: {  	s24 =	sshrl.u32 @!p1 s13, $0x3;
	s25 =	simm.s32 @!p1 $0x1FCA;
	s26 =	rddreg [dreg:$0x16]  }
0xf9: {  	[hbm:s26], [sflag:s25] =	dma.local @!p1 [spmem:s24], $0x2080  }
0xfa: {  	s24 =	simm.s32 @!p1 $0xA  }
0xfb: {  	_ =	swait.ge @!p1 [sflag:s24], $0x2080  }
0xfc: {  	s25 =	simm.s32 @!p2 $0x1FCA;
	[sflag:s24] =	ssyncset.done @!p1 $0x0  }
0xfd: {  	s26 =	rddreg [dreg:$0x15];
	[sflag:s24] =	ssyncadd.s32 @!p1 $0xFFFFDF80;
	s24 =	sshrl.u32 @!p2 s13, $0x3  }
0xfe: {  	[hbm:s26], [sflag:s25] =	dma.local @!p2 [spmem:s24], $0x2080  }
0xff: {  	s24 =	simm.s32 @!p2 $0xA  }
0x100: {  	s28 =	stileid.u32;
	_ =	swait.ge @!p2 [sflag:s24], $0x2080  }
0x101: {  	s25 =	sshll.u32 @!p3 s28, $0x6;
	[sflag:s24] =	ssyncset.done @!p2 $0x0;
	s26 =	rddreg [dreg:$0x14]  }
0x102: {  	[sflag:s24] =	ssyncadd.s32 @!p2 $0xFFFFDF80;
	s24 =	sor.u32 @!p3 $0x1C0A, s25;
	s25 =	sshrl.u32 @!p3 s7, $0x3  }
0x103: {  	[hbm:s26], [sflag:s24] =	dma.local @!p3 [spmem:s25], $0x2780  }
0x104: {  	s24 =	simm.s32 @!p3 $0xA  }
0x105: {  	_ =	swait.ge @!p3 [sflag:s24], $0x2780  }
0x106: {  	s25 =	sshll.u32 @!p4 s28, $0x6;
	[sflag:s24] =	ssyncset.done @!p3 $0x0;
	s28 =	rddreg [dreg:$0x13]  }
0x107: {  	[sflag:s24] =	ssyncadd.s32 @!p3 $0xFFFFD880;
	s24 =	sor.u32 @!p4 $0x1C0A, s25;
	s25 =	sshrl.u32 @!p4 s7, $0x3  }
0x108: {  	[hbm:s28], [sflag:s24] =	dma.local @!p4 [spmem:s25], $0x2780  }
0x109: {  	s24 =	simm.s32 @!p4 $0xA  }
0x10a: {  	_ =	swait.ge @!p4 [sflag:s24], $0x2780  }
0x10b: {  	s23 =	sadd.s32 $0x1, s23;
	s28 =	rddreg [dreg:$0x17]  }
0x10c: {  	p5 =	sne.s32 s23, s28  }
.Ltmp2:
0x10d: {  	_ = 	snop;
	(pc) =	sbr.rel @p5 .LBB2_1-.Ltmp2, $3  }
0x10e: {  	_ =	sdelay $0x1  }
0x10f: {  	[sflag:s24] =	ssyncset.done @!p4 $0x0  }
0x110: {  	s26 =	stileid.u32;
	[sflag:s24] =	ssyncadd.s32 @!p4 $0xFFFFD880  }
0x111: {  	_ =	sfence.sel $0x180000  }
0x112: {  	[bflag:$0x0] =	sbarrier.arrive $0xFFFF  }
0x113: {  	_ =	strace $0x9000004D  }
0x114: {  	[bflag:$0x2] =	sbarrier.arrive $0xFFFF  }
0x115: {  	p0 =	sne.s32 s26, $0x0;
	s0 =	rddreg [dreg:$0x3]  }
0x116: {  	s0 =	sadd.s32 @!p0 $0x100000, s0  }
0x117: {  	[sflag:s0] =	ssyncadd.tile.s32 @!p0 $0x1;
	_ =	shalt  }
.Lfunc_end2:
_tile_overlayer_lowered:
.L_overlay_start_2:
0x118: {  	(tag) =	ssettag $0x2  }
0x119: {  	s0 =	rddreg [dreg:$0x0];
	s2 =	stileid.u32  }
0x11a: {  	s1 =	rddreg [dreg:$0x1];
	p0 =	sne.s32 s2, $0x0  }
0x11b: {  	s3 =	rddreg [dreg:$0x2];
	[bflag:$0x3] =	sbarrier.arrive $0xFFFF;
	s2 =	simm.s32 @!p0 $0x1C0A  }
0x11c: {  	[timem:s3], [sflag:s2] =	dma.local @!p0 [hbm:s0], s1  }
0x11d: {  	s0 =	simm.s32 @!p0 $0xA  }
0x11e: {  	_ =	swait.ge @!p0 [sflag:s0], s1  }
0x11f: {  	s1 =	ssub.s32 @!p0 $0x0, s1;
	[sflag:s0] =	ssyncset.done @!p0 $0x0  }
0x120: {  	[sflag:s0] =	ssyncadd.s32 @!p0 s1  }
0x121: {  	[bflag:$0x3] =	sbarrier.arrive $0xFFFF  }
0x122: {  	_ =	shalt  }

// kernel: kernel.19.cloned.1.call-start
scs
__scs_entry_jumppad:
0x0: {  	(pc) =	sbr.rel $0x88, $3  }
0x1: {  	(tag) =	ssettag $0x0;
	lr =	simm.s32 $0x1  }
0x2: {  	[smem:$0x3F99] =	sst lr;
	_ =	strace $0xD0000000  }
0x3: {  	_ = 	snop  }
0x4: {  	_ = 	snop  }
0x5: {  	_ = 	snop  }
0x6: {  	_ = 	snop  }
0x7: {  	_ = 	snop  }
__scs_overlays_trampoline_lowered:
0x8: {  	[smem:$0x3FA8] =	sst s0  }
0x9: {  	[smem:$0x3FA9] =	sst s1  }
0xa: {  	[smem:$0x3FAA] =	sst s2  }
0xb: {  	[smem:$0x3FAB] =	sst s3  }
0xc: {  	[smem:$0x3FAC] =	sst s4  }
0xd: {  	[smem:$0x3FAD] =	sst s5  }
0xe: {  	[smem:$0x3FAE] =	sst s6  }
0xf: {  	[smem:$0x3FAF] =	sst s7  }
0x10: {  	[smem:$0x3FB0] =	sst s8  }
0x11: {  	[smem:$0x3FB1] =	sst s9;
	s0 =	simm.s32 @!p0 $0x0  }
0x12: {  	s1 =	sld [smem:$0x3F97];
	s0 =	simm.s32 @p0 $0x1  }
0x13: {  	[smem:$0x3FB2] =	sst s0;
	s0 =	simm.s32 @!p1 $0x0  }
0x14: {  	s2 =	sld [smem:$0x3F96];
	s0 =	simm.s32 @p1 $0x1  }
0x15: {  	[smem:$0x3FB3] =	sst s0;
	s0 =	simm.s32 @!p2 $0x0  }
0x16: {  	s3 =	sld [smem:$0x3FDB];
	s0 =	simm.s32 @p2 $0x1  }
0x17: {  	s4 =	simm.s32 $0x1BF5;
	[smem:$0x3FB5] =	sst s0  }
0x18: {  	s0 =	sld [smem:$0x3F98];
	_ =	swait.ge [sflag:s4], $0x0  }
0x19: {  	s7 =	sld [smem:$0x3F99]  }
0x1a: {  	s8 =	sadd.s32 $0xFFFFE003, lr  }
0x1b: {  	s9 =	sadd.s32 $0xFFFFFEF7, lr;
	s5 =	simm.s32 $0xFFFFFFFF;
	p2 =	slt.u32 s8, $0xFFFFF086  }
0x1c: {  	p1 =	slt.u32 s9, $0xF7A;
	s5 =	simm.s32 @!p2 $0x0  }
0x1d: {  	s5 =	simm.s32 @p1 $0x1;
	p0 =	seq.s32 s7, s2  }
0x1e: {  	s7 =	smul.u32 @!p0 $0xF7A, s2;
	p2 =	seq.s32 @!p0 s5, $0x0  }
0x1f: {  	s9 =	smul.u32 $0xF7A, s1;
	s8 =	simm.s32 @!p0 $0x1BF5;
	p2 =	por !p2, p0  }
0x20: {  	[sflag:s8] =	ssyncset.s32 @!p0 $0xFFFFF086;
	s6 =	sadd.s32 @!p0 s3, s7;
	s7 =	simm.s32 @!p0 $0x108  }
0x21: {  	s3 =	sadd.s32 s3, s9;
	s6 =	sadd.s32 @!p0 $0x88, s6;
	s7 =	simm.s32 @p2 $0x1082  }
0x22: {  	[simem:s7], [sflag:s8] =	dma.local @!p0 [hbm:s6], $0xF7A  }
0x23: {  	s9 =	sor.u32 $0xD0000000, s2;
	s6 =	simm.s32 $0x108;
	_ =	swait.ge @!p0 [sflag:s8], $0x0  }
0x24: {  	s3 =	sadd.s32 $0x88, s3;
	s6 =	simm.s32 @!p1 $0x1082;
	[sflag:s4] =	ssyncset.s32 $0xFFFFF086  }
0x25: {  	[simem:s6], [sflag:s4] =	dma.local [hbm:s3], $0xF7A  }
0x26: {  	[smem:$0x3F99] =	sst s1;
	(tag) =	ssettag s2;
	_ =	strace s9  }
0x27: {  	s1 =	sld [smem:$0x3FA9]  }
0x28: {  	s2 =	sld [smem:$0x3FAA]  }
0x29: {  	s4 =	sld [smem:$0x3FAC]  }
0x2a: {  	p0 =	seq.s32 s5, $0x0;
	s5 =	sld [smem:$0x3FAD]  }
0x2b: {  	s6 =	sld [smem:$0x3FAE]  }
0x2c: {  	s7 =	sld [smem:$0x3FAF]  }
0x2d: {  	s3 =	simm.s32 $0x108;
	s8 =	sld [smem:$0x3FB0]  }
0x2e: {  	s3 =	simm.s32 @!p0 $0x1082;
	s9 =	sld [smem:$0x3FB1]  }
0x2f: {  	lr =	sadd.s32 s0, s3;
	s0 =	sld [smem:$0x3FA8]  }
0x30: {  	s3 =	sld [smem:$0x3FAB]  }
0x31: {  	[smem:$0x3FB4] =	sst s10  }
0x32: {  	s10 =	sld [smem:$0x3FB2];
	_ =	sdelay $0x3  }
0x33: {  	p0 =	seq.s32 s10, $0x1;
	s10 =	sld [smem:$0x3FB4];
	_ =	sdelay $0x3  }
0x34: {  	[smem:$0x3FB4] =	sst s10  }
0x35: {  	s10 =	sld [smem:$0x3FB3];
	_ =	sdelay $0x3  }
0x36: {  	p1 =	seq.s32 s10, $0x1;
	s10 =	sld [smem:$0x3FB4];
	_ =	sdelay $0x3  }
0x37: {  	[smem:$0x3FB4] =	sst s10  }
0x38: {  	s10 =	sld [smem:$0x3FB5]  }
0x39: {  	_ = 	snop;
	(pc) =	sbr.ind lr, $3  }
0x3a: {  	_ = 	snop  }
0x3b: {  	_ = 	snop  }
0x3c: {  	p2 =	seq.s32 s10, $0x1;
	s10 =	sld [smem:$0x3FB4]  }
0x3d: {  	_ =	shalt  }
0x3e: {  	_ =	shalt  }
0x3f: {  	_ =	shalt  }
0x40: {  	_ =	shalt  }
0x41: {  	_ =	shalt  }
0x42: {  	_ =	shalt  }
0x43: {  	_ =	shalt  }
0x44: {  	_ =	shalt  }
0x45: {  	_ =	shalt  }
0x46: {  	_ =	shalt  }
0x47: {  	_ =	shalt  }
0x48: {  	_ =	shalt  }
0x49: {  	_ =	shalt  }
0x4a: {  	_ =	shalt  }
0x4b: {  	_ =	shalt  }
0x4c: {  	_ =	shalt  }
0x4d: {  	_ =	shalt  }
0x4e: {  	_ =	shalt  }
0x4f: {  	_ =	shalt  }
0x50: {  	_ =	shalt  }
0x51: {  	_ =	shalt  }
0x52: {  	_ =	shalt  }
0x53: {  	_ =	shalt  }
0x54: {  	_ =	shalt  }
0x55: {  	_ =	shalt  }
0x56: {  	_ =	shalt  }
0x57: {  	_ =	shalt  }
0x58: {  	_ =	shalt  }
0x59: {  	_ =	shalt  }
0x5a: {  	_ =	shalt  }
0x5b: {  	_ =	shalt  }
0x5c: {  	_ =	shalt  }
0x5d: {  	_ =	shalt  }
0x5e: {  	_ =	shalt  }
0x5f: {  	_ =	shalt  }
0x60: {  	_ =	shalt  }
0x61: {  	_ =	shalt  }
0x62: {  	_ =	shalt  }
0x63: {  	_ =	shalt  }
0x64: {  	_ =	shalt  }
0x65: {  	_ =	shalt  }
0x66: {  	_ =	shalt  }
0x67: {  	_ =	shalt  }
0x68: {  	_ =	shalt  }
0x69: {  	_ =	shalt  }
0x6a: {  	_ =	shalt  }
0x6b: {  	_ =	shalt  }
0x6c: {  	_ =	shalt  }
0x6d: {  	_ =	shalt  }
0x6e: {  	_ =	shalt  }
0x6f: {  	_ =	shalt  }
0x70: {  	_ =	shalt  }
0x71: {  	_ =	shalt  }
0x72: {  	_ =	shalt  }
0x73: {  	_ =	shalt  }
0x74: {  	_ =	shalt  }
0x75: {  	_ =	shalt  }
0x76: {  	_ =	shalt  }
0x77: {  	_ =	shalt  }
0x78: {  	_ =	shalt  }
0x79: {  	_ =	shalt  }
0x7a: {  	_ =	shalt  }
0x7b: {  	_ =	shalt  }
0x7c: {  	_ =	shalt  }
0x7d: {  	_ =	shalt  }
0x7e: {  	_ =	shalt  }
0x7f: {  	_ =	shalt  }
0x80: {  	_ =	shalt  }
0x81: {  	_ =	shalt  }
0x82: {  	_ =	shalt  }
0x83: {  	_ =	shalt  }
0x84: {  	_ =	shalt  }
0x85: {  	_ =	shalt  }
0x86: {  	_ =	shalt  }
0x87: {  	_ =	shalt  }
.Lfunc_end0:
.L_simem_size_0:
called_computation.3_lowered:
.L_overlay_start_0:
0x88: {  	s2 =	sld [smem:$0x3FD9]  }
0x89: {  	s3 =	sld [smem:$0x3FFE];
	_ =	sdelay $0x1  }
0x8a: {  	s1 =	srdreg.scid  }
0x8b: {  	s0 =	sand.u32 $0x1, s1  }
0x8c: {  	s17 =	sshll.u32 s0, $0xA;
	s2 =	sadd.s32 s3, s2  }
0x8d: {  	s2 =	sadd.s32 s2, s17  }
0x8e: {  	[smem:$0x3FC0] =	sst s2  }
0x8f: {  	_ = 	snop  }
0x90: {  	s2 =	sld [smem:$0x3FD0];
	(tm) =	ssettm $0x1  }
0x91: {  	s18 =	sld [smem:$0x3FFB];
	_ =	sdelay $0x3  }
0x92: {  	_ =	strace s18  }
0x93: {  	s3 =	sld [smem:$0x3FFC];
	_ =	sdelay $0x3  }
0x94: {  	_ =	strace s3  }
0x95: {  	s3 =	sld [smem:$0x3FFD];
	_ =	sdelay $0x3  }
0x96: {  	_ =	strace s3  }
0x97: {  	_ =	strace $0x8FFFFFFF  }
0x98: {  	s19 =	sld [smem:$0x3FDB];
	_ =	sdelay $0x1  }
0x99: {  	s4 =	simm.s32 $_scs_section_size  }
0x9a: {  	s5 =	simm.s32 $_size__tile_overlayer_lowered;
	s6 =	simm.s32 $_tile_overlayer_lowered  }
0x9b: {  	s22 =	simm.s32 $0x1BFF;
	s21 =	sshll.u32 s6, $0x1;
	s3 =	sadd.s32 s4, s19  }
0x9c: {  	s7 =	simm.s32 $0x0;
	s20 =	sshll.u32 s5, $0x1;
	s5 =	sadd.s32 s21, s3  }
0x9d: {  	[timem:s7], [sflag:s22] =	dma.local [hbm:s5], s20  }
0x9e: {  	_ =	swait.ge [sflag:s22], s20  }
0x9f: {  	s4 =	ssub.s32 $0x0, s20;
	[sflag:s22] =	ssyncset.done $0x0  }
0xa0: {  	[sflag:s22] =	ssyncadd.s32 s4;
	_ =	sdelay $0x1  }
0xa1: {  	s23 =	simm.s32 $0x1B8B  }
0xa2: {  	_ =	swait.ge [sflag:s23], $0x1  }
0xa3: {  	[sflag:s23] =	ssyncset.done $0x0  }
0xa4: {  	s25 =	simm.s32 $0x1B8E;
	s24 =	sld [smem:$0x3FFE];
	[sflag:s23] =	ssyncadd.s32 $0xFFFFFFFF  }
0xa5: {  	s26 =	simm.s32 $execute0_lowered;
	[smem:$0x3FD2] =	sst s25  }
0xa6: {  	s5 =	sshll.u32 s26, $0x1;
	_ =	strace $0x8000004F;
	[dreg:$0x1] =	wrdreg $0xFFFFFFFF  }
0xa7: {  	s28 =	simm.s32 $_size_execute0_lowered;
	s3 =	sadd.s32 s3, s5;
	[dreg:$0x0] =	wrdreg $0x0  }
0xa8: {  	s5 =	sshll.u32 s28, $0x1;
	[dreg:$0x2] =	wrdreg s3  }
0xa9: {  	[dreg:$0x3] =	wrdreg s5  }
0xaa: {  	[dreg:$0x4] =	wrdreg $0xC0  }
0xab: {  	_ =	task [dreg:s7], $0x5FFFF  }
0xac: {  	[dreg:$0x1] =	wrdreg $0xFFFFFFFF  }
0xad: {  	[dreg:$0x0] =	wrdreg $0x60  }
0xae: {  	[dreg:$0x2] =	wrdreg s2  }
0xaf: {  	[dreg:$0x3] =	wrdreg s24  }
0xb0: {  	[dreg:$0x4] =	wrdreg $0xB7000  }
0xb1: {  	[dreg:$0x5] =	wrdreg $0x9  }
0xb2: {  	_ =	task.clear_ibuf [dreg:s7], $0x6FFFF;
	_ =	strace $0x9000004F  }
0xb3: {  	s29 =	simm.s32 $0x9;
	_ =	strace $0x80000051  }
0xb4: {  	_ =	swait.ge [sflag:s29], $0x1  }
0xb5: {  	[sflag:s29] =	ssyncadd.s32 $0xFFFFFFFF  }
0xb6: {  	_ =	strace $0x90000051  }
0xb7: {  	_ =	sfence  }
0xb8: {  	s30 =	sld [smem:$0x0];
	_ =	sdelay $0x2  }
0xb9: {  	s31 =	sshll.u32 s1, $0xD;
	s1 =	sshrl.u32 s1, $0x2  }
0xba: {  	s3 =	sand.u32 $0x4000, s31;
	s1 =	sadd.s32 s1, s30  }
0xbb: {  	s0 =	sor.u32 s3, s0;
	s1 =	sshll.u32 s1, $0x11  }
0xbc: {  	s0 =	sor.u32 s1, s0  }
0xbd: {  	s0 =	sadd.s32 $0x8F2B, s0  }
0xbe: {  	[sflag:s0] =	ssyncadd.remote.s32 $0x1  }
0xbf: {  	_ =	sfence.sel $0xFFFF  }
0xc0: {  	[dreg:$0x0] =	wrdreg $0xFFFFFFFF;
	(pc) =	sbr.abs _section_cstart, $3  }
0xc1: {  	[dreg:$0x1] =	wrdreg $0xFFFFFFFF  }
0xc2: {  	_ =	task.clear_ibuf [dreg:s7], $0x2FFFF;
	_ =	strace $0x9FFFFFFF  }
0xc3: {  	(tm) =	ssettm $0x7FFFFFFF  }
tec
execute0_lowered:
.L_overlay_start_1:
0x0: {  	(tag) =	ssettag $0x1  }
0x1: {  	s1 =	rddreg [dreg:$0x0]  }
0x2: {  	s0 =	rddreg [dreg:$0x1]  }
0x3: {  	s3 =	rddreg [dreg:$0x2];
	s4 =	simm.s32 $0x0  }
0x4: {  	s15 =	stileid.u32;
	s6 =	srdreg.scid;
	s30 =	simm.s32 $0x180  }
0x5: {  	s31 =	simm.s32 $0x80;
	[smem:$0x7FF] =	sst s4;
	s2 =	smul.u32 $0x2780, s15  }
0x6: {  	s5 =	sadd.s32 $0xF400, s0;
	s8 =	sand.u32 $0x1, s6;
	s7 =	smul.u32 $0x4F000, s15  }
0x7: {  	s6 =	sadd.s32 $0x5600, s0;
	s24 =	sadd.s32 $0x8CC80, s0;
	p0 =	seq.s32 s15, $0xF  }
0x8: {  	s29 =	sadd.s32 $0x137400, s3;
	_ =	strace $0x80000050;
	s9 =	ssub.s32 $0x2, s8  }
0x9: {  	s11 =	sshll.u32 s8, $0x4;
	p4 =	seq.s32 s8, $0x1;
	[dreg:$0x15] =	wrdreg s24  }
0xa: {  	s8 =	simm.s32 $0x100;
	s2 =	sadd.s32 s2, s0;
	s10 =	sshrl.u32 s9, $0x1  }
0xb: {  	s7 =	sshrl.u32 s7, $0x2;
	s25 =	sor.u32 s15, s11;
	s0 =	sadd.s32 $0xB3E80, s0  }
0xc: {  	p1 =	por !p4, !p0;
	p2 =	por p4, !p0;
	p3 =	por !p4, p0  }
0xd: {  	p4 =	por p4, p0;
	s23 =	sadd.s32 $0x67C00, s2;
	[dreg:$0x16] =	wrdreg s0  }
0xe: {  	s7 =	sadd.s32 s7, s3;
	s2 =	sadd.s32 $0x8EE00, s2;
	[dreg:$0x13] =	wrdreg s23  }
0xf: {  	s15 =	simm.s32 $0x3;
	s26 =	sadd.s32 $0x3C00, s7;
	[dreg:$0x14] =	wrdreg s2  }
0x10: {  	s9 =	ssub.s32 s9, s10;
	s28 =	sadd.s32 $0x7800, s7;
	[dreg:$0x7] =	wrdreg s26  }
0x11: {  	s10 =	smul.u32 $0x2760, s25;
	s12 =	sadd.s32 $0xB400, s7;
	[dreg:$0x8] =	wrdreg s28  }
0x12: {  	s0 =	simm.s32 $0x200;
	s13 =	sadd.s32 $0xF000, s7;
	[dreg:$0x9] =	wrdreg s12  }
0x13: {  	s14 =	sadd.s32 $0x12C00, s7;
	s25 =	smax.u32 s9, $0x1;
	[dreg:$0xa] =	wrdreg s13  }
0x14: {  	s9 =	simm.s32 $0x280;
	s2 =	simm.s32 $0x2;
	[dreg:$0xb] =	wrdreg s14  }
0x15: {  	s23 =	simm.s32 $0x0;
	s14 =	sadd.s32 $0x12FC00, s3;
	[dreg:$0x17] =	wrdreg s25  }
0x16: {  	s13 =	sadd.s32 $0x128400, s3;
	s20 =	sadd.s32 $0x168, s10;
	[dreg:$0xc] =	wrdreg s14  }
0x17: {  	s16 =	sshrl.u32 s10, $0x3;
	s21 =	sadd.s32 $0x1E0, s10;
	[dreg:$0x4] =	wrdreg s20  }
0x18: {  	s12 =	sadd.s32 $0x78, s10;
	s10 =	sadd.s32 $0x258, s10;
	[dreg:$0x5] =	wrdreg s21  }
0x19: {  	s26 =	sadd.s32 $0x133800, s3;
	s28 =	sadd.s32 $0x12C000, s3;
	[dreg:$0x6] =	wrdreg s10  }
0x1a: {  	s17 =	sadd.s32 s5, s16;
	s12 =	sshrl.u32 s12, $0x3;
	[dreg:$0x18] =	wrdreg s26  }
0x1b: {  	s18 =	sadd.s32 s6, s16;
	s11 =	sadd.s32 $0x1E, s16;
	[dreg:$0x19] =	wrdreg s28  }
0x1c: {  	s10 =	simm.s32 $0x1;
	s14 =	simm.s32 $0x3F00;
	[dreg:$0xd] =	wrdreg s17  }
0x1d: {  	s16 =	simm.s32 $0x7B00;
	[dreg:$0xe] =	wrdreg s18;
	s19 =	sadd.s32 s5, s12  }
0x1e: {  	s20 =	simm.s32 $0x7;
	s12 =	sadd.s32 s6, s12;
	[dreg:$0xf] =	wrdreg s19  }
0x1f: {  	s21 =	simm.s32 $0x8;
	s22 =	sadd.s32 s5, s11;
	[dreg:$0x10] =	wrdreg s12  }
0x20: {  	s11 =	sadd.s32 s6, s11;
	s17 =	simm.s32 $0x4;
	[dreg:$0x11] =	wrdreg s22  }
0x21: {  	s18 =	simm.s32 $0x5;
	[dreg:$0x12] =	wrdreg s11;
	s11 =	simm.s32 $0x78  }
0x22: {  	v0 =	vimm.f32 $0.0e+00;
	s12 =	simm.s32 $0x300;
	s19 =	simm.s32 $0x6;
	s22 =	simm.s32 $0x9  }
.LBB2_1:
0x23: {  	s24 =	simm.s32 $0x0;
	s25 =	simm.s32 $0x200  }
.LBB2_2:
0x24: {  	p5 =	sne.s32 s25, $0xEE00;
	[tilespmem:s24+$0x370] =	vst v0  }
0x25: {  	[tilespmem:s24+$0x300] =	vst v0  }
0x26: {  	[tilespmem:s24+$0x310] =	vst v0  }
.Ltmp0:
0x27: {  	[tilespmem:s24+$0x320] =	vst v0;
	(pc) =	sbr.rel @p5 .LBB2_2-.Ltmp0, $4  }
0x28: {  	[tilespmem:s24+$0x330] =	vst v0  }
0x29: {  	[tilespmem:s24+$0x340] =	vst v0  }
0x2a: {  	[tilespmem:s24+$0x350] =	vst v0  }
0x2b: {  	[tilespmem:s24+$0x360] =	vst v0;
	s24 =	sshra.s32 s25, $0x2;
	s25 =	sadd.s32 $0x200, s25  }
0x2c: {  	[tilespmem:s24+$0x370] =	vst v0  }
0x2d: {  	[tilespmem:s24+$0x300] =	vst v0  }
0x2e: {  	[tilespmem:s24+$0x310] =	vst v0  }
0x2f: {  	[tilespmem:s24+$0x320] =	vst v0  }
0x30: {  	[tilespmem:s24+$0x330] =	vst v0  }
0x31: {  	[tilespmem:s24+$0x340] =	vst v0  }
0x32: {  	[tilespmem:s24+$0x350] =	vst v0  }
0x33: {  	[tilespmem:s24+$0x360] =	vst v0;
	s24 =	simm.s32 @p0 $0x300;
	s25 =	simm.s32 @p0 $0xA  }
0x34: {  	[spmem:s13] =	stream.linear.scatter @p0 [tilespmem:s24], [sflag:$0xA], $0x3C00, $0x38;
	[tilespmem:$0x1EFC0] =	vst v63  }
0x35: {  	_ =	swait.ge @p0 [sflag:s25], $0x3C00  }
0x36: {  	[sflag:s25] =	ssyncset.done @p0 $0x0  }
0x37: {  	s26 =	rddreg [dreg:$0x19];
	[sflag:s25] =	ssyncadd.s32 @p0 $0xFFFFC400  }
0x38: {  	[spmem:s26] =	stream.linear.scatter @p0 [tilespmem:s24], [sflag:$0xA], $0x3C00, $0x38;
	[tilespmem:$0x1EFC0] =	vst v63  }
0x39: {  	_ =	swait.ge @p0 [sflag:s25], $0x3C00  }
0x3a: {  	[sflag:s25] =	ssyncset.done @p0 $0x0  }
0x3b: {  	s26 =	rddreg [dreg:$0xc];
	[sflag:s25] =	ssyncadd.s32 @p0 $0xFFFFC400  }
0x3c: {  	[spmem:s26] =	stream.linear.scatter @p0 [tilespmem:s24], [sflag:$0xA], $0x3C00, $0x38;
	[tilespmem:$0x1EFC0] =	vst v63  }
0x3d: {  	_ =	swait.ge @p0 [sflag:s25], $0x3C00  }
0x3e: {  	[sflag:s25] =	ssyncset.done @p0 $0x0  }
0x3f: {  	s26 =	rddreg [dreg:$0x18];
	[sflag:s25] =	ssyncadd.s32 @p0 $0xFFFFC400  }
0x40: {  	[spmem:s26] =	stream.linear.scatter @p0 [tilespmem:s24], [sflag:$0xA], $0x3C00, $0x38;
	[tilespmem:$0x1EFC0] =	vst v63  }
0x41: {  	_ =	swait.ge @p0 [sflag:s25], $0x3C00  }
0x42: {  	[sflag:s25] =	ssyncset.done @p0 $0x0  }
0x43: {  	[sflag:s25] =	ssyncadd.s32 @p0 $0xFFFFC400  }
0x44: {  	[spmem:s29] =	stream.linear.scatter @p0 [tilespmem:s24], [sflag:$0xA], $0x1400, $0x38;
	[tilespmem:$0x1EFC0] =	vst v63  }
0x45: {  	_ =	swait.ge @p0 [sflag:s25], $0x1400  }
0x46: {  	[sflag:s25] =	ssyncset.done @p0 $0x0  }
0x47: {  	s24 =	simm.s32 @!p0 $0x300;
	[sflag:s25] =	ssyncadd.s32 @p0 $0xFFFFEC00;
	s25 =	simm.s32 @!p0 $0xA  }
0x48: {  	[spmem:s7] =	stream.linear.scatter @!p0 [tilespmem:s24], [sflag:$0xA], $0x3C00, $0x38;
	[tilespmem:$0x1EFC0] =	vst v63  }
0x49: {  	_ =	swait.ge @!p0 [sflag:s25], $0x3C00  }
0x4a: {  	[sflag:s25] =	ssyncset.done @!p0 $0x0  }
0x4b: {  	s26 =	rddreg [dreg:$0x7];
	[sflag:s25] =	ssyncadd.s32 @!p0 $0xFFFFC400  }
0x4c: {  	[spmem:s26] =	stream.linear.scatter @!p0 [tilespmem:s24], [sflag:$0xA], $0x3C00, $0x38;
	[tilespmem:$0x1EFC0] =	vst v63  }
0x4d: {  	_ =	swait.ge @!p0 [sflag:s25], $0x3C00  }
0x4e: {  	[sflag:s25] =	ssyncset.done @!p0 $0x0  }
0x4f: {  	s26 =	rddreg [dreg:$0x8];
	[sflag:s25] =	ssyncadd.s32 @!p0 $0xFFFFC400  }
0x50: {  	[spmem:s26] =	stream.linear.scatter @!p0 [tilespmem:s24], [sflag:$0xA], $0x3C00, $0x38;
	[tilespmem:$0x1EFC0] =	vst v63  }
0x51: {  	_ =	swait.ge @!p0 [sflag:s25], $0x3C00  }
0x52: {  	[sflag:s25] =	ssyncset.done @!p0 $0x0  }
0x53: {  	s26 =	rddreg [dreg:$0x9];
	[sflag:s25] =	ssyncadd.s32 @!p0 $0xFFFFC400  }
0x54: {  	[spmem:s26] =	stream.linear.scatter @!p0 [tilespmem:s24], [sflag:$0xA], $0x3C00, $0x38;
	[tilespmem:$0x1EFC0] =	vst v63  }
0x55: {  	_ =	swait.ge @!p0 [sflag:s25], $0x3C00  }
0x56: {  	[sflag:s25] =	ssyncset.done @!p0 $0x0  }
0x57: {  	s26 =	rddreg [dreg:$0xa];
	[sflag:s25] =	ssyncadd.s32 @!p0 $0xFFFFC400  }
0x58: {  	[spmem:s26] =	stream.linear.scatter @!p0 [tilespmem:s24], [sflag:$0xA], $0x3C00, $0x38;
	[tilespmem:$0x1EFC0] =	vst v63  }
0x59: {  	_ =	swait.ge @!p0 [sflag:s25], $0x3C00  }
0x5a: {  	[sflag:s25] =	ssyncset.done @!p0 $0x0  }
0x5b: {  	s26 =	rddreg [dreg:$0xb];
	[sflag:s25] =	ssyncadd.s32 @!p0 $0xFFFFC400  }
0x5c: {  	[spmem:s26] =	stream.linear.scatter @!p0 [tilespmem:s24], [sflag:$0xA], $0x1000, $0x38;
	[tilespmem:$0x1EFC0] =	vst v63  }
0x5d: {  	_ =	swait.ge @!p0 [sflag:s25], $0x1000  }
0x5e: {  	[sflag:s25] =	ssyncset.done @!p0 $0x0  }
0x5f: {  	s24 =	simm.s32 $0x0;
	s26 =	rddreg [dreg:$0xd];
	[sflag:s25] =	ssyncadd.s32 @!p0 $0xFFFFF000  }
0x60: {  	[tilespmem:s24], [sflag:$0x1] =	stream.linear.gather [hbm4b:s26+s24], $0x78, $0x38;
	[tilespmem:$0x1EFC0] =	vst v63  }
0x61: {  	s28 =	rddreg [dreg:$0xe]  }
0x62: {  	[tilespmem:s30], [sflag:$0x1] =	stream.linear.gather [hbm4b:s28+s24], $0x78, $0x38;
	[tilespmem:$0x1EFC0] =	vst v63  }
0x63: {  	s26 =	rddreg [dreg:$0xf]  }
0x64: {  	[tilespmem:s31], [sflag:$0x2] =	stream.linear.gather [hbm4b:s26+s24], $0x78, $0x38;
	[tilespmem:$0x1EFC0] =	vst v63  }
0x65: {  	s28 =	rddreg [dreg:$0x10]  }
0x66: {  	[tilespmem:s0], [sflag:$0x2] =	stream.linear.gather [hbm4b:s28+s24], $0x78, $0x38;
	[tilespmem:$0x1EFC0] =	vst v63  }
0x67: {  	s26 =	rddreg [dreg:$0x11]  }
0x68: {  	[tilespmem:s8], [sflag:$0x3] =	stream.linear.gather [hbm4b:s26+s24], $0x78, $0x38;
	[tilespmem:$0x1EFC0] =	vst v63  }
0x69: {  	s28 =	rddreg [dreg:$0x12]  }
0x6a: {  	[tilespmem:s9], [sflag:$0x3] =	stream.linear.gather [hbm4b:s28+s24], $0x78, $0x38;
	[tilespmem:$0x1EFC0] =	vst v63  }
0x6b: {  	[bflag:$0x0] =	sbarrier.arrive $0xFFFF  }
0x6c: {  	_ =	swait.ge [sflag:s10], $0x78  }
0x6d: {  	[sflag:s10] =	ssyncset.done $0x0  }
0x6e: {  	[sflag:s10] =	ssyncadd.s32 $0xFFFFFF88  }
0x6f: {  	_ =	swait.ge [sflag:s10], $0x78  }
0x70: {  	[sflag:s10] =	ssyncset.done $0x0  }
0x71: {  	[sflag:s10] =	ssyncadd.s32 $0xFFFFFF88  }
0x72: {  	[tilespmem:s12], [sflag:$0x4] =	stream.indirect.gather [hbm4b:s1+s11], $0x80, s24, s11, $0xb8;
	[tilespmem:$0x1EFC0] =	vst v63  }
0x73: {  	_ =	swait.ge [sflag:s2], $0x78  }
0x74: {  	[sflag:s2] =	ssyncset.done $0x0  }
0x75: {  	[sflag:s2] =	ssyncadd.s32 $0xFFFFFF88  }
0x76: {  	_ =	swait.ge [sflag:s2], $0x78  }
0x77: {  	[sflag:s2] =	ssyncset.done $0x0  }
0x78: {  	[sflag:s2] =	ssyncadd.s32 $0xFFFFFF88  }
0x79: {  	[tilespmem:s14], [sflag:$0x5] =	stream.indirect.gather [hbm4b:s1+s11], $0x80, s31, s11, $0xb8;
	[tilespmem:$0x1EFC0] =	vst v63  }
0x7a: {  	_ =	swait.ge [sflag:s15], $0x78  }
0x7b: {  	[sflag:s15] =	ssyncset.done $0x0  }
0x7c: {  	[sflag:s15] =	ssyncadd.s32 $0xFFFFFF88  }
0x7d: {  	_ =	swait.ge [sflag:s15], $0x78  }
0x7e: {  	[sflag:s15] =	ssyncset.done $0x0  }
0x7f: {  	[sflag:s15] =	ssyncadd.s32 $0xFFFFFF88  }
0x80: {  	[tilespmem:s16], [sflag:$0x6] =	stream.indirect.gather [hbm4b:s1+s11], $0x80, s8, s11, $0xb8;
	[tilespmem:$0x1EFC0] =	vst v63  }
0x81: {  	_ =	swait.ge [sflag:s17], $0x3C00  }
0x82: {  	[sflag:s17] =	ssyncset.done $0x0  }
0x83: {  	[sflag:s17] =	ssyncadd.s32 $0xFFFFC400  }
0x84: {  	[spmem:s3] =	stream.indirect.scatter.add.f32 [tilespmem:s12], [sflag:$0x7], $0x80, s30, s11, $0xb8;
	[tilespmem:$0x1EFC0] =	vst v63  }
0x85: {  	_ =	swait.ge [sflag:s18], $0x3C00  }
0x86: {  	[sflag:s18] =	ssyncset.done $0x0  }
0x87: {  	s26 =	smin.u32 s24, $0x50;
	[sflag:s18] =	ssyncadd.s32 $0xFFFFC400  }
0x88: {  	[spmem:s3] =	stream.indirect.scatter.add.f32 [tilespmem:s14], [sflag:$0x8], $0x80, s0, s11, $0xb8;
	[tilespmem:$0x1EFC0] =	vst v63  }
0x89: {  	s25 =	smul.u32 $0x78, s26;
	_ =	swait.ge [sflag:s19], $0x3C00  }
0x8a: {  	s28 =	rddreg [dreg:$0x4]  }
0x8b: {  	[sflag:s19] =	ssyncset.done $0x0;
	s25 =	sadd.s32 s25, s28  }
0x8c: {  	[sflag:s19] =	ssyncadd.s32 $0xFFFFC400;
	s25 =	sshrl.u32 s25, $0x3  }
0x8d: {  	[spmem:s3] =	stream.indirect.scatter.add.f32 [tilespmem:s16], [sflag:$0x9], $0x80, s9, s11, $0xb8;
	[tilespmem:$0x1EFC0] =	vst v63  }
0x8e: {  	s28 =	sadd.s32 s5, s25  }
0x8f: {  	[tilespmem:s4], [sflag:$0x1] =	stream.linear.gather [hbm4b:s28+s4], $0x78, $0x38;
	[tilespmem:$0x1EFC0] =	vst v63  }
0x90: {  	_ =	swait.ge [sflag:s20], $0x3C00  }
0x91: {  	[sflag:s20] =	ssyncset.done $0x0  }
0x92: {  	s25 =	sadd.s32 s6, s25;
	[sflag:s20] =	ssyncadd.s32 $0xFFFFC400  }
0x93: {  	[tilespmem:s30], [sflag:$0x1] =	stream.linear.gather [hbm4b:s25+s4], $0x78, $0x38;
	[tilespmem:$0x1EFC0] =	vst v63  }
0x94: {  	_ =	swait.ge [sflag:s10], $0x78  }
0x95: {  	[sflag:s10] =	ssyncset.done $0x0  }
0x96: {  	s26 =	smin.u32 s24, $0x4F;
	[sflag:s10] =	ssyncadd.s32 $0xFFFFFF88  }
0x97: {  	s25 =	smul.u32 $0x78, s26;
	_ =	swait.ge [sflag:s10], $0x78  }
0x98: {  	[sflag:s10] =	ssyncset.done $0x0;
	s28 =	rddreg [dreg:$0x5]  }
0x99: {  	[sflag:s10] =	ssyncadd.s32 $0xFFFFFF88;
	s25 =	sadd.s32 s25, s28  }
0x9a: {  	[tilespmem:s12], [sflag:$0x4] =	stream.indirect.gather [hbm4b:s1+s11], $0x80, s4, s11, $0xb8;
	[tilespmem:$0x1EFC0] =	vst v63  }
0x9b: {  	s25 =	sshrl.u32 s25, $0x3  }
0x9c: {  	s28 =	sadd.s32 s5, s25  }
0x9d: {  	[tilespmem:s31], [sflag:$0x2] =	stream.linear.gather [hbm4b:s28+s4], $0x78, $0x38;
	[tilespmem:$0x1EFC0] =	vst v63  }
0x9e: {  	_ =	swait.ge [sflag:s21], $0x3C00  }
0x9f: {  	[sflag:s21] =	ssyncset.done $0x0  }
0xa0: {  	s25 =	sadd.s32 s6, s25;
	[sflag:s21] =	ssyncadd.s32 $0xFFFFC400  }
0xa1: {  	[tilespmem:s0], [sflag:$0x2] =	stream.linear.gather [hbm4b:s25+s4], $0x78, $0x38;
	[tilespmem:$0x1EFC0] =	vst v63  }
0xa2: {  	_ =	swait.ge [sflag:s2], $0x78  }
0xa3: {  	[sflag:s2] =	ssyncset.done $0x0  }
0xa4: {  	s24 =	smin.u32 s24, $0x4E;
	[sflag:s2] =	ssyncadd.s32 $0xFFFFFF88  }
0xa5: {  	s24 =	smul.u32 $0x78, s24;
	_ =	swait.ge [sflag:s2], $0x78  }
0xa6: {  	[sflag:s2] =	ssyncset.done $0x0;
	s26 =	rddreg [dreg:$0x6]  }
0xa7: {  	[sflag:s2] =	ssyncadd.s32 $0xFFFFFF88;
	s24 =	sadd.s32 s24, s26  }
0xa8: {  	[tilespmem:s14], [sflag:$0x5] =	stream.indirect.gather [hbm4b:s1+s11], $0x80, s31, s11, $0xb8;
	[tilespmem:$0x1EFC0] =	vst v63  }
0xa9: {  	s24 =	sshrl.u32 s24, $0x3  }
0xaa: {  	s28 =	sadd.s32 s5, s24  }
0xab: {  	[tilespmem:s8], [sflag:$0x3] =	stream.linear.gather [hbm4b:s28+s4], $0x78, $0x38;
	[tilespmem:$0x1EFC0] =	vst v63  }
0xac: {  	_ =	swait.ge [sflag:s22], $0x3C00  }
0xad: {  	[sflag:s22] =	ssyncset.done $0x0  }
0xae: {  	s24 =	sadd.s32 s6, s24;
	[sflag:s22] =	ssyncadd.s32 $0xFFFFC400  }
0xaf: {  	[tilespmem:s9], [sflag:$0x3] =	stream.linear.gather [hbm4b:s24+s4], $0x78, $0x38;
	[tilespmem:$0x1EFC0] =	vst v63  }
0xb0: {  	_ =	swait.ge [sflag:s15], $0x78  }
0xb1: {  	[sflag:s15] =	ssyncset.done $0x0  }
0xb2: {  	[sflag:s15] =	ssyncadd.s32 $0xFFFFFF88  }
0xb3: {  	s24 =	simm.s32 $0x3;
	_ =	swait.ge [sflag:s15], $0x78  }
.LBB2_4:
0xb4: {  	[sflag:s15] =	ssyncset.done $0x0  }
0xb5: {  	[sflag:s15] =	ssyncadd.s32 $0xFFFFFF88  }
0xb6: {  	[tilespmem:s16], [sflag:$0x6] =	stream.indirect.gather [hbm4b:s1+s11], $0x80, s8, s11, $0xb8;
	[tilespmem:$0x1EFC0] =	vst v63  }
0xb7: {  	_ =	swait.ge [sflag:s17], $0x3C00  }
0xb8: {  	[sflag:s17] =	ssyncset.done $0x0  }
0xb9: {  	[sflag:s17] =	ssyncadd.s32 $0xFFFFC400  }
0xba: {  	[spmem:s3] =	stream.indirect.scatter.add.f32 [tilespmem:s12], [sflag:$0x7], $0x80, s30, s11, $0xb8;
	[tilespmem:$0x1EFC0] =	vst v63  }
0xbb: {  	_ =	swait.ge [sflag:s18], $0x3C00  }
0xbc: {  	s25 =	smov.u32 s24;
	[sflag:s18] =	ssyncset.done $0x0  }
0xbd: {  	s26 =	smin.u32 s25, $0x50;
	[sflag:s18] =	ssyncadd.s32 $0xFFFFC400  }
0xbe: {  	[spmem:s3] =	stream.indirect.scatter.add.f32 [tilespmem:s14], [sflag:$0x8], $0x80, s0, s11, $0xb8;
	[tilespmem:$0x1EFC0] =	vst v63  }
0xbf: {  	s26 =	smul.u32 $0x78, s26;
	_ =	swait.ge [sflag:s19], $0x3C00  }
0xc0: {  	s28 =	rddreg [dreg:$0x4]  }
0xc1: {  	[sflag:s19] =	ssyncset.done $0x0;
	s26 =	sadd.s32 s26, s28  }
0xc2: {  	[sflag:s19] =	ssyncadd.s32 $0xFFFFC400;
	s26 =	sshrl.u32 s26, $0x3  }
0xc3: {  	[spmem:s3] =	stream.indirect.scatter.add.f32 [tilespmem:s16], [sflag:$0x9], $0x80, s9, s11, $0xb8;
	[tilespmem:$0x1EFC0] =	vst v63  }
0xc4: {  	s28 =	sadd.s32 s5, s26  }
0xc5: {  	[tilespmem:s4], [sflag:$0x1] =	stream.linear.gather [hbm4b:s28+s4], $0x78, $0x38;
	[tilespmem:$0x1EFC0] =	vst v63  }
0xc6: {  	_ =	swait.ge [sflag:s20], $0x3C00  }
0xc7: {  	[sflag:s20] =	ssyncset.done $0x0  }
0xc8: {  	s26 =	sadd.s32 s6, s26;
	[sflag:s20] =	ssyncadd.s32 $0xFFFFC400  }
0xc9: {  	[tilespmem:s30], [sflag:$0x1] =	stream.linear.gather [hbm4b:s26+s4], $0x78, $0x38;
	[tilespmem:$0x1EFC0] =	vst v63  }
0xca: {  	_ =	swait.ge [sflag:s10], $0x78  }
0xcb: {  	[sflag:s10] =	ssyncset.done $0x0  }
0xcc: {  	s28 =	smin.u32 s25, $0x4F;
	[sflag:s10] =	ssyncadd.s32 $0xFFFFFF88  }
0xcd: {  	s26 =	smul.u32 $0x78, s28;
	_ =	swait.ge [sflag:s10], $0x78  }
0xce: {  	[sflag:s10] =	ssyncset.done $0x0;
	s28 =	rddreg [dreg:$0x5]  }
0xcf: {  	[sflag:s10] =	ssyncadd.s32 $0xFFFFFF88;
	s26 =	sadd.s32 s26, s28  }
0xd0: {  	[tilespmem:s12], [sflag:$0x4] =	stream.indirect.gather [hbm4b:s1+s11], $0x80, s4, s11, $0xb8;
	[tilespmem:$0x1EFC0] =	vst v63  }
0xd1: {  	s26 =	sshrl.u32 s26, $0x3  }
0xd2: {  	s28 =	sadd.s32 s5, s26  }
0xd3: {  	[tilespmem:s31], [sflag:$0x2] =	stream.linear.gather [hbm4b:s28+s4], $0x78, $0x38;
	[tilespmem:$0x1EFC0] =	vst v63  }
0xd4: {  	_ =	swait.ge [sflag:s21], $0x3C00  }
0xd5: {  	[sflag:s21] =	ssyncset.done $0x0  }
0xd6: {  	s26 =	sadd.s32 s6, s26;
	[sflag:s21] =	ssyncadd.s32 $0xFFFFC400  }
0xd7: {  	[tilespmem:s0], [sflag:$0x2] =	stream.linear.gather [hbm4b:s26+s4], $0x78, $0x38;
	[tilespmem:$0x1EFC0] =	vst v63  }
0xd8: {  	_ =	swait.ge [sflag:s2], $0x78  }
0xd9: {  	[sflag:s2] =	ssyncset.done $0x0  }
0xda: {  	s25 =	smin.u32 s25, $0x4E;
	[sflag:s2] =	ssyncadd.s32 $0xFFFFFF88  }
0xdb: {  	s25 =	smul.u32 $0x78, s25;
	_ =	swait.ge [sflag:s2], $0x78  }
0xdc: {  	[sflag:s2] =	ssyncset.done $0x0;
	s28 =	rddreg [dreg:$0x6]  }
0xdd: {  	[sflag:s2] =	ssyncadd.s32 $0xFFFFFF88;
	s25 =	sadd.s32 s25, s28  }
0xde: {  	[tilespmem:s14], [sflag:$0x5] =	stream.indirect.gather [hbm4b:s1+s11], $0x80, s31, s11, $0xb8;
	[tilespmem:$0x1EFC0] =	vst v63  }
0xdf: {  	s25 =	sshrl.u32 s25, $0x3  }
0xe0: {  	s28 =	sadd.s32 s5, s25  }
0xe1: {  	[tilespmem:s8], [sflag:$0x3] =	stream.linear.gather [hbm4b:s28+s4], $0x78, $0x38;
	[tilespmem:$0x1EFC0] =	vst v63  }
0xe2: {  	_ =	swait.ge [sflag:s22], $0x3C00  }
0xe3: {  	[sflag:s22] =	ssyncset.done $0x0  }
0xe4: {  	p5 =	sne.s32 s24, $0x51;
	s25 =	sadd.s32 s6, s25;
	[sflag:s22] =	ssyncadd.s32 $0xFFFFC400  }
0xe5: {  	[tilespmem:s9], [sflag:$0x3] =	stream.linear.gather [hbm4b:s25+s4], $0x78, $0x38;
	[tilespmem:$0x1EFC0] =	vst v63  }
.Ltmp1:
0xe6: {  	_ = 	snop;
	(pc) =	sbr.rel @p5 .LBB2_4-.Ltmp1, $4  }
0xe7: {  	_ =	swait.ge [sflag:s15], $0x78  }
0xe8: {  	[sflag:s15] =	ssyncset.done $0x0  }
0xe9: {  	[sflag:s15] =	ssyncadd.s32 $0xFFFFFF88  }
0xea: {  	s24 =	sadd.s32 $0x3, s24;
	_ =	swait.ge [sflag:s15], $0x78  }
0xeb: {  	[sflag:s15] =	ssyncset.done $0x0  }
0xec: {  	[sflag:s15] =	ssyncadd.s32 $0xFFFFFF88  }
0xed: {  	[tilespmem:s16], [sflag:$0x6] =	stream.indirect.gather [hbm4b:s1+s11], $0x80, s8, s11, $0xb8;
	[tilespmem:$0x1EFC0] =	vst v63  }
0xee: {  	_ =	swait.ge [sflag:s17], $0x3C00  }
0xef: {  	[sflag:s17] =	ssyncset.done $0x0  }
0xf0: {  	[sflag:s17] =	ssyncadd.s32 $0xFFFFC400  }
0xf1: {  	_ =	swait.ge [sflag:s18], $0x3C00  }
0xf2: {  	[sflag:s18] =	ssyncset.done $0x0  }
0xf3: {  	[sflag:s18] =	ssyncadd.s32 $0xFFFFC400  }
0xf4: {  	_ =	swait.ge [sflag:s19], $0x3C00  }
0xf5: {  	[sflag:s19] =	ssyncset.done $0x0  }
0xf6: {  	[sflag:s19] =	ssyncadd.s32 $0xFFFFC400  }
0xf7: {  	[bflag:$0x0] =	sbarrier.arrive $0xFFFF  }
0xf8: {  	s24 =	sshrl.u32 @!p1 s13, $0x3;
	s25 =	simm.s32 @!p1 $0x1FCA;
	s26 =	rddreg [dreg:$0x16]  }
0xf9: {  	[hbm:s26], [sflag:s25] =	dma.local @!p1 [spmem:s24], $0x2080  }
0xfa: {  	s24 =	simm.s32 @!p1 $0xA  }
0xfb: {  	_ =	swait.ge @!p1 [sflag:s24], $0x2080  }
0xfc: {  	s25 =	simm.s32 @!p2 $0x1FCA;
	[sflag:s24] =	ssyncset.done @!p1 $0x0  }
0xfd: {  	s26 =	rddreg [dreg:$0x15];
	[sflag:s24] =	ssyncadd.s32 @!p1 $0xFFFFDF80;
	s24 =	sshrl.u32 @!p2 s13, $0x3  }
0xfe: {  	[hbm:s26], [sflag:s25] =	dma.local @!p2 [spmem:s24], $0x2080  }
0xff: {  	s24 =	simm.s32 @!p2 $0xA  }
0x100: {  	s28 =	stileid.u32;
	_ =	swait.ge @!p2 [sflag:s24], $0x2080  }
0x101: {  	s25 =	sshll.u32 @!p3 s28, $0x6;
	[sflag:s24] =	ssyncset.done @!p2 $0x0;
	s26 =	rddreg [dreg:$0x14]  }
0x102: {  	[sflag:s24] =	ssyncadd.s32 @!p2 $0xFFFFDF80;
	s24 =	sor.u32 @!p3 $0x1C0A, s25;
	s25 =	sshrl.u32 @!p3 s7, $0x3  }
0x103: {  	[hbm:s26], [sflag:s24] =	dma.local @!p3 [spmem:s25], $0x2780  }
0x104: {  	s24 =	simm.s32 @!p3 $0xA  }
0x105: {  	_ =	swait.ge @!p3 [sflag:s24], $0x2780  }
0x106: {  	s25 =	sshll.u32 @!p4 s28, $0x6;
	[sflag:s24] =	ssyncset.done @!p3 $0x0;
	s28 =	rddreg [dreg:$0x13]  }
0x107: {  	[sflag:s24] =	ssyncadd.s32 @!p3 $0xFFFFD880;
	s24 =	sor.u32 @!p4 $0x1C0A, s25;
	s25 =	sshrl.u32 @!p4 s7, $0x3  }
0x108: {  	[hbm:s28], [sflag:s24] =	dma.local @!p4 [spmem:s25], $0x2780  }
0x109: {  	s24 =	simm.s32 @!p4 $0xA  }
0x10a: {  	_ =	swait.ge @!p4 [sflag:s24], $0x2780  }
0x10b: {  	s23 =	sadd.s32 $0x1, s23;
	s28 =	rddreg [dreg:$0x17]  }
0x10c: {  	p5 =	sne.s32 s23, s28  }
.Ltmp2:
0x10d: {  	_ = 	snop;
	(pc) =	sbr.rel @p5 .LBB2_1-.Ltmp2, $3  }
0x10e: {  	_ =	sdelay $0x1  }
0x10f: {  	[sflag:s24] =	ssyncset.done @!p4 $0x0  }
0x110: {  	s26 =	stileid.u32;
	[sflag:s24] =	ssyncadd.s32 @!p4 $0xFFFFD880  }
0x111: {  	_ =	sfence.sel $0x180000  }
0x112: {  	[bflag:$0x0] =	sbarrier.arrive $0xFFFF  }
0x113: {  	_ =	strace $0x90000050  }
0x114: {  	[bflag:$0x2] =	sbarrier.arrive $0xFFFF  }
0x115: {  	p0 =	sne.s32 s26, $0x0;
	s0 =	rddreg [dreg:$0x3]  }
0x116: {  	s0 =	sadd.s32 @!p0 $0x100000, s0  }
0x117: {  	[sflag:s0] =	ssyncadd.tile.s32 @!p0 $0x1;
	_ =	shalt  }
.Lfunc_end2:
_tile_overlayer_lowered:
.L_overlay_start_2:
0x118: {  	(tag) =	ssettag $0x2  }
0x119: {  	s0 =	rddreg [dreg:$0x0];
	s2 =	stileid.u32  }
0x11a: {  	s1 =	rddreg [dreg:$0x1];
	p0 =	sne.s32 s2, $0x0  }
0x11b: {  	s3 =	rddreg [dreg:$0x2];
	[bflag:$0x3] =	sbarrier.arrive $0xFFFF;
	s2 =	simm.s32 @!p0 $0x1C0A  }
0x11c: {  	[timem:s3], [sflag:s2] =	dma.local @!p0 [hbm:s0], s1  }
0x11d: {  	s0 =	simm.s32 @!p0 $0xA  }
0x11e: {  	_ =	swait.ge @!p0 [sflag:s0], s1  }
0x11f: {  	s1 =	ssub.s32 @!p0 $0x0, s1;
	[sflag:s0] =	ssyncset.done @!p0 $0x0  }
0x120: {  	[sflag:s0] =	ssyncadd.s32 @!p0 s1  }
0x121: {  	[bflag:$0x3] =	sbarrier.arrive $0xFFFF  }
0x122: {  	_ =	shalt  }

</sc_bundles>
